<compile_context>
chip_gen: v7x
topology: tpu7x:2x2x1
jax: 0.10.2.dev20260603
libtpu: 0.0.44.dev20260713+nightly
codegen_flags: <defaults>
</compile_context>

<pallas_src>
import functools

import jax
import jax.numpy as jnp
from jax import lax
from jax.experimental import pallas as pl
from jax.experimental.pallas import tpu as pltpu
import jax.experimental.pallas.tpu_sc as plsc

_TAU = 0.2
_K = 15
_CAND_LEAVES = 16
_TILE_C = 2048
_SUB = 16
_LANES = _TILE_C // _SUB
_NEG = -1.0e30
_NEG_INIT = -3.0e38

def _dyn_gather(x, idx):
    dnums = lax.GatherDimensionNumbers(
        offset_dims=(), collapsed_slice_dims=(0,), start_index_map=(0,))
    return lax.gather(x, idx[:, None], dnums, slice_sizes=(1,),
                      mode=lax.GatherScatterMode.PROMISE_IN_BOUNDS)


def _butterfly(x, op):
    iota16 = lax.iota(jnp.int32, 16)
    for s in (1, 2, 4, 8):
        x = op(x, _dyn_gather(x, jnp.bitwise_xor(iota16, s)))
    return x


def _tc_stage_body(nx, ny, ntiles, fx_ref, fy_ref, fxn_ref, fyn_ref, m_ref,
                   m2_ref):
    pid = pl.program_id(0)

    fx = fx_ref[...]
    fxnorm = jnp.sqrt(jnp.sum(fx * fx, axis=-1, keepdims=True))
    fxn = (fx / jnp.maximum(fxnorm, 1e-12)).astype(jnp.bfloat16)
    fxn_ref[...] = fxn.astype(jnp.float32)

    fy = fy_ref[...]
    fynorm = jnp.sqrt(jnp.sum(fy * fy, axis=-1, keepdims=True))
    fyn = (fy / jnp.maximum(fynorm, 1e-12)).astype(jnp.bfloat16)
    fyn_ref[...] = fyn.astype(jnp.float32)

    sim = lax.dot_general(fxn, fyn, (((1,), (1,)), ((), ())),
                          preferred_element_type=jnp.float32)
    sim = sim / _TAU
    col = pid * _TILE_C + lax.broadcasted_iota(jnp.int32, (nx, _TILE_C), 1)
    sim = jnp.where(col < ny, sim, _NEG)
    leafmax = functools.reduce(
        jnp.maximum,
        [sim[:, j * _LANES:(j + 1) * _LANES] for j in range(_SUB)])
    m_ref[...] = leafmax

    @pl.when(pid == 0)
    def _init_m2():
        m2_ref[...] = jnp.full((nx, 64), _NEG_INIT, jnp.float32)

    tilemax = jnp.max(leafmax, axis=-1, keepdims=True)
    lane64 = lax.broadcasted_iota(jnp.int32, (nx, 64), 1)
    m2_ref[...] = jnp.where(lane64 == pid, tilemax, m2_ref[...])


def _tc_stage(fx, fyp, ny):
    nx, cdim = fx.shape
    nyp = fyp.shape[0]
    ntiles = nyp // _TILE_C
    kernel = functools.partial(_tc_stage_body, nx, ny, ntiles)
    return pl.pallas_call(
        kernel,
        grid=(ntiles,),
        in_specs=[
            pl.BlockSpec((nx, cdim), lambda i: (0, 0)),
            pl.BlockSpec((_TILE_C, cdim), lambda i: (i, 0)),
        ],
        out_specs=[
            pl.BlockSpec((nx, cdim), lambda i: (0, 0)),
            pl.BlockSpec((_TILE_C, cdim), lambda i: (i, 0)),
            pl.BlockSpec((nx, _LANES), lambda i: (0, i)),
            pl.BlockSpec((nx, 64), lambda i: (0, 0)),
        ],
        out_shape=[
            jax.ShapeDtypeStruct((nx, cdim), jnp.float32),
            jax.ShapeDtypeStruct((nyp, cdim), jnp.float32),
            jax.ShapeDtypeStruct((nx, ntiles * _LANES), jnp.float32),
            jax.ShapeDtypeStruct((nx, 64), jnp.float32),
        ],
        compiler_params=pltpu.CompilerParams(
            dimension_semantics=("arbitrary",)),
    )(fx, fyp)


def _sc_stage(nx, ny, cdim, fxn, fyn, m, m2):
    info = plsc.get_sparse_core_info()
    nworkers = info.num_cores * info.num_subcores
    rows_per_w = nx // nworkers
    ncand = _CAND_LEAVES * 16
    nleaves = m.shape[1]
    nchunks = nleaves // 16
    nyp = ((ny + 127) // 128) * 128
    half_row = nyp // 2
    mesh = plsc.VectorSubcoreMesh(core_axis_name="c", subcore_axis_name="s")

    @functools.partial(
        pl.kernel,
        out_type=jax.ShapeDtypeStruct((nx * nyp,), jnp.float32),
        mesh=mesh,
        scratch_types=[
            pltpu.VMEM((half_row,), jnp.float32),
            pltpu.VMEM((ncand, cdim), jnp.float32),
            pltpu.VMEM((2, 128), jnp.int32),
            pltpu.VMEM((nleaves,), jnp.float32),
            pltpu.VMEM((64,), jnp.float32),
            pltpu.VMEM((cdim,), jnp.float32),
            pltpu.VMEM((16,), jnp.float32),
            pltpu.SemaphoreType.DMA,
            pltpu.SemaphoreType.DMA,
            pltpu.SemaphoreType.DMA,
        ],
        compiler_params=pltpu.CompilerParams(
            needs_layout_passes=False, use_tc_tiling_on_sc=False),
    )
    def body(fxn_hbm, fyn_hbm, m_hbm, m2_hbm, out_hbm, zbuf, bbuf, cidx,
             mbuf, m2buf, fxbuf, wbuf, zsem, gsem, ssem):
        wid = lax.axis_index("s") * info.num_cores + lax.axis_index("c")
        zeros16 = jnp.zeros((16,), jnp.float32)
        iota16 = lax.iota(jnp.int32, 16)
        zero16i = jnp.zeros((16,), jnp.int32)

        def zinit(i, carry):
            zbuf[pl.ds(i * 16, 16)] = zeros16
            return carry
        lax.fori_loop(0, half_row // 16, zinit, 0)

        def fire_zeros(r):
            pltpu.async_copy(zbuf, out_hbm.at[pl.ds(r * nyp, half_row)], zsem)
            pltpu.async_copy(
                zbuf, out_hbm.at[pl.ds(r * nyp + half_row, half_row)], zsem)

        fire_zeros(wid * rows_per_w)
        fire_zeros(wid * rows_per_w + 1)

        def row_body(i, carry):
            r = wid * rows_per_w + i

            @pl.when(i < rows_per_w - 2)
            def _():
                fire_zeros(r + 2)

            pltpu.sync_copy(m_hbm.at[r], mbuf)
            pltpu.sync_copy(m2_hbm.at[r], m2buf)
            pltpu.sync_copy(fxn_hbm.at[r], fxbuf)

            def merge(buf, bufi, v, ids):
                sv, si = plsc.sort_key_val(v, ids)
                rv, ri = jnp.flip(sv, 0), jnp.flip(si, 0)
                keep = buf >= rv
                nb = jnp.where(keep, buf, rv)
                ni = jnp.where(keep, bufi, ri)
                return plsc.sort_key_val(nb, ni)

            buf0 = jnp.full((16,), _NEG_INIT, jnp.float32)
            tbuf, tbufi = buf0, zero16i
            for c in range(4):
                v = m2buf[pl.ds(c * 16, 16)]
                tbuf, tbufi = merge(tbuf, tbufi, v, iota16 + c * 16)
            tthr = _dyn_gather(tbuf, zero16i)

            buf, bufi, bminv = buf0, zero16i, tthr

            def tile_scan(j, carry):
                buf, bufi, bminv = carry
                tid = _dyn_gather(tbufi, jnp.full((16,), j, jnp.int32))
                base = tid[0] * _LANES

                def sub_scan(s, carry):
                    buf, bufi, bminv = carry
                    v = mbuf[pl.ds(base + s * 16, 16)]
                    npass = plsc.all_reduce_population_count(v >= bminv)

                    def do_merge(carry):
                        buf, bufi, _ = carry
                        ids = iota16 + (base + s * 16)
                        nb, ni = merge(buf, bufi, v, ids)
                        return nb, ni, jnp.maximum(
                            _dyn_gather(nb, zero16i), bminv)

                    return lax.cond(npass[0] > 0, do_merge, lambda x: x,
                                    (buf, bufi, bminv))

                return lax.fori_loop(0, _LANES // 16, sub_scan,
                                     (buf, bufi, bminv))

            buf, lv, _ = lax.fori_loop(0, _CAND_LEAVES, tile_scan,
                                       (buf, bufi, bminv))

            tile = lax.shift_right_logical(lv, 7)
            lane = jnp.bitwise_and(lv, 127)
            base = tile * _TILE_C + lane
            colv = [base + k * _LANES for k in range(_SUB)]
            for k in range(_SUB):
                cidx[k // 8, pl.ds((k % 8) * 16, 16)] = colv[k]
            g0 = pltpu.async_copy(fyn_hbm.at[cidx.at[0]],
                                  bbuf.at[pl.ds(0, 128)], gsem)
            g1 = pltpu.async_copy(fyn_hbm.at[cidx.at[1]],
                                  bbuf.at[pl.ds(128, 128)], gsem)
            g0.wait()
            g1.wait()

            accs = [jnp.zeros((16,), jnp.float32) for _ in range(_SUB)]
            rowpos = [iota16 + k * 16 for k in range(_SUB)]

            def fblock(fb, accs):
                accs = list(accs)
                fchunk = fxbuf[pl.ds(fb * 16, 16)]
                for t in range(16):
                    f = fb * 16 + t
                    tsplat = jnp.full((16,), t, jnp.int32)
                    fsv = _dyn_gather(fchunk, tsplat)
                    csplat = jnp.full((16,), f, jnp.int32)
                    for k in range(_SUB):
                        vals = plsc.load_gather(bbuf, [rowpos[k], csplat])
                        accs[k] = accs[k] + vals * fsv
                return tuple(accs)

            accs = lax.fori_loop(0, cdim // 16, fblock, tuple(accs))

            buf = jnp.full((16,), _NEG_INIT, jnp.float32)
            bufi = jnp.zeros((16,), jnp.int32)
            for k in range(_SUB):
                vals = accs[k] / _TAU
                vals = jnp.where(colv[k] < ny, vals, _NEG)
                sv, si = plsc.sort_key_val(vals, colv[k])
                rv, ri = jnp.flip(sv, 0), jnp.flip(si, 0)
                keep = buf >= rv
                nb = jnp.where(keep, buf, rv)
                ni = jnp.where(keep, bufi, ri)
                buf, bufi = plsc.sort_key_val(nb, ni)

            xm = jnp.where(iota16 == 0, _NEG_INIT, buf)
            mx = _butterfly(xm, jnp.maximum)
            e = jnp.exp(xm - mx)
            s = _butterfly(e, jnp.add)
            w = e / s
            wbuf[...] = w

            pltpu.make_async_copy(
                zbuf, out_hbm.at[pl.ds(r * nyp, half_row)], zsem).wait()
            pltpu.make_async_copy(
                zbuf, out_hbm.at[pl.ds(r * nyp + half_row, half_row)],
                zsem).wait()
            sc = pltpu.async_copy(wbuf,
                                  out_hbm.at[bufi + r * nyp], ssem)
            sc.wait()
            return carry

        lax.fori_loop(0, rows_per_w, row_body, 0)

    return body(fxn, fyn, m, m2)


def _relayout_stage(nx, ny, out1d):
    rows_blk = 16
    grid = nx // rows_blk
    nyp = ((ny + 127) // 128) * 128

    span = rows_blk * nyp

    def fire(in_ref, buf, sem, blk, slot):
        pltpu.async_copy(in_ref.at[pl.ds(blk * span, span)],
                         buf.at[slot], sem)

    def drain(in_ref, buf, sem, blk, slot):
        pltpu.make_async_copy(in_ref.at[pl.ds(blk * span, span)],
                              buf.at[slot], sem).wait()

    def body(in_ref, out_ref, buf, sem):
        i = pl.program_id(0)

        @pl.when(i == 0)
        def _prime():
            fire(in_ref, buf, sem, 0, 0)

        @pl.when(i < grid - 1)
        def _next():
            fire(in_ref, buf, sem, i + 1, (i + 1) % 2)

        drain(in_ref, buf, sem, i, i % 2)
        rows = buf[i % 2].reshape(rows_blk, nyp)
        out_ref[...] = rows[:, :ny].reshape(1, rows_blk, ny)

    return pl.pallas_call(
        body,
        grid=(grid,),
        in_specs=[pl.BlockSpec(memory_space=pl.ANY)],
        out_specs=pl.BlockSpec((1, rows_blk, ny), lambda i: (0, i, 0)),
        out_shape=jax.ShapeDtypeStruct((1, nx, ny), jnp.float32),
        scratch_shapes=[pltpu.VMEM((2, span), jnp.float32),
                        pltpu.SemaphoreType.DMA],
        compiler_params=pltpu.CompilerParams(
            dimension_semantics=("arbitrary",)),
    )(out1d)


def kernel(feat_x, feat_y):
    fx = feat_x[0]
    fy = feat_y[0]
    nx, cdim = fx.shape
    ny = fy.shape[0]
    nyp = ((ny + _TILE_C - 1) // _TILE_C) * _TILE_C
    fyp = jnp.pad(fy, ((0, nyp - ny), (0, 0)))
    fxn, fyn, m, m2 = _tc_stage(fx, fyp, ny)
    out1d = _sc_stage(nx, ny, cdim, fxn, fyn, m, m2)
    return _relayout_stage(nx, ny, out1d)

# --- scband reference (transcript-rebuilt; emitter-appended) ---
"""Pipeline reference for scband-high-performance-sparse-similarity-80135499809324 (READ-ONLY COPY).

The authoritative reference and input builder live on the scoring server;
editing this copy changes nothing except your own understanding.
"""

import jax, jax.numpy as jnp
import numpy as np

TAU = 0.2
K_NEIGHBORS = 15


def setup_inputs(seed: int = 0) -> dict:
    key = jax.random.key(seed)
    k1, k2 = jax.random.split(key)
    feat_x = jax.random.normal(k1, (1, 1024, 64), dtype=jnp.float32)
    feat_y = jax.random.normal(k2, (1, 100000, 64), dtype=jnp.float32)
    return {"feat_x": feat_x, "feat_y": feat_y}


def _l2_normalize(x, eps=1e-12):
    # matches torch.nn.functional.normalize(p=2, dim=-1)
    norm = jnp.sqrt(jnp.sum(x * x, axis=-1, keepdims=True))
    return x / jnp.maximum(norm, eps)


def reference(feat_x, feat_y):
    fx = _l2_normalize(feat_x)
    fy = _l2_normalize(feat_y)
    B, Nx, C = fx.shape
    Ny = fy.shape[1]
    # similarity per batch: [B, Nx, Ny] (chunking/padding in original is a perf detail; math identical)
    sim = jnp.einsum('bnc,bmc->bnm', fx, fy)
    # fast_topk_truly_unsorted: scale by tau, take top-k values, softmax over kept values
    sim_scaled = sim / TAU
    topk_vals, topk_idx = jax.lax.top_k(sim_scaled, K_NEIGHBORS)  # [B, Nx, k]
    topk_soft = jax.nn.softmax(topk_vals, axis=-1).astype(jnp.float32)
    # build coalesced sparse COO tensor -> dense equivalent (scatter-add; per-row topk indices are unique)
    b_idx = jnp.arange(B, dtype=jnp.int32)[:, None, None]
    r_idx = jnp.arange(Nx, dtype=jnp.int32)[None, :, None]
    dense = jnp.zeros((B, Nx, Ny), dtype=jnp.float32).at[b_idx, r_idx, topk_idx].add(topk_soft)
    return dense

if __name__ == "__main__":
    import jax
    _d = setup_inputs()
    print(jax.jit(kernel)(*tuple(_d.values())))

</pallas_src>

<mosaic_0001>
#map = affine_map<(d0, d1) -> (0, 0)>
#map1 = affine_map<(d0, d1) -> (0)>
module attributes {stable_mosaic.version = 14 : i64} {
  func.func @body(%arg0: i32, %arg1: i32, %arg2: memref<1024x64xf32, #tpu.memory_space<hbm>>, %arg3: memref<100352x64xf32, #tpu.memory_space<hbm>>, %arg4: memref<1024x6272xf32, #tpu.memory_space<hbm>>, %arg5: memref<1024x64xf32, #tpu.memory_space<hbm>>, %arg6: memref<102498304xf32, #tpu.memory_space<hbm>>, %arg7: memref<50048xf32, #tpu.memory_space<vmem>>, %arg8: memref<256x64xf32, #tpu.memory_space<vmem>>, %arg9: memref<2x128xi32, #tpu.memory_space<vmem>>, %arg10: memref<6272xf32, #tpu.memory_space<vmem>>, %arg11: memref<64xf32, #tpu.memory_space<vmem>>, %arg12: memref<64xf32, #tpu.memory_space<vmem>>, %arg13: memref<16xf32, #tpu.memory_space<vmem>>, %arg14: memref<!tpu.dma_semaphore, #tpu.memory_space<semaphore_mem>>, %arg15: memref<!tpu.dma_semaphore, #tpu.memory_space<semaphore_mem>>, %arg16: memref<!tpu.dma_semaphore, #tpu.memory_space<semaphore_mem>>) attributes {dimension_semantics = [#tpu.dimension_semantics<core_parallel>, #tpu.dimension_semantics<subcore_parallel>], iteration_bounds = array<i64: 2, 16>, scalar_prefetch = 0 : i64, scratch_operands = 10 : i64, tpu.core_type = #tpu.core_type<sc_vector_subcore>, window_params = [{transform_indices = #map}, {transform_indices = #map}, {transform_indices = #map}, {transform_indices = #map}, {transform_indices = #map1}]} {
    %mul3A = arith.constant 2 : i32
    %mul3A_0 = arith.muli %arg1, %mul3A : i32
    %add3A = arith.addi %mul3A_0, %arg0 : i32
    %broadcast_in_dim3A = arith.constant 0.000000e+00 : f32
    %broadcast_in_dim3A_1 = vector.broadcast %broadcast_in_dim3A : f32 to vector<16xf32>
    %iota3A = tpu.iota {dimensions = array<i32: 0>} : vector<16xi32>
    %broadcast_in_dim3A_2 = arith.constant 0 : i32
    %broadcast_in_dim3A_3 = vector.broadcast %broadcast_in_dim3A_2 : i32 to vector<16xi32>
    %scan3A = arith.constant 0 : i32
    %scan3A_4 = arith.constant 0 : i32
    %scan3A_5 = arith.constant 3128 : i32
    %scan3A_6 = arith.addi %scan3A_4, %scan3A_5 : i32
    %scan3A_7 = arith.constant 1 : i32
    scf.for %scan3A_40 = %scan3A_4 to %scan3A_6 step %scan3A_7  : i32 {
      %mul3A_41 = arith.constant 16 : i32
      %mul3A_42 = arith.muli %scan3A_40, %mul3A_41 : i32
      %swap3A = arith.index_cast %mul3A_42 : i32 to index
      %swap3A_43 = tpu.vector_load %arg7[%swap3A] {strides = array<i32>} : memref<50048xf32, #tpu.memory_space<vmem>>, vector<16xf32>,
      tpu.vector_store %arg7[%swap3A], %broadcast_in_dim3A_1 {strides = array<i32>} : memref<50048xf32, #tpu.memory_space<vmem>>, vector<16xf32>,
    }
    %scan3A_8 = arith.constant 3128 : i32
    %mul3A_9 = arith.constant 32 : i32
    %mul3A_10 = arith.muli %add3A, %mul3A_9 : i32
    %mul3A_11 = arith.constant 100096 : i32
    %mul3A_12 = arith.muli %mul3A_10, %mul3A_11 : i32
    %dma_start3A = tpu.memref_slice %arg6[%mul3A_12] : memref<102498304xf32, #tpu.memory_space<hbm>> -> memref<50048xf32, #tpu.memory_space<hbm>>
    %dma_start3A_13 = tpu.memref_slice %arg6[%mul3A_12] : memref<102498304xf32, #tpu.memory_space<hbm>> -> memref<50048xf32, #tpu.memory_space<hbm>>
    tpu.enqueue_dma source(%arg7 : memref<50048xf32, #tpu.memory_space<vmem>>) target(%dma_start3A_13 : memref<50048xf32, #tpu.memory_space<hbm>>) target_semaphore(%arg14 : memref<!tpu.dma_semaphore, #tpu.memory_space<semaphore_mem>>)
    %mul3A_14 = arith.constant 100096 : i32
    %mul3A_15 = arith.muli %mul3A_10, %mul3A_14 : i32
    %add3A_16 = arith.constant 50048 : i32
    %add3A_17 = arith.addi %mul3A_15, %add3A_16 : i32
    %dma_start3A_18 = tpu.memref_slice %arg6[%add3A_17] : memref<102498304xf32, #tpu.memory_space<hbm>> -> memref<50048xf32, #tpu.memory_space<hbm>>
    %dma_start3A_19 = tpu.memref_slice %arg6[%add3A_17] : memref<102498304xf32, #tpu.memory_space<hbm>> -> memref<50048xf32, #tpu.memory_space<hbm>>
    tpu.enqueue_dma source(%arg7 : memref<50048xf32, #tpu.memory_space<vmem>>) target(%dma_start3A_19 : memref<50048xf32, #tpu.memory_space<hbm>>) target_semaphore(%arg14 : memref<!tpu.dma_semaphore, #tpu.memory_space<semaphore_mem>>)
    %mul3A_20 = arith.constant 32 : i32
    %mul3A_21 = arith.muli %add3A, %mul3A_20 : i32
    %add3A_22 = arith.constant 1 : i32
    %add3A_23 = arith.addi %mul3A_21, %add3A_22 : i32
    %mul3A_24 = arith.constant 100096 : i32
    %mul3A_25 = arith.muli %add3A_23, %mul3A_24 : i32
    %dma_start3A_26 = tpu.memref_slice %arg6[%mul3A_25] : memref<102498304xf32, #tpu.memory_space<hbm>> -> memref<50048xf32, #tpu.memory_space<hbm>>
    %dma_start3A_27 = tpu.memref_slice %arg6[%mul3A_25] : memref<102498304xf32, #tpu.memory_space<hbm>> -> memref<50048xf32, #tpu.memory_space<hbm>>
    tpu.enqueue_dma source(%arg7 : memref<50048xf32, #tpu.memory_space<vmem>>) target(%dma_start3A_27 : memref<50048xf32, #tpu.memory_space<hbm>>) target_semaphore(%arg14 : memref<!tpu.dma_semaphore, #tpu.memory_space<semaphore_mem>>)
    %mul3A_28 = arith.constant 100096 : i32
    %mul3A_29 = arith.muli %add3A_23, %mul3A_28 : i32
    %add3A_30 = arith.constant 50048 : i32
    %add3A_31 = arith.addi %mul3A_29, %add3A_30 : i32
    %dma_start3A_32 = tpu.memref_slice %arg6[%add3A_31] : memref<102498304xf32, #tpu.memory_space<hbm>> -> memref<50048xf32, #tpu.memory_space<hbm>>
    %dma_start3A_33 = tpu.memref_slice %arg6[%add3A_31] : memref<102498304xf32, #tpu.memory_space<hbm>> -> memref<50048xf32, #tpu.memory_space<hbm>>
    tpu.enqueue_dma source(%arg7 : memref<50048xf32, #tpu.memory_space<vmem>>) target(%dma_start3A_33 : memref<50048xf32, #tpu.memory_space<hbm>>) target_semaphore(%arg14 : memref<!tpu.dma_semaphore, #tpu.memory_space<semaphore_mem>>)
    %scan3A_34 = arith.constant 0 : i32
    %scan3A_35 = arith.constant 0 : i32
    %scan3A_36 = arith.constant 32 : i32
    %scan3A_37 = arith.addi %scan3A_35, %scan3A_36 : i32
    %scan3A_38 = arith.constant 1 : i32
    scf.for %scan3A_40 = %scan3A_35 to %scan3A_37 step %scan3A_38  : i32 {
      %mul3A_41 = arith.constant 32 : i32
      %mul3A_42 = arith.muli %add3A, %mul3A_41 : i32
      %add3A_43 = arith.addi %mul3A_42, %scan3A_40 : i32
      %lt3A = arith.constant 30 : i32
      %lt3A_44 = arith.cmpi slt, %scan3A_40, %lt3A : i32
      %convert_element_type3A = arith.extui %lt3A_44 : i1 to i32
      %cond3A = arith.constant 0 : i32
      %cond3A_45 = arith.cmpi ne, %convert_element_type3A, %cond3A : i32
      scf.if %cond3A_45 {
        %add3A_963 = arith.constant 2 : i32
        %add3A_964 = arith.addi %add3A_43, %add3A_963 : i32
        %mul3A_965 = arith.constant 100096 : i32
        %mul3A_966 = arith.muli %add3A_964, %mul3A_965 : i32
        %dma_start3A_967 = tpu.memref_slice %arg6[%mul3A_966] : memref<102498304xf32, #tpu.memory_space<hbm>> -> memref<50048xf32, #tpu.memory_space<hbm>>
        %dma_start3A_968 = tpu.memref_slice %arg6[%mul3A_966] : memref<102498304xf32, #tpu.memory_space<hbm>> -> memref<50048xf32, #tpu.memory_space<hbm>>
        tpu.enqueue_dma source(%arg7 : memref<50048xf32, #tpu.memory_space<vmem>>) target(%dma_start3A_968 : memref<50048xf32, #tpu.memory_space<hbm>>) target_semaphore(%arg14 : memref<!tpu.dma_semaphore, #tpu.memory_space<semaphore_mem>>)
        %mul3A_969 = arith.constant 100096 : i32
        %mul3A_970 = arith.muli %add3A_964, %mul3A_969 : i32
        %add3A_971 = arith.constant 50048 : i32
        %add3A_972 = arith.addi %mul3A_970, %add3A_971 : i32
        %dma_start3A_973 = tpu.memref_slice %arg6[%add3A_972] : memref<102498304xf32, #tpu.memory_space<hbm>> -> memref<50048xf32, #tpu.memory_space<hbm>>
        %dma_start3A_974 = tpu.memref_slice %arg6[%add3A_972] : memref<102498304xf32, #tpu.memory_space<hbm>> -> memref<50048xf32, #tpu.memory_space<hbm>>
        tpu.enqueue_dma source(%arg7 : memref<50048xf32, #tpu.memory_space<vmem>>) target(%dma_start3A_974 : memref<50048xf32, #tpu.memory_space<hbm>>) target_semaphore(%arg14 : memref<!tpu.dma_semaphore, #tpu.memory_space<semaphore_mem>>)
      } else {
      }
      "tpu.region"() ({
        %run_scoped3A = tpu.sem_alloc : memref<!tpu.dma_semaphore, #tpu.memory_space<semaphore_mem>>
        %dma_start3A_963 = arith.constant 0 : i32
        %dma_start3A_964 = tpu.memref_slice %arg4[%add3A_43, %dma_start3A_963] : memref<1024x6272xf32, #tpu.memory_space<hbm>> -> memref<1x6272xf32, #tpu.memory_space<hbm>>
        %dma_start3A_965 = tpu.memref_squeeze %dma_start3A_964 : memref<1x6272xf32, #tpu.memory_space<hbm>> -> memref<6272xf32, #tpu.memory_space<hbm>>
        %dma_start3A_966 = arith.constant 0 : i32
        %dma_start3A_967 = tpu.memref_slice %arg4[%add3A_43, %dma_start3A_966] : memref<1024x6272xf32, #tpu.memory_space<hbm>> -> memref<1x6272xf32, #tpu.memory_space<hbm>>
        %dma_start3A_968 = tpu.memref_squeeze %dma_start3A_967 : memref<1x6272xf32, #tpu.memory_space<hbm>> -> memref<6272xf32, #tpu.memory_space<hbm>>
        tpu.enqueue_dma source(%dma_start3A_968 : memref<6272xf32, #tpu.memory_space<hbm>>) target(%arg10 : memref<6272xf32, #tpu.memory_space<vmem>>) target_semaphore(%run_scoped3A : memref<!tpu.dma_semaphore, #tpu.memory_space<semaphore_mem>>)
        %dma_wait3A_969 = arith.constant 0 : i32
        %dma_wait3A_970 = tpu.memref_slice %arg4[%add3A_43, %dma_wait3A_969] : memref<1024x6272xf32, #tpu.memory_space<hbm>> -> memref<1x6272xf32, #tpu.memory_space<hbm>>
        %dma_wait3A_971 = tpu.memref_squeeze %dma_wait3A_970 : memref<1x6272xf32, #tpu.memory_space<hbm>> -> memref<6272xf32, #tpu.memory_space<hbm>>
        %dma_wait3A_972 = arith.constant 0 : i32
        %dma_wait3A_973 = tpu.memref_slice %arg4[%add3A_43, %dma_wait3A_972] : memref<1024x6272xf32, #tpu.memory_space<hbm>> -> memref<1x6272xf32, #tpu.memory_space<hbm>>
        %dma_wait3A_974 = tpu.memref_squeeze %dma_wait3A_973 : memref<1x6272xf32, #tpu.memory_space<hbm>> -> memref<6272xf32, #tpu.memory_space<hbm>>
        tpu.wait_dma2 semaphore(%run_scoped3A : memref<!tpu.dma_semaphore, #tpu.memory_space<semaphore_mem>>) src(%dma_wait3A_974 : memref<6272xf32, #tpu.memory_space<hbm>>) dst(%arg10 : memref<6272xf32, #tpu.memory_space<vmem>>)
        tpu.yield
      }) : () -> ()
      "tpu.region"() ({
        %run_scoped3A = tpu.sem_alloc : memref<!tpu.dma_semaphore, #tpu.memory_space<semaphore_mem>>
        %dma_start3A_963 = arith.constant 0 : i32
        %dma_start3A_964 = tpu.memref_slice %arg5[%add3A_43, %dma_start3A_963] : memref<1024x64xf32, #tpu.memory_space<hbm>> -> memref<1x64xf32, #tpu.memory_space<hbm>>
        %dma_start3A_965 = tpu.memref_squeeze %dma_start3A_964 : memref<1x64xf32, #tpu.memory_space<hbm>> -> memref<64xf32, #tpu.memory_space<hbm>>
        %dma_start3A_966 = arith.constant 0 : i32
        %dma_start3A_967 = tpu.memref_slice %arg5[%add3A_43, %dma_start3A_966] : memref<1024x64xf32, #tpu.memory_space<hbm>> -> memref<1x64xf32, #tpu.memory_space<hbm>>
        %dma_start3A_968 = tpu.memref_squeeze %dma_start3A_967 : memref<1x64xf32, #tpu.memory_space<hbm>> -> memref<64xf32, #tpu.memory_space<hbm>>
        tpu.enqueue_dma source(%dma_start3A_968 : memref<64xf32, #tpu.memory_space<hbm>>) target(%arg11 : memref<64xf32, #tpu.memory_space<vmem>>) target_semaphore(%run_scoped3A : memref<!tpu.dma_semaphore, #tpu.memory_space<semaphore_mem>>)
        %dma_wait3A_969 = arith.constant 0 : i32
        %dma_wait3A_970 = tpu.memref_slice %arg5[%add3A_43, %dma_wait3A_969] : memref<1024x64xf32, #tpu.memory_space<hbm>> -> memref<1x64xf32, #tpu.memory_space<hbm>>
        %dma_wait3A_971 = tpu.memref_squeeze %dma_wait3A_970 : memref<1x64xf32, #tpu.memory_space<hbm>> -> memref<64xf32, #tpu.memory_space<hbm>>
        %dma_wait3A_972 = arith.constant 0 : i32
        %dma_wait3A_973 = tpu.memref_slice %arg5[%add3A_43, %dma_wait3A_972] : memref<1024x64xf32, #tpu.memory_space<hbm>> -> memref<1x64xf32, #tpu.memory_space<hbm>>
        %dma_wait3A_974 = tpu.memref_squeeze %dma_wait3A_973 : memref<1x64xf32, #tpu.memory_space<hbm>> -> memref<64xf32, #tpu.memory_space<hbm>>
        tpu.wait_dma2 semaphore(%run_scoped3A : memref<!tpu.dma_semaphore, #tpu.memory_space<semaphore_mem>>) src(%dma_wait3A_974 : memref<64xf32, #tpu.memory_space<hbm>>) dst(%arg11 : memref<64xf32, #tpu.memory_space<vmem>>)
        tpu.yield
      }) : () -> ()
      "tpu.region"() ({
        %run_scoped3A = tpu.sem_alloc : memref<!tpu.dma_semaphore, #tpu.memory_space<semaphore_mem>>
        %dma_start3A_963 = arith.constant 0 : i32
        %dma_start3A_964 = tpu.memref_slice %arg2[%add3A_43, %dma_start3A_963] : memref<1024x64xf32, #tpu.memory_space<hbm>> -> memref<1x64xf32, #tpu.memory_space<hbm>>
        %dma_start3A_965 = tpu.memref_squeeze %dma_start3A_964 : memref<1x64xf32, #tpu.memory_space<hbm>> -> memref<64xf32, #tpu.memory_space<hbm>>
        %dma_start3A_966 = arith.constant 0 : i32
        %dma_start3A_967 = tpu.memref_slice %arg2[%add3A_43, %dma_start3A_966] : memref<1024x64xf32, #tpu.memory_space<hbm>> -> memref<1x64xf32, #tpu.memory_space<hbm>>
        %dma_start3A_968 = tpu.memref_squeeze %dma_start3A_967 : memref<1x64xf32, #tpu.memory_space<hbm>> -> memref<64xf32, #tpu.memory_space<hbm>>
        tpu.enqueue_dma source(%dma_start3A_968 : memref<64xf32, #tpu.memory_space<hbm>>) target(%arg12 : memref<64xf32, #tpu.memory_space<vmem>>) target_semaphore(%run_scoped3A : memref<!tpu.dma_semaphore, #tpu.memory_space<semaphore_mem>>)
        %dma_wait3A_969 = arith.constant 0 : i32
        %dma_wait3A_970 = tpu.memref_slice %arg2[%add3A_43, %dma_wait3A_969] : memref<1024x64xf32, #tpu.memory_space<hbm>> -> memref<1x64xf32, #tpu.memory_space<hbm>>
        %dma_wait3A_971 = tpu.memref_squeeze %dma_wait3A_970 : memref<1x64xf32, #tpu.memory_space<hbm>> -> memref<64xf32, #tpu.memory_space<hbm>>
        %dma_wait3A_972 = arith.constant 0 : i32
        %dma_wait3A_973 = tpu.memref_slice %arg2[%add3A_43, %dma_wait3A_972] : memref<1024x64xf32, #tpu.memory_space<hbm>> -> memref<1x64xf32, #tpu.memory_space<hbm>>
        %dma_wait3A_974 = tpu.memref_squeeze %dma_wait3A_973 : memref<1x64xf32, #tpu.memory_space<hbm>> -> memref<64xf32, #tpu.memory_space<hbm>>
        tpu.wait_dma2 semaphore(%run_scoped3A : memref<!tpu.dma_semaphore, #tpu.memory_space<semaphore_mem>>) src(%dma_wait3A_974 : memref<64xf32, #tpu.memory_space<hbm>>) dst(%arg12 : memref<64xf32, #tpu.memory_space<vmem>>)
        tpu.yield
      }) : () -> ()
      %broadcast_in_dim3A_46 = arith.constant -3.000000e+38 : f32
      %broadcast_in_dim3A_47 = vector.broadcast %broadcast_in_dim3A_46 : f32 to vector<16xf32>
      %get3A = arith.constant 0 : index
      %get3A_48 = tpu.vector_load %arg11[%get3A] {strides = array<i32>} : memref<64xf32, #tpu.memory_space<vmem>>, vector<16xf32>,
      %add3A_49 = arith.constant 0 : i32
      %add3A_50 = vector.broadcast %add3A_49 : i32 to vector<16xi32>
      %add3A_51 = arith.addi %iota3A, %add3A_50 : vector<16xi32>
      %masked_sort3A = arith.constant dense<true> : vector<16xi1>
      %masked_sort3A_52, %masked_sort3A_53, %masked_sort3A_54 = tpu.sort %get3A_48, %add3A_51 masked %masked_sort3A : (vector<16xf32>, vector<16xi32>, vector<16xi1>) -> (vector<16xi1>, vector<16xf32>, vector<16xi32>)
      %rev3A = arith.constant 15 : i32
      %rev3A_55 = vector.broadcast %rev3A : i32 to vector<16xi32>
      %rev3A_56 = tpu.iota {dimensions = array<i32: 0>} : vector<16xi32>
      %rev3A_57 = arith.subi %rev3A_55, %rev3A_56 : vector<16xi32>
      %rev3A_58 = tpu.dynamic_gather %masked_sort3A_53[%rev3A_57] in [0] : vector<16xf32>, vector<16xi32> -> vector<16xf32>
      %rev3A_59 = arith.constant 15 : i32
      %rev3A_60 = vector.broadcast %rev3A_59 : i32 to vector<16xi32>
      %rev3A_61 = tpu.iota {dimensions = array<i32: 0>} : vector<16xi32>
      %rev3A_62 = arith.subi %rev3A_60, %rev3A_61 : vector<16xi32>
      %rev3A_63 = tpu.dynamic_gather %masked_sort3A_54[%rev3A_62] in [0] : vector<16xi32>, vector<16xi32> -> vector<16xi32>
      %ge3A = arith.cmpf oge, %broadcast_in_dim3A_47, %rev3A_58 : vector<16xf32>
      %select_n3A = arith.select %ge3A, %broadcast_in_dim3A_47, %rev3A_58 : vector<16xi1>, vector<16xf32>
      %select_n3A_64 = arith.select %ge3A, %broadcast_in_dim3A_3, %rev3A_63 : vector<16xi1>, vector<16xi32>
      %masked_sort3A_65 = arith.constant dense<true> : vector<16xi1>
      %masked_sort3A_66, %masked_sort3A_67, %masked_sort3A_68 = tpu.sort %select_n3A, %select_n3A_64 masked %masked_sort3A_65 : (vector<16xf32>, vector<16xi32>, vector<16xi1>) -> (vector<16xi1>, vector<16xf32>, vector<16xi32>)
      %get3A_69 = arith.constant 16 : index
      %get3A_70 = tpu.vector_load %arg11[%get3A_69] {strides = array<i32>} : memref<64xf32, #tpu.memory_space<vmem>>, vector<16xf32>,
      %add3A_71 = arith.constant 16 : i32
      %add3A_72 = vector.broadcast %add3A_71 : i32 to vector<16xi32>
      %add3A_73 = arith.addi %iota3A, %add3A_72 : vector<16xi32>
      %masked_sort3A_74 = arith.constant dense<true> : vector<16xi1>
      %masked_sort3A_75, %masked_sort3A_76, %masked_sort3A_77 = tpu.sort %get3A_70, %add3A_73 masked %masked_sort3A_74 : (vector<16xf32>, vector<16xi32>, vector<16xi1>) -> (vector<16xi1>, vector<16xf32>, vector<16xi32>)
      %rev3A_78 = arith.constant 15 : i32
      %rev3A_79 = vector.broadcast %rev3A_78 : i32 to vector<16xi32>
      %rev3A_80 = tpu.iota {dimensions = array<i32: 0>} : vector<16xi32>
      %rev3A_81 = arith.subi %rev3A_79, %rev3A_80 : vector<16xi32>
      %rev3A_82 = tpu.dynamic_gather %masked_sort3A_76[%rev3A_81] in [0] : vector<16xf32>, vector<16xi32> -> vector<16xf32>
      %rev3A_83 = arith.constant 15 : i32
      %rev3A_84 = vector.broadcast %rev3A_83 : i32 to vector<16xi32>
      %rev3A_85 = tpu.iota {dimensions = array<i32: 0>} : vector<16xi32>
      %rev3A_86 = arith.subi %rev3A_84, %rev3A_85 : vector<16xi32>
      %rev3A_87 = tpu.dynamic_gather %masked_sort3A_77[%rev3A_86] in [0] : vector<16xi32>, vector<16xi32> -> vector<16xi32>
      %ge3A_88 = arith.cmpf oge, %masked_sort3A_67, %rev3A_82 : vector<16xf32>
      %select_n3A_89 = arith.select %ge3A_88, %masked_sort3A_67, %rev3A_82 : vector<16xi1>, vector<16xf32>
      %select_n3A_90 = arith.select %ge3A_88, %masked_sort3A_68, %rev3A_87 : vector<16xi1>, vector<16xi32>
      %masked_sort3A_91 = arith.constant dense<true> : vector<16xi1>
      %masked_sort3A_92, %masked_sort3A_93, %masked_sort3A_94 = tpu.sort %select_n3A_89, %select_n3A_90 masked %masked_sort3A_91 : (vector<16xf32>, vector<16xi32>, vector<16xi1>) -> (vector<16xi1>, vector<16xf32>, vector<16xi32>)
      %get3A_95 = arith.constant 32 : index
      %get3A_96 = tpu.vector_load %arg11[%get3A_95] {strides = array<i32>} : memref<64xf32, #tpu.memory_space<vmem>>, vector<16xf32>,
      %add3A_97 = arith.constant 32 : i32
      %add3A_98 = vector.broadcast %add3A_97 : i32 to vector<16xi32>
      %add3A_99 = arith.addi %iota3A, %add3A_98 : vector<16xi32>
      %masked_sort3A_100 = arith.constant dense<true> : vector<16xi1>
      %masked_sort3A_101, %masked_sort3A_102, %masked_sort3A_103 = tpu.sort %get3A_96, %add3A_99 masked %masked_sort3A_100 : (vector<16xf32>, vector<16xi32>, vector<16xi1>) -> (vector<16xi1>, vector<16xf32>, vector<16xi32>)
      %rev3A_104 = arith.constant 15 : i32
      %rev3A_105 = vector.broadcast %rev3A_104 : i32 to vector<16xi32>
      %rev3A_106 = tpu.iota {dimensions = array<i32: 0>} : vector<16xi32>
      %rev3A_107 = arith.subi %rev3A_105, %rev3A_106 : vector<16xi32>
      %rev3A_108 = tpu.dynamic_gather %masked_sort3A_102[%rev3A_107] in [0] : vector<16xf32>, vector<16xi32> -> vector<16xf32>
      %rev3A_109 = arith.constant 15 : i32
      %rev3A_110 = vector.broadcast %rev3A_109 : i32 to vector<16xi32>
      %rev3A_111 = tpu.iota {dimensions = array<i32: 0>} : vector<16xi32>
      %rev3A_112 = arith.subi %rev3A_110, %rev3A_111 : vector<16xi32>
      %rev3A_113 = tpu.dynamic_gather %masked_sort3A_103[%rev3A_112] in [0] : vector<16xi32>, vector<16xi32> -> vector<16xi32>
      %ge3A_114 = arith.cmpf oge, %masked_sort3A_93, %rev3A_108 : vector<16xf32>
      %select_n3A_115 = arith.select %ge3A_114, %masked_sort3A_93, %rev3A_108 : vector<16xi1>, vector<16xf32>
      %select_n3A_116 = arith.select %ge3A_114, %masked_sort3A_94, %rev3A_113 : vector<16xi1>, vector<16xi32>
      %masked_sort3A_117 = arith.constant dense<true> : vector<16xi1>
      %masked_sort3A_118, %masked_sort3A_119, %masked_sort3A_120 = tpu.sort %select_n3A_115, %select_n3A_116 masked %masked_sort3A_117 : (vector<16xf32>, vector<16xi32>, vector<16xi1>) -> (vector<16xi1>, vector<16xf32>, vector<16xi32>)
      %get3A_121 = arith.constant 48 : index
      %get3A_122 = tpu.vector_load %arg11[%get3A_121] {strides = array<i32>} : memref<64xf32, #tpu.memory_space<vmem>>, vector<16xf32>,
      %add3A_123 = arith.constant 48 : i32
      %add3A_124 = vector.broadcast %add3A_123 : i32 to vector<16xi32>
      %add3A_125 = arith.addi %iota3A, %add3A_124 : vector<16xi32>
      %masked_sort3A_126 = arith.constant dense<true> : vector<16xi1>
      %masked_sort3A_127, %masked_sort3A_128, %masked_sort3A_129 = tpu.sort %get3A_122, %add3A_125 masked %masked_sort3A_126 : (vector<16xf32>, vector<16xi32>, vector<16xi1>) -> (vector<16xi1>, vector<16xf32>, vector<16xi32>)
      %rev3A_130 = arith.constant 15 : i32
      %rev3A_131 = vector.broadcast %rev3A_130 : i32 to vector<16xi32>
      %rev3A_132 = tpu.iota {dimensions = array<i32: 0>} : vector<16xi32>
      %rev3A_133 = arith.subi %rev3A_131, %rev3A_132 : vector<16xi32>
      %rev3A_134 = tpu.dynamic_gather %masked_sort3A_128[%rev3A_133] in [0] : vector<16xf32>, vector<16xi32> -> vector<16xf32>
      %rev3A_135 = arith.constant 15 : i32
      %rev3A_136 = vector.broadcast %rev3A_135 : i32 to vector<16xi32>
      %rev3A_137 = tpu.iota {dimensions = array<i32: 0>} : vector<16xi32>
      %rev3A_138 = arith.subi %rev3A_136, %rev3A_137 : vector<16xi32>
      %rev3A_139 = tpu.dynamic_gather %masked_sort3A_129[%rev3A_138] in [0] : vector<16xi32>, vector<16xi32> -> vector<16xi32>
      %ge3A_140 = arith.cmpf oge, %masked_sort3A_119, %rev3A_134 : vector<16xf32>
      %select_n3A_141 = arith.select %ge3A_140, %masked_sort3A_119, %rev3A_134 : vector<16xi1>, vector<16xf32>
      %select_n3A_142 = arith.select %ge3A_140, %masked_sort3A_120, %rev3A_139 : vector<16xi1>, vector<16xi32>
      %masked_sort3A_143 = arith.constant dense<true> : vector<16xi1>
      %masked_sort3A_144, %masked_sort3A_145, %masked_sort3A_146 = tpu.sort %select_n3A_141, %select_n3A_142 masked %masked_sort3A_143 : (vector<16xf32>, vector<16xi32>, vector<16xi1>) -> (vector<16xi1>, vector<16xf32>, vector<16xi32>)
      %broadcast_in_dim3A_147 = vector.shape_cast %broadcast_in_dim3A_3 : vector<16xi32> to vector<16x1xi32>
      %gather3A = vector.shape_cast %broadcast_in_dim3A_147 : vector<16x1xi32> to vector<16xi32>
      %gather3A_148 = tpu.dynamic_gather %masked_sort3A_145[%gather3A] in [0] : vector<16xf32>, vector<16xi32> -> vector<16xf32>
      %scan3A_149 = arith.constant 0 : i32
      %scan3A_150 = arith.constant 16 : i32
      %scan3A_151 = arith.addi %scan3A_149, %scan3A_150 : i32
      %scan3A_152 = arith.constant 1 : i32
      %scan3A_153:3 = scf.for %scan3A_963 = %scan3A_149 to %scan3A_151 step %scan3A_152 iter_args(%scan3A_964 = %broadcast_in_dim3A_47, %scan3A_965 = %broadcast_in_dim3A_3, %scan3A_966 = %gather3A_148) -> (vector<16xf32>, vector<16xi32>, vector<16xf32>)  : i32 {
        %broadcast_in_dim3A_967 = vector.broadcast %scan3A_963 : i32 to vector<16xi32>
        %broadcast_in_dim3A_968 = vector.shape_cast %broadcast_in_dim3A_967 : vector<16xi32> to vector<16x1xi32>
        %gather3A_969 = vector.shape_cast %broadcast_in_dim3A_968 : vector<16x1xi32> to vector<16xi32>
        %gather3A_970 = tpu.dynamic_gather %masked_sort3A_146[%gather3A_969] in [0] : vector<16xi32>, vector<16xi32> -> vector<16xi32>
        %slice3A = vector.extract_strided_slice %gather3A_970 {offsets = [0], sizes = [1], strides = [1]} : vector<16xi32> to vector<1xi32>
        %squeeze3A = vector.extract %slice3A[0] : i32 from vector<1xi32>
        %mul3A_971 = arith.constant 128 : i32
        %mul3A_972 = arith.muli %squeeze3A, %mul3A_971 : i32
        %scan3A_973 = arith.constant 0 : i32
        %scan3A_974 = arith.constant 8 : i32
        %scan3A_975 = arith.addi %scan3A_973, %scan3A_974 : i32
        %scan3A_976 = arith.constant 1 : i32
        %scan3A_977:3 = scf.for %scan3A_979 = %scan3A_973 to %scan3A_975 step %scan3A_976 iter_args(%scan3A_980 = %scan3A_964, %scan3A_981 = %scan3A_965, %scan3A_982 = %scan3A_966) -> (vector<16xf32>, vector<16xi32>, vector<16xf32>)  : i32 {
          %mul3A_983 = arith.constant 16 : i32
          %mul3A_984 = arith.muli %scan3A_979, %mul3A_983 : i32
          %add3A_985 = arith.addi %mul3A_972, %mul3A_984 : i32
          %get3A_986 = arith.index_cast %add3A_985 : i32 to index
          %get3A_987 = tpu.vector_load %arg10[%get3A_986] {strides = array<i32>} : memref<6272xf32, #tpu.memory_space<vmem>>, vector<16xf32>,
          %ge3A_988 = arith.cmpf oge, %get3A_987, %scan3A_982 : vector<16xf32>
          %all_reduce_population_count3A = tpu.all_reduce %ge3A_988 {dim = 0 : i64, kind = #tpu.reduction_kind<sum>} : vector<16xi1> -> vector<16xi32>
          %slice3A_989 = vector.extract_strided_slice %all_reduce_population_count3A {offsets = [0], sizes = [1], strides = [1]} : vector<16xi32> to vector<1xi32>
          %squeeze3A_990 = vector.extract %slice3A_989[0] : i32 from vector<1xi32>
          %gt3A = arith.constant 0 : i32
          %gt3A_991 = arith.cmpi sgt, %squeeze3A_990, %gt3A : i32
          %convert_element_type3A_992 = arith.extui %gt3A_991 : i1 to i32
          %cond3A_993 = arith.constant 0 : i32
          %cond3A_994 = arith.cmpi ne, %convert_element_type3A_992, %cond3A_993 : i32
          %cond3A_995:3 = scf.if %cond3A_994 -> (vector<16xf32>, vector<16xi32>, vector<16xf32>) {
            %mul3A_996 = arith.constant 16 : i32
            %mul3A_997 = arith.muli %scan3A_979, %mul3A_996 : i32
            %add3A_998 = arith.addi %mul3A_972, %mul3A_997 : i32
            %add3A_999 = vector.broadcast %add3A_998 : i32 to vector<16xi32>
            %add3A_1000 = arith.addi %iota3A, %add3A_999 : vector<16xi32>
            %masked_sort3A_1001 = arith.constant dense<true> : vector<16xi1>
            %masked_sort3A_1002, %masked_sort3A_1003, %masked_sort3A_1004 = tpu.sort %get3A_987, %add3A_1000 masked %masked_sort3A_1001 : (vector<16xf32>, vector<16xi32>, vector<16xi1>) -> (vector<16xi1>, vector<16xf32>, vector<16xi32>)
            %rev3A_1005 = arith.constant 15 : i32
            %rev3A_1006 = vector.broadcast %rev3A_1005 : i32 to vector<16xi32>
            %rev3A_1007 = tpu.iota {dimensions = array<i32: 0>} : vector<16xi32>
            %rev3A_1008 = arith.subi %rev3A_1006, %rev3A_1007 : vector<16xi32>
            %rev3A_1009 = tpu.dynamic_gather %masked_sort3A_1003[%rev3A_1008] in [0] : vector<16xf32>, vector<16xi32> -> vector<16xf32>
            %rev3A_1010 = arith.constant 15 : i32
            %rev3A_1011 = vector.broadcast %rev3A_1010 : i32 to vector<16xi32>
            %rev3A_1012 = tpu.iota {dimensions = array<i32: 0>} : vector<16xi32>
            %rev3A_1013 = arith.subi %rev3A_1011, %rev3A_1012 : vector<16xi32>
            %rev3A_1014 = tpu.dynamic_gather %masked_sort3A_1004[%rev3A_1013] in [0] : vector<16xi32>, vector<16xi32> -> vector<16xi32>
            %ge3A_1015 = arith.cmpf oge, %scan3A_980, %rev3A_1009 : vector<16xf32>
            %select_n3A_1016 = arith.select %ge3A_1015, %scan3A_980, %rev3A_1009 : vector<16xi1>, vector<16xf32>
            %select_n3A_1017 = arith.select %ge3A_1015, %scan3A_981, %rev3A_1014 : vector<16xi1>, vector<16xi32>
            %masked_sort3A_1018 = arith.constant dense<true> : vector<16xi1>
            %masked_sort3A_1019, %masked_sort3A_1020, %masked_sort3A_1021 = tpu.sort %select_n3A_1016, %select_n3A_1017 masked %masked_sort3A_1018 : (vector<16xf32>, vector<16xi32>, vector<16xi1>) -> (vector<16xi1>, vector<16xf32>, vector<16xi32>)
            %broadcast_in_dim3A_1022 = vector.shape_cast %broadcast_in_dim3A_3 : vector<16xi32> to vector<16x1xi32>
            %gather3A_1023 = vector.shape_cast %broadcast_in_dim3A_1022 : vector<16x1xi32> to vector<16xi32>
            %gather3A_1024 = tpu.dynamic_gather %masked_sort3A_1020[%gather3A_1023] in [0] : vector<16xf32>, vector<16xi32> -> vector<16xf32>
            %max3A_1025 = arith.maximumf %gather3A_1024, %scan3A_982 : vector<16xf32>
            scf.yield %masked_sort3A_1020, %masked_sort3A_1021, %max3A_1025 : vector<16xf32>, vector<16xi32>, vector<16xf32>
          } else {
            scf.yield %scan3A_980, %scan3A_981, %scan3A_982 : vector<16xf32>, vector<16xi32>, vector<16xf32>
          }
          scf.yield %cond3A_995#0, %cond3A_995#1, %cond3A_995#2 : vector<16xf32>, vector<16xi32>, vector<16xf32>
        }
        %scan3A_978 = arith.constant 8 : i32
        scf.yield %scan3A_977#0, %scan3A_977#1, %scan3A_977#2 : vector<16xf32>, vector<16xi32>, vector<16xf32>
      }
      %scan3A_154 = arith.constant 16 : i32
      %shift_right_logical3A = arith.constant 7 : i32
      %shift_right_logical3A_155 = vector.broadcast %shift_right_logical3A : i32 to vector<16xi32>
      %shift_right_logical3A_156 = arith.shrui %scan3A_153#1, %shift_right_logical3A_155 : vector<16xi32>
      %and3A = arith.constant 127 : i32
      %and3A_157 = vector.broadcast %and3A : i32 to vector<16xi32>
      %and3A_158 = arith.andi %scan3A_153#1, %and3A_157 : vector<16xi32>
      %mul3A_159 = arith.constant 2048 : i32
      %mul3A_160 = vector.broadcast %mul3A_159 : i32 to vector<16xi32>
      %mul3A_161 = arith.muli %shift_right_logical3A_156, %mul3A_160 : vector<16xi32>
      %add3A_162 = arith.addi %mul3A_161, %and3A_158 : vector<16xi32>
      %add3A_163 = arith.constant 0 : i32
      %add3A_164 = vector.broadcast %add3A_163 : i32 to vector<16xi32>
      %add3A_165 = arith.addi %add3A_162, %add3A_164 : vector<16xi32>
      %add3A_166 = arith.constant 128 : i32
      %add3A_167 = vector.broadcast %add3A_166 : i32 to vector<16xi32>
      %add3A_168 = arith.addi %add3A_162, %add3A_167 : vector<16xi32>
      %add3A_169 = arith.constant 256 : i32
      %add3A_170 = vector.broadcast %add3A_169 : i32 to vector<16xi32>
      %add3A_171 = arith.addi %add3A_162, %add3A_170 : vector<16xi32>
      %add3A_172 = arith.constant 384 : i32
      %add3A_173 = vector.broadcast %add3A_172 : i32 to vector<16xi32>
      %add3A_174 = arith.addi %add3A_162, %add3A_173 : vector<16xi32>
      %add3A_175 = arith.constant 512 : i32
      %add3A_176 = vector.broadcast %add3A_175 : i32 to vector<16xi32>
      %add3A_177 = arith.addi %add3A_162, %add3A_176 : vector<16xi32>
      %add3A_178 = arith.constant 640 : i32
      %add3A_179 = vector.broadcast %add3A_178 : i32 to vector<16xi32>
      %add3A_180 = arith.addi %add3A_162, %add3A_179 : vector<16xi32>
      %add3A_181 = arith.constant 768 : i32
      %add3A_182 = vector.broadcast %add3A_181 : i32 to vector<16xi32>
      %add3A_183 = arith.addi %add3A_162, %add3A_182 : vector<16xi32>
      %add3A_184 = arith.constant 896 : i32
      %add3A_185 = vector.broadcast %add3A_184 : i32 to vector<16xi32>
      %add3A_186 = arith.addi %add3A_162, %add3A_185 : vector<16xi32>
      %add3A_187 = arith.constant 1024 : i32
      %add3A_188 = vector.broadcast %add3A_187 : i32 to vector<16xi32>
      %add3A_189 = arith.addi %add3A_162, %add3A_188 : vector<16xi32>
      %add3A_190 = arith.constant 1152 : i32
      %add3A_191 = vector.broadcast %add3A_190 : i32 to vector<16xi32>
      %add3A_192 = arith.addi %add3A_162, %add3A_191 : vector<16xi32>
      %add3A_193 = arith.constant 1280 : i32
      %add3A_194 = vector.broadcast %add3A_193 : i32 to vector<16xi32>
      %add3A_195 = arith.addi %add3A_162, %add3A_194 : vector<16xi32>
      %add3A_196 = arith.constant 1408 : i32
      %add3A_197 = vector.broadcast %add3A_196 : i32 to vector<16xi32>
      %add3A_198 = arith.addi %add3A_162, %add3A_197 : vector<16xi32>
      %add3A_199 = arith.constant 1536 : i32
      %add3A_200 = vector.broadcast %add3A_199 : i32 to vector<16xi32>
      %add3A_201 = arith.addi %add3A_162, %add3A_200 : vector<16xi32>
      %add3A_202 = arith.constant 1664 : i32
      %add3A_203 = vector.broadcast %add3A_202 : i32 to vector<16xi32>
      %add3A_204 = arith.addi %add3A_162, %add3A_203 : vector<16xi32>
      %add3A_205 = arith.constant 1792 : i32
      %add3A_206 = vector.broadcast %add3A_205 : i32 to vector<16xi32>
      %add3A_207 = arith.addi %add3A_162, %add3A_206 : vector<16xi32>
      %add3A_208 = arith.constant 1920 : i32
      %add3A_209 = vector.broadcast %add3A_208 : i32 to vector<16xi32>
      %add3A_210 = arith.addi %add3A_162, %add3A_209 : vector<16xi32>
      %swap3A = arith.constant 0 : i32
      %swap3A_211 = arith.index_cast %swap3A : i32 to index
      %swap3A_212 = arith.constant 0 : index
      %swap3A_213 = tpu.vector_load %arg9[%swap3A_211, %swap3A_212] {strides = array<i32>} : memref<2x128xi32, #tpu.memory_space<vmem>>, vector<16xi32>,
      tpu.vector_store %arg9[%swap3A_211, %swap3A_212], %add3A_165 {strides = array<i32>} : memref<2x128xi32, #tpu.memory_space<vmem>>, vector<16xi32>,
      %swap3A_214 = arith.constant 0 : i32
      %swap3A_215 = arith.index_cast %swap3A_214 : i32 to index
      %swap3A_216 = arith.constant 16 : index
      %swap3A_217 = tpu.vector_load %arg9[%swap3A_215, %swap3A_216] {strides = array<i32>} : memref<2x128xi32, #tpu.memory_space<vmem>>, vector<16xi32>,
      tpu.vector_store %arg9[%swap3A_215, %swap3A_216], %add3A_168 {strides = array<i32>} : memref<2x128xi32, #tpu.memory_space<vmem>>, vector<16xi32>,
      %swap3A_218 = arith.constant 0 : i32
      %swap3A_219 = arith.index_cast %swap3A_218 : i32 to index
      %swap3A_220 = arith.constant 32 : index
      %swap3A_221 = tpu.vector_load %arg9[%swap3A_219, %swap3A_220] {strides = array<i32>} : memref<2x128xi32, #tpu.memory_space<vmem>>, vector<16xi32>,
      tpu.vector_store %arg9[%swap3A_219, %swap3A_220], %add3A_171 {strides = array<i32>} : memref<2x128xi32, #tpu.memory_space<vmem>>, vector<16xi32>,
      %swap3A_222 = arith.constant 0 : i32
      %swap3A_223 = arith.index_cast %swap3A_222 : i32 to index
      %swap3A_224 = arith.constant 48 : index
      %swap3A_225 = tpu.vector_load %arg9[%swap3A_223, %swap3A_224] {strides = array<i32>} : memref<2x128xi32, #tpu.memory_space<vmem>>, vector<16xi32>,
      tpu.vector_store %arg9[%swap3A_223, %swap3A_224], %add3A_174 {strides = array<i32>} : memref<2x128xi32, #tpu.memory_space<vmem>>, vector<16xi32>,
      %swap3A_226 = arith.constant 0 : i32
      %swap3A_227 = arith.index_cast %swap3A_226 : i32 to index
      %swap3A_228 = arith.constant 64 : index
      %swap3A_229 = tpu.vector_load %arg9[%swap3A_227, %swap3A_228] {strides = array<i32>} : memref<2x128xi32, #tpu.memory_space<vmem>>, vector<16xi32>,
      tpu.vector_store %arg9[%swap3A_227, %swap3A_228], %add3A_177 {strides = array<i32>} : memref<2x128xi32, #tpu.memory_space<vmem>>, vector<16xi32>,
      %swap3A_230 = arith.constant 0 : i32
      %swap3A_231 = arith.index_cast %swap3A_230 : i32 to index
      %swap3A_232 = arith.constant 80 : index
      %swap3A_233 = tpu.vector_load %arg9[%swap3A_231, %swap3A_232] {strides = array<i32>} : memref<2x128xi32, #tpu.memory_space<vmem>>, vector<16xi32>,
      tpu.vector_store %arg9[%swap3A_231, %swap3A_232], %add3A_180 {strides = array<i32>} : memref<2x128xi32, #tpu.memory_space<vmem>>, vector<16xi32>,
      %swap3A_234 = arith.constant 0 : i32
      %swap3A_235 = arith.index_cast %swap3A_234 : i32 to index
      %swap3A_236 = arith.constant 96 : index
      %swap3A_237 = tpu.vector_load %arg9[%swap3A_235, %swap3A_236] {strides = array<i32>} : memref<2x128xi32, #tpu.memory_space<vmem>>, vector<16xi32>,
      tpu.vector_store %arg9[%swap3A_235, %swap3A_236], %add3A_183 {strides = array<i32>} : memref<2x128xi32, #tpu.memory_space<vmem>>, vector<16xi32>,
      %swap3A_238 = arith.constant 0 : i32
      %swap3A_239 = arith.index_cast %swap3A_238 : i32 to index
      %swap3A_240 = arith.constant 112 : index
      %swap3A_241 = tpu.vector_load %arg9[%swap3A_239, %swap3A_240] {strides = array<i32>} : memref<2x128xi32, #tpu.memory_space<vmem>>, vector<16xi32>,
      tpu.vector_store %arg9[%swap3A_239, %swap3A_240], %add3A_186 {strides = array<i32>} : memref<2x128xi32, #tpu.memory_space<vmem>>, vector<16xi32>,
      %swap3A_242 = arith.constant 1 : i32
      %swap3A_243 = arith.index_cast %swap3A_242 : i32 to index
      %swap3A_244 = arith.constant 0 : index
      %swap3A_245 = tpu.vector_load %arg9[%swap3A_243, %swap3A_244] {strides = array<i32>} : memref<2x128xi32, #tpu.memory_space<vmem>>, vector<16xi32>,
      tpu.vector_store %arg9[%swap3A_243, %swap3A_244], %add3A_189 {strides = array<i32>} : memref<2x128xi32, #tpu.memory_space<vmem>>, vector<16xi32>,
      %swap3A_246 = arith.constant 1 : i32
      %swap3A_247 = arith.index_cast %swap3A_246 : i32 to index
      %swap3A_248 = arith.constant 16 : index
      %swap3A_249 = tpu.vector_load %arg9[%swap3A_247, %swap3A_248] {strides = array<i32>} : memref<2x128xi32, #tpu.memory_space<vmem>>, vector<16xi32>,
      tpu.vector_store %arg9[%swap3A_247, %swap3A_248], %add3A_192 {strides = array<i32>} : memref<2x128xi32, #tpu.memory_space<vmem>>, vector<16xi32>,
      %swap3A_250 = arith.constant 1 : i32
      %swap3A_251 = arith.index_cast %swap3A_250 : i32 to index
      %swap3A_252 = arith.constant 32 : index
      %swap3A_253 = tpu.vector_load %arg9[%swap3A_251, %swap3A_252] {strides = array<i32>} : memref<2x128xi32, #tpu.memory_space<vmem>>, vector<16xi32>,
      tpu.vector_store %arg9[%swap3A_251, %swap3A_252], %add3A_195 {strides = array<i32>} : memref<2x128xi32, #tpu.memory_space<vmem>>, vector<16xi32>,
      %swap3A_254 = arith.constant 1 : i32
      %swap3A_255 = arith.index_cast %swap3A_254 : i32 to index
      %swap3A_256 = arith.constant 48 : index
      %swap3A_257 = tpu.vector_load %arg9[%swap3A_255, %swap3A_256] {strides = array<i32>} : memref<2x128xi32, #tpu.memory_space<vmem>>, vector<16xi32>,
      tpu.vector_store %arg9[%swap3A_255, %swap3A_256], %add3A_198 {strides = array<i32>} : memref<2x128xi32, #tpu.memory_space<vmem>>, vector<16xi32>,
      %swap3A_258 = arith.constant 1 : i32
      %swap3A_259 = arith.index_cast %swap3A_258 : i32 to index
      %swap3A_260 = arith.constant 64 : index
      %swap3A_261 = tpu.vector_load %arg9[%swap3A_259, %swap3A_260] {strides = array<i32>} : memref<2x128xi32, #tpu.memory_space<vmem>>, vector<16xi32>,
      tpu.vector_store %arg9[%swap3A_259, %swap3A_260], %add3A_201 {strides = array<i32>} : memref<2x128xi32, #tpu.memory_space<vmem>>, vector<16xi32>,
      %swap3A_262 = arith.constant 1 : i32
      %swap3A_263 = arith.index_cast %swap3A_262 : i32 to index
      %swap3A_264 = arith.constant 80 : index
      %swap3A_265 = tpu.vector_load %arg9[%swap3A_263, %swap3A_264] {strides = array<i32>} : memref<2x128xi32, #tpu.memory_space<vmem>>, vector<16xi32>,
      tpu.vector_store %arg9[%swap3A_263, %swap3A_264], %add3A_204 {strides = array<i32>} : memref<2x128xi32, #tpu.memory_space<vmem>>, vector<16xi32>,
      %swap3A_266 = arith.constant 1 : i32
      %swap3A_267 = arith.index_cast %swap3A_266 : i32 to index
      %swap3A_268 = arith.constant 96 : index
      %swap3A_269 = tpu.vector_load %arg9[%swap3A_267, %swap3A_268] {strides = array<i32>} : memref<2x128xi32, #tpu.memory_space<vmem>>, vector<16xi32>,
      tpu.vector_store %arg9[%swap3A_267, %swap3A_268], %add3A_207 {strides = array<i32>} : memref<2x128xi32, #tpu.memory_space<vmem>>, vector<16xi32>,
      %swap3A_270 = arith.constant 1 : i32
      %swap3A_271 = arith.index_cast %swap3A_270 : i32 to index
      %swap3A_272 = arith.constant 112 : index
      %swap3A_273 = tpu.vector_load %arg9[%swap3A_271, %swap3A_272] {strides = array<i32>} : memref<2x128xi32, #tpu.memory_space<vmem>>, vector<16xi32>,
      tpu.vector_store %arg9[%swap3A_271, %swap3A_272], %add3A_210 {strides = array<i32>} : memref<2x128xi32, #tpu.memory_space<vmem>>, vector<16xi32>,
      %dma_start3A_274 = arith.constant 0 : i32
      %dma_start3A_275 = arith.constant 0 : i32
      %dma_start3A_276 = arith.constant 0 : i32
      %dma_start3A_277 = tpu.memref_slice %arg8[%dma_start3A_275, %dma_start3A_276] : memref<256x64xf32, #tpu.memory_space<vmem>> -> memref<128x64xf32, #tpu.memory_space<vmem>>
      %dma_start3A_278 = arith.constant 0 : i32
      %dma_start3A_279 = tpu.memref_slice %arg9[%dma_start3A_274, %dma_start3A_278] : memref<2x128xi32, #tpu.memory_space<vmem>> -> memref<1x128xi32, #tpu.memory_space<vmem>>
      %dma_start3A_280 = tpu.memref_squeeze %dma_start3A_279 : memref<1x128xi32, #tpu.memory_space<vmem>> -> memref<128xi32, #tpu.memory_space<vmem>>
      %dma_start3A_281 = arith.constant 0 : i32
      %dma_start3A_282 = arith.constant 0 : i32
      %dma_start3A_283 = tpu.memref_slice %arg3[%dma_start3A_281, %dma_start3A_282] : memref<100352x64xf32, #tpu.memory_space<hbm>> -> memref<100352x64xf32, #tpu.memory_space<hbm>>
      tpu.enqueue_indirect_dma source(%dma_start3A_283 : memref<100352x64xf32, #tpu.memory_space<hbm>>) target(%dma_start3A_277 : memref<128x64xf32, #tpu.memory_space<vmem>>) offsets(%dma_start3A_280 : memref<128xi32, #tpu.memory_space<vmem>>) semaphore(%arg15 : memref<!tpu.dma_semaphore, #tpu.memory_space<semaphore_mem>>)
      %dma_start3A_284 = arith.constant 1 : i32
      %dma_start3A_285 = arith.constant 128 : i32
      %dma_start3A_286 = arith.constant 0 : i32
      %dma_start3A_287 = tpu.memref_slice %arg8[%dma_start3A_285, %dma_start3A_286] : memref<256x64xf32, #tpu.memory_space<vmem>> -> memref<128x64xf32, #tpu.memory_space<vmem>>
      %dma_start3A_288 = arith.constant 0 : i32
      %dma_start3A_289 = tpu.memref_slice %arg9[%dma_start3A_284, %dma_start3A_288] : memref<2x128xi32, #tpu.memory_space<vmem>> -> memref<1x128xi32, #tpu.memory_space<vmem>>
      %dma_start3A_290 = tpu.memref_squeeze %dma_start3A_289 : memref<1x128xi32, #tpu.memory_space<vmem>> -> memref<128xi32, #tpu.memory_space<vmem>>
      %dma_start3A_291 = arith.constant 0 : i32
      %dma_start3A_292 = arith.constant 0 : i32
      %dma_start3A_293 = tpu.memref_slice %arg3[%dma_start3A_291, %dma_start3A_292] : memref<100352x64xf32, #tpu.memory_space<hbm>> -> memref<100352x64xf32, #tpu.memory_space<hbm>>
      tpu.enqueue_indirect_dma source(%dma_start3A_293 : memref<100352x64xf32, #tpu.memory_space<hbm>>) target(%dma_start3A_287 : memref<128x64xf32, #tpu.memory_space<vmem>>) offsets(%dma_start3A_290 : memref<128xi32, #tpu.memory_space<vmem>>) semaphore(%arg15 : memref<!tpu.dma_semaphore, #tpu.memory_space<semaphore_mem>>)
      %dma_wait3A = arith.constant 0 : i32
      %dma_wait3A_294 = arith.constant 0 : i32
      %dma_wait3A_295 = arith.constant 0 : i32
      %dma_wait3A_296 = tpu.memref_slice %arg8[%dma_wait3A_294, %dma_wait3A_295] : memref<256x64xf32, #tpu.memory_space<vmem>> -> memref<128x64xf32, #tpu.memory_space<vmem>>
      %dma_wait3A_297 = arith.constant 0 : i32
      %dma_wait3A_298 = tpu.memref_slice %arg9[%dma_wait3A, %dma_wait3A_297] : memref<2x128xi32, #tpu.memory_space<vmem>> -> memref<1x128xi32, #tpu.memory_space<vmem>>
      %dma_wait3A_299 = tpu.memref_squeeze %dma_wait3A_298 : memref<1x128xi32, #tpu.memory_space<vmem>> -> memref<128xi32, #tpu.memory_space<vmem>>
      %dma_wait3A_300 = arith.constant 0 : i32
      %dma_wait3A_301 = arith.constant 0 : i32
      %dma_wait3A_302 = tpu.memref_slice %arg3[%dma_wait3A_300, %dma_wait3A_301] : memref<100352x64xf32, #tpu.memory_space<hbm>> -> memref<100352x64xf32, #tpu.memory_space<hbm>>
      tpu.wait_indirect_dma semaphore(%arg15 : memref<!tpu.dma_semaphore, #tpu.memory_space<semaphore_mem>>) src(%dma_wait3A_302 : memref<100352x64xf32, #tpu.memory_space<hbm>>) dst(%dma_wait3A_296 : memref<128x64xf32, #tpu.memory_space<vmem>>)
      %dma_wait3A_303 = arith.constant 1 : i32
      %dma_wait3A_304 = arith.constant 128 : i32
      %dma_wait3A_305 = arith.constant 0 : i32
      %dma_wait3A_306 = tpu.memref_slice %arg8[%dma_wait3A_304, %dma_wait3A_305] : memref<256x64xf32, #tpu.memory_space<vmem>> -> memref<128x64xf32, #tpu.memory_space<vmem>>
      %dma_wait3A_307 = arith.constant 0 : i32
      %dma_wait3A_308 = tpu.memref_slice %arg9[%dma_wait3A_303, %dma_wait3A_307] : memref<2x128xi32, #tpu.memory_space<vmem>> -> memref<1x128xi32, #tpu.memory_space<vmem>>
      %dma_wait3A_309 = tpu.memref_squeeze %dma_wait3A_308 : memref<1x128xi32, #tpu.memory_space<vmem>> -> memref<128xi32, #tpu.memory_space<vmem>>
      %dma_wait3A_310 = arith.constant 0 : i32
      %dma_wait3A_311 = arith.constant 0 : i32
      %dma_wait3A_312 = tpu.memref_slice %arg3[%dma_wait3A_310, %dma_wait3A_311] : memref<100352x64xf32, #tpu.memory_space<hbm>> -> memref<100352x64xf32, #tpu.memory_space<hbm>>
      tpu.wait_indirect_dma semaphore(%arg15 : memref<!tpu.dma_semaphore, #tpu.memory_space<semaphore_mem>>) src(%dma_wait3A_312 : memref<100352x64xf32, #tpu.memory_space<hbm>>) dst(%dma_wait3A_306 : memref<128x64xf32, #tpu.memory_space<vmem>>)
      %broadcast_in_dim3A_313 = arith.constant 0.000000e+00 : f32
      %broadcast_in_dim3A_314 = vector.broadcast %broadcast_in_dim3A_313 : f32 to vector<16xf32>
      %broadcast_in_dim3A_315 = arith.constant 0.000000e+00 : f32
      %broadcast_in_dim3A_316 = vector.broadcast %broadcast_in_dim3A_315 : f32 to vector<16xf32>
      %broadcast_in_dim3A_317 = arith.constant 0.000000e+00 : f32
      %broadcast_in_dim3A_318 = vector.broadcast %broadcast_in_dim3A_317 : f32 to vector<16xf32>
      %broadcast_in_dim3A_319 = arith.constant 0.000000e+00 : f32
      %broadcast_in_dim3A_320 = vector.broadcast %broadcast_in_dim3A_319 : f32 to vector<16xf32>
      %broadcast_in_dim3A_321 = arith.constant 0.000000e+00 : f32
      %broadcast_in_dim3A_322 = vector.broadcast %broadcast_in_dim3A_321 : f32 to vector<16xf32>
      %broadcast_in_dim3A_323 = arith.constant 0.000000e+00 : f32
      %broadcast_in_dim3A_324 = vector.broadcast %broadcast_in_dim3A_323 : f32 to vector<16xf32>
      %broadcast_in_dim3A_325 = arith.constant 0.000000e+00 : f32
      %broadcast_in_dim3A_326 = vector.broadcast %broadcast_in_dim3A_325 : f32 to vector<16xf32>
      %broadcast_in_dim3A_327 = arith.constant 0.000000e+00 : f32
      %broadcast_in_dim3A_328 = vector.broadcast %broadcast_in_dim3A_327 : f32 to vector<16xf32>
      %broadcast_in_dim3A_329 = arith.constant 0.000000e+00 : f32
      %broadcast_in_dim3A_330 = vector.broadcast %broadcast_in_dim3A_329 : f32 to vector<16xf32>
      %broadcast_in_dim3A_331 = arith.constant 0.000000e+00 : f32
      %broadcast_in_dim3A_332 = vector.broadcast %broadcast_in_dim3A_331 : f32 to vector<16xf32>
      %broadcast_in_dim3A_333 = arith.constant 0.000000e+00 : f32
      %broadcast_in_dim3A_334 = vector.broadcast %broadcast_in_dim3A_333 : f32 to vector<16xf32>
      %broadcast_in_dim3A_335 = arith.constant 0.000000e+00 : f32
      %broadcast_in_dim3A_336 = vector.broadcast %broadcast_in_dim3A_335 : f32 to vector<16xf32>
      %broadcast_in_dim3A_337 = arith.constant 0.000000e+00 : f32
      %broadcast_in_dim3A_338 = vector.broadcast %broadcast_in_dim3A_337 : f32 to vector<16xf32>
      %broadcast_in_dim3A_339 = arith.constant 0.000000e+00 : f32
      %broadcast_in_dim3A_340 = vector.broadcast %broadcast_in_dim3A_339 : f32 to vector<16xf32>
      %broadcast_in_dim3A_341 = arith.constant 0.000000e+00 : f32
      %broadcast_in_dim3A_342 = vector.broadcast %broadcast_in_dim3A_341 : f32 to vector<16xf32>
      %broadcast_in_dim3A_343 = arith.constant 0.000000e+00 : f32
      %broadcast_in_dim3A_344 = vector.broadcast %broadcast_in_dim3A_343 : f32 to vector<16xf32>
      %add3A_345 = arith.constant 0 : i32
      %add3A_346 = vector.broadcast %add3A_345 : i32 to vector<16xi32>
      %add3A_347 = arith.addi %iota3A, %add3A_346 : vector<16xi32>
      %add3A_348 = arith.constant 16 : i32
      %add3A_349 = vector.broadcast %add3A_348 : i32 to vector<16xi32>
      %add3A_350 = arith.addi %iota3A, %add3A_349 : vector<16xi32>
      %add3A_351 = arith.constant 32 : i32
      %add3A_352 = vector.broadcast %add3A_351 : i32 to vector<16xi32>
      %add3A_353 = arith.addi %iota3A, %add3A_352 : vector<16xi32>
      %add3A_354 = arith.constant 48 : i32
      %add3A_355 = vector.broadcast %add3A_354 : i32 to vector<16xi32>
      %add3A_356 = arith.addi %iota3A, %add3A_355 : vector<16xi32>
      %add3A_357 = arith.constant 64 : i32
      %add3A_358 = vector.broadcast %add3A_357 : i32 to vector<16xi32>
      %add3A_359 = arith.addi %iota3A, %add3A_358 : vector<16xi32>
      %add3A_360 = arith.constant 80 : i32
      %add3A_361 = vector.broadcast %add3A_360 : i32 to vector<16xi32>
      %add3A_362 = arith.addi %iota3A, %add3A_361 : vector<16xi32>
      %add3A_363 = arith.constant 96 : i32
      %add3A_364 = vector.broadcast %add3A_363 : i32 to vector<16xi32>
      %add3A_365 = arith.addi %iota3A, %add3A_364 : vector<16xi32>
      %add3A_366 = arith.constant 112 : i32
      %add3A_367 = vector.broadcast %add3A_366 : i32 to vector<16xi32>
      %add3A_368 = arith.addi %iota3A, %add3A_367 : vector<16xi32>
      %add3A_369 = arith.constant 128 : i32
      %add3A_370 = vector.broadcast %add3A_369 : i32 to vector<16xi32>
      %add3A_371 = arith.addi %iota3A, %add3A_370 : vector<16xi32>
      %add3A_372 = arith.constant 144 : i32
      %add3A_373 = vector.broadcast %add3A_372 : i32 to vector<16xi32>
      %add3A_374 = arith.addi %iota3A, %add3A_373 : vector<16xi32>
      %add3A_375 = arith.constant 160 : i32
      %add3A_376 = vector.broadcast %add3A_375 : i32 to vector<16xi32>
      %add3A_377 = arith.addi %iota3A, %add3A_376 : vector<16xi32>
      %add3A_378 = arith.constant 176 : i32
      %add3A_379 = vector.broadcast %add3A_378 : i32 to vector<16xi32>
      %add3A_380 = arith.addi %iota3A, %add3A_379 : vector<16xi32>
      %add3A_381 = arith.constant 192 : i32
      %add3A_382 = vector.broadcast %add3A_381 : i32 to vector<16xi32>
      %add3A_383 = arith.addi %iota3A, %add3A_382 : vector<16xi32>
      %add3A_384 = arith.constant 208 : i32
      %add3A_385 = vector.broadcast %add3A_384 : i32 to vector<16xi32>
      %add3A_386 = arith.addi %iota3A, %add3A_385 : vector<16xi32>
      %add3A_387 = arith.constant 224 : i32
      %add3A_388 = vector.broadcast %add3A_387 : i32 to vector<16xi32>
      %add3A_389 = arith.addi %iota3A, %add3A_388 : vector<16xi32>
      %add3A_390 = arith.constant 240 : i32
      %add3A_391 = vector.broadcast %add3A_390 : i32 to vector<16xi32>
      %add3A_392 = arith.addi %iota3A, %add3A_391 : vector<16xi32>
      %scan3A_393 = arith.constant 0 : i32
      %scan3A_394 = arith.constant 4 : i32
      %scan3A_395 = arith.addi %scan3A_393, %scan3A_394 : i32
      %scan3A_396 = arith.constant 1 : i32
      %scan3A_397:16 = scf.for %scan3A_963 = %scan3A_393 to %scan3A_395 step %scan3A_396 iter_args(%scan3A_964 = %broadcast_in_dim3A_314, %scan3A_965 = %broadcast_in_dim3A_316, %scan3A_966 = %broadcast_in_dim3A_318, %scan3A_967 = %broadcast_in_dim3A_320, %scan3A_968 = %broadcast_in_dim3A_322, %scan3A_969 = %broadcast_in_dim3A_324, %scan3A_970 = %broadcast_in_dim3A_326, %scan3A_971 = %broadcast_in_dim3A_328, %scan3A_972 = %broadcast_in_dim3A_330, %scan3A_973 = %broadcast_in_dim3A_332, %scan3A_974 = %broadcast_in_dim3A_334, %scan3A_975 = %broadcast_in_dim3A_336, %scan3A_976 = %broadcast_in_dim3A_338, %scan3A_977 = %broadcast_in_dim3A_340, %scan3A_978 = %broadcast_in_dim3A_342, %scan3A_979 = %broadcast_in_dim3A_344) -> (vector<16xf32>, vector<16xf32>, vector<16xf32>, vector<16xf32>, vector<16xf32>, vector<16xf32>, vector<16xf32>, vector<16xf32>, vector<16xf32>, vector<16xf32>, vector<16xf32>, vector<16xf32>, vector<16xf32>, vector<16xf32>, vector<16xf32>, vector<16xf32>)  : i32 {
        %mul3A_980 = arith.constant 16 : i32
        %mul3A_981 = arith.muli %scan3A_963, %mul3A_980 : i32
        %get3A_982 = arith.index_cast %mul3A_981 : i32 to index
        %get3A_983 = tpu.vector_load %arg12[%get3A_982] {strides = array<i32>} : memref<64xf32, #tpu.memory_space<vmem>>, vector<16xf32>,
        %mul3A_984 = arith.constant 16 : i32
        %mul3A_985 = arith.muli %scan3A_963, %mul3A_984 : i32
        %add3A_986 = arith.constant 0 : i32
        %add3A_987 = arith.addi %mul3A_985, %add3A_986 : i32
        %broadcast_in_dim3A_988 = arith.constant 0 : i32
        %broadcast_in_dim3A_989 = vector.broadcast %broadcast_in_dim3A_988 : i32 to vector<16xi32>
        %broadcast_in_dim3A_990 = vector.shape_cast %broadcast_in_dim3A_989 : vector<16xi32> to vector<16x1xi32>
        %gather3A_991 = vector.shape_cast %broadcast_in_dim3A_990 : vector<16x1xi32> to vector<16xi32>
        %gather3A_992 = tpu.dynamic_gather %get3A_983[%gather3A_991] in [0] : vector<16xf32>, vector<16xi32> -> vector<16xf32>
        %broadcast_in_dim3A_993 = vector.broadcast %add3A_987 : i32 to vector<16xi32>
        %gather3A_994 = tpu.vector_load_idx %arg8[%add3A_347, %broadcast_in_dim3A_993] : memref<256x64xf32, #tpu.memory_space<vmem>>[vector<16xi32>, vector<16xi32>], vector<16xf32>,
        %mul3A_995 = arith.mulf %gather3A_994, %gather3A_992 : vector<16xf32>
        %add3A_996 = arith.addf %scan3A_964, %mul3A_995 : vector<16xf32>
        %gather3A_997 = tpu.vector_load_idx %arg8[%add3A_350, %broadcast_in_dim3A_993] : memref<256x64xf32, #tpu.memory_space<vmem>>[vector<16xi32>, vector<16xi32>], vector<16xf32>,
        %mul3A_998 = arith.mulf %gather3A_997, %gather3A_992 : vector<16xf32>
        %add3A_999 = arith.addf %scan3A_965, %mul3A_998 : vector<16xf32>
        %gather3A_1000 = tpu.vector_load_idx %arg8[%add3A_353, %broadcast_in_dim3A_993] : memref<256x64xf32, #tpu.memory_space<vmem>>[vector<16xi32>, vector<16xi32>], vector<16xf32>,
        %mul3A_1001 = arith.mulf %gather3A_1000, %gather3A_992 : vector<16xf32>
        %add3A_1002 = arith.addf %scan3A_966, %mul3A_1001 : vector<16xf32>
        %gather3A_1003 = tpu.vector_load_idx %arg8[%add3A_356, %broadcast_in_dim3A_993] : memref<256x64xf32, #tpu.memory_space<vmem>>[vector<16xi32>, vector<16xi32>], vector<16xf32>,
        %mul3A_1004 = arith.mulf %gather3A_1003, %gather3A_992 : vector<16xf32>
        %add3A_1005 = arith.addf %scan3A_967, %mul3A_1004 : vector<16xf32>
        %gather3A_1006 = tpu.vector_load_idx %arg8[%add3A_359, %broadcast_in_dim3A_993] : memref<256x64xf32, #tpu.memory_space<vmem>>[vector<16xi32>, vector<16xi32>], vector<16xf32>,
        %mul3A_1007 = arith.mulf %gather3A_1006, %gather3A_992 : vector<16xf32>
        %add3A_1008 = arith.addf %scan3A_968, %mul3A_1007 : vector<16xf32>
        %gather3A_1009 = tpu.vector_load_idx %arg8[%add3A_362, %broadcast_in_dim3A_993] : memref<256x64xf32, #tpu.memory_space<vmem>>[vector<16xi32>, vector<16xi32>], vector<16xf32>,
        %mul3A_1010 = arith.mulf %gather3A_1009, %gather3A_992 : vector<16xf32>
        %add3A_1011 = arith.addf %scan3A_969, %mul3A_1010 : vector<16xf32>
        %gather3A_1012 = tpu.vector_load_idx %arg8[%add3A_365, %broadcast_in_dim3A_993] : memref<256x64xf32, #tpu.memory_space<vmem>>[vector<16xi32>, vector<16xi32>], vector<16xf32>,
        %mul3A_1013 = arith.mulf %gather3A_1012, %gather3A_992 : vector<16xf32>
        %add3A_1014 = arith.addf %scan3A_970, %mul3A_1013 : vector<16xf32>
        %gather3A_1015 = tpu.vector_load_idx %arg8[%add3A_368, %broadcast_in_dim3A_993] : memref<256x64xf32, #tpu.memory_space<vmem>>[vector<16xi32>, vector<16xi32>], vector<16xf32>,
        %mul3A_1016 = arith.mulf %gather3A_1015, %gather3A_992 : vector<16xf32>
        %add3A_1017 = arith.addf %scan3A_971, %mul3A_1016 : vector<16xf32>
        %gather3A_1018 = tpu.vector_load_idx %arg8[%add3A_371, %broadcast_in_dim3A_993] : memref<256x64xf32, #tpu.memory_space<vmem>>[vector<16xi32>, vector<16xi32>], vector<16xf32>,
        %mul3A_1019 = arith.mulf %gather3A_1018, %gather3A_992 : vector<16xf32>
        %add3A_1020 = arith.addf %scan3A_972, %mul3A_1019 : vector<16xf32>
        %gather3A_1021 = tpu.vector_load_idx %arg8[%add3A_374, %broadcast_in_dim3A_993] : memref<256x64xf32, #tpu.memory_space<vmem>>[vector<16xi32>, vector<16xi32>], vector<16xf32>,
        %mul3A_1022 = arith.mulf %gather3A_1021, %gather3A_992 : vector<16xf32>
        %add3A_1023 = arith.addf %scan3A_973, %mul3A_1022 : vector<16xf32>
        %gather3A_1024 = tpu.vector_load_idx %arg8[%add3A_377, %broadcast_in_dim3A_993] : memref<256x64xf32, #tpu.memory_space<vmem>>[vector<16xi32>, vector<16xi32>], vector<16xf32>,
        %mul3A_1025 = arith.mulf %gather3A_1024, %gather3A_992 : vector<16xf32>
        %add3A_1026 = arith.addf %scan3A_974, %mul3A_1025 : vector<16xf32>
        %gather3A_1027 = tpu.vector_load_idx %arg8[%add3A_380, %broadcast_in_dim3A_993] : memref<256x64xf32, #tpu.memory_space<vmem>>[vector<16xi32>, vector<16xi32>], vector<16xf32>,
        %mul3A_1028 = arith.mulf %gather3A_1027, %gather3A_992 : vector<16xf32>
        %add3A_1029 = arith.addf %scan3A_975, %mul3A_1028 : vector<16xf32>
        %gather3A_1030 = tpu.vector_load_idx %arg8[%add3A_383, %broadcast_in_dim3A_993] : memref<256x64xf32, #tpu.memory_space<vmem>>[vector<16xi32>, vector<16xi32>], vector<16xf32>,
        %mul3A_1031 = arith.mulf %gather3A_1030, %gather3A_992 : vector<16xf32>
        %add3A_1032 = arith.addf %scan3A_976, %mul3A_1031 : vector<16xf32>
        %gather3A_1033 = tpu.vector_load_idx %arg8[%add3A_386, %broadcast_in_dim3A_993] : memref<256x64xf32, #tpu.memory_space<vmem>>[vector<16xi32>, vector<16xi32>], vector<16xf32>,
        %mul3A_1034 = arith.mulf %gather3A_1033, %gather3A_992 : vector<16xf32>
        %add3A_1035 = arith.addf %scan3A_977, %mul3A_1034 : vector<16xf32>
        %gather3A_1036 = tpu.vector_load_idx %arg8[%add3A_389, %broadcast_in_dim3A_993] : memref<256x64xf32, #tpu.memory_space<vmem>>[vector<16xi32>, vector<16xi32>], vector<16xf32>,
        %mul3A_1037 = arith.mulf %gather3A_1036, %gather3A_992 : vector<16xf32>
        %add3A_1038 = arith.addf %scan3A_978, %mul3A_1037 : vector<16xf32>
        %gather3A_1039 = tpu.vector_load_idx %arg8[%add3A_392, %broadcast_in_dim3A_993] : memref<256x64xf32, #tpu.memory_space<vmem>>[vector<16xi32>, vector<16xi32>], vector<16xf32>,
        %mul3A_1040 = arith.mulf %gather3A_1039, %gather3A_992 : vector<16xf32>
        %add3A_1041 = arith.addf %scan3A_979, %mul3A_1040 : vector<16xf32>
        %mul3A_1042 = arith.constant 16 : i32
        %mul3A_1043 = arith.muli %scan3A_963, %mul3A_1042 : i32
        %add3A_1044 = arith.constant 1 : i32
        %add3A_1045 = arith.addi %mul3A_1043, %add3A_1044 : i32
        %broadcast_in_dim3A_1046 = arith.constant 1 : i32
        %broadcast_in_dim3A_1047 = vector.broadcast %broadcast_in_dim3A_1046 : i32 to vector<16xi32>
        %broadcast_in_dim3A_1048 = vector.shape_cast %broadcast_in_dim3A_1047 : vector<16xi32> to vector<16x1xi32>
        %gather3A_1049 = vector.shape_cast %broadcast_in_dim3A_1048 : vector<16x1xi32> to vector<16xi32>
        %gather3A_1050 = tpu.dynamic_gather %get3A_983[%gather3A_1049] in [0] : vector<16xf32>, vector<16xi32> -> vector<16xf32>
        %broadcast_in_dim3A_1051 = vector.broadcast %add3A_1045 : i32 to vector<16xi32>
        %gather3A_1052 = tpu.vector_load_idx %arg8[%add3A_347, %broadcast_in_dim3A_1051] : memref<256x64xf32, #tpu.memory_space<vmem>>[vector<16xi32>, vector<16xi32>], vector<16xf32>,
        %mul3A_1053 = arith.mulf %gather3A_1052, %gather3A_1050 : vector<16xf32>
        %add3A_1054 = arith.addf %add3A_996, %mul3A_1053 : vector<16xf32>
        %gather3A_1055 = tpu.vector_load_idx %arg8[%add3A_350, %broadcast_in_dim3A_1051] : memref<256x64xf32, #tpu.memory_space<vmem>>[vector<16xi32>, vector<16xi32>], vector<16xf32>,
        %mul3A_1056 = arith.mulf %gather3A_1055, %gather3A_1050 : vector<16xf32>
        %add3A_1057 = arith.addf %add3A_999, %mul3A_1056 : vector<16xf32>
        %gather3A_1058 = tpu.vector_load_idx %arg8[%add3A_353, %broadcast_in_dim3A_1051] : memref<256x64xf32, #tpu.memory_space<vmem>>[vector<16xi32>, vector<16xi32>], vector<16xf32>,
        %mul3A_1059 = arith.mulf %gather3A_1058, %gather3A_1050 : vector<16xf32>
        %add3A_1060 = arith.addf %add3A_1002, %mul3A_1059 : vector<16xf32>
        %gather3A_1061 = tpu.vector_load_idx %arg8[%add3A_356, %broadcast_in_dim3A_1051] : memref<256x64xf32, #tpu.memory_space<vmem>>[vector<16xi32>, vector<16xi32>], vector<16xf32>,
        %mul3A_1062 = arith.mulf %gather3A_1061, %gather3A_1050 : vector<16xf32>
        %add3A_1063 = arith.addf %add3A_1005, %mul3A_1062 : vector<16xf32>
        %gather3A_1064 = tpu.vector_load_idx %arg8[%add3A_359, %broadcast_in_dim3A_1051] : memref<256x64xf32, #tpu.memory_space<vmem>>[vector<16xi32>, vector<16xi32>], vector<16xf32>,
        %mul3A_1065 = arith.mulf %gather3A_1064, %gather3A_1050 : vector<16xf32>
        %add3A_1066 = arith.addf %add3A_1008, %mul3A_1065 : vector<16xf32>
        %gather3A_1067 = tpu.vector_load_idx %arg8[%add3A_362, %broadcast_in_dim3A_1051] : memref<256x64xf32, #tpu.memory_space<vmem>>[vector<16xi32>, vector<16xi32>], vector<16xf32>,
        %mul3A_1068 = arith.mulf %gather3A_1067, %gather3A_1050 : vector<16xf32>
        %add3A_1069 = arith.addf %add3A_1011, %mul3A_1068 : vector<16xf32>
        %gather3A_1070 = tpu.vector_load_idx %arg8[%add3A_365, %broadcast_in_dim3A_1051] : memref<256x64xf32, #tpu.memory_space<vmem>>[vector<16xi32>, vector<16xi32>], vector<16xf32>,
        %mul3A_1071 = arith.mulf %gather3A_1070, %gather3A_1050 : vector<16xf32>
        %add3A_1072 = arith.addf %add3A_1014, %mul3A_1071 : vector<16xf32>
        %gather3A_1073 = tpu.vector_load_idx %arg8[%add3A_368, %broadcast_in_dim3A_1051] : memref<256x64xf32, #tpu.memory_space<vmem>>[vector<16xi32>, vector<16xi32>], vector<16xf32>,
        %mul3A_1074 = arith.mulf %gather3A_1073, %gather3A_1050 : vector<16xf32>
        %add3A_1075 = arith.addf %add3A_1017, %mul3A_1074 : vector<16xf32>
        %gather3A_1076 = tpu.vector_load_idx %arg8[%add3A_371, %broadcast_in_dim3A_1051] : memref<256x64xf32, #tpu.memory_space<vmem>>[vector<16xi32>, vector<16xi32>], vector<16xf32>,
        %mul3A_1077 = arith.mulf %gather3A_1076, %gather3A_1050 : vector<16xf32>
        %add3A_1078 = arith.addf %add3A_1020, %mul3A_1077 : vector<16xf32>
        %gather3A_1079 = tpu.vector_load_idx %arg8[%add3A_374, %broadcast_in_dim3A_1051] : memref<256x64xf32, #tpu.memory_space<vmem>>[vector<16xi32>, vector<16xi32>], vector<16xf32>,
        %mul3A_1080 = arith.mulf %gather3A_1079, %gather3A_1050 : vector<16xf32>
        %add3A_1081 = arith.addf %add3A_1023, %mul3A_1080 : vector<16xf32>
        %gather3A_1082 = tpu.vector_load_idx %arg8[%add3A_377, %broadcast_in_dim3A_1051] : memref<256x64xf32, #tpu.memory_space<vmem>>[vector<16xi32>, vector<16xi32>], vector<16xf32>,
        %mul3A_1083 = arith.mulf %gather3A_1082, %gather3A_1050 : vector<16xf32>
        %add3A_1084 = arith.addf %add3A_1026, %mul3A_1083 : vector<16xf32>
        %gather3A_1085 = tpu.vector_load_idx %arg8[%add3A_380, %broadcast_in_dim3A_1051] : memref<256x64xf32, #tpu.memory_space<vmem>>[vector<16xi32>, vector<16xi32>], vector<16xf32>,
        %mul3A_1086 = arith.mulf %gather3A_1085, %gather3A_1050 : vector<16xf32>
        %add3A_1087 = arith.addf %add3A_1029, %mul3A_1086 : vector<16xf32>
        %gather3A_1088 = tpu.vector_load_idx %arg8[%add3A_383, %broadcast_in_dim3A_1051] : memref<256x64xf32, #tpu.memory_space<vmem>>[vector<16xi32>, vector<16xi32>], vector<16xf32>,
        %mul3A_1089 = arith.mulf %gather3A_1088, %gather3A_1050 : vector<16xf32>
        %add3A_1090 = arith.addf %add3A_1032, %mul3A_1089 : vector<16xf32>
        %gather3A_1091 = tpu.vector_load_idx %arg8[%add3A_386, %broadcast_in_dim3A_1051] : memref<256x64xf32, #tpu.memory_space<vmem>>[vector<16xi32>, vector<16xi32>], vector<16xf32>,
        %mul3A_1092 = arith.mulf %gather3A_1091, %gather3A_1050 : vector<16xf32>
        %add3A_1093 = arith.addf %add3A_1035, %mul3A_1092 : vector<16xf32>
        %gather3A_1094 = tpu.vector_load_idx %arg8[%add3A_389, %broadcast_in_dim3A_1051] : memref<256x64xf32, #tpu.memory_space<vmem>>[vector<16xi32>, vector<16xi32>], vector<16xf32>,
        %mul3A_1095 = arith.mulf %gather3A_1094, %gather3A_1050 : vector<16xf32>
        %add3A_1096 = arith.addf %add3A_1038, %mul3A_1095 : vector<16xf32>
        %gather3A_1097 = tpu.vector_load_idx %arg8[%add3A_392, %broadcast_in_dim3A_1051] : memref<256x64xf32, #tpu.memory_space<vmem>>[vector<16xi32>, vector<16xi32>], vector<16xf32>,
        %mul3A_1098 = arith.mulf %gather3A_1097, %gather3A_1050 : vector<16xf32>
        %add3A_1099 = arith.addf %add3A_1041, %mul3A_1098 : vector<16xf32>
        %mul3A_1100 = arith.constant 16 : i32
        %mul3A_1101 = arith.muli %scan3A_963, %mul3A_1100 : i32
        %add3A_1102 = arith.constant 2 : i32
        %add3A_1103 = arith.addi %mul3A_1101, %add3A_1102 : i32
        %broadcast_in_dim3A_1104 = arith.constant 2 : i32
        %broadcast_in_dim3A_1105 = vector.broadcast %broadcast_in_dim3A_1104 : i32 to vector<16xi32>
        %broadcast_in_dim3A_1106 = vector.shape_cast %broadcast_in_dim3A_1105 : vector<16xi32> to vector<16x1xi32>
        %gather3A_1107 = vector.shape_cast %broadcast_in_dim3A_1106 : vector<16x1xi32> to vector<16xi32>
        %gather3A_1108 = tpu.dynamic_gather %get3A_983[%gather3A_1107] in [0] : vector<16xf32>, vector<16xi32> -> vector<16xf32>
        %broadcast_in_dim3A_1109 = vector.broadcast %add3A_1103 : i32 to vector<16xi32>
        %gather3A_1110 = tpu.vector_load_idx %arg8[%add3A_347, %broadcast_in_dim3A_1109] : memref<256x64xf32, #tpu.memory_space<vmem>>[vector<16xi32>, vector<16xi32>], vector<16xf32>,
        %mul3A_1111 = arith.mulf %gather3A_1110, %gather3A_1108 : vector<16xf32>
        %add3A_1112 = arith.addf %add3A_1054, %mul3A_1111 : vector<16xf32>
        %gather3A_1113 = tpu.vector_load_idx %arg8[%add3A_350, %broadcast_in_dim3A_1109] : memref<256x64xf32, #tpu.memory_space<vmem>>[vector<16xi32>, vector<16xi32>], vector<16xf32>,
        %mul3A_1114 = arith.mulf %gather3A_1113, %gather3A_1108 : vector<16xf32>
        %add3A_1115 = arith.addf %add3A_1057, %mul3A_1114 : vector<16xf32>
        %gather3A_1116 = tpu.vector_load_idx %arg8[%add3A_353, %broadcast_in_dim3A_1109] : memref<256x64xf32, #tpu.memory_space<vmem>>[vector<16xi32>, vector<16xi32>], vector<16xf32>,
        %mul3A_1117 = arith.mulf %gather3A_1116, %gather3A_1108 : vector<16xf32>
        %add3A_1118 = arith.addf %add3A_1060, %mul3A_1117 : vector<16xf32>
        %gather3A_1119 = tpu.vector_load_idx %arg8[%add3A_356, %broadcast_in_dim3A_1109] : memref<256x64xf32, #tpu.memory_space<vmem>>[vector<16xi32>, vector<16xi32>], vector<16xf32>,
        %mul3A_1120 = arith.mulf %gather3A_1119, %gather3A_1108 : vector<16xf32>
        %add3A_1121 = arith.addf %add3A_1063, %mul3A_1120 : vector<16xf32>
        %gather3A_1122 = tpu.vector_load_idx %arg8[%add3A_359, %broadcast_in_dim3A_1109] : memref<256x64xf32, #tpu.memory_space<vmem>>[vector<16xi32>, vector<16xi32>], vector<16xf32>,
        %mul3A_1123 = arith.mulf %gather3A_1122, %gather3A_1108 : vector<16xf32>
        %add3A_1124 = arith.addf %add3A_1066, %mul3A_1123 : vector<16xf32>
        %gather3A_1125 = tpu.vector_load_idx %arg8[%add3A_362, %broadcast_in_dim3A_1109] : memref<256x64xf32, #tpu.memory_space<vmem>>[vector<16xi32>, vector<16xi32>], vector<16xf32>,
        %mul3A_1126 = arith.mulf %gather3A_1125, %gather3A_1108 : vector<16xf32>
        %add3A_1127 = arith.addf %add3A_1069, %mul3A_1126 : vector<16xf32>
        %gather3A_1128 = tpu.vector_load_idx %arg8[%add3A_365, %broadcast_in_dim3A_1109] : memref<256x64xf32, #tpu.memory_space<vmem>>[vector<16xi32>, vector<16xi32>], vector<16xf32>,
        %mul3A_1129 = arith.mulf %gather3A_1128, %gather3A_1108 : vector<16xf32>
        %add3A_1130 = arith.addf %add3A_1072, %mul3A_1129 : vector<16xf32>
        %gather3A_1131 = tpu.vector_load_idx %arg8[%add3A_368, %broadcast_in_dim3A_1109] : memref<256x64xf32, #tpu.memory_space<vmem>>[vector<16xi32>, vector<16xi32>], vector<16xf32>,
        %mul3A_1132 = arith.mulf %gather3A_1131, %gather3A_1108 : vector<16xf32>
        %add3A_1133 = arith.addf %add3A_1075, %mul3A_1132 : vector<16xf32>
        %gather3A_1134 = tpu.vector_load_idx %arg8[%add3A_371, %broadcast_in_dim3A_1109] : memref<256x64xf32, #tpu.memory_space<vmem>>[vector<16xi32>, vector<16xi32>], vector<16xf32>,
        %mul3A_1135 = arith.mulf %gather3A_1134, %gather3A_1108 : vector<16xf32>
        %add3A_1136 = arith.addf %add3A_1078, %mul3A_1135 : vector<16xf32>
        %gather3A_1137 = tpu.vector_load_idx %arg8[%add3A_374, %broadcast_in_dim3A_1109] : memref<256x64xf32, #tpu.memory_space<vmem>>[vector<16xi32>, vector<16xi32>], vector<16xf32>,
        %mul3A_1138 = arith.mulf %gather3A_1137, %gather3A_1108 : vector<16xf32>
        %add3A_1139 = arith.addf %add3A_1081, %mul3A_1138 : vector<16xf32>
        %gather3A_1140 = tpu.vector_load_idx %arg8[%add3A_377, %broadcast_in_dim3A_1109] : memref<256x64xf32, #tpu.memory_space<vmem>>[vector<16xi32>, vector<16xi32>], vector<16xf32>,
        %mul3A_1141 = arith.mulf %gather3A_1140, %gather3A_1108 : vector<16xf32>
        %add3A_1142 = arith.addf %add3A_1084, %mul3A_1141 : vector<16xf32>
        %gather3A_1143 = tpu.vector_load_idx %arg8[%add3A_380, %broadcast_in_dim3A_1109] : memref<256x64xf32, #tpu.memory_space<vmem>>[vector<16xi32>, vector<16xi32>], vector<16xf32>,
        %mul3A_1144 = arith.mulf %gather3A_1143, %gather3A_1108 : vector<16xf32>
        %add3A_1145 = arith.addf %add3A_1087, %mul3A_1144 : vector<16xf32>
        %gather3A_1146 = tpu.vector_load_idx %arg8[%add3A_383, %broadcast_in_dim3A_1109] : memref<256x64xf32, #tpu.memory_space<vmem>>[vector<16xi32>, vector<16xi32>], vector<16xf32>,
        %mul3A_1147 = arith.mulf %gather3A_1146, %gather3A_1108 : vector<16xf32>
        %add3A_1148 = arith.addf %add3A_1090, %mul3A_1147 : vector<16xf32>
        %gather3A_1149 = tpu.vector_load_idx %arg8[%add3A_386, %broadcast_in_dim3A_1109] : memref<256x64xf32, #tpu.memory_space<vmem>>[vector<16xi32>, vector<16xi32>], vector<16xf32>,
        %mul3A_1150 = arith.mulf %gather3A_1149, %gather3A_1108 : vector<16xf32>
        %add3A_1151 = arith.addf %add3A_1093, %mul3A_1150 : vector<16xf32>
        %gather3A_1152 = tpu.vector_load_idx %arg8[%add3A_389, %broadcast_in_dim3A_1109] : memref<256x64xf32, #tpu.memory_space<vmem>>[vector<16xi32>, vector<16xi32>], vector<16xf32>,
        %mul3A_1153 = arith.mulf %gather3A_1152, %gather3A_1108 : vector<16xf32>
        %add3A_1154 = arith.addf %add3A_1096, %mul3A_1153 : vector<16xf32>
        %gather3A_1155 = tpu.vector_load_idx %arg8[%add3A_392, %broadcast_in_dim3A_1109] : memref<256x64xf32, #tpu.memory_space<vmem>>[vector<16xi32>, vector<16xi32>], vector<16xf32>,
        %mul3A_1156 = arith.mulf %gather3A_1155, %gather3A_1108 : vector<16xf32>
        %add3A_1157 = arith.addf %add3A_1099, %mul3A_1156 : vector<16xf32>
        %mul3A_1158 = arith.constant 16 : i32
        %mul3A_1159 = arith.muli %scan3A_963, %mul3A_1158 : i32
        %add3A_1160 = arith.constant 3 : i32
        %add3A_1161 = arith.addi %mul3A_1159, %add3A_1160 : i32
        %broadcast_in_dim3A_1162 = arith.constant 3 : i32
        %broadcast_in_dim3A_1163 = vector.broadcast %broadcast_in_dim3A_1162 : i32 to vector<16xi32>
        %broadcast_in_dim3A_1164 = vector.shape_cast %broadcast_in_dim3A_1163 : vector<16xi32> to vector<16x1xi32>
        %gather3A_1165 = vector.shape_cast %broadcast_in_dim3A_1164 : vector<16x1xi32> to vector<16xi32>
        %gather3A_1166 = tpu.dynamic_gather %get3A_983[%gather3A_1165] in [0] : vector<16xf32>, vector<16xi32> -> vector<16xf32>
        %broadcast_in_dim3A_1167 = vector.broadcast %add3A_1161 : i32 to vector<16xi32>
        %gather3A_1168 = tpu.vector_load_idx %arg8[%add3A_347, %broadcast_in_dim3A_1167] : memref<256x64xf32, #tpu.memory_space<vmem>>[vector<16xi32>, vector<16xi32>], vector<16xf32>,
        %mul3A_1169 = arith.mulf %gather3A_1168, %gather3A_1166 : vector<16xf32>
        %add3A_1170 = arith.addf %add3A_1112, %mul3A_1169 : vector<16xf32>
        %gather3A_1171 = tpu.vector_load_idx %arg8[%add3A_350, %broadcast_in_dim3A_1167] : memref<256x64xf32, #tpu.memory_space<vmem>>[vector<16xi32>, vector<16xi32>], vector<16xf32>,
        %mul3A_1172 = arith.mulf %gather3A_1171, %gather3A_1166 : vector<16xf32>
        %add3A_1173 = arith.addf %add3A_1115, %mul3A_1172 : vector<16xf32>
        %gather3A_1174 = tpu.vector_load_idx %arg8[%add3A_353, %broadcast_in_dim3A_1167] : memref<256x64xf32, #tpu.memory_space<vmem>>[vector<16xi32>, vector<16xi32>], vector<16xf32>,
        %mul3A_1175 = arith.mulf %gather3A_1174, %gather3A_1166 : vector<16xf32>
        %add3A_1176 = arith.addf %add3A_1118, %mul3A_1175 : vector<16xf32>
        %gather3A_1177 = tpu.vector_load_idx %arg8[%add3A_356, %broadcast_in_dim3A_1167] : memref<256x64xf32, #tpu.memory_space<vmem>>[vector<16xi32>, vector<16xi32>], vector<16xf32>,
        %mul3A_1178 = arith.mulf %gather3A_1177, %gather3A_1166 : vector<16xf32>
        %add3A_1179 = arith.addf %add3A_1121, %mul3A_1178 : vector<16xf32>
        %gather3A_1180 = tpu.vector_load_idx %arg8[%add3A_359, %broadcast_in_dim3A_1167] : memref<256x64xf32, #tpu.memory_space<vmem>>[vector<16xi32>, vector<16xi32>], vector<16xf32>,
        %mul3A_1181 = arith.mulf %gather3A_1180, %gather3A_1166 : vector<16xf32>
        %add3A_1182 = arith.addf %add3A_1124, %mul3A_1181 : vector<16xf32>
        %gather3A_1183 = tpu.vector_load_idx %arg8[%add3A_362, %broadcast_in_dim3A_1167] : memref<256x64xf32, #tpu.memory_space<vmem>>[vector<16xi32>, vector<16xi32>], vector<16xf32>,
        %mul3A_1184 = arith.mulf %gather3A_1183, %gather3A_1166 : vector<16xf32>
        %add3A_1185 = arith.addf %add3A_1127, %mul3A_1184 : vector<16xf32>
        %gather3A_1186 = tpu.vector_load_idx %arg8[%add3A_365, %broadcast_in_dim3A_1167] : memref<256x64xf32, #tpu.memory_space<vmem>>[vector<16xi32>, vector<16xi32>], vector<16xf32>,
        %mul3A_1187 = arith.mulf %gather3A_1186, %gather3A_1166 : vector<16xf32>
        %add3A_1188 = arith.addf %add3A_1130, %mul3A_1187 : vector<16xf32>
        %gather3A_1189 = tpu.vector_load_idx %arg8[%add3A_368, %broadcast_in_dim3A_1167] : memref<256x64xf32, #tpu.memory_space<vmem>>[vector<16xi32>, vector<16xi32>], vector<16xf32>,
        %mul3A_1190 = arith.mulf %gather3A_1189, %gather3A_1166 : vector<16xf32>
        %add3A_1191 = arith.addf %add3A_1133, %mul3A_1190 : vector<16xf32>
        %gather3A_1192 = tpu.vector_load_idx %arg8[%add3A_371, %broadcast_in_dim3A_1167] : memref<256x64xf32, #tpu.memory_space<vmem>>[vector<16xi32>, vector<16xi32>], vector<16xf32>,
        %mul3A_1193 = arith.mulf %gather3A_1192, %gather3A_1166 : vector<16xf32>
        %add3A_1194 = arith.addf %add3A_1136, %mul3A_1193 : vector<16xf32>
        %gather3A_1195 = tpu.vector_load_idx %arg8[%add3A_374, %broadcast_in_dim3A_1167] : memref<256x64xf32, #tpu.memory_space<vmem>>[vector<16xi32>, vector<16xi32>], vector<16xf32>,
        %mul3A_1196 = arith.mulf %gather3A_1195, %gather3A_1166 : vector<16xf32>
        %add3A_1197 = arith.addf %add3A_1139, %mul3A_1196 : vector<16xf32>
        %gather3A_1198 = tpu.vector_load_idx %arg8[%add3A_377, %broadcast_in_dim3A_1167] : memref<256x64xf32, #tpu.memory_space<vmem>>[vector<16xi32>, vector<16xi32>], vector<16xf32>,
        %mul3A_1199 = arith.mulf %gather3A_1198, %gather3A_1166 : vector<16xf32>
        %add3A_1200 = arith.addf %add3A_1142, %mul3A_1199 : vector<16xf32>
        %gather3A_1201 = tpu.vector_load_idx %arg8[%add3A_380, %broadcast_in_dim3A_1167] : memref<256x64xf32, #tpu.memory_space<vmem>>[vector<16xi32>, vector<16xi32>], vector<16xf32>,
        %mul3A_1202 = arith.mulf %gather3A_1201, %gather3A_1166 : vector<16xf32>
        %add3A_1203 = arith.addf %add3A_1145, %mul3A_1202 : vector<16xf32>
        %gather3A_1204 = tpu.vector_load_idx %arg8[%add3A_383, %broadcast_in_dim3A_1167] : memref<256x64xf32, #tpu.memory_space<vmem>>[vector<16xi32>, vector<16xi32>], vector<16xf32>,
        %mul3A_1205 = arith.mulf %gather3A_1204, %gather3A_1166 : vector<16xf32>
        %add3A_1206 = arith.addf %add3A_1148, %mul3A_1205 : vector<16xf32>
        %gather3A_1207 = tpu.vector_load_idx %arg8[%add3A_386, %broadcast_in_dim3A_1167] : memref<256x64xf32, #tpu.memory_space<vmem>>[vector<16xi32>, vector<16xi32>], vector<16xf32>,
        %mul3A_1208 = arith.mulf %gather3A_1207, %gather3A_1166 : vector<16xf32>
        %add3A_1209 = arith.addf %add3A_1151, %mul3A_1208 : vector<16xf32>
        %gather3A_1210 = tpu.vector_load_idx %arg8[%add3A_389, %broadcast_in_dim3A_1167] : memref<256x64xf32, #tpu.memory_space<vmem>>[vector<16xi32>, vector<16xi32>], vector<16xf32>,
        %mul3A_1211 = arith.mulf %gather3A_1210, %gather3A_1166 : vector<16xf32>
        %add3A_1212 = arith.addf %add3A_1154, %mul3A_1211 : vector<16xf32>
        %gather3A_1213 = tpu.vector_load_idx %arg8[%add3A_392, %broadcast_in_dim3A_1167] : memref<256x64xf32, #tpu.memory_space<vmem>>[vector<16xi32>, vector<16xi32>], vector<16xf32>,
        %mul3A_1214 = arith.mulf %gather3A_1213, %gather3A_1166 : vector<16xf32>
        %add3A_1215 = arith.addf %add3A_1157, %mul3A_1214 : vector<16xf32>
        %mul3A_1216 = arith.constant 16 : i32
        %mul3A_1217 = arith.muli %scan3A_963, %mul3A_1216 : i32
        %add3A_1218 = arith.constant 4 : i32
        %add3A_1219 = arith.addi %mul3A_1217, %add3A_1218 : i32
        %broadcast_in_dim3A_1220 = arith.constant 4 : i32
        %broadcast_in_dim3A_1221 = vector.broadcast %broadcast_in_dim3A_1220 : i32 to vector<16xi32>
        %broadcast_in_dim3A_1222 = vector.shape_cast %broadcast_in_dim3A_1221 : vector<16xi32> to vector<16x1xi32>
        %gather3A_1223 = vector.shape_cast %broadcast_in_dim3A_1222 : vector<16x1xi32> to vector<16xi32>
        %gather3A_1224 = tpu.dynamic_gather %get3A_983[%gather3A_1223] in [0] : vector<16xf32>, vector<16xi32> -> vector<16xf32>
        %broadcast_in_dim3A_1225 = vector.broadcast %add3A_1219 : i32 to vector<16xi32>
        %gather3A_1226 = tpu.vector_load_idx %arg8[%add3A_347, %broadcast_in_dim3A_1225] : memref<256x64xf32, #tpu.memory_space<vmem>>[vector<16xi32>, vector<16xi32>], vector<16xf32>,
        %mul3A_1227 = arith.mulf %gather3A_1226, %gather3A_1224 : vector<16xf32>
        %add3A_1228 = arith.addf %add3A_1170, %mul3A_1227 : vector<16xf32>
        %gather3A_1229 = tpu.vector_load_idx %arg8[%add3A_350, %broadcast_in_dim3A_1225] : memref<256x64xf32, #tpu.memory_space<vmem>>[vector<16xi32>, vector<16xi32>], vector<16xf32>,
        %mul3A_1230 = arith.mulf %gather3A_1229, %gather3A_1224 : vector<16xf32>
        %add3A_1231 = arith.addf %add3A_1173, %mul3A_1230 : vector<16xf32>
        %gather3A_1232 = tpu.vector_load_idx %arg8[%add3A_353, %broadcast_in_dim3A_1225] : memref<256x64xf32, #tpu.memory_space<vmem>>[vector<16xi32>, vector<16xi32>], vector<16xf32>,
        %mul3A_1233 = arith.mulf %gather3A_1232, %gather3A_1224 : vector<16xf32>
        %add3A_1234 = arith.addf %add3A_1176, %mul3A_1233 : vector<16xf32>
        %gather3A_1235 = tpu.vector_load_idx %arg8[%add3A_356, %broadcast_in_dim3A_1225] : memref<256x64xf32, #tpu.memory_space<vmem>>[vector<16xi32>, vector<16xi32>], vector<16xf32>,
        %mul3A_1236 = arith.mulf %gather3A_1235, %gather3A_1224 : vector<16xf32>
        %add3A_1237 = arith.addf %add3A_1179, %mul3A_1236 : vector<16xf32>
        %gather3A_1238 = tpu.vector_load_idx %arg8[%add3A_359, %broadcast_in_dim3A_1225] : memref<256x64xf32, #tpu.memory_space<vmem>>[vector<16xi32>, vector<16xi32>], vector<16xf32>,
        %mul3A_1239 = arith.mulf %gather3A_1238, %gather3A_1224 : vector<16xf32>
        %add3A_1240 = arith.addf %add3A_1182, %mul3A_1239 : vector<16xf32>
        %gather3A_1241 = tpu.vector_load_idx %arg8[%add3A_362, %broadcast_in_dim3A_1225] : memref<256x64xf32, #tpu.memory_space<vmem>>[vector<16xi32>, vector<16xi32>], vector<16xf32>,
        %mul3A_1242 = arith.mulf %gather3A_1241, %gather3A_1224 : vector<16xf32>
        %add3A_1243 = arith.addf %add3A_1185, %mul3A_1242 : vector<16xf32>
        %gather3A_1244 = tpu.vector_load_idx %arg8[%add3A_365, %broadcast_in_dim3A_1225] : memref<256x64xf32, #tpu.memory_space<vmem>>[vector<16xi32>, vector<16xi32>], vector<16xf32>,
        %mul3A_1245 = arith.mulf %gather3A_1244, %gather3A_1224 : vector<16xf32>
        %add3A_1246 = arith.addf %add3A_1188, %mul3A_1245 : vector<16xf32>
        %gather3A_1247 = tpu.vector_load_idx %arg8[%add3A_368, %broadcast_in_dim3A_1225] : memref<256x64xf32, #tpu.memory_space<vmem>>[vector<16xi32>, vector<16xi32>], vector<16xf32>,
        %mul3A_1248 = arith.mulf %gather3A_1247, %gather3A_1224 : vector<16xf32>
        %add3A_1249 = arith.addf %add3A_1191, %mul3A_1248 : vector<16xf32>
        %gather3A_1250 = tpu.vector_load_idx %arg8[%add3A_371, %broadcast_in_dim3A_1225] : memref<256x64xf32, #tpu.memory_space<vmem>>[vector<16xi32>, vector<16xi32>], vector<16xf32>,
        %mul3A_1251 = arith.mulf %gather3A_1250, %gather3A_1224 : vector<16xf32>
        %add3A_1252 = arith.addf %add3A_1194, %mul3A_1251 : vector<16xf32>
        %gather3A_1253 = tpu.vector_load_idx %arg8[%add3A_374, %broadcast_in_dim3A_1225] : memref<256x64xf32, #tpu.memory_space<vmem>>[vector<16xi32>, vector<16xi32>], vector<16xf32>,
        %mul3A_1254 = arith.mulf %gather3A_1253, %gather3A_1224 : vector<16xf32>
        %add3A_1255 = arith.addf %add3A_1197, %mul3A_1254 : vector<16xf32>
        %gather3A_1256 = tpu.vector_load_idx %arg8[%add3A_377, %broadcast_in_dim3A_1225] : memref<256x64xf32, #tpu.memory_space<vmem>>[vector<16xi32>, vector<16xi32>], vector<16xf32>,
        %mul3A_1257 = arith.mulf %gather3A_1256, %gather3A_1224 : vector<16xf32>
        %add3A_1258 = arith.addf %add3A_1200, %mul3A_1257 : vector<16xf32>
        %gather3A_1259 = tpu.vector_load_idx %arg8[%add3A_380, %broadcast_in_dim3A_1225] : memref<256x64xf32, #tpu.memory_space<vmem>>[vector<16xi32>, vector<16xi32>], vector<16xf32>,
        %mul3A_1260 = arith.mulf %gather3A_1259, %gather3A_1224 : vector<16xf32>
        %add3A_1261 = arith.addf %add3A_1203, %mul3A_1260 : vector<16xf32>
        %gather3A_1262 = tpu.vector_load_idx %arg8[%add3A_383, %broadcast_in_dim3A_1225] : memref<256x64xf32, #tpu.memory_space<vmem>>[vector<16xi32>, vector<16xi32>], vector<16xf32>,
        %mul3A_1263 = arith.mulf %gather3A_1262, %gather3A_1224 : vector<16xf32>
        %add3A_1264 = arith.addf %add3A_1206, %mul3A_1263 : vector<16xf32>
        %gather3A_1265 = tpu.vector_load_idx %arg8[%add3A_386, %broadcast_in_dim3A_1225] : memref<256x64xf32, #tpu.memory_space<vmem>>[vector<16xi32>, vector<16xi32>], vector<16xf32>,
        %mul3A_1266 = arith.mulf %gather3A_1265, %gather3A_1224 : vector<16xf32>
        %add3A_1267 = arith.addf %add3A_1209, %mul3A_1266 : vector<16xf32>
        %gather3A_1268 = tpu.vector_load_idx %arg8[%add3A_389, %broadcast_in_dim3A_1225] : memref<256x64xf32, #tpu.memory_space<vmem>>[vector<16xi32>, vector<16xi32>], vector<16xf32>,
        %mul3A_1269 = arith.mulf %gather3A_1268, %gather3A_1224 : vector<16xf32>
        %add3A_1270 = arith.addf %add3A_1212, %mul3A_1269 : vector<16xf32>
        %gather3A_1271 = tpu.vector_load_idx %arg8[%add3A_392, %broadcast_in_dim3A_1225] : memref<256x64xf32, #tpu.memory_space<vmem>>[vector<16xi32>, vector<16xi32>], vector<16xf32>,
        %mul3A_1272 = arith.mulf %gather3A_1271, %gather3A_1224 : vector<16xf32>
        %add3A_1273 = arith.addf %add3A_1215, %mul3A_1272 : vector<16xf32>
        %mul3A_1274 = arith.constant 16 : i32
        %mul3A_1275 = arith.muli %scan3A_963, %mul3A_1274 : i32
        %add3A_1276 = arith.constant 5 : i32
        %add3A_1277 = arith.addi %mul3A_1275, %add3A_1276 : i32
        %broadcast_in_dim3A_1278 = arith.constant 5 : i32
        %broadcast_in_dim3A_1279 = vector.broadcast %broadcast_in_dim3A_1278 : i32 to vector<16xi32>
        %broadcast_in_dim3A_1280 = vector.shape_cast %broadcast_in_dim3A_1279 : vector<16xi32> to vector<16x1xi32>
        %gather3A_1281 = vector.shape_cast %broadcast_in_dim3A_1280 : vector<16x1xi32> to vector<16xi32>
        %gather3A_1282 = tpu.dynamic_gather %get3A_983[%gather3A_1281] in [0] : vector<16xf32>, vector<16xi32> -> vector<16xf32>
        %broadcast_in_dim3A_1283 = vector.broadcast %add3A_1277 : i32 to vector<16xi32>
        %gather3A_1284 = tpu.vector_load_idx %arg8[%add3A_347, %broadcast_in_dim3A_1283] : memref<256x64xf32, #tpu.memory_space<vmem>>[vector<16xi32>, vector<16xi32>], vector<16xf32>,
        %mul3A_1285 = arith.mulf %gather3A_1284, %gather3A_1282 : vector<16xf32>
        %add3A_1286 = arith.addf %add3A_1228, %mul3A_1285 : vector<16xf32>
        %gather3A_1287 = tpu.vector_load_idx %arg8[%add3A_350, %broadcast_in_dim3A_1283] : memref<256x64xf32, #tpu.memory_space<vmem>>[vector<16xi32>, vector<16xi32>], vector<16xf32>,
        %mul3A_1288 = arith.mulf %gather3A_1287, %gather3A_1282 : vector<16xf32>
        %add3A_1289 = arith.addf %add3A_1231, %mul3A_1288 : vector<16xf32>
        %gather3A_1290 = tpu.vector_load_idx %arg8[%add3A_353, %broadcast_in_dim3A_1283] : memref<256x64xf32, #tpu.memory_space<vmem>>[vector<16xi32>, vector<16xi32>], vector<16xf32>,
        %mul3A_1291 = arith.mulf %gather3A_1290, %gather3A_1282 : vector<16xf32>
        %add3A_1292 = arith.addf %add3A_1234, %mul3A_1291 : vector<16xf32>
        %gather3A_1293 = tpu.vector_load_idx %arg8[%add3A_356, %broadcast_in_dim3A_1283] : memref<256x64xf32, #tpu.memory_space<vmem>>[vector<16xi32>, vector<16xi32>], vector<16xf32>,
        %mul3A_1294 = arith.mulf %gather3A_1293, %gather3A_1282 : vector<16xf32>
        %add3A_1295 = arith.addf %add3A_1237, %mul3A_1294 : vector<16xf32>
        %gather3A_1296 = tpu.vector_load_idx %arg8[%add3A_359, %broadcast_in_dim3A_1283] : memref<256x64xf32, #tpu.memory_space<vmem>>[vector<16xi32>, vector<16xi32>], vector<16xf32>,
        %mul3A_1297 = arith.mulf %gather3A_1296, %gather3A_1282 : vector<16xf32>
        %add3A_1298 = arith.addf %add3A_1240, %mul3A_1297 : vector<16xf32>
        %gather3A_1299 = tpu.vector_load_idx %arg8[%add3A_362, %broadcast_in_dim3A_1283] : memref<256x64xf32, #tpu.memory_space<vmem>>[vector<16xi32>, vector<16xi32>], vector<16xf32>,
        %mul3A_1300 = arith.mulf %gather3A_1299, %gather3A_1282 : vector<16xf32>
        %add3A_1301 = arith.addf %add3A_1243, %mul3A_1300 : vector<16xf32>
        %gather3A_1302 = tpu.vector_load_idx %arg8[%add3A_365, %broadcast_in_dim3A_1283] : memref<256x64xf32, #tpu.memory_space<vmem>>[vector<16xi32>, vector<16xi32>], vector<16xf32>,
        %mul3A_1303 = arith.mulf %gather3A_1302, %gather3A_1282 : vector<16xf32>
        %add3A_1304 = arith.addf %add3A_1246, %mul3A_1303 : vector<16xf32>
        %gather3A_1305 = tpu.vector_load_idx %arg8[%add3A_368, %broadcast_in_dim3A_1283] : memref<256x64xf32, #tpu.memory_space<vmem>>[vector<16xi32>, vector<16xi32>], vector<16xf32>,
        %mul3A_1306 = arith.mulf %gather3A_1305, %gather3A_1282 : vector<16xf32>
        %add3A_1307 = arith.addf %add3A_1249, %mul3A_1306 : vector<16xf32>
        %gather3A_1308 = tpu.vector_load_idx %arg8[%add3A_371, %broadcast_in_dim3A_1283] : memref<256x64xf32, #tpu.memory_space<vmem>>[vector<16xi32>, vector<16xi32>], vector<16xf32>,
        %mul3A_1309 = arith.mulf %gather3A_1308, %gather3A_1282 : vector<16xf32>
        %add3A_1310 = arith.addf %add3A_1252, %mul3A_1309 : vector<16xf32>
        %gather3A_1311 = tpu.vector_load_idx %arg8[%add3A_374, %broadcast_in_dim3A_1283] : memref<256x64xf32, #tpu.memory_space<vmem>>[vector<16xi32>, vector<16xi32>], vector<16xf32>,
        %mul3A_1312 = arith.mulf %gather3A_1311, %gather3A_1282 : vector<16xf32>
        %add3A_1313 = arith.addf %add3A_1255, %mul3A_1312 : vector<16xf32>
        %gather3A_1314 = tpu.vector_load_idx %arg8[%add3A_377, %broadcast_in_dim3A_1283] : memref<256x64xf32, #tpu.memory_space<vmem>>[vector<16xi32>, vector<16xi32>], vector<16xf32>,
        %mul3A_1315 = arith.mulf %gather3A_1314, %gather3A_1282 : vector<16xf32>
        %add3A_1316 = arith.addf %add3A_1258, %mul3A_1315 : vector<16xf32>
        %gather3A_1317 = tpu.vector_load_idx %arg8[%add3A_380, %broadcast_in_dim3A_1283] : memref<256x64xf32, #tpu.memory_space<vmem>>[vector<16xi32>, vector<16xi32>], vector<16xf32>,
        %mul3A_1318 = arith.mulf %gather3A_1317, %gather3A_1282 : vector<16xf32>
        %add3A_1319 = arith.addf %add3A_1261, %mul3A_1318 : vector<16xf32>
        %gather3A_1320 = tpu.vector_load_idx %arg8[%add3A_383, %broadcast_in_dim3A_1283] : memref<256x64xf32, #tpu.memory_space<vmem>>[vector<16xi32>, vector<16xi32>], vector<16xf32>,
        %mul3A_1321 = arith.mulf %gather3A_1320, %gather3A_1282 : vector<16xf32>
        %add3A_1322 = arith.addf %add3A_1264, %mul3A_1321 : vector<16xf32>
        %gather3A_1323 = tpu.vector_load_idx %arg8[%add3A_386, %broadcast_in_dim3A_1283] : memref<256x64xf32, #tpu.memory_space<vmem>>[vector<16xi32>, vector<16xi32>], vector<16xf32>,
        %mul3A_1324 = arith.mulf %gather3A_1323, %gather3A_1282 : vector<16xf32>
        %add3A_1325 = arith.addf %add3A_1267, %mul3A_1324 : vector<16xf32>
        %gather3A_1326 = tpu.vector_load_idx %arg8[%add3A_389, %broadcast_in_dim3A_1283] : memref<256x64xf32, #tpu.memory_space<vmem>>[vector<16xi32>, vector<16xi32>], vector<16xf32>,
        %mul3A_1327 = arith.mulf %gather3A_1326, %gather3A_1282 : vector<16xf32>
        %add3A_1328 = arith.addf %add3A_1270, %mul3A_1327 : vector<16xf32>
        %gather3A_1329 = tpu.vector_load_idx %arg8[%add3A_392, %broadcast_in_dim3A_1283] : memref<256x64xf32, #tpu.memory_space<vmem>>[vector<16xi32>, vector<16xi32>], vector<16xf32>,
        %mul3A_1330 = arith.mulf %gather3A_1329, %gather3A_1282 : vector<16xf32>
        %add3A_1331 = arith.addf %add3A_1273, %mul3A_1330 : vector<16xf32>
        %mul3A_1332 = arith.constant 16 : i32
        %mul3A_1333 = arith.muli %scan3A_963, %mul3A_1332 : i32
        %add3A_1334 = arith.constant 6 : i32
        %add3A_1335 = arith.addi %mul3A_1333, %add3A_1334 : i32
        %broadcast_in_dim3A_1336 = arith.constant 6 : i32
        %broadcast_in_dim3A_1337 = vector.broadcast %broadcast_in_dim3A_1336 : i32 to vector<16xi32>
        %broadcast_in_dim3A_1338 = vector.shape_cast %broadcast_in_dim3A_1337 : vector<16xi32> to vector<16x1xi32>
        %gather3A_1339 = vector.shape_cast %broadcast_in_dim3A_1338 : vector<16x1xi32> to vector<16xi32>
        %gather3A_1340 = tpu.dynamic_gather %get3A_983[%gather3A_1339] in [0] : vector<16xf32>, vector<16xi32> -> vector<16xf32>
        %broadcast_in_dim3A_1341 = vector.broadcast %add3A_1335 : i32 to vector<16xi32>
        %gather3A_1342 = tpu.vector_load_idx %arg8[%add3A_347, %broadcast_in_dim3A_1341] : memref<256x64xf32, #tpu.memory_space<vmem>>[vector<16xi32>, vector<16xi32>], vector<16xf32>,
        %mul3A_1343 = arith.mulf %gather3A_1342, %gather3A_1340 : vector<16xf32>
        %add3A_1344 = arith.addf %add3A_1286, %mul3A_1343 : vector<16xf32>
        %gather3A_1345 = tpu.vector_load_idx %arg8[%add3A_350, %broadcast_in_dim3A_1341] : memref<256x64xf32, #tpu.memory_space<vmem>>[vector<16xi32>, vector<16xi32>], vector<16xf32>,
        %mul3A_1346 = arith.mulf %gather3A_1345, %gather3A_1340 : vector<16xf32>
        %add3A_1347 = arith.addf %add3A_1289, %mul3A_1346 : vector<16xf32>
        %gather3A_1348 = tpu.vector_load_idx %arg8[%add3A_353, %broadcast_in_dim3A_1341] : memref<256x64xf32, #tpu.memory_space<vmem>>[vector<16xi32>, vector<16xi32>], vector<16xf32>,
        %mul3A_1349 = arith.mulf %gather3A_1348, %gather3A_1340 : vector<16xf32>
        %add3A_1350 = arith.addf %add3A_1292, %mul3A_1349 : vector<16xf32>
        %gather3A_1351 = tpu.vector_load_idx %arg8[%add3A_356, %broadcast_in_dim3A_1341] : memref<256x64xf32, #tpu.memory_space<vmem>>[vector<16xi32>, vector<16xi32>], vector<16xf32>,
        %mul3A_1352 = arith.mulf %gather3A_1351, %gather3A_1340 : vector<16xf32>
        %add3A_1353 = arith.addf %add3A_1295, %mul3A_1352 : vector<16xf32>
        %gather3A_1354 = tpu.vector_load_idx %arg8[%add3A_359, %broadcast_in_dim3A_1341] : memref<256x64xf32, #tpu.memory_space<vmem>>[vector<16xi32>, vector<16xi32>], vector<16xf32>,
        %mul3A_1355 = arith.mulf %gather3A_1354, %gather3A_1340 : vector<16xf32>
        %add3A_1356 = arith.addf %add3A_1298, %mul3A_1355 : vector<16xf32>
        %gather3A_1357 = tpu.vector_load_idx %arg8[%add3A_362, %broadcast_in_dim3A_1341] : memref<256x64xf32, #tpu.memory_space<vmem>>[vector<16xi32>, vector<16xi32>], vector<16xf32>,
        %mul3A_1358 = arith.mulf %gather3A_1357, %gather3A_1340 : vector<16xf32>
        %add3A_1359 = arith.addf %add3A_1301, %mul3A_1358 : vector<16xf32>
        %gather3A_1360 = tpu.vector_load_idx %arg8[%add3A_365, %broadcast_in_dim3A_1341] : memref<256x64xf32, #tpu.memory_space<vmem>>[vector<16xi32>, vector<16xi32>], vector<16xf32>,
        %mul3A_1361 = arith.mulf %gather3A_1360, %gather3A_1340 : vector<16xf32>
        %add3A_1362 = arith.addf %add3A_1304, %mul3A_1361 : vector<16xf32>
        %gather3A_1363 = tpu.vector_load_idx %arg8[%add3A_368, %broadcast_in_dim3A_1341] : memref<256x64xf32, #tpu.memory_space<vmem>>[vector<16xi32>, vector<16xi32>], vector<16xf32>,
        %mul3A_1364 = arith.mulf %gather3A_1363, %gather3A_1340 : vector<16xf32>
        %add3A_1365 = arith.addf %add3A_1307, %mul3A_1364 : vector<16xf32>
        %gather3A_1366 = tpu.vector_load_idx %arg8[%add3A_371, %broadcast_in_dim3A_1341] : memref<256x64xf32, #tpu.memory_space<vmem>>[vector<16xi32>, vector<16xi32>], vector<16xf32>,
        %mul3A_1367 = arith.mulf %gather3A_1366, %gather3A_1340 : vector<16xf32>
        %add3A_1368 = arith.addf %add3A_1310, %mul3A_1367 : vector<16xf32>
        %gather3A_1369 = tpu.vector_load_idx %arg8[%add3A_374, %broadcast_in_dim3A_1341] : memref<256x64xf32, #tpu.memory_space<vmem>>[vector<16xi32>, vector<16xi32>], vector<16xf32>,
        %mul3A_1370 = arith.mulf %gather3A_1369, %gather3A_1340 : vector<16xf32>
        %add3A_1371 = arith.addf %add3A_1313, %mul3A_1370 : vector<16xf32>
        %gather3A_1372 = tpu.vector_load_idx %arg8[%add3A_377, %broadcast_in_dim3A_1341] : memref<256x64xf32, #tpu.memory_space<vmem>>[vector<16xi32>, vector<16xi32>], vector<16xf32>,
        %mul3A_1373 = arith.mulf %gather3A_1372, %gather3A_1340 : vector<16xf32>
        %add3A_1374 = arith.addf %add3A_1316, %mul3A_1373 : vector<16xf32>
        %gather3A_1375 = tpu.vector_load_idx %arg8[%add3A_380, %broadcast_in_dim3A_1341] : memref<256x64xf32, #tpu.memory_space<vmem>>[vector<16xi32>, vector<16xi32>], vector<16xf32>,
        %mul3A_1376 = arith.mulf %gather3A_1375, %gather3A_1340 : vector<16xf32>
        %add3A_1377 = arith.addf %add3A_1319, %mul3A_1376 : vector<16xf32>
        %gather3A_1378 = tpu.vector_load_idx %arg8[%add3A_383, %broadcast_in_dim3A_1341] : memref<256x64xf32, #tpu.memory_space<vmem>>[vector<16xi32>, vector<16xi32>], vector<16xf32>,
        %mul3A_1379 = arith.mulf %gather3A_1378, %gather3A_1340 : vector<16xf32>
        %add3A_1380 = arith.addf %add3A_1322, %mul3A_1379 : vector<16xf32>
        %gather3A_1381 = tpu.vector_load_idx %arg8[%add3A_386, %broadcast_in_dim3A_1341] : memref<256x64xf32, #tpu.memory_space<vmem>>[vector<16xi32>, vector<16xi32>], vector<16xf32>,
        %mul3A_1382 = arith.mulf %gather3A_1381, %gather3A_1340 : vector<16xf32>
        %add3A_1383 = arith.addf %add3A_1325, %mul3A_1382 : vector<16xf32>
        %gather3A_1384 = tpu.vector_load_idx %arg8[%add3A_389, %broadcast_in_dim3A_1341] : memref<256x64xf32, #tpu.memory_space<vmem>>[vector<16xi32>, vector<16xi32>], vector<16xf32>,
        %mul3A_1385 = arith.mulf %gather3A_1384, %gather3A_1340 : vector<16xf32>
        %add3A_1386 = arith.addf %add3A_1328, %mul3A_1385 : vector<16xf32>
        %gather3A_1387 = tpu.vector_load_idx %arg8[%add3A_392, %broadcast_in_dim3A_1341] : memref<256x64xf32, #tpu.memory_space<vmem>>[vector<16xi32>, vector<16xi32>], vector<16xf32>,
        %mul3A_1388 = arith.mulf %gather3A_1387, %gather3A_1340 : vector<16xf32>
        %add3A_1389 = arith.addf %add3A_1331, %mul3A_1388 : vector<16xf32>
        %mul3A_1390 = arith.constant 16 : i32
        %mul3A_1391 = arith.muli %scan3A_963, %mul3A_1390 : i32
        %add3A_1392 = arith.constant 7 : i32
        %add3A_1393 = arith.addi %mul3A_1391, %add3A_1392 : i32
        %broadcast_in_dim3A_1394 = arith.constant 7 : i32
        %broadcast_in_dim3A_1395 = vector.broadcast %broadcast_in_dim3A_1394 : i32 to vector<16xi32>
        %broadcast_in_dim3A_1396 = vector.shape_cast %broadcast_in_dim3A_1395 : vector<16xi32> to vector<16x1xi32>
        %gather3A_1397 = vector.shape_cast %broadcast_in_dim3A_1396 : vector<16x1xi32> to vector<16xi32>
        %gather3A_1398 = tpu.dynamic_gather %get3A_983[%gather3A_1397] in [0] : vector<16xf32>, vector<16xi32> -> vector<16xf32>
        %broadcast_in_dim3A_1399 = vector.broadcast %add3A_1393 : i32 to vector<16xi32>
        %gather3A_1400 = tpu.vector_load_idx %arg8[%add3A_347, %broadcast_in_dim3A_1399] : memref<256x64xf32, #tpu.memory_space<vmem>>[vector<16xi32>, vector<16xi32>], vector<16xf32>,
        %mul3A_1401 = arith.mulf %gather3A_1400, %gather3A_1398 : vector<16xf32>
        %add3A_1402 = arith.addf %add3A_1344, %mul3A_1401 : vector<16xf32>
        %gather3A_1403 = tpu.vector_load_idx %arg8[%add3A_350, %broadcast_in_dim3A_1399] : memref<256x64xf32, #tpu.memory_space<vmem>>[vector<16xi32>, vector<16xi32>], vector<16xf32>,
        %mul3A_1404 = arith.mulf %gather3A_1403, %gather3A_1398 : vector<16xf32>
        %add3A_1405 = arith.addf %add3A_1347, %mul3A_1404 : vector<16xf32>
        %gather3A_1406 = tpu.vector_load_idx %arg8[%add3A_353, %broadcast_in_dim3A_1399] : memref<256x64xf32, #tpu.memory_space<vmem>>[vector<16xi32>, vector<16xi32>], vector<16xf32>,
        %mul3A_1407 = arith.mulf %gather3A_1406, %gather3A_1398 : vector<16xf32>
        %add3A_1408 = arith.addf %add3A_1350, %mul3A_1407 : vector<16xf32>
        %gather3A_1409 = tpu.vector_load_idx %arg8[%add3A_356, %broadcast_in_dim3A_1399] : memref<256x64xf32, #tpu.memory_space<vmem>>[vector<16xi32>, vector<16xi32>], vector<16xf32>,
        %mul3A_1410 = arith.mulf %gather3A_1409, %gather3A_1398 : vector<16xf32>
        %add3A_1411 = arith.addf %add3A_1353, %mul3A_1410 : vector<16xf32>
        %gather3A_1412 = tpu.vector_load_idx %arg8[%add3A_359, %broadcast_in_dim3A_1399] : memref<256x64xf32, #tpu.memory_space<vmem>>[vector<16xi32>, vector<16xi32>], vector<16xf32>,
        %mul3A_1413 = arith.mulf %gather3A_1412, %gather3A_1398 : vector<16xf32>
        %add3A_1414 = arith.addf %add3A_1356, %mul3A_1413 : vector<16xf32>
        %gather3A_1415 = tpu.vector_load_idx %arg8[%add3A_362, %broadcast_in_dim3A_1399] : memref<256x64xf32, #tpu.memory_space<vmem>>[vector<16xi32>, vector<16xi32>], vector<16xf32>,
        %mul3A_1416 = arith.mulf %gather3A_1415, %gather3A_1398 : vector<16xf32>
        %add3A_1417 = arith.addf %add3A_1359, %mul3A_1416 : vector<16xf32>
        %gather3A_1418 = tpu.vector_load_idx %arg8[%add3A_365, %broadcast_in_dim3A_1399] : memref<256x64xf32, #tpu.memory_space<vmem>>[vector<16xi32>, vector<16xi32>], vector<16xf32>,
        %mul3A_1419 = arith.mulf %gather3A_1418, %gather3A_1398 : vector<16xf32>
        %add3A_1420 = arith.addf %add3A_1362, %mul3A_1419 : vector<16xf32>
        %gather3A_1421 = tpu.vector_load_idx %arg8[%add3A_368, %broadcast_in_dim3A_1399] : memref<256x64xf32, #tpu.memory_space<vmem>>[vector<16xi32>, vector<16xi32>], vector<16xf32>,
        %mul3A_1422 = arith.mulf %gather3A_1421, %gather3A_1398 : vector<16xf32>
        %add3A_1423 = arith.addf %add3A_1365, %mul3A_1422 : vector<16xf32>
        %gather3A_1424 = tpu.vector_load_idx %arg8[%add3A_371, %broadcast_in_dim3A_1399] : memref<256x64xf32, #tpu.memory_space<vmem>>[vector<16xi32>, vector<16xi32>], vector<16xf32>,
        %mul3A_1425 = arith.mulf %gather3A_1424, %gather3A_1398 : vector<16xf32>
        %add3A_1426 = arith.addf %add3A_1368, %mul3A_1425 : vector<16xf32>
        %gather3A_1427 = tpu.vector_load_idx %arg8[%add3A_374, %broadcast_in_dim3A_1399] : memref<256x64xf32, #tpu.memory_space<vmem>>[vector<16xi32>, vector<16xi32>], vector<16xf32>,
        %mul3A_1428 = arith.mulf %gather3A_1427, %gather3A_1398 : vector<16xf32>
        %add3A_1429 = arith.addf %add3A_1371, %mul3A_1428 : vector<16xf32>
        %gather3A_1430 = tpu.vector_load_idx %arg8[%add3A_377, %broadcast_in_dim3A_1399] : memref<256x64xf32, #tpu.memory_space<vmem>>[vector<16xi32>, vector<16xi32>], vector<16xf32>,
        %mul3A_1431 = arith.mulf %gather3A_1430, %gather3A_1398 : vector<16xf32>
        %add3A_1432 = arith.addf %add3A_1374, %mul3A_1431 : vector<16xf32>
        %gather3A_1433 = tpu.vector_load_idx %arg8[%add3A_380, %broadcast_in_dim3A_1399] : memref<256x64xf32, #tpu.memory_space<vmem>>[vector<16xi32>, vector<16xi32>], vector<16xf32>,
        %mul3A_1434 = arith.mulf %gather3A_1433, %gather3A_1398 : vector<16xf32>
        %add3A_1435 = arith.addf %add3A_1377, %mul3A_1434 : vector<16xf32>
        %gather3A_1436 = tpu.vector_load_idx %arg8[%add3A_383, %broadcast_in_dim3A_1399] : memref<256x64xf32, #tpu.memory_space<vmem>>[vector<16xi32>, vector<16xi32>], vector<16xf32>,
        %mul3A_1437 = arith.mulf %gather3A_1436, %gather3A_1398 : vector<16xf32>
        %add3A_1438 = arith.addf %add3A_1380, %mul3A_1437 : vector<16xf32>
        %gather3A_1439 = tpu.vector_load_idx %arg8[%add3A_386, %broadcast_in_dim3A_1399] : memref<256x64xf32, #tpu.memory_space<vmem>>[vector<16xi32>, vector<16xi32>], vector<16xf32>,
        %mul3A_1440 = arith.mulf %gather3A_1439, %gather3A_1398 : vector<16xf32>
        %add3A_1441 = arith.addf %add3A_1383, %mul3A_1440 : vector<16xf32>
        %gather3A_1442 = tpu.vector_load_idx %arg8[%add3A_389, %broadcast_in_dim3A_1399] : memref<256x64xf32, #tpu.memory_space<vmem>>[vector<16xi32>, vector<16xi32>], vector<16xf32>,
        %mul3A_1443 = arith.mulf %gather3A_1442, %gather3A_1398 : vector<16xf32>
        %add3A_1444 = arith.addf %add3A_1386, %mul3A_1443 : vector<16xf32>
        %gather3A_1445 = tpu.vector_load_idx %arg8[%add3A_392, %broadcast_in_dim3A_1399] : memref<256x64xf32, #tpu.memory_space<vmem>>[vector<16xi32>, vector<16xi32>], vector<16xf32>,
        %mul3A_1446 = arith.mulf %gather3A_1445, %gather3A_1398 : vector<16xf32>
        %add3A_1447 = arith.addf %add3A_1389, %mul3A_1446 : vector<16xf32>
        %mul3A_1448 = arith.constant 16 : i32
        %mul3A_1449 = arith.muli %scan3A_963, %mul3A_1448 : i32
        %add3A_1450 = arith.constant 8 : i32
        %add3A_1451 = arith.addi %mul3A_1449, %add3A_1450 : i32
        %broadcast_in_dim3A_1452 = arith.constant 8 : i32
        %broadcast_in_dim3A_1453 = vector.broadcast %broadcast_in_dim3A_1452 : i32 to vector<16xi32>
        %broadcast_in_dim3A_1454 = vector.shape_cast %broadcast_in_dim3A_1453 : vector<16xi32> to vector<16x1xi32>
        %gather3A_1455 = vector.shape_cast %broadcast_in_dim3A_1454 : vector<16x1xi32> to vector<16xi32>
        %gather3A_1456 = tpu.dynamic_gather %get3A_983[%gather3A_1455] in [0] : vector<16xf32>, vector<16xi32> -> vector<16xf32>
        %broadcast_in_dim3A_1457 = vector.broadcast %add3A_1451 : i32 to vector<16xi32>
        %gather3A_1458 = tpu.vector_load_idx %arg8[%add3A_347, %broadcast_in_dim3A_1457] : memref<256x64xf32, #tpu.memory_space<vmem>>[vector<16xi32>, vector<16xi32>], vector<16xf32>,
        %mul3A_1459 = arith.mulf %gather3A_1458, %gather3A_1456 : vector<16xf32>
        %add3A_1460 = arith.addf %add3A_1402, %mul3A_1459 : vector<16xf32>
        %gather3A_1461 = tpu.vector_load_idx %arg8[%add3A_350, %broadcast_in_dim3A_1457] : memref<256x64xf32, #tpu.memory_space<vmem>>[vector<16xi32>, vector<16xi32>], vector<16xf32>,
        %mul3A_1462 = arith.mulf %gather3A_1461, %gather3A_1456 : vector<16xf32>
        %add3A_1463 = arith.addf %add3A_1405, %mul3A_1462 : vector<16xf32>
        %gather3A_1464 = tpu.vector_load_idx %arg8[%add3A_353, %broadcast_in_dim3A_1457] : memref<256x64xf32, #tpu.memory_space<vmem>>[vector<16xi32>, vector<16xi32>], vector<16xf32>,
        %mul3A_1465 = arith.mulf %gather3A_1464, %gather3A_1456 : vector<16xf32>
        %add3A_1466 = arith.addf %add3A_1408, %mul3A_1465 : vector<16xf32>
        %gather3A_1467 = tpu.vector_load_idx %arg8[%add3A_356, %broadcast_in_dim3A_1457] : memref<256x64xf32, #tpu.memory_space<vmem>>[vector<16xi32>, vector<16xi32>], vector<16xf32>,
        %mul3A_1468 = arith.mulf %gather3A_1467, %gather3A_1456 : vector<16xf32>
        %add3A_1469 = arith.addf %add3A_1411, %mul3A_1468 : vector<16xf32>
        %gather3A_1470 = tpu.vector_load_idx %arg8[%add3A_359, %broadcast_in_dim3A_1457] : memref<256x64xf32, #tpu.memory_space<vmem>>[vector<16xi32>, vector<16xi32>], vector<16xf32>,
        %mul3A_1471 = arith.mulf %gather3A_1470, %gather3A_1456 : vector<16xf32>
        %add3A_1472 = arith.addf %add3A_1414, %mul3A_1471 : vector<16xf32>
        %gather3A_1473 = tpu.vector_load_idx %arg8[%add3A_362, %broadcast_in_dim3A_1457] : memref<256x64xf32, #tpu.memory_space<vmem>>[vector<16xi32>, vector<16xi32>], vector<16xf32>,
        %mul3A_1474 = arith.mulf %gather3A_1473, %gather3A_1456 : vector<16xf32>
        %add3A_1475 = arith.addf %add3A_1417, %mul3A_1474 : vector<16xf32>
        %gather3A_1476 = tpu.vector_load_idx %arg8[%add3A_365, %broadcast_in_dim3A_1457] : memref<256x64xf32, #tpu.memory_space<vmem>>[vector<16xi32>, vector<16xi32>], vector<16xf32>,
        %mul3A_1477 = arith.mulf %gather3A_1476, %gather3A_1456 : vector<16xf32>
        %add3A_1478 = arith.addf %add3A_1420, %mul3A_1477 : vector<16xf32>
        %gather3A_1479 = tpu.vector_load_idx %arg8[%add3A_368, %broadcast_in_dim3A_1457] : memref<256x64xf32, #tpu.memory_space<vmem>>[vector<16xi32>, vector<16xi32>], vector<16xf32>,
        %mul3A_1480 = arith.mulf %gather3A_1479, %gather3A_1456 : vector<16xf32>
        %add3A_1481 = arith.addf %add3A_1423, %mul3A_1480 : vector<16xf32>
        %gather3A_1482 = tpu.vector_load_idx %arg8[%add3A_371, %broadcast_in_dim3A_1457] : memref<256x64xf32, #tpu.memory_space<vmem>>[vector<16xi32>, vector<16xi32>], vector<16xf32>,
        %mul3A_1483 = arith.mulf %gather3A_1482, %gather3A_1456 : vector<16xf32>
        %add3A_1484 = arith.addf %add3A_1426, %mul3A_1483 : vector<16xf32>
        %gather3A_1485 = tpu.vector_load_idx %arg8[%add3A_374, %broadcast_in_dim3A_1457] : memref<256x64xf32, #tpu.memory_space<vmem>>[vector<16xi32>, vector<16xi32>], vector<16xf32>,
        %mul3A_1486 = arith.mulf %gather3A_1485, %gather3A_1456 : vector<16xf32>
        %add3A_1487 = arith.addf %add3A_1429, %mul3A_1486 : vector<16xf32>
        %gather3A_1488 = tpu.vector_load_idx %arg8[%add3A_377, %broadcast_in_dim3A_1457] : memref<256x64xf32, #tpu.memory_space<vmem>>[vector<16xi32>, vector<16xi32>], vector<16xf32>,
        %mul3A_1489 = arith.mulf %gather3A_1488, %gather3A_1456 : vector<16xf32>
        %add3A_1490 = arith.addf %add3A_1432, %mul3A_1489 : vector<16xf32>
        %gather3A_1491 = tpu.vector_load_idx %arg8[%add3A_380, %broadcast_in_dim3A_1457] : memref<256x64xf32, #tpu.memory_space<vmem>>[vector<16xi32>, vector<16xi32>], vector<16xf32>,
        %mul3A_1492 = arith.mulf %gather3A_1491, %gather3A_1456 : vector<16xf32>
        %add3A_1493 = arith.addf %add3A_1435, %mul3A_1492 : vector<16xf32>
        %gather3A_1494 = tpu.vector_load_idx %arg8[%add3A_383, %broadcast_in_dim3A_1457] : memref<256x64xf32, #tpu.memory_space<vmem>>[vector<16xi32>, vector<16xi32>], vector<16xf32>,
        %mul3A_1495 = arith.mulf %gather3A_1494, %gather3A_1456 : vector<16xf32>
        %add3A_1496 = arith.addf %add3A_1438, %mul3A_1495 : vector<16xf32>
        %gather3A_1497 = tpu.vector_load_idx %arg8[%add3A_386, %broadcast_in_dim3A_1457] : memref<256x64xf32, #tpu.memory_space<vmem>>[vector<16xi32>, vector<16xi32>], vector<16xf32>,
        %mul3A_1498 = arith.mulf %gather3A_1497, %gather3A_1456 : vector<16xf32>
        %add3A_1499 = arith.addf %add3A_1441, %mul3A_1498 : vector<16xf32>
        %gather3A_1500 = tpu.vector_load_idx %arg8[%add3A_389, %broadcast_in_dim3A_1457] : memref<256x64xf32, #tpu.memory_space<vmem>>[vector<16xi32>, vector<16xi32>], vector<16xf32>,
        %mul3A_1501 = arith.mulf %gather3A_1500, %gather3A_1456 : vector<16xf32>
        %add3A_1502 = arith.addf %add3A_1444, %mul3A_1501 : vector<16xf32>
        %gather3A_1503 = tpu.vector_load_idx %arg8[%add3A_392, %broadcast_in_dim3A_1457] : memref<256x64xf32, #tpu.memory_space<vmem>>[vector<16xi32>, vector<16xi32>], vector<16xf32>,
        %mul3A_1504 = arith.mulf %gather3A_1503, %gather3A_1456 : vector<16xf32>
        %add3A_1505 = arith.addf %add3A_1447, %mul3A_1504 : vector<16xf32>
        %mul3A_1506 = arith.constant 16 : i32
        %mul3A_1507 = arith.muli %scan3A_963, %mul3A_1506 : i32
        %add3A_1508 = arith.constant 9 : i32
        %add3A_1509 = arith.addi %mul3A_1507, %add3A_1508 : i32
        %broadcast_in_dim3A_1510 = arith.constant 9 : i32
        %broadcast_in_dim3A_1511 = vector.broadcast %broadcast_in_dim3A_1510 : i32 to vector<16xi32>
        %broadcast_in_dim3A_1512 = vector.shape_cast %broadcast_in_dim3A_1511 : vector<16xi32> to vector<16x1xi32>
        %gather3A_1513 = vector.shape_cast %broadcast_in_dim3A_1512 : vector<16x1xi32> to vector<16xi32>
        %gather3A_1514 = tpu.dynamic_gather %get3A_983[%gather3A_1513] in [0] : vector<16xf32>, vector<16xi32> -> vector<16xf32>
        %broadcast_in_dim3A_1515 = vector.broadcast %add3A_1509 : i32 to vector<16xi32>
        %gather3A_1516 = tpu.vector_load_idx %arg8[%add3A_347, %broadcast_in_dim3A_1515] : memref<256x64xf32, #tpu.memory_space<vmem>>[vector<16xi32>, vector<16xi32>], vector<16xf32>,
        %mul3A_1517 = arith.mulf %gather3A_1516, %gather3A_1514 : vector<16xf32>
        %add3A_1518 = arith.addf %add3A_1460, %mul3A_1517 : vector<16xf32>
        %gather3A_1519 = tpu.vector_load_idx %arg8[%add3A_350, %broadcast_in_dim3A_1515] : memref<256x64xf32, #tpu.memory_space<vmem>>[vector<16xi32>, vector<16xi32>], vector<16xf32>,
        %mul3A_1520 = arith.mulf %gather3A_1519, %gather3A_1514 : vector<16xf32>
        %add3A_1521 = arith.addf %add3A_1463, %mul3A_1520 : vector<16xf32>
        %gather3A_1522 = tpu.vector_load_idx %arg8[%add3A_353, %broadcast_in_dim3A_1515] : memref<256x64xf32, #tpu.memory_space<vmem>>[vector<16xi32>, vector<16xi32>], vector<16xf32>,
        %mul3A_1523 = arith.mulf %gather3A_1522, %gather3A_1514 : vector<16xf32>
        %add3A_1524 = arith.addf %add3A_1466, %mul3A_1523 : vector<16xf32>
        %gather3A_1525 = tpu.vector_load_idx %arg8[%add3A_356, %broadcast_in_dim3A_1515] : memref<256x64xf32, #tpu.memory_space<vmem>>[vector<16xi32>, vector<16xi32>], vector<16xf32>,
        %mul3A_1526 = arith.mulf %gather3A_1525, %gather3A_1514 : vector<16xf32>
        %add3A_1527 = arith.addf %add3A_1469, %mul3A_1526 : vector<16xf32>
        %gather3A_1528 = tpu.vector_load_idx %arg8[%add3A_359, %broadcast_in_dim3A_1515] : memref<256x64xf32, #tpu.memory_space<vmem>>[vector<16xi32>, vector<16xi32>], vector<16xf32>,
        %mul3A_1529 = arith.mulf %gather3A_1528, %gather3A_1514 : vector<16xf32>
        %add3A_1530 = arith.addf %add3A_1472, %mul3A_1529 : vector<16xf32>
        %gather3A_1531 = tpu.vector_load_idx %arg8[%add3A_362, %broadcast_in_dim3A_1515] : memref<256x64xf32, #tpu.memory_space<vmem>>[vector<16xi32>, vector<16xi32>], vector<16xf32>,
        %mul3A_1532 = arith.mulf %gather3A_1531, %gather3A_1514 : vector<16xf32>
        %add3A_1533 = arith.addf %add3A_1475, %mul3A_1532 : vector<16xf32>
        %gather3A_1534 = tpu.vector_load_idx %arg8[%add3A_365, %broadcast_in_dim3A_1515] : memref<256x64xf32, #tpu.memory_space<vmem>>[vector<16xi32>, vector<16xi32>], vector<16xf32>,
        %mul3A_1535 = arith.mulf %gather3A_1534, %gather3A_1514 : vector<16xf32>
        %add3A_1536 = arith.addf %add3A_1478, %mul3A_1535 : vector<16xf32>
        %gather3A_1537 = tpu.vector_load_idx %arg8[%add3A_368, %broadcast_in_dim3A_1515] : memref<256x64xf32, #tpu.memory_space<vmem>>[vector<16xi32>, vector<16xi32>], vector<16xf32>,
        %mul3A_1538 = arith.mulf %gather3A_1537, %gather3A_1514 : vector<16xf32>
        %add3A_1539 = arith.addf %add3A_1481, %mul3A_1538 : vector<16xf32>
        %gather3A_1540 = tpu.vector_load_idx %arg8[%add3A_371, %broadcast_in_dim3A_1515] : memref<256x64xf32, #tpu.memory_space<vmem>>[vector<16xi32>, vector<16xi32>], vector<16xf32>,
        %mul3A_1541 = arith.mulf %gather3A_1540, %gather3A_1514 : vector<16xf32>
        %add3A_1542 = arith.addf %add3A_1484, %mul3A_1541 : vector<16xf32>
        %gather3A_1543 = tpu.vector_load_idx %arg8[%add3A_374, %broadcast_in_dim3A_1515] : memref<256x64xf32, #tpu.memory_space<vmem>>[vector<16xi32>, vector<16xi32>], vector<16xf32>,
        %mul3A_1544 = arith.mulf %gather3A_1543, %gather3A_1514 : vector<16xf32>
        %add3A_1545 = arith.addf %add3A_1487, %mul3A_1544 : vector<16xf32>
        %gather3A_1546 = tpu.vector_load_idx %arg8[%add3A_377, %broadcast_in_dim3A_1515] : memref<256x64xf32, #tpu.memory_space<vmem>>[vector<16xi32>, vector<16xi32>], vector<16xf32>,
        %mul3A_1547 = arith.mulf %gather3A_1546, %gather3A_1514 : vector<16xf32>
        %add3A_1548 = arith.addf %add3A_1490, %mul3A_1547 : vector<16xf32>
        %gather3A_1549 = tpu.vector_load_idx %arg8[%add3A_380, %broadcast_in_dim3A_1515] : memref<256x64xf32, #tpu.memory_space<vmem>>[vector<16xi32>, vector<16xi32>], vector<16xf32>,
        %mul3A_1550 = arith.mulf %gather3A_1549, %gather3A_1514 : vector<16xf32>
        %add3A_1551 = arith.addf %add3A_1493, %mul3A_1550 : vector<16xf32>
        %gather3A_1552 = tpu.vector_load_idx %arg8[%add3A_383, %broadcast_in_dim3A_1515] : memref<256x64xf32, #tpu.memory_space<vmem>>[vector<16xi32>, vector<16xi32>], vector<16xf32>,
        %mul3A_1553 = arith.mulf %gather3A_1552, %gather3A_1514 : vector<16xf32>
        %add3A_1554 = arith.addf %add3A_1496, %mul3A_1553 : vector<16xf32>
        %gather3A_1555 = tpu.vector_load_idx %arg8[%add3A_386, %broadcast_in_dim3A_1515] : memref<256x64xf32, #tpu.memory_space<vmem>>[vector<16xi32>, vector<16xi32>], vector<16xf32>,
        %mul3A_1556 = arith.mulf %gather3A_1555, %gather3A_1514 : vector<16xf32>
        %add3A_1557 = arith.addf %add3A_1499, %mul3A_1556 : vector<16xf32>
        %gather3A_1558 = tpu.vector_load_idx %arg8[%add3A_389, %broadcast_in_dim3A_1515] : memref<256x64xf32, #tpu.memory_space<vmem>>[vector<16xi32>, vector<16xi32>], vector<16xf32>,
        %mul3A_1559 = arith.mulf %gather3A_1558, %gather3A_1514 : vector<16xf32>
        %add3A_1560 = arith.addf %add3A_1502, %mul3A_1559 : vector<16xf32>
        %gather3A_1561 = tpu.vector_load_idx %arg8[%add3A_392, %broadcast_in_dim3A_1515] : memref<256x64xf32, #tpu.memory_space<vmem>>[vector<16xi32>, vector<16xi32>], vector<16xf32>,
        %mul3A_1562 = arith.mulf %gather3A_1561, %gather3A_1514 : vector<16xf32>
        %add3A_1563 = arith.addf %add3A_1505, %mul3A_1562 : vector<16xf32>
        %mul3A_1564 = arith.constant 16 : i32
        %mul3A_1565 = arith.muli %scan3A_963, %mul3A_1564 : i32
        %add3A_1566 = arith.constant 10 : i32
        %add3A_1567 = arith.addi %mul3A_1565, %add3A_1566 : i32
        %broadcast_in_dim3A_1568 = arith.constant 10 : i32
        %broadcast_in_dim3A_1569 = vector.broadcast %broadcast_in_dim3A_1568 : i32 to vector<16xi32>
        %broadcast_in_dim3A_1570 = vector.shape_cast %broadcast_in_dim3A_1569 : vector<16xi32> to vector<16x1xi32>
        %gather3A_1571 = vector.shape_cast %broadcast_in_dim3A_1570 : vector<16x1xi32> to vector<16xi32>
        %gather3A_1572 = tpu.dynamic_gather %get3A_983[%gather3A_1571] in [0] : vector<16xf32>, vector<16xi32> -> vector<16xf32>
        %broadcast_in_dim3A_1573 = vector.broadcast %add3A_1567 : i32 to vector<16xi32>
        %gather3A_1574 = tpu.vector_load_idx %arg8[%add3A_347, %broadcast_in_dim3A_1573] : memref<256x64xf32, #tpu.memory_space<vmem>>[vector<16xi32>, vector<16xi32>], vector<16xf32>,
        %mul3A_1575 = arith.mulf %gather3A_1574, %gather3A_1572 : vector<16xf32>
        %add3A_1576 = arith.addf %add3A_1518, %mul3A_1575 : vector<16xf32>
        %gather3A_1577 = tpu.vector_load_idx %arg8[%add3A_350, %broadcast_in_dim3A_1573] : memref<256x64xf32, #tpu.memory_space<vmem>>[vector<16xi32>, vector<16xi32>], vector<16xf32>,
        %mul3A_1578 = arith.mulf %gather3A_1577, %gather3A_1572 : vector<16xf32>
        %add3A_1579 = arith.addf %add3A_1521, %mul3A_1578 : vector<16xf32>
        %gather3A_1580 = tpu.vector_load_idx %arg8[%add3A_353, %broadcast_in_dim3A_1573] : memref<256x64xf32, #tpu.memory_space<vmem>>[vector<16xi32>, vector<16xi32>], vector<16xf32>,
        %mul3A_1581 = arith.mulf %gather3A_1580, %gather3A_1572 : vector<16xf32>
        %add3A_1582 = arith.addf %add3A_1524, %mul3A_1581 : vector<16xf32>
        %gather3A_1583 = tpu.vector_load_idx %arg8[%add3A_356, %broadcast_in_dim3A_1573] : memref<256x64xf32, #tpu.memory_space<vmem>>[vector<16xi32>, vector<16xi32>], vector<16xf32>,
        %mul3A_1584 = arith.mulf %gather3A_1583, %gather3A_1572 : vector<16xf32>
        %add3A_1585 = arith.addf %add3A_1527, %mul3A_1584 : vector<16xf32>
        %gather3A_1586 = tpu.vector_load_idx %arg8[%add3A_359, %broadcast_in_dim3A_1573] : memref<256x64xf32, #tpu.memory_space<vmem>>[vector<16xi32>, vector<16xi32>], vector<16xf32>,
        %mul3A_1587 = arith.mulf %gather3A_1586, %gather3A_1572 : vector<16xf32>
        %add3A_1588 = arith.addf %add3A_1530, %mul3A_1587 : vector<16xf32>
        %gather3A_1589 = tpu.vector_load_idx %arg8[%add3A_362, %broadcast_in_dim3A_1573] : memref<256x64xf32, #tpu.memory_space<vmem>>[vector<16xi32>, vector<16xi32>], vector<16xf32>,
        %mul3A_1590 = arith.mulf %gather3A_1589, %gather3A_1572 : vector<16xf32>
        %add3A_1591 = arith.addf %add3A_1533, %mul3A_1590 : vector<16xf32>
        %gather3A_1592 = tpu.vector_load_idx %arg8[%add3A_365, %broadcast_in_dim3A_1573] : memref<256x64xf32, #tpu.memory_space<vmem>>[vector<16xi32>, vector<16xi32>], vector<16xf32>,
        %mul3A_1593 = arith.mulf %gather3A_1592, %gather3A_1572 : vector<16xf32>
        %add3A_1594 = arith.addf %add3A_1536, %mul3A_1593 : vector<16xf32>
        %gather3A_1595 = tpu.vector_load_idx %arg8[%add3A_368, %broadcast_in_dim3A_1573] : memref<256x64xf32, #tpu.memory_space<vmem>>[vector<16xi32>, vector<16xi32>], vector<16xf32>,
        %mul3A_1596 = arith.mulf %gather3A_1595, %gather3A_1572 : vector<16xf32>
        %add3A_1597 = arith.addf %add3A_1539, %mul3A_1596 : vector<16xf32>
        %gather3A_1598 = tpu.vector_load_idx %arg8[%add3A_371, %broadcast_in_dim3A_1573] : memref<256x64xf32, #tpu.memory_space<vmem>>[vector<16xi32>, vector<16xi32>], vector<16xf32>,
        %mul3A_1599 = arith.mulf %gather3A_1598, %gather3A_1572 : vector<16xf32>
        %add3A_1600 = arith.addf %add3A_1542, %mul3A_1599 : vector<16xf32>
        %gather3A_1601 = tpu.vector_load_idx %arg8[%add3A_374, %broadcast_in_dim3A_1573] : memref<256x64xf32, #tpu.memory_space<vmem>>[vector<16xi32>, vector<16xi32>], vector<16xf32>,
        %mul3A_1602 = arith.mulf %gather3A_1601, %gather3A_1572 : vector<16xf32>
        %add3A_1603 = arith.addf %add3A_1545, %mul3A_1602 : vector<16xf32>
        %gather3A_1604 = tpu.vector_load_idx %arg8[%add3A_377, %broadcast_in_dim3A_1573] : memref<256x64xf32, #tpu.memory_space<vmem>>[vector<16xi32>, vector<16xi32>], vector<16xf32>,
        %mul3A_1605 = arith.mulf %gather3A_1604, %gather3A_1572 : vector<16xf32>
        %add3A_1606 = arith.addf %add3A_1548, %mul3A_1605 : vector<16xf32>
        %gather3A_1607 = tpu.vector_load_idx %arg8[%add3A_380, %broadcast_in_dim3A_1573] : memref<256x64xf32, #tpu.memory_space<vmem>>[vector<16xi32>, vector<16xi32>], vector<16xf32>,
        %mul3A_1608 = arith.mulf %gather3A_1607, %gather3A_1572 : vector<16xf32>
        %add3A_1609 = arith.addf %add3A_1551, %mul3A_1608 : vector<16xf32>
        %gather3A_1610 = tpu.vector_load_idx %arg8[%add3A_383, %broadcast_in_dim3A_1573] : memref<256x64xf32, #tpu.memory_space<vmem>>[vector<16xi32>, vector<16xi32>], vector<16xf32>,
        %mul3A_1611 = arith.mulf %gather3A_1610, %gather3A_1572 : vector<16xf32>
        %add3A_1612 = arith.addf %add3A_1554, %mul3A_1611 : vector<16xf32>
        %gather3A_1613 = tpu.vector_load_idx %arg8[%add3A_386, %broadcast_in_dim3A_1573] : memref<256x64xf32, #tpu.memory_space<vmem>>[vector<16xi32>, vector<16xi32>], vector<16xf32>,
        %mul3A_1614 = arith.mulf %gather3A_1613, %gather3A_1572 : vector<16xf32>
        %add3A_1615 = arith.addf %add3A_1557, %mul3A_1614 : vector<16xf32>
        %gather3A_1616 = tpu.vector_load_idx %arg8[%add3A_389, %broadcast_in_dim3A_1573] : memref<256x64xf32, #tpu.memory_space<vmem>>[vector<16xi32>, vector<16xi32>], vector<16xf32>,
        %mul3A_1617 = arith.mulf %gather3A_1616, %gather3A_1572 : vector<16xf32>
        %add3A_1618 = arith.addf %add3A_1560, %mul3A_1617 : vector<16xf32>
        %gather3A_1619 = tpu.vector_load_idx %arg8[%add3A_392, %broadcast_in_dim3A_1573] : memref<256x64xf32, #tpu.memory_space<vmem>>[vector<16xi32>, vector<16xi32>], vector<16xf32>,
        %mul3A_1620 = arith.mulf %gather3A_1619, %gather3A_1572 : vector<16xf32>
        %add3A_1621 = arith.addf %add3A_1563, %mul3A_1620 : vector<16xf32>
        %mul3A_1622 = arith.constant 16 : i32
        %mul3A_1623 = arith.muli %scan3A_963, %mul3A_1622 : i32
        %add3A_1624 = arith.constant 11 : i32
        %add3A_1625 = arith.addi %mul3A_1623, %add3A_1624 : i32
        %broadcast_in_dim3A_1626 = arith.constant 11 : i32
        %broadcast_in_dim3A_1627 = vector.broadcast %broadcast_in_dim3A_1626 : i32 to vector<16xi32>
        %broadcast_in_dim3A_1628 = vector.shape_cast %broadcast_in_dim3A_1627 : vector<16xi32> to vector<16x1xi32>
        %gather3A_1629 = vector.shape_cast %broadcast_in_dim3A_1628 : vector<16x1xi32> to vector<16xi32>
        %gather3A_1630 = tpu.dynamic_gather %get3A_983[%gather3A_1629] in [0] : vector<16xf32>, vector<16xi32> -> vector<16xf32>
        %broadcast_in_dim3A_1631 = vector.broadcast %add3A_1625 : i32 to vector<16xi32>
        %gather3A_1632 = tpu.vector_load_idx %arg8[%add3A_347, %broadcast_in_dim3A_1631] : memref<256x64xf32, #tpu.memory_space<vmem>>[vector<16xi32>, vector<16xi32>], vector<16xf32>,
        %mul3A_1633 = arith.mulf %gather3A_1632, %gather3A_1630 : vector<16xf32>
        %add3A_1634 = arith.addf %add3A_1576, %mul3A_1633 : vector<16xf32>
        %gather3A_1635 = tpu.vector_load_idx %arg8[%add3A_350, %broadcast_in_dim3A_1631] : memref<256x64xf32, #tpu.memory_space<vmem>>[vector<16xi32>, vector<16xi32>], vector<16xf32>,
        %mul3A_1636 = arith.mulf %gather3A_1635, %gather3A_1630 : vector<16xf32>
        %add3A_1637 = arith.addf %add3A_1579, %mul3A_1636 : vector<16xf32>
        %gather3A_1638 = tpu.vector_load_idx %arg8[%add3A_353, %broadcast_in_dim3A_1631] : memref<256x64xf32, #tpu.memory_space<vmem>>[vector<16xi32>, vector<16xi32>], vector<16xf32>,
        %mul3A_1639 = arith.mulf %gather3A_1638, %gather3A_1630 : vector<16xf32>
        %add3A_1640 = arith.addf %add3A_1582, %mul3A_1639 : vector<16xf32>
        %gather3A_1641 = tpu.vector_load_idx %arg8[%add3A_356, %broadcast_in_dim3A_1631] : memref<256x64xf32, #tpu.memory_space<vmem>>[vector<16xi32>, vector<16xi32>], vector<16xf32>,
        %mul3A_1642 = arith.mulf %gather3A_1641, %gather3A_1630 : vector<16xf32>
        %add3A_1643 = arith.addf %add3A_1585, %mul3A_1642 : vector<16xf32>
        %gather3A_1644 = tpu.vector_load_idx %arg8[%add3A_359, %broadcast_in_dim3A_1631] : memref<256x64xf32, #tpu.memory_space<vmem>>[vector<16xi32>, vector<16xi32>], vector<16xf32>,
        %mul3A_1645 = arith.mulf %gather3A_1644, %gather3A_1630 : vector<16xf32>
        %add3A_1646 = arith.addf %add3A_1588, %mul3A_1645 : vector<16xf32>
        %gather3A_1647 = tpu.vector_load_idx %arg8[%add3A_362, %broadcast_in_dim3A_1631] : memref<256x64xf32, #tpu.memory_space<vmem>>[vector<16xi32>, vector<16xi32>], vector<16xf32>,
        %mul3A_1648 = arith.mulf %gather3A_1647, %gather3A_1630 : vector<16xf32>
        %add3A_1649 = arith.addf %add3A_1591, %mul3A_1648 : vector<16xf32>
        %gather3A_1650 = tpu.vector_load_idx %arg8[%add3A_365, %broadcast_in_dim3A_1631] : memref<256x64xf32, #tpu.memory_space<vmem>>[vector<16xi32>, vector<16xi32>], vector<16xf32>,
        %mul3A_1651 = arith.mulf %gather3A_1650, %gather3A_1630 : vector<16xf32>
        %add3A_1652 = arith.addf %add3A_1594, %mul3A_1651 : vector<16xf32>
        %gather3A_1653 = tpu.vector_load_idx %arg8[%add3A_368, %broadcast_in_dim3A_1631] : memref<256x64xf32, #tpu.memory_space<vmem>>[vector<16xi32>, vector<16xi32>], vector<16xf32>,
        %mul3A_1654 = arith.mulf %gather3A_1653, %gather3A_1630 : vector<16xf32>
        %add3A_1655 = arith.addf %add3A_1597, %mul3A_1654 : vector<16xf32>
        %gather3A_1656 = tpu.vector_load_idx %arg8[%add3A_371, %broadcast_in_dim3A_1631] : memref<256x64xf32, #tpu.memory_space<vmem>>[vector<16xi32>, vector<16xi32>], vector<16xf32>,
        %mul3A_1657 = arith.mulf %gather3A_1656, %gather3A_1630 : vector<16xf32>
        %add3A_1658 = arith.addf %add3A_1600, %mul3A_1657 : vector<16xf32>
        %gather3A_1659 = tpu.vector_load_idx %arg8[%add3A_374, %broadcast_in_dim3A_1631] : memref<256x64xf32, #tpu.memory_space<vmem>>[vector<16xi32>, vector<16xi32>], vector<16xf32>,
        %mul3A_1660 = arith.mulf %gather3A_1659, %gather3A_1630 : vector<16xf32>
        %add3A_1661 = arith.addf %add3A_1603, %mul3A_1660 : vector<16xf32>
        %gather3A_1662 = tpu.vector_load_idx %arg8[%add3A_377, %broadcast_in_dim3A_1631] : memref<256x64xf32, #tpu.memory_space<vmem>>[vector<16xi32>, vector<16xi32>], vector<16xf32>,
        %mul3A_1663 = arith.mulf %gather3A_1662, %gather3A_1630 : vector<16xf32>
        %add3A_1664 = arith.addf %add3A_1606, %mul3A_1663 : vector<16xf32>
        %gather3A_1665 = tpu.vector_load_idx %arg8[%add3A_380, %broadcast_in_dim3A_1631] : memref<256x64xf32, #tpu.memory_space<vmem>>[vector<16xi32>, vector<16xi32>], vector<16xf32>,
        %mul3A_1666 = arith.mulf %gather3A_1665, %gather3A_1630 : vector<16xf32>
        %add3A_1667 = arith.addf %add3A_1609, %mul3A_1666 : vector<16xf32>
        %gather3A_1668 = tpu.vector_load_idx %arg8[%add3A_383, %broadcast_in_dim3A_1631] : memref<256x64xf32, #tpu.memory_space<vmem>>[vector<16xi32>, vector<16xi32>], vector<16xf32>,
        %mul3A_1669 = arith.mulf %gather3A_1668, %gather3A_1630 : vector<16xf32>
        %add3A_1670 = arith.addf %add3A_1612, %mul3A_1669 : vector<16xf32>
        %gather3A_1671 = tpu.vector_load_idx %arg8[%add3A_386, %broadcast_in_dim3A_1631] : memref<256x64xf32, #tpu.memory_space<vmem>>[vector<16xi32>, vector<16xi32>], vector<16xf32>,
        %mul3A_1672 = arith.mulf %gather3A_1671, %gather3A_1630 : vector<16xf32>
        %add3A_1673 = arith.addf %add3A_1615, %mul3A_1672 : vector<16xf32>
        %gather3A_1674 = tpu.vector_load_idx %arg8[%add3A_389, %broadcast_in_dim3A_1631] : memref<256x64xf32, #tpu.memory_space<vmem>>[vector<16xi32>, vector<16xi32>], vector<16xf32>,
        %mul3A_1675 = arith.mulf %gather3A_1674, %gather3A_1630 : vector<16xf32>
        %add3A_1676 = arith.addf %add3A_1618, %mul3A_1675 : vector<16xf32>
        %gather3A_1677 = tpu.vector_load_idx %arg8[%add3A_392, %broadcast_in_dim3A_1631] : memref<256x64xf32, #tpu.memory_space<vmem>>[vector<16xi32>, vector<16xi32>], vector<16xf32>,
        %mul3A_1678 = arith.mulf %gather3A_1677, %gather3A_1630 : vector<16xf32>
        %add3A_1679 = arith.addf %add3A_1621, %mul3A_1678 : vector<16xf32>
        %mul3A_1680 = arith.constant 16 : i32
        %mul3A_1681 = arith.muli %scan3A_963, %mul3A_1680 : i32
        %add3A_1682 = arith.constant 12 : i32
        %add3A_1683 = arith.addi %mul3A_1681, %add3A_1682 : i32
        %broadcast_in_dim3A_1684 = arith.constant 12 : i32
        %broadcast_in_dim3A_1685 = vector.broadcast %broadcast_in_dim3A_1684 : i32 to vector<16xi32>
        %broadcast_in_dim3A_1686 = vector.shape_cast %broadcast_in_dim3A_1685 : vector<16xi32> to vector<16x1xi32>
        %gather3A_1687 = vector.shape_cast %broadcast_in_dim3A_1686 : vector<16x1xi32> to vector<16xi32>
        %gather3A_1688 = tpu.dynamic_gather %get3A_983[%gather3A_1687] in [0] : vector<16xf32>, vector<16xi32> -> vector<16xf32>
        %broadcast_in_dim3A_1689 = vector.broadcast %add3A_1683 : i32 to vector<16xi32>
        %gather3A_1690 = tpu.vector_load_idx %arg8[%add3A_347, %broadcast_in_dim3A_1689] : memref<256x64xf32, #tpu.memory_space<vmem>>[vector<16xi32>, vector<16xi32>], vector<16xf32>,
        %mul3A_1691 = arith.mulf %gather3A_1690, %gather3A_1688 : vector<16xf32>
        %add3A_1692 = arith.addf %add3A_1634, %mul3A_1691 : vector<16xf32>
        %gather3A_1693 = tpu.vector_load_idx %arg8[%add3A_350, %broadcast_in_dim3A_1689] : memref<256x64xf32, #tpu.memory_space<vmem>>[vector<16xi32>, vector<16xi32>], vector<16xf32>,
        %mul3A_1694 = arith.mulf %gather3A_1693, %gather3A_1688 : vector<16xf32>
        %add3A_1695 = arith.addf %add3A_1637, %mul3A_1694 : vector<16xf32>
        %gather3A_1696 = tpu.vector_load_idx %arg8[%add3A_353, %broadcast_in_dim3A_1689] : memref<256x64xf32, #tpu.memory_space<vmem>>[vector<16xi32>, vector<16xi32>], vector<16xf32>,
        %mul3A_1697 = arith.mulf %gather3A_1696, %gather3A_1688 : vector<16xf32>
        %add3A_1698 = arith.addf %add3A_1640, %mul3A_1697 : vector<16xf32>
        %gather3A_1699 = tpu.vector_load_idx %arg8[%add3A_356, %broadcast_in_dim3A_1689] : memref<256x64xf32, #tpu.memory_space<vmem>>[vector<16xi32>, vector<16xi32>], vector<16xf32>,
        %mul3A_1700 = arith.mulf %gather3A_1699, %gather3A_1688 : vector<16xf32>
        %add3A_1701 = arith.addf %add3A_1643, %mul3A_1700 : vector<16xf32>
        %gather3A_1702 = tpu.vector_load_idx %arg8[%add3A_359, %broadcast_in_dim3A_1689] : memref<256x64xf32, #tpu.memory_space<vmem>>[vector<16xi32>, vector<16xi32>], vector<16xf32>,
        %mul3A_1703 = arith.mulf %gather3A_1702, %gather3A_1688 : vector<16xf32>
        %add3A_1704 = arith.addf %add3A_1646, %mul3A_1703 : vector<16xf32>
        %gather3A_1705 = tpu.vector_load_idx %arg8[%add3A_362, %broadcast_in_dim3A_1689] : memref<256x64xf32, #tpu.memory_space<vmem>>[vector<16xi32>, vector<16xi32>], vector<16xf32>,
        %mul3A_1706 = arith.mulf %gather3A_1705, %gather3A_1688 : vector<16xf32>
        %add3A_1707 = arith.addf %add3A_1649, %mul3A_1706 : vector<16xf32>
        %gather3A_1708 = tpu.vector_load_idx %arg8[%add3A_365, %broadcast_in_dim3A_1689] : memref<256x64xf32, #tpu.memory_space<vmem>>[vector<16xi32>, vector<16xi32>], vector<16xf32>,
        %mul3A_1709 = arith.mulf %gather3A_1708, %gather3A_1688 : vector<16xf32>
        %add3A_1710 = arith.addf %add3A_1652, %mul3A_1709 : vector<16xf32>
        %gather3A_1711 = tpu.vector_load_idx %arg8[%add3A_368, %broadcast_in_dim3A_1689] : memref<256x64xf32, #tpu.memory_space<vmem>>[vector<16xi32>, vector<16xi32>], vector<16xf32>,
        %mul3A_1712 = arith.mulf %gather3A_1711, %gather3A_1688 : vector<16xf32>
        %add3A_1713 = arith.addf %add3A_1655, %mul3A_1712 : vector<16xf32>
        %gather3A_1714 = tpu.vector_load_idx %arg8[%add3A_371, %broadcast_in_dim3A_1689] : memref<256x64xf32, #tpu.memory_space<vmem>>[vector<16xi32>, vector<16xi32>], vector<16xf32>,
        %mul3A_1715 = arith.mulf %gather3A_1714, %gather3A_1688 : vector<16xf32>
        %add3A_1716 = arith.addf %add3A_1658, %mul3A_1715 : vector<16xf32>
        %gather3A_1717 = tpu.vector_load_idx %arg8[%add3A_374, %broadcast_in_dim3A_1689] : memref<256x64xf32, #tpu.memory_space<vmem>>[vector<16xi32>, vector<16xi32>], vector<16xf32>,
        %mul3A_1718 = arith.mulf %gather3A_1717, %gather3A_1688 : vector<16xf32>
        %add3A_1719 = arith.addf %add3A_1661, %mul3A_1718 : vector<16xf32>
        %gather3A_1720 = tpu.vector_load_idx %arg8[%add3A_377, %broadcast_in_dim3A_1689] : memref<256x64xf32, #tpu.memory_space<vmem>>[vector<16xi32>, vector<16xi32>], vector<16xf32>,
        %mul3A_1721 = arith.mulf %gather3A_1720, %gather3A_1688 : vector<16xf32>
        %add3A_1722 = arith.addf %add3A_1664, %mul3A_1721 : vector<16xf32>
        %gather3A_1723 = tpu.vector_load_idx %arg8[%add3A_380, %broadcast_in_dim3A_1689] : memref<256x64xf32, #tpu.memory_space<vmem>>[vector<16xi32>, vector<16xi32>], vector<16xf32>,
        %mul3A_1724 = arith.mulf %gather3A_1723, %gather3A_1688 : vector<16xf32>
        %add3A_1725 = arith.addf %add3A_1667, %mul3A_1724 : vector<16xf32>
        %gather3A_1726 = tpu.vector_load_idx %arg8[%add3A_383, %broadcast_in_dim3A_1689] : memref<256x64xf32, #tpu.memory_space<vmem>>[vector<16xi32>, vector<16xi32>], vector<16xf32>,
        %mul3A_1727 = arith.mulf %gather3A_1726, %gather3A_1688 : vector<16xf32>
        %add3A_1728 = arith.addf %add3A_1670, %mul3A_1727 : vector<16xf32>
        %gather3A_1729 = tpu.vector_load_idx %arg8[%add3A_386, %broadcast_in_dim3A_1689] : memref<256x64xf32, #tpu.memory_space<vmem>>[vector<16xi32>, vector<16xi32>], vector<16xf32>,
        %mul3A_1730 = arith.mulf %gather3A_1729, %gather3A_1688 : vector<16xf32>
        %add3A_1731 = arith.addf %add3A_1673, %mul3A_1730 : vector<16xf32>
        %gather3A_1732 = tpu.vector_load_idx %arg8[%add3A_389, %broadcast_in_dim3A_1689] : memref<256x64xf32, #tpu.memory_space<vmem>>[vector<16xi32>, vector<16xi32>], vector<16xf32>,
        %mul3A_1733 = arith.mulf %gather3A_1732, %gather3A_1688 : vector<16xf32>
        %add3A_1734 = arith.addf %add3A_1676, %mul3A_1733 : vector<16xf32>
        %gather3A_1735 = tpu.vector_load_idx %arg8[%add3A_392, %broadcast_in_dim3A_1689] : memref<256x64xf32, #tpu.memory_space<vmem>>[vector<16xi32>, vector<16xi32>], vector<16xf32>,
        %mul3A_1736 = arith.mulf %gather3A_1735, %gather3A_1688 : vector<16xf32>
        %add3A_1737 = arith.addf %add3A_1679, %mul3A_1736 : vector<16xf32>
        %mul3A_1738 = arith.constant 16 : i32
        %mul3A_1739 = arith.muli %scan3A_963, %mul3A_1738 : i32
        %add3A_1740 = arith.constant 13 : i32
        %add3A_1741 = arith.addi %mul3A_1739, %add3A_1740 : i32
        %broadcast_in_dim3A_1742 = arith.constant 13 : i32
        %broadcast_in_dim3A_1743 = vector.broadcast %broadcast_in_dim3A_1742 : i32 to vector<16xi32>
        %broadcast_in_dim3A_1744 = vector.shape_cast %broadcast_in_dim3A_1743 : vector<16xi32> to vector<16x1xi32>
        %gather3A_1745 = vector.shape_cast %broadcast_in_dim3A_1744 : vector<16x1xi32> to vector<16xi32>
        %gather3A_1746 = tpu.dynamic_gather %get3A_983[%gather3A_1745] in [0] : vector<16xf32>, vector<16xi32> -> vector<16xf32>
        %broadcast_in_dim3A_1747 = vector.broadcast %add3A_1741 : i32 to vector<16xi32>
        %gather3A_1748 = tpu.vector_load_idx %arg8[%add3A_347, %broadcast_in_dim3A_1747] : memref<256x64xf32, #tpu.memory_space<vmem>>[vector<16xi32>, vector<16xi32>], vector<16xf32>,
        %mul3A_1749 = arith.mulf %gather3A_1748, %gather3A_1746 : vector<16xf32>
        %add3A_1750 = arith.addf %add3A_1692, %mul3A_1749 : vector<16xf32>
        %gather3A_1751 = tpu.vector_load_idx %arg8[%add3A_350, %broadcast_in_dim3A_1747] : memref<256x64xf32, #tpu.memory_space<vmem>>[vector<16xi32>, vector<16xi32>], vector<16xf32>,
        %mul3A_1752 = arith.mulf %gather3A_1751, %gather3A_1746 : vector<16xf32>
        %add3A_1753 = arith.addf %add3A_1695, %mul3A_1752 : vector<16xf32>
        %gather3A_1754 = tpu.vector_load_idx %arg8[%add3A_353, %broadcast_in_dim3A_1747] : memref<256x64xf32, #tpu.memory_space<vmem>>[vector<16xi32>, vector<16xi32>], vector<16xf32>,
        %mul3A_1755 = arith.mulf %gather3A_1754, %gather3A_1746 : vector<16xf32>
        %add3A_1756 = arith.addf %add3A_1698, %mul3A_1755 : vector<16xf32>
        %gather3A_1757 = tpu.vector_load_idx %arg8[%add3A_356, %broadcast_in_dim3A_1747] : memref<256x64xf32, #tpu.memory_space<vmem>>[vector<16xi32>, vector<16xi32>], vector<16xf32>,
        %mul3A_1758 = arith.mulf %gather3A_1757, %gather3A_1746 : vector<16xf32>
        %add3A_1759 = arith.addf %add3A_1701, %mul3A_1758 : vector<16xf32>
        %gather3A_1760 = tpu.vector_load_idx %arg8[%add3A_359, %broadcast_in_dim3A_1747] : memref<256x64xf32, #tpu.memory_space<vmem>>[vector<16xi32>, vector<16xi32>], vector<16xf32>,
        %mul3A_1761 = arith.mulf %gather3A_1760, %gather3A_1746 : vector<16xf32>
        %add3A_1762 = arith.addf %add3A_1704, %mul3A_1761 : vector<16xf32>
        %gather3A_1763 = tpu.vector_load_idx %arg8[%add3A_362, %broadcast_in_dim3A_1747] : memref<256x64xf32, #tpu.memory_space<vmem>>[vector<16xi32>, vector<16xi32>], vector<16xf32>,
        %mul3A_1764 = arith.mulf %gather3A_1763, %gather3A_1746 : vector<16xf32>
        %add3A_1765 = arith.addf %add3A_1707, %mul3A_1764 : vector<16xf32>
        %gather3A_1766 = tpu.vector_load_idx %arg8[%add3A_365, %broadcast_in_dim3A_1747] : memref<256x64xf32, #tpu.memory_space<vmem>>[vector<16xi32>, vector<16xi32>], vector<16xf32>,
        %mul3A_1767 = arith.mulf %gather3A_1766, %gather3A_1746 : vector<16xf32>
        %add3A_1768 = arith.addf %add3A_1710, %mul3A_1767 : vector<16xf32>
        %gather3A_1769 = tpu.vector_load_idx %arg8[%add3A_368, %broadcast_in_dim3A_1747] : memref<256x64xf32, #tpu.memory_space<vmem>>[vector<16xi32>, vector<16xi32>], vector<16xf32>,
        %mul3A_1770 = arith.mulf %gather3A_1769, %gather3A_1746 : vector<16xf32>
        %add3A_1771 = arith.addf %add3A_1713, %mul3A_1770 : vector<16xf32>
        %gather3A_1772 = tpu.vector_load_idx %arg8[%add3A_371, %broadcast_in_dim3A_1747] : memref<256x64xf32, #tpu.memory_space<vmem>>[vector<16xi32>, vector<16xi32>], vector<16xf32>,
        %mul3A_1773 = arith.mulf %gather3A_1772, %gather3A_1746 : vector<16xf32>
        %add3A_1774 = arith.addf %add3A_1716, %mul3A_1773 : vector<16xf32>
        %gather3A_1775 = tpu.vector_load_idx %arg8[%add3A_374, %broadcast_in_dim3A_1747] : memref<256x64xf32, #tpu.memory_space<vmem>>[vector<16xi32>, vector<16xi32>], vector<16xf32>,
        %mul3A_1776 = arith.mulf %gather3A_1775, %gather3A_1746 : vector<16xf32>
        %add3A_1777 = arith.addf %add3A_1719, %mul3A_1776 : vector<16xf32>
        %gather3A_1778 = tpu.vector_load_idx %arg8[%add3A_377, %broadcast_in_dim3A_1747] : memref<256x64xf32, #tpu.memory_space<vmem>>[vector<16xi32>, vector<16xi32>], vector<16xf32>,
        %mul3A_1779 = arith.mulf %gather3A_1778, %gather3A_1746 : vector<16xf32>
        %add3A_1780 = arith.addf %add3A_1722, %mul3A_1779 : vector<16xf32>
        %gather3A_1781 = tpu.vector_load_idx %arg8[%add3A_380, %broadcast_in_dim3A_1747] : memref<256x64xf32, #tpu.memory_space<vmem>>[vector<16xi32>, vector<16xi32>], vector<16xf32>,
        %mul3A_1782 = arith.mulf %gather3A_1781, %gather3A_1746 : vector<16xf32>
        %add3A_1783 = arith.addf %add3A_1725, %mul3A_1782 : vector<16xf32>
        %gather3A_1784 = tpu.vector_load_idx %arg8[%add3A_383, %broadcast_in_dim3A_1747] : memref<256x64xf32, #tpu.memory_space<vmem>>[vector<16xi32>, vector<16xi32>], vector<16xf32>,
        %mul3A_1785 = arith.mulf %gather3A_1784, %gather3A_1746 : vector<16xf32>
        %add3A_1786 = arith.addf %add3A_1728, %mul3A_1785 : vector<16xf32>
        %gather3A_1787 = tpu.vector_load_idx %arg8[%add3A_386, %broadcast_in_dim3A_1747] : memref<256x64xf32, #tpu.memory_space<vmem>>[vector<16xi32>, vector<16xi32>], vector<16xf32>,
        %mul3A_1788 = arith.mulf %gather3A_1787, %gather3A_1746 : vector<16xf32>
        %add3A_1789 = arith.addf %add3A_1731, %mul3A_1788 : vector<16xf32>
        %gather3A_1790 = tpu.vector_load_idx %arg8[%add3A_389, %broadcast_in_dim3A_1747] : memref<256x64xf32, #tpu.memory_space<vmem>>[vector<16xi32>, vector<16xi32>], vector<16xf32>,
        %mul3A_1791 = arith.mulf %gather3A_1790, %gather3A_1746 : vector<16xf32>
        %add3A_1792 = arith.addf %add3A_1734, %mul3A_1791 : vector<16xf32>
        %gather3A_1793 = tpu.vector_load_idx %arg8[%add3A_392, %broadcast_in_dim3A_1747] : memref<256x64xf32, #tpu.memory_space<vmem>>[vector<16xi32>, vector<16xi32>], vector<16xf32>,
        %mul3A_1794 = arith.mulf %gather3A_1793, %gather3A_1746 : vector<16xf32>
        %add3A_1795 = arith.addf %add3A_1737, %mul3A_1794 : vector<16xf32>
        %mul3A_1796 = arith.constant 16 : i32
        %mul3A_1797 = arith.muli %scan3A_963, %mul3A_1796 : i32
        %add3A_1798 = arith.constant 14 : i32
        %add3A_1799 = arith.addi %mul3A_1797, %add3A_1798 : i32
        %broadcast_in_dim3A_1800 = arith.constant 14 : i32
        %broadcast_in_dim3A_1801 = vector.broadcast %broadcast_in_dim3A_1800 : i32 to vector<16xi32>
        %broadcast_in_dim3A_1802 = vector.shape_cast %broadcast_in_dim3A_1801 : vector<16xi32> to vector<16x1xi32>
        %gather3A_1803 = vector.shape_cast %broadcast_in_dim3A_1802 : vector<16x1xi32> to vector<16xi32>
        %gather3A_1804 = tpu.dynamic_gather %get3A_983[%gather3A_1803] in [0] : vector<16xf32>, vector<16xi32> -> vector<16xf32>
        %broadcast_in_dim3A_1805 = vector.broadcast %add3A_1799 : i32 to vector<16xi32>
        %gather3A_1806 = tpu.vector_load_idx %arg8[%add3A_347, %broadcast_in_dim3A_1805] : memref<256x64xf32, #tpu.memory_space<vmem>>[vector<16xi32>, vector<16xi32>], vector<16xf32>,
        %mul3A_1807 = arith.mulf %gather3A_1806, %gather3A_1804 : vector<16xf32>
        %add3A_1808 = arith.addf %add3A_1750, %mul3A_1807 : vector<16xf32>
        %gather3A_1809 = tpu.vector_load_idx %arg8[%add3A_350, %broadcast_in_dim3A_1805] : memref<256x64xf32, #tpu.memory_space<vmem>>[vector<16xi32>, vector<16xi32>], vector<16xf32>,
        %mul3A_1810 = arith.mulf %gather3A_1809, %gather3A_1804 : vector<16xf32>
        %add3A_1811 = arith.addf %add3A_1753, %mul3A_1810 : vector<16xf32>
        %gather3A_1812 = tpu.vector_load_idx %arg8[%add3A_353, %broadcast_in_dim3A_1805] : memref<256x64xf32, #tpu.memory_space<vmem>>[vector<16xi32>, vector<16xi32>], vector<16xf32>,
        %mul3A_1813 = arith.mulf %gather3A_1812, %gather3A_1804 : vector<16xf32>
        %add3A_1814 = arith.addf %add3A_1756, %mul3A_1813 : vector<16xf32>
        %gather3A_1815 = tpu.vector_load_idx %arg8[%add3A_356, %broadcast_in_dim3A_1805] : memref<256x64xf32, #tpu.memory_space<vmem>>[vector<16xi32>, vector<16xi32>], vector<16xf32>,
        %mul3A_1816 = arith.mulf %gather3A_1815, %gather3A_1804 : vector<16xf32>
        %add3A_1817 = arith.addf %add3A_1759, %mul3A_1816 : vector<16xf32>
        %gather3A_1818 = tpu.vector_load_idx %arg8[%add3A_359, %broadcast_in_dim3A_1805] : memref<256x64xf32, #tpu.memory_space<vmem>>[vector<16xi32>, vector<16xi32>], vector<16xf32>,
        %mul3A_1819 = arith.mulf %gather3A_1818, %gather3A_1804 : vector<16xf32>
        %add3A_1820 = arith.addf %add3A_1762, %mul3A_1819 : vector<16xf32>
        %gather3A_1821 = tpu.vector_load_idx %arg8[%add3A_362, %broadcast_in_dim3A_1805] : memref<256x64xf32, #tpu.memory_space<vmem>>[vector<16xi32>, vector<16xi32>], vector<16xf32>,
        %mul3A_1822 = arith.mulf %gather3A_1821, %gather3A_1804 : vector<16xf32>
        %add3A_1823 = arith.addf %add3A_1765, %mul3A_1822 : vector<16xf32>
        %gather3A_1824 = tpu.vector_load_idx %arg8[%add3A_365, %broadcast_in_dim3A_1805] : memref<256x64xf32, #tpu.memory_space<vmem>>[vector<16xi32>, vector<16xi32>], vector<16xf32>,
        %mul3A_1825 = arith.mulf %gather3A_1824, %gather3A_1804 : vector<16xf32>
        %add3A_1826 = arith.addf %add3A_1768, %mul3A_1825 : vector<16xf32>
        %gather3A_1827 = tpu.vector_load_idx %arg8[%add3A_368, %broadcast_in_dim3A_1805] : memref<256x64xf32, #tpu.memory_space<vmem>>[vector<16xi32>, vector<16xi32>], vector<16xf32>,
        %mul3A_1828 = arith.mulf %gather3A_1827, %gather3A_1804 : vector<16xf32>
        %add3A_1829 = arith.addf %add3A_1771, %mul3A_1828 : vector<16xf32>
        %gather3A_1830 = tpu.vector_load_idx %arg8[%add3A_371, %broadcast_in_dim3A_1805] : memref<256x64xf32, #tpu.memory_space<vmem>>[vector<16xi32>, vector<16xi32>], vector<16xf32>,
        %mul3A_1831 = arith.mulf %gather3A_1830, %gather3A_1804 : vector<16xf32>
        %add3A_1832 = arith.addf %add3A_1774, %mul3A_1831 : vector<16xf32>
        %gather3A_1833 = tpu.vector_load_idx %arg8[%add3A_374, %broadcast_in_dim3A_1805] : memref<256x64xf32, #tpu.memory_space<vmem>>[vector<16xi32>, vector<16xi32>], vector<16xf32>,
        %mul3A_1834 = arith.mulf %gather3A_1833, %gather3A_1804 : vector<16xf32>
        %add3A_1835 = arith.addf %add3A_1777, %mul3A_1834 : vector<16xf32>
        %gather3A_1836 = tpu.vector_load_idx %arg8[%add3A_377, %broadcast_in_dim3A_1805] : memref<256x64xf32, #tpu.memory_space<vmem>>[vector<16xi32>, vector<16xi32>], vector<16xf32>,
        %mul3A_1837 = arith.mulf %gather3A_1836, %gather3A_1804 : vector<16xf32>
        %add3A_1838 = arith.addf %add3A_1780, %mul3A_1837 : vector<16xf32>
        %gather3A_1839 = tpu.vector_load_idx %arg8[%add3A_380, %broadcast_in_dim3A_1805] : memref<256x64xf32, #tpu.memory_space<vmem>>[vector<16xi32>, vector<16xi32>], vector<16xf32>,
        %mul3A_1840 = arith.mulf %gather3A_1839, %gather3A_1804 : vector<16xf32>
        %add3A_1841 = arith.addf %add3A_1783, %mul3A_1840 : vector<16xf32>
        %gather3A_1842 = tpu.vector_load_idx %arg8[%add3A_383, %broadcast_in_dim3A_1805] : memref<256x64xf32, #tpu.memory_space<vmem>>[vector<16xi32>, vector<16xi32>], vector<16xf32>,
        %mul3A_1843 = arith.mulf %gather3A_1842, %gather3A_1804 : vector<16xf32>
        %add3A_1844 = arith.addf %add3A_1786, %mul3A_1843 : vector<16xf32>
        %gather3A_1845 = tpu.vector_load_idx %arg8[%add3A_386, %broadcast_in_dim3A_1805] : memref<256x64xf32, #tpu.memory_space<vmem>>[vector<16xi32>, vector<16xi32>], vector<16xf32>,
        %mul3A_1846 = arith.mulf %gather3A_1845, %gather3A_1804 : vector<16xf32>
        %add3A_1847 = arith.addf %add3A_1789, %mul3A_1846 : vector<16xf32>
        %gather3A_1848 = tpu.vector_load_idx %arg8[%add3A_389, %broadcast_in_dim3A_1805] : memref<256x64xf32, #tpu.memory_space<vmem>>[vector<16xi32>, vector<16xi32>], vector<16xf32>,
        %mul3A_1849 = arith.mulf %gather3A_1848, %gather3A_1804 : vector<16xf32>
        %add3A_1850 = arith.addf %add3A_1792, %mul3A_1849 : vector<16xf32>
        %gather3A_1851 = tpu.vector_load_idx %arg8[%add3A_392, %broadcast_in_dim3A_1805] : memref<256x64xf32, #tpu.memory_space<vmem>>[vector<16xi32>, vector<16xi32>], vector<16xf32>,
        %mul3A_1852 = arith.mulf %gather3A_1851, %gather3A_1804 : vector<16xf32>
        %add3A_1853 = arith.addf %add3A_1795, %mul3A_1852 : vector<16xf32>
        %mul3A_1854 = arith.constant 16 : i32
        %mul3A_1855 = arith.muli %scan3A_963, %mul3A_1854 : i32
        %add3A_1856 = arith.constant 15 : i32
        %add3A_1857 = arith.addi %mul3A_1855, %add3A_1856 : i32
        %broadcast_in_dim3A_1858 = arith.constant 15 : i32
        %broadcast_in_dim3A_1859 = vector.broadcast %broadcast_in_dim3A_1858 : i32 to vector<16xi32>
        %broadcast_in_dim3A_1860 = vector.shape_cast %broadcast_in_dim3A_1859 : vector<16xi32> to vector<16x1xi32>
        %gather3A_1861 = vector.shape_cast %broadcast_in_dim3A_1860 : vector<16x1xi32> to vector<16xi32>
        %gather3A_1862 = tpu.dynamic_gather %get3A_983[%gather3A_1861] in [0] : vector<16xf32>, vector<16xi32> -> vector<16xf32>
        %broadcast_in_dim3A_1863 = vector.broadcast %add3A_1857 : i32 to vector<16xi32>
        %gather3A_1864 = tpu.vector_load_idx %arg8[%add3A_347, %broadcast_in_dim3A_1863] : memref<256x64xf32, #tpu.memory_space<vmem>>[vector<16xi32>, vector<16xi32>], vector<16xf32>,
        %mul3A_1865 = arith.mulf %gather3A_1864, %gather3A_1862 : vector<16xf32>
        %add3A_1866 = arith.addf %add3A_1808, %mul3A_1865 : vector<16xf32>
        %gather3A_1867 = tpu.vector_load_idx %arg8[%add3A_350, %broadcast_in_dim3A_1863] : memref<256x64xf32, #tpu.memory_space<vmem>>[vector<16xi32>, vector<16xi32>], vector<16xf32>,
        %mul3A_1868 = arith.mulf %gather3A_1867, %gather3A_1862 : vector<16xf32>
        %add3A_1869 = arith.addf %add3A_1811, %mul3A_1868 : vector<16xf32>
        %gather3A_1870 = tpu.vector_load_idx %arg8[%add3A_353, %broadcast_in_dim3A_1863] : memref<256x64xf32, #tpu.memory_space<vmem>>[vector<16xi32>, vector<16xi32>], vector<16xf32>,
        %mul3A_1871 = arith.mulf %gather3A_1870, %gather3A_1862 : vector<16xf32>
        %add3A_1872 = arith.addf %add3A_1814, %mul3A_1871 : vector<16xf32>
        %gather3A_1873 = tpu.vector_load_idx %arg8[%add3A_356, %broadcast_in_dim3A_1863] : memref<256x64xf32, #tpu.memory_space<vmem>>[vector<16xi32>, vector<16xi32>], vector<16xf32>,
        %mul3A_1874 = arith.mulf %gather3A_1873, %gather3A_1862 : vector<16xf32>
        %add3A_1875 = arith.addf %add3A_1817, %mul3A_1874 : vector<16xf32>
        %gather3A_1876 = tpu.vector_load_idx %arg8[%add3A_359, %broadcast_in_dim3A_1863] : memref<256x64xf32, #tpu.memory_space<vmem>>[vector<16xi32>, vector<16xi32>], vector<16xf32>,
        %mul3A_1877 = arith.mulf %gather3A_1876, %gather3A_1862 : vector<16xf32>
        %add3A_1878 = arith.addf %add3A_1820, %mul3A_1877 : vector<16xf32>
        %gather3A_1879 = tpu.vector_load_idx %arg8[%add3A_362, %broadcast_in_dim3A_1863] : memref<256x64xf32, #tpu.memory_space<vmem>>[vector<16xi32>, vector<16xi32>], vector<16xf32>,
        %mul3A_1880 = arith.mulf %gather3A_1879, %gather3A_1862 : vector<16xf32>
        %add3A_1881 = arith.addf %add3A_1823, %mul3A_1880 : vector<16xf32>
        %gather3A_1882 = tpu.vector_load_idx %arg8[%add3A_365, %broadcast_in_dim3A_1863] : memref<256x64xf32, #tpu.memory_space<vmem>>[vector<16xi32>, vector<16xi32>], vector<16xf32>,
        %mul3A_1883 = arith.mulf %gather3A_1882, %gather3A_1862 : vector<16xf32>
        %add3A_1884 = arith.addf %add3A_1826, %mul3A_1883 : vector<16xf32>
        %gather3A_1885 = tpu.vector_load_idx %arg8[%add3A_368, %broadcast_in_dim3A_1863] : memref<256x64xf32, #tpu.memory_space<vmem>>[vector<16xi32>, vector<16xi32>], vector<16xf32>,
        %mul3A_1886 = arith.mulf %gather3A_1885, %gather3A_1862 : vector<16xf32>
        %add3A_1887 = arith.addf %add3A_1829, %mul3A_1886 : vector<16xf32>
        %gather3A_1888 = tpu.vector_load_idx %arg8[%add3A_371, %broadcast_in_dim3A_1863] : memref<256x64xf32, #tpu.memory_space<vmem>>[vector<16xi32>, vector<16xi32>], vector<16xf32>,
        %mul3A_1889 = arith.mulf %gather3A_1888, %gather3A_1862 : vector<16xf32>
        %add3A_1890 = arith.addf %add3A_1832, %mul3A_1889 : vector<16xf32>
        %gather3A_1891 = tpu.vector_load_idx %arg8[%add3A_374, %broadcast_in_dim3A_1863] : memref<256x64xf32, #tpu.memory_space<vmem>>[vector<16xi32>, vector<16xi32>], vector<16xf32>,
        %mul3A_1892 = arith.mulf %gather3A_1891, %gather3A_1862 : vector<16xf32>
        %add3A_1893 = arith.addf %add3A_1835, %mul3A_1892 : vector<16xf32>
        %gather3A_1894 = tpu.vector_load_idx %arg8[%add3A_377, %broadcast_in_dim3A_1863] : memref<256x64xf32, #tpu.memory_space<vmem>>[vector<16xi32>, vector<16xi32>], vector<16xf32>,
        %mul3A_1895 = arith.mulf %gather3A_1894, %gather3A_1862 : vector<16xf32>
        %add3A_1896 = arith.addf %add3A_1838, %mul3A_1895 : vector<16xf32>
        %gather3A_1897 = tpu.vector_load_idx %arg8[%add3A_380, %broadcast_in_dim3A_1863] : memref<256x64xf32, #tpu.memory_space<vmem>>[vector<16xi32>, vector<16xi32>], vector<16xf32>,
        %mul3A_1898 = arith.mulf %gather3A_1897, %gather3A_1862 : vector<16xf32>
        %add3A_1899 = arith.addf %add3A_1841, %mul3A_1898 : vector<16xf32>
        %gather3A_1900 = tpu.vector_load_idx %arg8[%add3A_383, %broadcast_in_dim3A_1863] : memref<256x64xf32, #tpu.memory_space<vmem>>[vector<16xi32>, vector<16xi32>], vector<16xf32>,
        %mul3A_1901 = arith.mulf %gather3A_1900, %gather3A_1862 : vector<16xf32>
        %add3A_1902 = arith.addf %add3A_1844, %mul3A_1901 : vector<16xf32>
        %gather3A_1903 = tpu.vector_load_idx %arg8[%add3A_386, %broadcast_in_dim3A_1863] : memref<256x64xf32, #tpu.memory_space<vmem>>[vector<16xi32>, vector<16xi32>], vector<16xf32>,
        %mul3A_1904 = arith.mulf %gather3A_1903, %gather3A_1862 : vector<16xf32>
        %add3A_1905 = arith.addf %add3A_1847, %mul3A_1904 : vector<16xf32>
        %gather3A_1906 = tpu.vector_load_idx %arg8[%add3A_389, %broadcast_in_dim3A_1863] : memref<256x64xf32, #tpu.memory_space<vmem>>[vector<16xi32>, vector<16xi32>], vector<16xf32>,
        %mul3A_1907 = arith.mulf %gather3A_1906, %gather3A_1862 : vector<16xf32>
        %add3A_1908 = arith.addf %add3A_1850, %mul3A_1907 : vector<16xf32>
        %gather3A_1909 = tpu.vector_load_idx %arg8[%add3A_392, %broadcast_in_dim3A_1863] : memref<256x64xf32, #tpu.memory_space<vmem>>[vector<16xi32>, vector<16xi32>], vector<16xf32>,
        %mul3A_1910 = arith.mulf %gather3A_1909, %gather3A_1862 : vector<16xf32>
        %add3A_1911 = arith.addf %add3A_1853, %mul3A_1910 : vector<16xf32>
        scf.yield %add3A_1866, %add3A_1869, %add3A_1872, %add3A_1875, %add3A_1878, %add3A_1881, %add3A_1884, %add3A_1887, %add3A_1890, %add3A_1893, %add3A_1896, %add3A_1899, %add3A_1902, %add3A_1905, %add3A_1908, %add3A_1911 : vector<16xf32>, vector<16xf32>, vector<16xf32>, vector<16xf32>, vector<16xf32>, vector<16xf32>, vector<16xf32>, vector<16xf32>, vector<16xf32>, vector<16xf32>, vector<16xf32>, vector<16xf32>, vector<16xf32>, vector<16xf32>, vector<16xf32>, vector<16xf32>
      }
      %scan3A_398 = arith.constant 4 : i32
      %broadcast_in_dim3A_399 = arith.constant -3.000000e+38 : f32
      %broadcast_in_dim3A_400 = vector.broadcast %broadcast_in_dim3A_399 : f32 to vector<16xf32>
      %broadcast_in_dim3A_401 = arith.constant 0 : i32
      %broadcast_in_dim3A_402 = vector.broadcast %broadcast_in_dim3A_401 : i32 to vector<16xi32>
      %div3A = arith.constant 2.000000e-01 : f32
      %div3A_403 = vector.broadcast %div3A : f32 to vector<16xf32>
      %div3A_404 = arith.divf %scan3A_397#0, %div3A_403 : vector<16xf32>
      %lt3A_405 = arith.constant 100000 : i32
      %lt3A_406 = vector.broadcast %lt3A_405 : i32 to vector<16xi32>
      %lt3A_407 = arith.cmpi slt, %add3A_165, %lt3A_406 : vector<16xi32>
      %jit3A = arith.constant -1.000000e+30 : f32
      %broadcast_in_dim3A_408 = vector.broadcast %jit3A : f32 to vector<16xf32>
      %select_n3A_409 = arith.select %lt3A_407, %div3A_404, %broadcast_in_dim3A_408 : vector<16xi1>, vector<16xf32>
      %masked_sort3A_410 = arith.constant dense<true> : vector<16xi1>
      %masked_sort3A_411, %masked_sort3A_412, %masked_sort3A_413 = tpu.sort %select_n3A_409, %add3A_165 masked %masked_sort3A_410 : (vector<16xf32>, vector<16xi32>, vector<16xi1>) -> (vector<16xi1>, vector<16xf32>, vector<16xi32>)
      %rev3A_414 = arith.constant 15 : i32
      %rev3A_415 = vector.broadcast %rev3A_414 : i32 to vector<16xi32>
      %rev3A_416 = tpu.iota {dimensions = array<i32: 0>} : vector<16xi32>
      %rev3A_417 = arith.subi %rev3A_415, %rev3A_416 : vector<16xi32>
      %rev3A_418 = tpu.dynamic_gather %masked_sort3A_412[%rev3A_417] in [0] : vector<16xf32>, vector<16xi32> -> vector<16xf32>
      %rev3A_419 = arith.constant 15 : i32
      %rev3A_420 = vector.broadcast %rev3A_419 : i32 to vector<16xi32>
      %rev3A_421 = tpu.iota {dimensions = array<i32: 0>} : vector<16xi32>
      %rev3A_422 = arith.subi %rev3A_420, %rev3A_421 : vector<16xi32>
      %rev3A_423 = tpu.dynamic_gather %masked_sort3A_413[%rev3A_422] in [0] : vector<16xi32>, vector<16xi32> -> vector<16xi32>
      %ge3A_424 = arith.cmpf oge, %broadcast_in_dim3A_400, %rev3A_418 : vector<16xf32>
      %select_n3A_425 = arith.select %ge3A_424, %broadcast_in_dim3A_400, %rev3A_418 : vector<16xi1>, vector<16xf32>
      %select_n3A_426 = arith.select %ge3A_424, %broadcast_in_dim3A_402, %rev3A_423 : vector<16xi1>, vector<16xi32>
      %masked_sort3A_427 = arith.constant dense<true> : vector<16xi1>
      %masked_sort3A_428, %masked_sort3A_429, %masked_sort3A_430 = tpu.sort %select_n3A_425, %select_n3A_426 masked %masked_sort3A_427 : (vector<16xf32>, vector<16xi32>, vector<16xi1>) -> (vector<16xi1>, vector<16xf32>, vector<16xi32>)
      %div3A_431 = arith.constant 2.000000e-01 : f32
      %div3A_432 = vector.broadcast %div3A_431 : f32 to vector<16xf32>
      %div3A_433 = arith.divf %scan3A_397#1, %div3A_432 : vector<16xf32>
      %lt3A_434 = arith.constant 100000 : i32
      %lt3A_435 = vector.broadcast %lt3A_434 : i32 to vector<16xi32>
      %lt3A_436 = arith.cmpi slt, %add3A_168, %lt3A_435 : vector<16xi32>
      %jit3A_437 = arith.constant -1.000000e+30 : f32
      %broadcast_in_dim3A_438 = vector.broadcast %jit3A_437 : f32 to vector<16xf32>
      %select_n3A_439 = arith.select %lt3A_436, %div3A_433, %broadcast_in_dim3A_438 : vector<16xi1>, vector<16xf32>
      %masked_sort3A_440 = arith.constant dense<true> : vector<16xi1>
      %masked_sort3A_441, %masked_sort3A_442, %masked_sort3A_443 = tpu.sort %select_n3A_439, %add3A_168 masked %masked_sort3A_440 : (vector<16xf32>, vector<16xi32>, vector<16xi1>) -> (vector<16xi1>, vector<16xf32>, vector<16xi32>)
      %rev3A_444 = arith.constant 15 : i32
      %rev3A_445 = vector.broadcast %rev3A_444 : i32 to vector<16xi32>
      %rev3A_446 = tpu.iota {dimensions = array<i32: 0>} : vector<16xi32>
      %rev3A_447 = arith.subi %rev3A_445, %rev3A_446 : vector<16xi32>
      %rev3A_448 = tpu.dynamic_gather %masked_sort3A_442[%rev3A_447] in [0] : vector<16xf32>, vector<16xi32> -> vector<16xf32>
      %rev3A_449 = arith.constant 15 : i32
      %rev3A_450 = vector.broadcast %rev3A_449 : i32 to vector<16xi32>
      %rev3A_451 = tpu.iota {dimensions = array<i32: 0>} : vector<16xi32>
      %rev3A_452 = arith.subi %rev3A_450, %rev3A_451 : vector<16xi32>
      %rev3A_453 = tpu.dynamic_gather %masked_sort3A_443[%rev3A_452] in [0] : vector<16xi32>, vector<16xi32> -> vector<16xi32>
      %ge3A_454 = arith.cmpf oge, %masked_sort3A_429, %rev3A_448 : vector<16xf32>
      %select_n3A_455 = arith.select %ge3A_454, %masked_sort3A_429, %rev3A_448 : vector<16xi1>, vector<16xf32>
      %select_n3A_456 = arith.select %ge3A_454, %masked_sort3A_430, %rev3A_453 : vector<16xi1>, vector<16xi32>
      %masked_sort3A_457 = arith.constant dense<true> : vector<16xi1>
      %masked_sort3A_458, %masked_sort3A_459, %masked_sort3A_460 = tpu.sort %select_n3A_455, %select_n3A_456 masked %masked_sort3A_457 : (vector<16xf32>, vector<16xi32>, vector<16xi1>) -> (vector<16xi1>, vector<16xf32>, vector<16xi32>)
      %div3A_461 = arith.constant 2.000000e-01 : f32
      %div3A_462 = vector.broadcast %div3A_461 : f32 to vector<16xf32>
      %div3A_463 = arith.divf %scan3A_397#2, %div3A_462 : vector<16xf32>
      %lt3A_464 = arith.constant 100000 : i32
      %lt3A_465 = vector.broadcast %lt3A_464 : i32 to vector<16xi32>
      %lt3A_466 = arith.cmpi slt, %add3A_171, %lt3A_465 : vector<16xi32>
      %jit3A_467 = arith.constant -1.000000e+30 : f32
      %broadcast_in_dim3A_468 = vector.broadcast %jit3A_467 : f32 to vector<16xf32>
      %select_n3A_469 = arith.select %lt3A_466, %div3A_463, %broadcast_in_dim3A_468 : vector<16xi1>, vector<16xf32>
      %masked_sort3A_470 = arith.constant dense<true> : vector<16xi1>
      %masked_sort3A_471, %masked_sort3A_472, %masked_sort3A_473 = tpu.sort %select_n3A_469, %add3A_171 masked %masked_sort3A_470 : (vector<16xf32>, vector<16xi32>, vector<16xi1>) -> (vector<16xi1>, vector<16xf32>, vector<16xi32>)
      %rev3A_474 = arith.constant 15 : i32
      %rev3A_475 = vector.broadcast %rev3A_474 : i32 to vector<16xi32>
      %rev3A_476 = tpu.iota {dimensions = array<i32: 0>} : vector<16xi32>
      %rev3A_477 = arith.subi %rev3A_475, %rev3A_476 : vector<16xi32>
      %rev3A_478 = tpu.dynamic_gather %masked_sort3A_472[%rev3A_477] in [0] : vector<16xf32>, vector<16xi32> -> vector<16xf32>
      %rev3A_479 = arith.constant 15 : i32
      %rev3A_480 = vector.broadcast %rev3A_479 : i32 to vector<16xi32>
      %rev3A_481 = tpu.iota {dimensions = array<i32: 0>} : vector<16xi32>
      %rev3A_482 = arith.subi %rev3A_480, %rev3A_481 : vector<16xi32>
      %rev3A_483 = tpu.dynamic_gather %masked_sort3A_473[%rev3A_482] in [0] : vector<16xi32>, vector<16xi32> -> vector<16xi32>
      %ge3A_484 = arith.cmpf oge, %masked_sort3A_459, %rev3A_478 : vector<16xf32>
      %select_n3A_485 = arith.select %ge3A_484, %masked_sort3A_459, %rev3A_478 : vector<16xi1>, vector<16xf32>
      %select_n3A_486 = arith.select %ge3A_484, %masked_sort3A_460, %rev3A_483 : vector<16xi1>, vector<16xi32>
      %masked_sort3A_487 = arith.constant dense<true> : vector<16xi1>
      %masked_sort3A_488, %masked_sort3A_489, %masked_sort3A_490 = tpu.sort %select_n3A_485, %select_n3A_486 masked %masked_sort3A_487 : (vector<16xf32>, vector<16xi32>, vector<16xi1>) -> (vector<16xi1>, vector<16xf32>, vector<16xi32>)
      %div3A_491 = arith.constant 2.000000e-01 : f32
      %div3A_492 = vector.broadcast %div3A_491 : f32 to vector<16xf32>
      %div3A_493 = arith.divf %scan3A_397#3, %div3A_492 : vector<16xf32>
      %lt3A_494 = arith.constant 100000 : i32
      %lt3A_495 = vector.broadcast %lt3A_494 : i32 to vector<16xi32>
      %lt3A_496 = arith.cmpi slt, %add3A_174, %lt3A_495 : vector<16xi32>
      %jit3A_497 = arith.constant -1.000000e+30 : f32
      %broadcast_in_dim3A_498 = vector.broadcast %jit3A_497 : f32 to vector<16xf32>
      %select_n3A_499 = arith.select %lt3A_496, %div3A_493, %broadcast_in_dim3A_498 : vector<16xi1>, vector<16xf32>
      %masked_sort3A_500 = arith.constant dense<true> : vector<16xi1>
      %masked_sort3A_501, %masked_sort3A_502, %masked_sort3A_503 = tpu.sort %select_n3A_499, %add3A_174 masked %masked_sort3A_500 : (vector<16xf32>, vector<16xi32>, vector<16xi1>) -> (vector<16xi1>, vector<16xf32>, vector<16xi32>)
      %rev3A_504 = arith.constant 15 : i32
      %rev3A_505 = vector.broadcast %rev3A_504 : i32 to vector<16xi32>
      %rev3A_506 = tpu.iota {dimensions = array<i32: 0>} : vector<16xi32>
      %rev3A_507 = arith.subi %rev3A_505, %rev3A_506 : vector<16xi32>
      %rev3A_508 = tpu.dynamic_gather %masked_sort3A_502[%rev3A_507] in [0] : vector<16xf32>, vector<16xi32> -> vector<16xf32>
      %rev3A_509 = arith.constant 15 : i32
      %rev3A_510 = vector.broadcast %rev3A_509 : i32 to vector<16xi32>
      %rev3A_511 = tpu.iota {dimensions = array<i32: 0>} : vector<16xi32>
      %rev3A_512 = arith.subi %rev3A_510, %rev3A_511 : vector<16xi32>
      %rev3A_513 = tpu.dynamic_gather %masked_sort3A_503[%rev3A_512] in [0] : vector<16xi32>, vector<16xi32> -> vector<16xi32>
      %ge3A_514 = arith.cmpf oge, %masked_sort3A_489, %rev3A_508 : vector<16xf32>
      %select_n3A_515 = arith.select %ge3A_514, %masked_sort3A_489, %rev3A_508 : vector<16xi1>, vector<16xf32>
      %select_n3A_516 = arith.select %ge3A_514, %masked_sort3A_490, %rev3A_513 : vector<16xi1>, vector<16xi32>
      %masked_sort3A_517 = arith.constant dense<true> : vector<16xi1>
      %masked_sort3A_518, %masked_sort3A_519, %masked_sort3A_520 = tpu.sort %select_n3A_515, %select_n3A_516 masked %masked_sort3A_517 : (vector<16xf32>, vector<16xi32>, vector<16xi1>) -> (vector<16xi1>, vector<16xf32>, vector<16xi32>)
      %div3A_521 = arith.constant 2.000000e-01 : f32
      %div3A_522 = vector.broadcast %div3A_521 : f32 to vector<16xf32>
      %div3A_523 = arith.divf %scan3A_397#4, %div3A_522 : vector<16xf32>
      %lt3A_524 = arith.constant 100000 : i32
      %lt3A_525 = vector.broadcast %lt3A_524 : i32 to vector<16xi32>
      %lt3A_526 = arith.cmpi slt, %add3A_177, %lt3A_525 : vector<16xi32>
      %jit3A_527 = arith.constant -1.000000e+30 : f32
      %broadcast_in_dim3A_528 = vector.broadcast %jit3A_527 : f32 to vector<16xf32>
      %select_n3A_529 = arith.select %lt3A_526, %div3A_523, %broadcast_in_dim3A_528 : vector<16xi1>, vector<16xf32>
      %masked_sort3A_530 = arith.constant dense<true> : vector<16xi1>
      %masked_sort3A_531, %masked_sort3A_532, %masked_sort3A_533 = tpu.sort %select_n3A_529, %add3A_177 masked %masked_sort3A_530 : (vector<16xf32>, vector<16xi32>, vector<16xi1>) -> (vector<16xi1>, vector<16xf32>, vector<16xi32>)
      %rev3A_534 = arith.constant 15 : i32
      %rev3A_535 = vector.broadcast %rev3A_534 : i32 to vector<16xi32>
      %rev3A_536 = tpu.iota {dimensions = array<i32: 0>} : vector<16xi32>
      %rev3A_537 = arith.subi %rev3A_535, %rev3A_536 : vector<16xi32>
      %rev3A_538 = tpu.dynamic_gather %masked_sort3A_532[%rev3A_537] in [0] : vector<16xf32>, vector<16xi32> -> vector<16xf32>
      %rev3A_539 = arith.constant 15 : i32
      %rev3A_540 = vector.broadcast %rev3A_539 : i32 to vector<16xi32>
      %rev3A_541 = tpu.iota {dimensions = array<i32: 0>} : vector<16xi32>
      %rev3A_542 = arith.subi %rev3A_540, %rev3A_541 : vector<16xi32>
      %rev3A_543 = tpu.dynamic_gather %masked_sort3A_533[%rev3A_542] in [0] : vector<16xi32>, vector<16xi32> -> vector<16xi32>
      %ge3A_544 = arith.cmpf oge, %masked_sort3A_519, %rev3A_538 : vector<16xf32>
      %select_n3A_545 = arith.select %ge3A_544, %masked_sort3A_519, %rev3A_538 : vector<16xi1>, vector<16xf32>
      %select_n3A_546 = arith.select %ge3A_544, %masked_sort3A_520, %rev3A_543 : vector<16xi1>, vector<16xi32>
      %masked_sort3A_547 = arith.constant dense<true> : vector<16xi1>
      %masked_sort3A_548, %masked_sort3A_549, %masked_sort3A_550 = tpu.sort %select_n3A_545, %select_n3A_546 masked %masked_sort3A_547 : (vector<16xf32>, vector<16xi32>, vector<16xi1>) -> (vector<16xi1>, vector<16xf32>, vector<16xi32>)
      %div3A_551 = arith.constant 2.000000e-01 : f32
      %div3A_552 = vector.broadcast %div3A_551 : f32 to vector<16xf32>
      %div3A_553 = arith.divf %scan3A_397#5, %div3A_552 : vector<16xf32>
      %lt3A_554 = arith.constant 100000 : i32
      %lt3A_555 = vector.broadcast %lt3A_554 : i32 to vector<16xi32>
      %lt3A_556 = arith.cmpi slt, %add3A_180, %lt3A_555 : vector<16xi32>
      %jit3A_557 = arith.constant -1.000000e+30 : f32
      %broadcast_in_dim3A_558 = vector.broadcast %jit3A_557 : f32 to vector<16xf32>
      %select_n3A_559 = arith.select %lt3A_556, %div3A_553, %broadcast_in_dim3A_558 : vector<16xi1>, vector<16xf32>
      %masked_sort3A_560 = arith.constant dense<true> : vector<16xi1>
      %masked_sort3A_561, %masked_sort3A_562, %masked_sort3A_563 = tpu.sort %select_n3A_559, %add3A_180 masked %masked_sort3A_560 : (vector<16xf32>, vector<16xi32>, vector<16xi1>) -> (vector<16xi1>, vector<16xf32>, vector<16xi32>)
      %rev3A_564 = arith.constant 15 : i32
      %rev3A_565 = vector.broadcast %rev3A_564 : i32 to vector<16xi32>
      %rev3A_566 = tpu.iota {dimensions = array<i32: 0>} : vector<16xi32>
      %rev3A_567 = arith.subi %rev3A_565, %rev3A_566 : vector<16xi32>
      %rev3A_568 = tpu.dynamic_gather %masked_sort3A_562[%rev3A_567] in [0] : vector<16xf32>, vector<16xi32> -> vector<16xf32>
      %rev3A_569 = arith.constant 15 : i32
      %rev3A_570 = vector.broadcast %rev3A_569 : i32 to vector<16xi32>
      %rev3A_571 = tpu.iota {dimensions = array<i32: 0>} : vector<16xi32>
      %rev3A_572 = arith.subi %rev3A_570, %rev3A_571 : vector<16xi32>
      %rev3A_573 = tpu.dynamic_gather %masked_sort3A_563[%rev3A_572] in [0] : vector<16xi32>, vector<16xi32> -> vector<16xi32>
      %ge3A_574 = arith.cmpf oge, %masked_sort3A_549, %rev3A_568 : vector<16xf32>
      %select_n3A_575 = arith.select %ge3A_574, %masked_sort3A_549, %rev3A_568 : vector<16xi1>, vector<16xf32>
      %select_n3A_576 = arith.select %ge3A_574, %masked_sort3A_550, %rev3A_573 : vector<16xi1>, vector<16xi32>
      %masked_sort3A_577 = arith.constant dense<true> : vector<16xi1>
      %masked_sort3A_578, %masked_sort3A_579, %masked_sort3A_580 = tpu.sort %select_n3A_575, %select_n3A_576 masked %masked_sort3A_577 : (vector<16xf32>, vector<16xi32>, vector<16xi1>) -> (vector<16xi1>, vector<16xf32>, vector<16xi32>)
      %div3A_581 = arith.constant 2.000000e-01 : f32
      %div3A_582 = vector.broadcast %div3A_581 : f32 to vector<16xf32>
      %div3A_583 = arith.divf %scan3A_397#6, %div3A_582 : vector<16xf32>
      %lt3A_584 = arith.constant 100000 : i32
      %lt3A_585 = vector.broadcast %lt3A_584 : i32 to vector<16xi32>
      %lt3A_586 = arith.cmpi slt, %add3A_183, %lt3A_585 : vector<16xi32>
      %jit3A_587 = arith.constant -1.000000e+30 : f32
      %broadcast_in_dim3A_588 = vector.broadcast %jit3A_587 : f32 to vector<16xf32>
      %select_n3A_589 = arith.select %lt3A_586, %div3A_583, %broadcast_in_dim3A_588 : vector<16xi1>, vector<16xf32>
      %masked_sort3A_590 = arith.constant dense<true> : vector<16xi1>
      %masked_sort3A_591, %masked_sort3A_592, %masked_sort3A_593 = tpu.sort %select_n3A_589, %add3A_183 masked %masked_sort3A_590 : (vector<16xf32>, vector<16xi32>, vector<16xi1>) -> (vector<16xi1>, vector<16xf32>, vector<16xi32>)
      %rev3A_594 = arith.constant 15 : i32
      %rev3A_595 = vector.broadcast %rev3A_594 : i32 to vector<16xi32>
      %rev3A_596 = tpu.iota {dimensions = array<i32: 0>} : vector<16xi32>
      %rev3A_597 = arith.subi %rev3A_595, %rev3A_596 : vector<16xi32>
      %rev3A_598 = tpu.dynamic_gather %masked_sort3A_592[%rev3A_597] in [0] : vector<16xf32>, vector<16xi32> -> vector<16xf32>
      %rev3A_599 = arith.constant 15 : i32
      %rev3A_600 = vector.broadcast %rev3A_599 : i32 to vector<16xi32>
      %rev3A_601 = tpu.iota {dimensions = array<i32: 0>} : vector<16xi32>
      %rev3A_602 = arith.subi %rev3A_600, %rev3A_601 : vector<16xi32>
      %rev3A_603 = tpu.dynamic_gather %masked_sort3A_593[%rev3A_602] in [0] : vector<16xi32>, vector<16xi32> -> vector<16xi32>
      %ge3A_604 = arith.cmpf oge, %masked_sort3A_579, %rev3A_598 : vector<16xf32>
      %select_n3A_605 = arith.select %ge3A_604, %masked_sort3A_579, %rev3A_598 : vector<16xi1>, vector<16xf32>
      %select_n3A_606 = arith.select %ge3A_604, %masked_sort3A_580, %rev3A_603 : vector<16xi1>, vector<16xi32>
      %masked_sort3A_607 = arith.constant dense<true> : vector<16xi1>
      %masked_sort3A_608, %masked_sort3A_609, %masked_sort3A_610 = tpu.sort %select_n3A_605, %select_n3A_606 masked %masked_sort3A_607 : (vector<16xf32>, vector<16xi32>, vector<16xi1>) -> (vector<16xi1>, vector<16xf32>, vector<16xi32>)
      %div3A_611 = arith.constant 2.000000e-01 : f32
      %div3A_612 = vector.broadcast %div3A_611 : f32 to vector<16xf32>
      %div3A_613 = arith.divf %scan3A_397#7, %div3A_612 : vector<16xf32>
      %lt3A_614 = arith.constant 100000 : i32
      %lt3A_615 = vector.broadcast %lt3A_614 : i32 to vector<16xi32>
      %lt3A_616 = arith.cmpi slt, %add3A_186, %lt3A_615 : vector<16xi32>
      %jit3A_617 = arith.constant -1.000000e+30 : f32
      %broadcast_in_dim3A_618 = vector.broadcast %jit3A_617 : f32 to vector<16xf32>
      %select_n3A_619 = arith.select %lt3A_616, %div3A_613, %broadcast_in_dim3A_618 : vector<16xi1>, vector<16xf32>
      %masked_sort3A_620 = arith.constant dense<true> : vector<16xi1>
      %masked_sort3A_621, %masked_sort3A_622, %masked_sort3A_623 = tpu.sort %select_n3A_619, %add3A_186 masked %masked_sort3A_620 : (vector<16xf32>, vector<16xi32>, vector<16xi1>) -> (vector<16xi1>, vector<16xf32>, vector<16xi32>)
      %rev3A_624 = arith.constant 15 : i32
      %rev3A_625 = vector.broadcast %rev3A_624 : i32 to vector<16xi32>
      %rev3A_626 = tpu.iota {dimensions = array<i32: 0>} : vector<16xi32>
      %rev3A_627 = arith.subi %rev3A_625, %rev3A_626 : vector<16xi32>
      %rev3A_628 = tpu.dynamic_gather %masked_sort3A_622[%rev3A_627] in [0] : vector<16xf32>, vector<16xi32> -> vector<16xf32>
      %rev3A_629 = arith.constant 15 : i32
      %rev3A_630 = vector.broadcast %rev3A_629 : i32 to vector<16xi32>
      %rev3A_631 = tpu.iota {dimensions = array<i32: 0>} : vector<16xi32>
      %rev3A_632 = arith.subi %rev3A_630, %rev3A_631 : vector<16xi32>
      %rev3A_633 = tpu.dynamic_gather %masked_sort3A_623[%rev3A_632] in [0] : vector<16xi32>, vector<16xi32> -> vector<16xi32>
      %ge3A_634 = arith.cmpf oge, %masked_sort3A_609, %rev3A_628 : vector<16xf32>
      %select_n3A_635 = arith.select %ge3A_634, %masked_sort3A_609, %rev3A_628 : vector<16xi1>, vector<16xf32>
      %select_n3A_636 = arith.select %ge3A_634, %masked_sort3A_610, %rev3A_633 : vector<16xi1>, vector<16xi32>
      %masked_sort3A_637 = arith.constant dense<true> : vector<16xi1>
      %masked_sort3A_638, %masked_sort3A_639, %masked_sort3A_640 = tpu.sort %select_n3A_635, %select_n3A_636 masked %masked_sort3A_637 : (vector<16xf32>, vector<16xi32>, vector<16xi1>) -> (vector<16xi1>, vector<16xf32>, vector<16xi32>)
      %div3A_641 = arith.constant 2.000000e-01 : f32
      %div3A_642 = vector.broadcast %div3A_641 : f32 to vector<16xf32>
      %div3A_643 = arith.divf %scan3A_397#8, %div3A_642 : vector<16xf32>
      %lt3A_644 = arith.constant 100000 : i32
      %lt3A_645 = vector.broadcast %lt3A_644 : i32 to vector<16xi32>
      %lt3A_646 = arith.cmpi slt, %add3A_189, %lt3A_645 : vector<16xi32>
      %jit3A_647 = arith.constant -1.000000e+30 : f32
      %broadcast_in_dim3A_648 = vector.broadcast %jit3A_647 : f32 to vector<16xf32>
      %select_n3A_649 = arith.select %lt3A_646, %div3A_643, %broadcast_in_dim3A_648 : vector<16xi1>, vector<16xf32>
      %masked_sort3A_650 = arith.constant dense<true> : vector<16xi1>
      %masked_sort3A_651, %masked_sort3A_652, %masked_sort3A_653 = tpu.sort %select_n3A_649, %add3A_189 masked %masked_sort3A_650 : (vector<16xf32>, vector<16xi32>, vector<16xi1>) -> (vector<16xi1>, vector<16xf32>, vector<16xi32>)
      %rev3A_654 = arith.constant 15 : i32
      %rev3A_655 = vector.broadcast %rev3A_654 : i32 to vector<16xi32>
      %rev3A_656 = tpu.iota {dimensions = array<i32: 0>} : vector<16xi32>
      %rev3A_657 = arith.subi %rev3A_655, %rev3A_656 : vector<16xi32>
      %rev3A_658 = tpu.dynamic_gather %masked_sort3A_652[%rev3A_657] in [0] : vector<16xf32>, vector<16xi32> -> vector<16xf32>
      %rev3A_659 = arith.constant 15 : i32
      %rev3A_660 = vector.broadcast %rev3A_659 : i32 to vector<16xi32>
      %rev3A_661 = tpu.iota {dimensions = array<i32: 0>} : vector<16xi32>
      %rev3A_662 = arith.subi %rev3A_660, %rev3A_661 : vector<16xi32>
      %rev3A_663 = tpu.dynamic_gather %masked_sort3A_653[%rev3A_662] in [0] : vector<16xi32>, vector<16xi32> -> vector<16xi32>
      %ge3A_664 = arith.cmpf oge, %masked_sort3A_639, %rev3A_658 : vector<16xf32>
      %select_n3A_665 = arith.select %ge3A_664, %masked_sort3A_639, %rev3A_658 : vector<16xi1>, vector<16xf32>
      %select_n3A_666 = arith.select %ge3A_664, %masked_sort3A_640, %rev3A_663 : vector<16xi1>, vector<16xi32>
      %masked_sort3A_667 = arith.constant dense<true> : vector<16xi1>
      %masked_sort3A_668, %masked_sort3A_669, %masked_sort3A_670 = tpu.sort %select_n3A_665, %select_n3A_666 masked %masked_sort3A_667 : (vector<16xf32>, vector<16xi32>, vector<16xi1>) -> (vector<16xi1>, vector<16xf32>, vector<16xi32>)
      %div3A_671 = arith.constant 2.000000e-01 : f32
      %div3A_672 = vector.broadcast %div3A_671 : f32 to vector<16xf32>
      %div3A_673 = arith.divf %scan3A_397#9, %div3A_672 : vector<16xf32>
      %lt3A_674 = arith.constant 100000 : i32
      %lt3A_675 = vector.broadcast %lt3A_674 : i32 to vector<16xi32>
      %lt3A_676 = arith.cmpi slt, %add3A_192, %lt3A_675 : vector<16xi32>
      %jit3A_677 = arith.constant -1.000000e+30 : f32
      %broadcast_in_dim3A_678 = vector.broadcast %jit3A_677 : f32 to vector<16xf32>
      %select_n3A_679 = arith.select %lt3A_676, %div3A_673, %broadcast_in_dim3A_678 : vector<16xi1>, vector<16xf32>
      %masked_sort3A_680 = arith.constant dense<true> : vector<16xi1>
      %masked_sort3A_681, %masked_sort3A_682, %masked_sort3A_683 = tpu.sort %select_n3A_679, %add3A_192 masked %masked_sort3A_680 : (vector<16xf32>, vector<16xi32>, vector<16xi1>) -> (vector<16xi1>, vector<16xf32>, vector<16xi32>)
      %rev3A_684 = arith.constant 15 : i32
      %rev3A_685 = vector.broadcast %rev3A_684 : i32 to vector<16xi32>
      %rev3A_686 = tpu.iota {dimensions = array<i32: 0>} : vector<16xi32>
      %rev3A_687 = arith.subi %rev3A_685, %rev3A_686 : vector<16xi32>
      %rev3A_688 = tpu.dynamic_gather %masked_sort3A_682[%rev3A_687] in [0] : vector<16xf32>, vector<16xi32> -> vector<16xf32>
      %rev3A_689 = arith.constant 15 : i32
      %rev3A_690 = vector.broadcast %rev3A_689 : i32 to vector<16xi32>
      %rev3A_691 = tpu.iota {dimensions = array<i32: 0>} : vector<16xi32>
      %rev3A_692 = arith.subi %rev3A_690, %rev3A_691 : vector<16xi32>
      %rev3A_693 = tpu.dynamic_gather %masked_sort3A_683[%rev3A_692] in [0] : vector<16xi32>, vector<16xi32> -> vector<16xi32>
      %ge3A_694 = arith.cmpf oge, %masked_sort3A_669, %rev3A_688 : vector<16xf32>
      %select_n3A_695 = arith.select %ge3A_694, %masked_sort3A_669, %rev3A_688 : vector<16xi1>, vector<16xf32>
      %select_n3A_696 = arith.select %ge3A_694, %masked_sort3A_670, %rev3A_693 : vector<16xi1>, vector<16xi32>
      %masked_sort3A_697 = arith.constant dense<true> : vector<16xi1>
      %masked_sort3A_698, %masked_sort3A_699, %masked_sort3A_700 = tpu.sort %select_n3A_695, %select_n3A_696 masked %masked_sort3A_697 : (vector<16xf32>, vector<16xi32>, vector<16xi1>) -> (vector<16xi1>, vector<16xf32>, vector<16xi32>)
      %div3A_701 = arith.constant 2.000000e-01 : f32
      %div3A_702 = vector.broadcast %div3A_701 : f32 to vector<16xf32>
      %div3A_703 = arith.divf %scan3A_397#10, %div3A_702 : vector<16xf32>
      %lt3A_704 = arith.constant 100000 : i32
      %lt3A_705 = vector.broadcast %lt3A_704 : i32 to vector<16xi32>
      %lt3A_706 = arith.cmpi slt, %add3A_195, %lt3A_705 : vector<16xi32>
      %jit3A_707 = arith.constant -1.000000e+30 : f32
      %broadcast_in_dim3A_708 = vector.broadcast %jit3A_707 : f32 to vector<16xf32>
      %select_n3A_709 = arith.select %lt3A_706, %div3A_703, %broadcast_in_dim3A_708 : vector<16xi1>, vector<16xf32>
      %masked_sort3A_710 = arith.constant dense<true> : vector<16xi1>
      %masked_sort3A_711, %masked_sort3A_712, %masked_sort3A_713 = tpu.sort %select_n3A_709, %add3A_195 masked %masked_sort3A_710 : (vector<16xf32>, vector<16xi32>, vector<16xi1>) -> (vector<16xi1>, vector<16xf32>, vector<16xi32>)
      %rev3A_714 = arith.constant 15 : i32
      %rev3A_715 = vector.broadcast %rev3A_714 : i32 to vector<16xi32>
      %rev3A_716 = tpu.iota {dimensions = array<i32: 0>} : vector<16xi32>
      %rev3A_717 = arith.subi %rev3A_715, %rev3A_716 : vector<16xi32>
      %rev3A_718 = tpu.dynamic_gather %masked_sort3A_712[%rev3A_717] in [0] : vector<16xf32>, vector<16xi32> -> vector<16xf32>
      %rev3A_719 = arith.constant 15 : i32
      %rev3A_720 = vector.broadcast %rev3A_719 : i32 to vector<16xi32>
      %rev3A_721 = tpu.iota {dimensions = array<i32: 0>} : vector<16xi32>
      %rev3A_722 = arith.subi %rev3A_720, %rev3A_721 : vector<16xi32>
      %rev3A_723 = tpu.dynamic_gather %masked_sort3A_713[%rev3A_722] in [0] : vector<16xi32>, vector<16xi32> -> vector<16xi32>
      %ge3A_724 = arith.cmpf oge, %masked_sort3A_699, %rev3A_718 : vector<16xf32>
      %select_n3A_725 = arith.select %ge3A_724, %masked_sort3A_699, %rev3A_718 : vector<16xi1>, vector<16xf32>
      %select_n3A_726 = arith.select %ge3A_724, %masked_sort3A_700, %rev3A_723 : vector<16xi1>, vector<16xi32>
      %masked_sort3A_727 = arith.constant dense<true> : vector<16xi1>
      %masked_sort3A_728, %masked_sort3A_729, %masked_sort3A_730 = tpu.sort %select_n3A_725, %select_n3A_726 masked %masked_sort3A_727 : (vector<16xf32>, vector<16xi32>, vector<16xi1>) -> (vector<16xi1>, vector<16xf32>, vector<16xi32>)
      %div3A_731 = arith.constant 2.000000e-01 : f32
      %div3A_732 = vector.broadcast %div3A_731 : f32 to vector<16xf32>
      %div3A_733 = arith.divf %scan3A_397#11, %div3A_732 : vector<16xf32>
      %lt3A_734 = arith.constant 100000 : i32
      %lt3A_735 = vector.broadcast %lt3A_734 : i32 to vector<16xi32>
      %lt3A_736 = arith.cmpi slt, %add3A_198, %lt3A_735 : vector<16xi32>
      %jit3A_737 = arith.constant -1.000000e+30 : f32
      %broadcast_in_dim3A_738 = vector.broadcast %jit3A_737 : f32 to vector<16xf32>
      %select_n3A_739 = arith.select %lt3A_736, %div3A_733, %broadcast_in_dim3A_738 : vector<16xi1>, vector<16xf32>
      %masked_sort3A_740 = arith.constant dense<true> : vector<16xi1>
      %masked_sort3A_741, %masked_sort3A_742, %masked_sort3A_743 = tpu.sort %select_n3A_739, %add3A_198 masked %masked_sort3A_740 : (vector<16xf32>, vector<16xi32>, vector<16xi1>) -> (vector<16xi1>, vector<16xf32>, vector<16xi32>)
      %rev3A_744 = arith.constant 15 : i32
      %rev3A_745 = vector.broadcast %rev3A_744 : i32 to vector<16xi32>
      %rev3A_746 = tpu.iota {dimensions = array<i32: 0>} : vector<16xi32>
      %rev3A_747 = arith.subi %rev3A_745, %rev3A_746 : vector<16xi32>
      %rev3A_748 = tpu.dynamic_gather %masked_sort3A_742[%rev3A_747] in [0] : vector<16xf32>, vector<16xi32> -> vector<16xf32>
      %rev3A_749 = arith.constant 15 : i32
      %rev3A_750 = vector.broadcast %rev3A_749 : i32 to vector<16xi32>
      %rev3A_751 = tpu.iota {dimensions = array<i32: 0>} : vector<16xi32>
      %rev3A_752 = arith.subi %rev3A_750, %rev3A_751 : vector<16xi32>
      %rev3A_753 = tpu.dynamic_gather %masked_sort3A_743[%rev3A_752] in [0] : vector<16xi32>, vector<16xi32> -> vector<16xi32>
      %ge3A_754 = arith.cmpf oge, %masked_sort3A_729, %rev3A_748 : vector<16xf32>
      %select_n3A_755 = arith.select %ge3A_754, %masked_sort3A_729, %rev3A_748 : vector<16xi1>, vector<16xf32>
      %select_n3A_756 = arith.select %ge3A_754, %masked_sort3A_730, %rev3A_753 : vector<16xi1>, vector<16xi32>
      %masked_sort3A_757 = arith.constant dense<true> : vector<16xi1>
      %masked_sort3A_758, %masked_sort3A_759, %masked_sort3A_760 = tpu.sort %select_n3A_755, %select_n3A_756 masked %masked_sort3A_757 : (vector<16xf32>, vector<16xi32>, vector<16xi1>) -> (vector<16xi1>, vector<16xf32>, vector<16xi32>)
      %div3A_761 = arith.constant 2.000000e-01 : f32
      %div3A_762 = vector.broadcast %div3A_761 : f32 to vector<16xf32>
      %div3A_763 = arith.divf %scan3A_397#12, %div3A_762 : vector<16xf32>
      %lt3A_764 = arith.constant 100000 : i32
      %lt3A_765 = vector.broadcast %lt3A_764 : i32 to vector<16xi32>
      %lt3A_766 = arith.cmpi slt, %add3A_201, %lt3A_765 : vector<16xi32>
      %jit3A_767 = arith.constant -1.000000e+30 : f32
      %broadcast_in_dim3A_768 = vector.broadcast %jit3A_767 : f32 to vector<16xf32>
      %select_n3A_769 = arith.select %lt3A_766, %div3A_763, %broadcast_in_dim3A_768 : vector<16xi1>, vector<16xf32>
      %masked_sort3A_770 = arith.constant dense<true> : vector<16xi1>
      %masked_sort3A_771, %masked_sort3A_772, %masked_sort3A_773 = tpu.sort %select_n3A_769, %add3A_201 masked %masked_sort3A_770 : (vector<16xf32>, vector<16xi32>, vector<16xi1>) -> (vector<16xi1>, vector<16xf32>, vector<16xi32>)
      %rev3A_774 = arith.constant 15 : i32
      %rev3A_775 = vector.broadcast %rev3A_774 : i32 to vector<16xi32>
      %rev3A_776 = tpu.iota {dimensions = array<i32: 0>} : vector<16xi32>
      %rev3A_777 = arith.subi %rev3A_775, %rev3A_776 : vector<16xi32>
      %rev3A_778 = tpu.dynamic_gather %masked_sort3A_772[%rev3A_777] in [0] : vector<16xf32>, vector<16xi32> -> vector<16xf32>
      %rev3A_779 = arith.constant 15 : i32
      %rev3A_780 = vector.broadcast %rev3A_779 : i32 to vector<16xi32>
      %rev3A_781 = tpu.iota {dimensions = array<i32: 0>} : vector<16xi32>
      %rev3A_782 = arith.subi %rev3A_780, %rev3A_781 : vector<16xi32>
      %rev3A_783 = tpu.dynamic_gather %masked_sort3A_773[%rev3A_782] in [0] : vector<16xi32>, vector<16xi32> -> vector<16xi32>
      %ge3A_784 = arith.cmpf oge, %masked_sort3A_759, %rev3A_778 : vector<16xf32>
      %select_n3A_785 = arith.select %ge3A_784, %masked_sort3A_759, %rev3A_778 : vector<16xi1>, vector<16xf32>
      %select_n3A_786 = arith.select %ge3A_784, %masked_sort3A_760, %rev3A_783 : vector<16xi1>, vector<16xi32>
      %masked_sort3A_787 = arith.constant dense<true> : vector<16xi1>
      %masked_sort3A_788, %masked_sort3A_789, %masked_sort3A_790 = tpu.sort %select_n3A_785, %select_n3A_786 masked %masked_sort3A_787 : (vector<16xf32>, vector<16xi32>, vector<16xi1>) -> (vector<16xi1>, vector<16xf32>, vector<16xi32>)
      %div3A_791 = arith.constant 2.000000e-01 : f32
      %div3A_792 = vector.broadcast %div3A_791 : f32 to vector<16xf32>
      %div3A_793 = arith.divf %scan3A_397#13, %div3A_792 : vector<16xf32>
      %lt3A_794 = arith.constant 100000 : i32
      %lt3A_795 = vector.broadcast %lt3A_794 : i32 to vector<16xi32>
      %lt3A_796 = arith.cmpi slt, %add3A_204, %lt3A_795 : vector<16xi32>
      %jit3A_797 = arith.constant -1.000000e+30 : f32
      %broadcast_in_dim3A_798 = vector.broadcast %jit3A_797 : f32 to vector<16xf32>
      %select_n3A_799 = arith.select %lt3A_796, %div3A_793, %broadcast_in_dim3A_798 : vector<16xi1>, vector<16xf32>
      %masked_sort3A_800 = arith.constant dense<true> : vector<16xi1>
      %masked_sort3A_801, %masked_sort3A_802, %masked_sort3A_803 = tpu.sort %select_n3A_799, %add3A_204 masked %masked_sort3A_800 : (vector<16xf32>, vector<16xi32>, vector<16xi1>) -> (vector<16xi1>, vector<16xf32>, vector<16xi32>)
      %rev3A_804 = arith.constant 15 : i32
      %rev3A_805 = vector.broadcast %rev3A_804 : i32 to vector<16xi32>
      %rev3A_806 = tpu.iota {dimensions = array<i32: 0>} : vector<16xi32>
      %rev3A_807 = arith.subi %rev3A_805, %rev3A_806 : vector<16xi32>
      %rev3A_808 = tpu.dynamic_gather %masked_sort3A_802[%rev3A_807] in [0] : vector<16xf32>, vector<16xi32> -> vector<16xf32>
      %rev3A_809 = arith.constant 15 : i32
      %rev3A_810 = vector.broadcast %rev3A_809 : i32 to vector<16xi32>
      %rev3A_811 = tpu.iota {dimensions = array<i32: 0>} : vector<16xi32>
      %rev3A_812 = arith.subi %rev3A_810, %rev3A_811 : vector<16xi32>
      %rev3A_813 = tpu.dynamic_gather %masked_sort3A_803[%rev3A_812] in [0] : vector<16xi32>, vector<16xi32> -> vector<16xi32>
      %ge3A_814 = arith.cmpf oge, %masked_sort3A_789, %rev3A_808 : vector<16xf32>
      %select_n3A_815 = arith.select %ge3A_814, %masked_sort3A_789, %rev3A_808 : vector<16xi1>, vector<16xf32>
      %select_n3A_816 = arith.select %ge3A_814, %masked_sort3A_790, %rev3A_813 : vector<16xi1>, vector<16xi32>
      %masked_sort3A_817 = arith.constant dense<true> : vector<16xi1>
      %masked_sort3A_818, %masked_sort3A_819, %masked_sort3A_820 = tpu.sort %select_n3A_815, %select_n3A_816 masked %masked_sort3A_817 : (vector<16xf32>, vector<16xi32>, vector<16xi1>) -> (vector<16xi1>, vector<16xf32>, vector<16xi32>)
      %div3A_821 = arith.constant 2.000000e-01 : f32
      %div3A_822 = vector.broadcast %div3A_821 : f32 to vector<16xf32>
      %div3A_823 = arith.divf %scan3A_397#14, %div3A_822 : vector<16xf32>
      %lt3A_824 = arith.constant 100000 : i32
      %lt3A_825 = vector.broadcast %lt3A_824 : i32 to vector<16xi32>
      %lt3A_826 = arith.cmpi slt, %add3A_207, %lt3A_825 : vector<16xi32>
      %jit3A_827 = arith.constant -1.000000e+30 : f32
      %broadcast_in_dim3A_828 = vector.broadcast %jit3A_827 : f32 to vector<16xf32>
      %select_n3A_829 = arith.select %lt3A_826, %div3A_823, %broadcast_in_dim3A_828 : vector<16xi1>, vector<16xf32>
      %masked_sort3A_830 = arith.constant dense<true> : vector<16xi1>
      %masked_sort3A_831, %masked_sort3A_832, %masked_sort3A_833 = tpu.sort %select_n3A_829, %add3A_207 masked %masked_sort3A_830 : (vector<16xf32>, vector<16xi32>, vector<16xi1>) -> (vector<16xi1>, vector<16xf32>, vector<16xi32>)
      %rev3A_834 = arith.constant 15 : i32
      %rev3A_835 = vector.broadcast %rev3A_834 : i32 to vector<16xi32>
      %rev3A_836 = tpu.iota {dimensions = array<i32: 0>} : vector<16xi32>
      %rev3A_837 = arith.subi %rev3A_835, %rev3A_836 : vector<16xi32>
      %rev3A_838 = tpu.dynamic_gather %masked_sort3A_832[%rev3A_837] in [0] : vector<16xf32>, vector<16xi32> -> vector<16xf32>
      %rev3A_839 = arith.constant 15 : i32
      %rev3A_840 = vector.broadcast %rev3A_839 : i32 to vector<16xi32>
      %rev3A_841 = tpu.iota {dimensions = array<i32: 0>} : vector<16xi32>
      %rev3A_842 = arith.subi %rev3A_840, %rev3A_841 : vector<16xi32>
      %rev3A_843 = tpu.dynamic_gather %masked_sort3A_833[%rev3A_842] in [0] : vector<16xi32>, vector<16xi32> -> vector<16xi32>
      %ge3A_844 = arith.cmpf oge, %masked_sort3A_819, %rev3A_838 : vector<16xf32>
      %select_n3A_845 = arith.select %ge3A_844, %masked_sort3A_819, %rev3A_838 : vector<16xi1>, vector<16xf32>
      %select_n3A_846 = arith.select %ge3A_844, %masked_sort3A_820, %rev3A_843 : vector<16xi1>, vector<16xi32>
      %masked_sort3A_847 = arith.constant dense<true> : vector<16xi1>
      %masked_sort3A_848, %masked_sort3A_849, %masked_sort3A_850 = tpu.sort %select_n3A_845, %select_n3A_846 masked %masked_sort3A_847 : (vector<16xf32>, vector<16xi32>, vector<16xi1>) -> (vector<16xi1>, vector<16xf32>, vector<16xi32>)
      %div3A_851 = arith.constant 2.000000e-01 : f32
      %div3A_852 = vector.broadcast %div3A_851 : f32 to vector<16xf32>
      %div3A_853 = arith.divf %scan3A_397#15, %div3A_852 : vector<16xf32>
      %lt3A_854 = arith.constant 100000 : i32
      %lt3A_855 = vector.broadcast %lt3A_854 : i32 to vector<16xi32>
      %lt3A_856 = arith.cmpi slt, %add3A_210, %lt3A_855 : vector<16xi32>
      %jit3A_857 = arith.constant -1.000000e+30 : f32
      %broadcast_in_dim3A_858 = vector.broadcast %jit3A_857 : f32 to vector<16xf32>
      %select_n3A_859 = arith.select %lt3A_856, %div3A_853, %broadcast_in_dim3A_858 : vector<16xi1>, vector<16xf32>
      %masked_sort3A_860 = arith.constant dense<true> : vector<16xi1>
      %masked_sort3A_861, %masked_sort3A_862, %masked_sort3A_863 = tpu.sort %select_n3A_859, %add3A_210 masked %masked_sort3A_860 : (vector<16xf32>, vector<16xi32>, vector<16xi1>) -> (vector<16xi1>, vector<16xf32>, vector<16xi32>)
      %rev3A_864 = arith.constant 15 : i32
      %rev3A_865 = vector.broadcast %rev3A_864 : i32 to vector<16xi32>
      %rev3A_866 = tpu.iota {dimensions = array<i32: 0>} : vector<16xi32>
      %rev3A_867 = arith.subi %rev3A_865, %rev3A_866 : vector<16xi32>
      %rev3A_868 = tpu.dynamic_gather %masked_sort3A_862[%rev3A_867] in [0] : vector<16xf32>, vector<16xi32> -> vector<16xf32>
      %rev3A_869 = arith.constant 15 : i32
      %rev3A_870 = vector.broadcast %rev3A_869 : i32 to vector<16xi32>
      %rev3A_871 = tpu.iota {dimensions = array<i32: 0>} : vector<16xi32>
      %rev3A_872 = arith.subi %rev3A_870, %rev3A_871 : vector<16xi32>
      %rev3A_873 = tpu.dynamic_gather %masked_sort3A_863[%rev3A_872] in [0] : vector<16xi32>, vector<16xi32> -> vector<16xi32>
      %ge3A_874 = arith.cmpf oge, %masked_sort3A_849, %rev3A_868 : vector<16xf32>
      %select_n3A_875 = arith.select %ge3A_874, %masked_sort3A_849, %rev3A_868 : vector<16xi1>, vector<16xf32>
      %select_n3A_876 = arith.select %ge3A_874, %masked_sort3A_850, %rev3A_873 : vector<16xi1>, vector<16xi32>
      %masked_sort3A_877 = arith.constant dense<true> : vector<16xi1>
      %masked_sort3A_878, %masked_sort3A_879, %masked_sort3A_880 = tpu.sort %select_n3A_875, %select_n3A_876 masked %masked_sort3A_877 : (vector<16xf32>, vector<16xi32>, vector<16xi1>) -> (vector<16xi1>, vector<16xf32>, vector<16xi32>)
      %eq3A = arith.constant 0 : i32
      %eq3A_881 = vector.broadcast %eq3A : i32 to vector<16xi32>
      %eq3A_882 = arith.cmpi eq, %iota3A, %eq3A_881 : vector<16xi32>
      %jit3A_883 = arith.constant -3.000000e+38 : f32
      %broadcast_in_dim3A_884 = vector.broadcast %jit3A_883 : f32 to vector<16xf32>
      %select_n3A_885 = arith.select %eq3A_882, %broadcast_in_dim3A_884, %masked_sort3A_879 : vector<16xi1>, vector<16xf32>
      %iota3A_886 = tpu.iota {dimensions = array<i32: 0>} : vector<16xi32>
      %xor3A = arith.constant 1 : i32
      %xor3A_887 = vector.broadcast %xor3A : i32 to vector<16xi32>
      %xor3A_888 = arith.xori %iota3A_886, %xor3A_887 : vector<16xi32>
      %broadcast_in_dim3A_889 = vector.shape_cast %xor3A_888 : vector<16xi32> to vector<16x1xi32>
      %gather3A_890 = vector.shape_cast %broadcast_in_dim3A_889 : vector<16x1xi32> to vector<16xi32>
      %gather3A_891 = tpu.dynamic_gather %select_n3A_885[%gather3A_890] in [0] : vector<16xf32>, vector<16xi32> -> vector<16xf32>
      %max3A = arith.maximumf %select_n3A_885, %gather3A_891 : vector<16xf32>
      %xor3A_892 = arith.constant 2 : i32
      %xor3A_893 = vector.broadcast %xor3A_892 : i32 to vector<16xi32>
      %xor3A_894 = arith.xori %iota3A_886, %xor3A_893 : vector<16xi32>
      %broadcast_in_dim3A_895 = vector.shape_cast %xor3A_894 : vector<16xi32> to vector<16x1xi32>
      %gather3A_896 = vector.shape_cast %broadcast_in_dim3A_895 : vector<16x1xi32> to vector<16xi32>
      %gather3A_897 = tpu.dynamic_gather %max3A[%gather3A_896] in [0] : vector<16xf32>, vector<16xi32> -> vector<16xf32>
      %max3A_898 = arith.maximumf %max3A, %gather3A_897 : vector<16xf32>
      %xor3A_899 = arith.constant 4 : i32
      %xor3A_900 = vector.broadcast %xor3A_899 : i32 to vector<16xi32>
      %xor3A_901 = arith.xori %iota3A_886, %xor3A_900 : vector<16xi32>
      %broadcast_in_dim3A_902 = vector.shape_cast %xor3A_901 : vector<16xi32> to vector<16x1xi32>
      %gather3A_903 = vector.shape_cast %broadcast_in_dim3A_902 : vector<16x1xi32> to vector<16xi32>
      %gather3A_904 = tpu.dynamic_gather %max3A_898[%gather3A_903] in [0] : vector<16xf32>, vector<16xi32> -> vector<16xf32>
      %max3A_905 = arith.maximumf %max3A_898, %gather3A_904 : vector<16xf32>
      %xor3A_906 = arith.constant 8 : i32
      %xor3A_907 = vector.broadcast %xor3A_906 : i32 to vector<16xi32>
      %xor3A_908 = arith.xori %iota3A_886, %xor3A_907 : vector<16xi32>
      %broadcast_in_dim3A_909 = vector.shape_cast %xor3A_908 : vector<16xi32> to vector<16x1xi32>
      %gather3A_910 = vector.shape_cast %broadcast_in_dim3A_909 : vector<16x1xi32> to vector<16xi32>
      %gather3A_911 = tpu.dynamic_gather %max3A_905[%gather3A_910] in [0] : vector<16xf32>, vector<16xi32> -> vector<16xf32>
      %max3A_912 = arith.maximumf %max3A_905, %gather3A_911 : vector<16xf32>
      %sub3A = arith.subf %select_n3A_885, %max3A_912 : vector<16xf32>
      %exp3A = math.exp %sub3A : vector<16xf32>
      %iota3A_913 = tpu.iota {dimensions = array<i32: 0>} : vector<16xi32>
      %xor3A_914 = arith.constant 1 : i32
      %xor3A_915 = vector.broadcast %xor3A_914 : i32 to vector<16xi32>
      %xor3A_916 = arith.xori %iota3A_913, %xor3A_915 : vector<16xi32>
      %broadcast_in_dim3A_917 = vector.shape_cast %xor3A_916 : vector<16xi32> to vector<16x1xi32>
      %gather3A_918 = vector.shape_cast %broadcast_in_dim3A_917 : vector<16x1xi32> to vector<16xi32>
      %gather3A_919 = tpu.dynamic_gather %exp3A[%gather3A_918] in [0] : vector<16xf32>, vector<16xi32> -> vector<16xf32>
      %add3A_920 = arith.addf %exp3A, %gather3A_919 : vector<16xf32>
      %xor3A_921 = arith.constant 2 : i32
      %xor3A_922 = vector.broadcast %xor3A_921 : i32 to vector<16xi32>
      %xor3A_923 = arith.xori %iota3A_913, %xor3A_922 : vector<16xi32>
      %broadcast_in_dim3A_924 = vector.shape_cast %xor3A_923 : vector<16xi32> to vector<16x1xi32>
      %gather3A_925 = vector.shape_cast %broadcast_in_dim3A_924 : vector<16x1xi32> to vector<16xi32>
      %gather3A_926 = tpu.dynamic_gather %add3A_920[%gather3A_925] in [0] : vector<16xf32>, vector<16xi32> -> vector<16xf32>
      %add3A_927 = arith.addf %add3A_920, %gather3A_926 : vector<16xf32>
      %xor3A_928 = arith.constant 4 : i32
      %xor3A_929 = vector.broadcast %xor3A_928 : i32 to vector<16xi32>
      %xor3A_930 = arith.xori %iota3A_913, %xor3A_929 : vector<16xi32>
      %broadcast_in_dim3A_931 = vector.shape_cast %xor3A_930 : vector<16xi32> to vector<16x1xi32>
      %gather3A_932 = vector.shape_cast %broadcast_in_dim3A_931 : vector<16x1xi32> to vector<16xi32>
      %gather3A_933 = tpu.dynamic_gather %add3A_927[%gather3A_932] in [0] : vector<16xf32>, vector<16xi32> -> vector<16xf32>
      %add3A_934 = arith.addf %add3A_927, %gather3A_933 : vector<16xf32>
      %xor3A_935 = arith.constant 8 : i32
      %xor3A_936 = vector.broadcast %xor3A_935 : i32 to vector<16xi32>
      %xor3A_937 = arith.xori %iota3A_913, %xor3A_936 : vector<16xi32>
      %broadcast_in_dim3A_938 = vector.shape_cast %xor3A_937 : vector<16xi32> to vector<16x1xi32>
      %gather3A_939 = vector.shape_cast %broadcast_in_dim3A_938 : vector<16x1xi32> to vector<16xi32>
      %gather3A_940 = tpu.dynamic_gather %add3A_934[%gather3A_939] in [0] : vector<16xf32>, vector<16xi32> -> vector<16xf32>
      %add3A_941 = arith.addf %add3A_934, %gather3A_940 : vector<16xf32>
      %div3A_942 = arith.divf %exp3A, %add3A_941 : vector<16xf32>
      %swap3A_943 = arith.constant 0 : index
      %swap3A_944 = tpu.vector_load %arg13[%swap3A_943] {strides = array<i32>} : memref<16xf32, #tpu.memory_space<vmem>>, vector<16xf32>,
      tpu.vector_store %arg13[%swap3A_943], %div3A_942 {strides = array<i32>} : memref<16xf32, #tpu.memory_space<vmem>>, vector<16xf32>,
      %mul3A_945 = arith.constant 100096 : i32
      %mul3A_946 = arith.muli %add3A_43, %mul3A_945 : i32
      %dma_wait3A_947 = tpu.memref_slice %arg6[%mul3A_946] : memref<102498304xf32, #tpu.memory_space<hbm>> -> memref<50048xf32, #tpu.memory_space<hbm>>
      %dma_wait3A_948 = tpu.memref_slice %arg6[%mul3A_946] : memref<102498304xf32, #tpu.memory_space<hbm>> -> memref<50048xf32, #tpu.memory_space<hbm>>
      tpu.wait_dma2 semaphore(%arg14 : memref<!tpu.dma_semaphore, #tpu.memory_space<semaphore_mem>>) src(%arg7 : memref<50048xf32, #tpu.memory_space<vmem>>) dst(%dma_wait3A_948 : memref<50048xf32, #tpu.memory_space<hbm>>)
      %mul3A_949 = arith.constant 100096 : i32
      %mul3A_950 = arith.muli %add3A_43, %mul3A_949 : i32
      %add3A_951 = arith.constant 50048 : i32
      %add3A_952 = arith.addi %mul3A_950, %add3A_951 : i32
      %dma_wait3A_953 = tpu.memref_slice %arg6[%add3A_952] : memref<102498304xf32, #tpu.memory_space<hbm>> -> memref<50048xf32, #tpu.memory_space<hbm>>
      %dma_wait3A_954 = tpu.memref_slice %arg6[%add3A_952] : memref<102498304xf32, #tpu.memory_space<hbm>> -> memref<50048xf32, #tpu.memory_space<hbm>>
      tpu.wait_dma2 semaphore(%arg14 : memref<!tpu.dma_semaphore, #tpu.memory_space<semaphore_mem>>) src(%arg7 : memref<50048xf32, #tpu.memory_space<vmem>>) dst(%dma_wait3A_954 : memref<50048xf32, #tpu.memory_space<hbm>>)
      %mul3A_955 = arith.constant 100096 : i32
      %mul3A_956 = arith.muli %add3A_43, %mul3A_955 : i32
      %add3A_957 = vector.broadcast %mul3A_956 : i32 to vector<16xi32>
      %add3A_958 = arith.addi %masked_sort3A_880, %add3A_957 : vector<16xi32>
      %dma_start3A_959 = arith.constant 0 : i32
      %dma_start3A_960 = tpu.memref_slice %arg6[%dma_start3A_959] : memref<102498304xf32, #tpu.memory_space<hbm>> -> memref<102498304xf32, #tpu.memory_space<hbm>>
      tpu.enqueue_indirect_dma source(%arg13 : memref<16xf32, #tpu.memory_space<vmem>>) target(%dma_start3A_960 : memref<102498304xf32, #tpu.memory_space<hbm>>) offsets(%add3A_958 : vector<16xi32>) semaphore(%arg16 : memref<!tpu.dma_semaphore, #tpu.memory_space<semaphore_mem>>)
      %dma_wait3A_961 = arith.constant 0 : i32
      %dma_wait3A_962 = tpu.memref_slice %arg6[%dma_wait3A_961] : memref<102498304xf32, #tpu.memory_space<hbm>> -> memref<102498304xf32, #tpu.memory_space<hbm>>
      tpu.wait_indirect_dma semaphore(%arg16 : memref<!tpu.dma_semaphore, #tpu.memory_space<semaphore_mem>>) src(%arg13 : memref<16xf32, #tpu.memory_space<vmem>>) dst(%dma_wait3A_962 : memref<102498304xf32, #tpu.memory_space<hbm>>)
    }
    %scan3A_39 = arith.constant 32 : i32
    return
  }
}

module attributes {stable_mosaic.version = 14 : i64} {
  func.func @_tc_stage_body(%arg0: i32, %arg1: memref<1024x64xf32, #tpu.memory_space<vmem>>, %arg2: memref<2048x64xf32, #tpu.memory_space<vmem>>, %arg3: memref<1024x64xf32, #tpu.memory_space<vmem>>, %arg4: memref<2048x64xf32, #tpu.memory_space<vmem>>, %arg5: memref<1024x128xf32, #tpu.memory_space<vmem>>, %arg6: memref<1024x64xf32, #tpu.memory_space<vmem>>) attributes {dimension_semantics = [#tpu.dimension_semantics<arbitrary>], iteration_bounds = array<i64: 49>, scalar_prefetch = 0 : i64, scratch_operands = 0 : i64, tpu.core_type = #tpu.core_type<tc>, window_params = [{pipeline_mode = #tpu.pipeline_mode<synchronous>, transform_indices = @transform_0, window_bounds = array<i64: 1024, 64>}, {transform_indices = @transform_1, window_bounds = array<i64: 2048, 64>}, {pipeline_mode = #tpu.pipeline_mode<synchronous>, transform_indices = @transform_2, window_bounds = array<i64: 1024, 64>}, {transform_indices = @transform_3, window_bounds = array<i64: 2048, 64>}, {transform_indices = @transform_4, window_bounds = array<i64: 1024, 128>}, {pipeline_mode = #tpu.pipeline_mode<synchronous>, transform_indices = @transform_5, window_bounds = array<i64: 1024, 64>}]} {
    %get3A = arith.constant 0 : index
    %get3A_0 = arith.constant 0 : index
    %get3A_1 = vector.load %arg1[%get3A, %get3A_0] : memref<1024x64xf32, #tpu.memory_space<vmem>>, vector<1024x64xf32>
    %mul3A = arith.mulf %get3A_1, %get3A_1 : vector<1024x64xf32>
    %reduce_sum3A = arith.constant dense<0.000000e+00> : vector<1024xf32>
    %reduce_sum3A_2 = vector.multi_reduction <add>, %mul3A, %reduce_sum3A [1] : vector<1024x64xf32> to vector<1024xf32>
    %broadcast_in_dim3A = vector.shape_cast %reduce_sum3A_2 : vector<1024xf32> to vector<1024x1xf32>
    %sqrt3A = math.sqrt %broadcast_in_dim3A : vector<1024x1xf32>
    %max3A = arith.constant 9.99999996E-13 : f32
    %max3A_3 = vector.broadcast %max3A : f32 to vector<1024x1xf32>
    %max3A_4 = arith.maximumf %sqrt3A, %max3A_3 : vector<1024x1xf32>
    %div3A = vector.broadcast %max3A_4 : vector<1024x1xf32> to vector<1024x64xf32>
    %div3A_5 = arith.divf %get3A_1, %div3A : vector<1024x64xf32>
    %convert_element_type3A = arith.truncf %div3A_5 : vector<1024x64xf32> to vector<1024x64xbf16>
    %convert_element_type3A_6 = arith.extf %convert_element_type3A : vector<1024x64xbf16> to vector<1024x64xf32>
    %swap3A = arith.constant 0 : index
    %swap3A_7 = arith.constant 0 : index
    %swap3A_8 = vector.load %arg3[%swap3A, %swap3A_7] : memref<1024x64xf32, #tpu.memory_space<vmem>>, vector<1024x64xf32>
    tpu.vector_store %arg3[%swap3A, %swap3A_7], %convert_element_type3A_6 {strides = array<i32>} : memref<1024x64xf32, #tpu.memory_space<vmem>>, vector<1024x64xf32>,
    %get3A_9 = arith.constant 0 : index
    %get3A_10 = arith.constant 0 : index
    %get3A_11 = vector.load %arg2[%get3A_9, %get3A_10] : memref<2048x64xf32, #tpu.memory_space<vmem>>, vector<2048x64xf32>
    %mul3A_12 = arith.mulf %get3A_11, %get3A_11 : vector<2048x64xf32>
    %reduce_sum3A_13 = arith.constant dense<0.000000e+00> : vector<2048xf32>
    %reduce_sum3A_14 = vector.multi_reduction <add>, %mul3A_12, %reduce_sum3A_13 [1] : vector<2048x64xf32> to vector<2048xf32>
    %broadcast_in_dim3A_15 = vector.shape_cast %reduce_sum3A_14 : vector<2048xf32> to vector<2048x1xf32>
    %sqrt3A_16 = math.sqrt %broadcast_in_dim3A_15 : vector<2048x1xf32>
    %max3A_17 = arith.constant 9.99999996E-13 : f32
    %max3A_18 = vector.broadcast %max3A_17 : f32 to vector<2048x1xf32>
    %max3A_19 = arith.maximumf %sqrt3A_16, %max3A_18 : vector<2048x1xf32>
    %div3A_20 = vector.broadcast %max3A_19 : vector<2048x1xf32> to vector<2048x64xf32>
    %div3A_21 = arith.divf %get3A_11, %div3A_20 : vector<2048x64xf32>
    %convert_element_type3A_22 = arith.truncf %div3A_21 : vector<2048x64xf32> to vector<2048x64xbf16>
    %convert_element_type3A_23 = arith.extf %convert_element_type3A_22 : vector<2048x64xbf16> to vector<2048x64xf32>
    %swap3A_24 = arith.constant 0 : index
    %swap3A_25 = arith.constant 0 : index
    %swap3A_26 = vector.load %arg4[%swap3A_24, %swap3A_25] : memref<2048x64xf32, #tpu.memory_space<vmem>>, vector<2048x64xf32>
    tpu.vector_store %arg4[%swap3A_24, %swap3A_25], %convert_element_type3A_23 {strides = array<i32>} : memref<2048x64xf32, #tpu.memory_space<vmem>>, vector<2048x64xf32>,
    %dot_general3A = arith.constant dense<0.000000e+00> : vector<1024x2048xf32>
    %dot_general3A_27 = tpu.matmul %convert_element_type3A, %convert_element_type3A_22, %dot_general3A {dimension_numbers = #tpu.dot_dimension_numbers<[1], [1], [0], [0], [0, 0, 1, 0], [], []>, transpose_lhs_hint = false} : vector<1024x64xbf16>, vector<2048x64xbf16>, vector<1024x2048xf32> -> vector<1024x2048xf32>
    %div3A_28 = arith.constant 2.000000e-01 : f32
    %div3A_29 = vector.broadcast %div3A_28 : f32 to vector<1024x2048xf32>
    %div3A_30 = arith.divf %dot_general3A_27, %div3A_29 : vector<1024x2048xf32>
    %mul3A_31 = arith.constant 2048 : i32
    %mul3A_32 = arith.muli %arg0, %mul3A_31 : i32
    %iota3A = tpu.iota {dimensions = array<i32: 1>} : vector<1024x2048xi32>
    %add3A = vector.broadcast %mul3A_32 : i32 to vector<1024x2048xi32>
    %add3A_33 = arith.addi %add3A, %iota3A : vector<1024x2048xi32>
    %lt3A = arith.constant 100000 : i32
    %lt3A_34 = vector.broadcast %lt3A : i32 to vector<1024x2048xi32>
    %lt3A_35 = arith.cmpi slt, %add3A_33, %lt3A_34 : vector<1024x2048xi32>
    %jit3A = arith.constant -1.000000e+30 : f32
    %broadcast_in_dim3A_36 = vector.broadcast %jit3A : f32 to vector<1024x2048xf32>
    %select_n3A = arith.select %lt3A_35, %div3A_30, %broadcast_in_dim3A_36 : vector<1024x2048xi1>, vector<1024x2048xf32>
    %slice3A = vector.extract_strided_slice %select_n3A {offsets = [0, 0], sizes = [1024, 128], strides = [1, 1]} : vector<1024x2048xf32> to vector<1024x128xf32>
    %slice3A_37 = vector.extract_strided_slice %select_n3A {offsets = [0, 128], sizes = [1024, 128], strides = [1, 1]} : vector<1024x2048xf32> to vector<1024x128xf32>
    %slice3A_38 = vector.extract_strided_slice %select_n3A {offsets = [0, 256], sizes = [1024, 128], strides = [1, 1]} : vector<1024x2048xf32> to vector<1024x128xf32>
    %slice3A_39 = vector.extract_strided_slice %select_n3A {offsets = [0, 384], sizes = [1024, 128], strides = [1, 1]} : vector<1024x2048xf32> to vector<1024x128xf32>
    %slice3A_40 = vector.extract_strided_slice %select_n3A {offsets = [0, 512], sizes = [1024, 128], strides = [1, 1]} : vector<1024x2048xf32> to vector<1024x128xf32>
    %slice3A_41 = vector.extract_strided_slice %select_n3A {offsets = [0, 640], sizes = [1024, 128], strides = [1, 1]} : vector<1024x2048xf32> to vector<1024x128xf32>
    %slice3A_42 = vector.extract_strided_slice %select_n3A {offsets = [0, 768], sizes = [1024, 128], strides = [1, 1]} : vector<1024x2048xf32> to vector<1024x128xf32>
    %slice3A_43 = vector.extract_strided_slice %select_n3A {offsets = [0, 896], sizes = [1024, 128], strides = [1, 1]} : vector<1024x2048xf32> to vector<1024x128xf32>
    %slice3A_44 = vector.extract_strided_slice %select_n3A {offsets = [0, 1024], sizes = [1024, 128], strides = [1, 1]} : vector<1024x2048xf32> to vector<1024x128xf32>
    %slice3A_45 = vector.extract_strided_slice %select_n3A {offsets = [0, 1152], sizes = [1024, 128], strides = [1, 1]} : vector<1024x2048xf32> to vector<1024x128xf32>
    %slice3A_46 = vector.extract_strided_slice %select_n3A {offsets = [0, 1280], sizes = [1024, 128], strides = [1, 1]} : vector<1024x2048xf32> to vector<1024x128xf32>
    %slice3A_47 = vector.extract_strided_slice %select_n3A {offsets = [0, 1408], sizes = [1024, 128], strides = [1, 1]} : vector<1024x2048xf32> to vector<1024x128xf32>
    %slice3A_48 = vector.extract_strided_slice %select_n3A {offsets = [0, 1536], sizes = [1024, 128], strides = [1, 1]} : vector<1024x2048xf32> to vector<1024x128xf32>
    %slice3A_49 = vector.extract_strided_slice %select_n3A {offsets = [0, 1664], sizes = [1024, 128], strides = [1, 1]} : vector<1024x2048xf32> to vector<1024x128xf32>
    %slice3A_50 = vector.extract_strided_slice %select_n3A {offsets = [0, 1792], sizes = [1024, 128], strides = [1, 1]} : vector<1024x2048xf32> to vector<1024x128xf32>
    %slice3A_51 = vector.extract_strided_slice %select_n3A {offsets = [0, 1920], sizes = [1024, 128], strides = [1, 1]} : vector<1024x2048xf32> to vector<1024x128xf32>
    %max3A_52 = arith.maximumf %slice3A, %slice3A_37 : vector<1024x128xf32>
    %max3A_53 = arith.maximumf %max3A_52, %slice3A_38 : vector<1024x128xf32>
    %max3A_54 = arith.maximumf %max3A_53, %slice3A_39 : vector<1024x128xf32>
    %max3A_55 = arith.maximumf %max3A_54, %slice3A_40 : vector<1024x128xf32>
    %max3A_56 = arith.maximumf %max3A_55, %slice3A_41 : vector<1024x128xf32>
    %max3A_57 = arith.maximumf %max3A_56, %slice3A_42 : vector<1024x128xf32>
    %max3A_58 = arith.maximumf %max3A_57, %slice3A_43 : vector<1024x128xf32>
    %max3A_59 = arith.maximumf %max3A_58, %slice3A_44 : vector<1024x128xf32>
    %max3A_60 = arith.maximumf %max3A_59, %slice3A_45 : vector<1024x128xf32>
    %max3A_61 = arith.maximumf %max3A_60, %slice3A_46 : vector<1024x128xf32>
    %max3A_62 = arith.maximumf %max3A_61, %slice3A_47 : vector<1024x128xf32>
    %max3A_63 = arith.maximumf %max3A_62, %slice3A_48 : vector<1024x128xf32>
    %max3A_64 = arith.maximumf %max3A_63, %slice3A_49 : vector<1024x128xf32>
    %max3A_65 = arith.maximumf %max3A_64, %slice3A_50 : vector<1024x128xf32>
    %max3A_66 = arith.maximumf %max3A_65, %slice3A_51 : vector<1024x128xf32>
    %swap3A_67 = arith.constant 0 : index
    %swap3A_68 = arith.constant 0 : index
    %swap3A_69 = vector.load %arg5[%swap3A_67, %swap3A_68] : memref<1024x128xf32, #tpu.memory_space<vmem>>, vector<1024x128xf32>
    tpu.vector_store %arg5[%swap3A_67, %swap3A_68], %max3A_66 {strides = array<i32>} : memref<1024x128xf32, #tpu.memory_space<vmem>>, vector<1024x128xf32>,
    %eq3A = arith.constant 0 : i32
    %eq3A_70 = arith.cmpi eq, %arg0, %eq3A : i32
    %convert_element_type3A_71 = arith.extui %eq3A_70 : i1 to i32
    %cond3A = arith.constant 0 : i32
    %cond3A_72 = arith.cmpi ne, %convert_element_type3A_71, %cond3A : i32
    scf.if %cond3A_72 {
      %broadcast_in_dim3A_87 = arith.constant -3.000000e+38 : f32
      %broadcast_in_dim3A_88 = vector.broadcast %broadcast_in_dim3A_87 : f32 to vector<1024x64xf32>
      %swap3A_89 = arith.constant 0 : index
      %swap3A_90 = arith.constant 0 : index
      %swap3A_91 = vector.load %arg6[%swap3A_89, %swap3A_90] : memref<1024x64xf32, #tpu.memory_space<vmem>>, vector<1024x64xf32>
      tpu.vector_store %arg6[%swap3A_89, %swap3A_90], %broadcast_in_dim3A_88 {strides = array<i32>} : memref<1024x64xf32, #tpu.memory_space<vmem>>, vector<1024x64xf32>,
    } else {
    }
    %reduce_max3A = arith.constant dense<0xFF800000> : vector<1024xf32>
    %reduce_max3A_73 = vector.multi_reduction <maximumf>, %max3A_66, %reduce_max3A [1] : vector<1024x128xf32> to vector<1024xf32>
    %broadcast_in_dim3A_74 = vector.shape_cast %reduce_max3A_73 : vector<1024xf32> to vector<1024x1xf32>
    %iota3A_75 = tpu.iota {dimensions = array<i32: 1>} : vector<1024x64xi32>
    %eq3A_76 = vector.broadcast %arg0 : i32 to vector<1024x64xi32>
    %eq3A_77 = arith.cmpi eq, %iota3A_75, %eq3A_76 : vector<1024x64xi32>
    %get3A_78 = arith.constant 0 : index
    %get3A_79 = arith.constant 0 : index
    %get3A_80 = vector.load %arg6[%get3A_78, %get3A_79] : memref<1024x64xf32, #tpu.memory_space<vmem>>, vector<1024x64xf32>
    %broadcast_in_dim3A_81 = vector.shape_cast %broadcast_in_dim3A_74 : vector<1024x1xf32> to vector<1024x1xf32>
    %broadcast_in_dim3A_82 = vector.broadcast %broadcast_in_dim3A_81 : vector<1024x1xf32> to vector<1024x64xf32>
    %select_n3A_83 = arith.select %eq3A_77, %broadcast_in_dim3A_82, %get3A_80 : vector<1024x64xi1>, vector<1024x64xf32>
    %swap3A_84 = arith.constant 0 : index
    %swap3A_85 = arith.constant 0 : index
    %swap3A_86 = vector.load %arg6[%swap3A_84, %swap3A_85] : memref<1024x64xf32, #tpu.memory_space<vmem>>, vector<1024x64xf32>
    tpu.vector_store %arg6[%swap3A_84, %swap3A_85], %select_n3A_83 {strides = array<i32>} : memref<1024x64xf32, #tpu.memory_space<vmem>>, vector<1024x64xf32>,
    return
  }
  func.func @transform_0(%arg0: i32) -> (i32, i32) {
    %c0_i32 = arith.constant 0 : i32
    %c0_i32_0 = arith.constant 0 : i32
    %c0_i32_1 = arith.constant 0 : i32
    return %c0_i32, %c0_i32_0 : i32, i32
  }
  func.func @transform_1(%arg0: i32) -> (i32, i32) {
    %c0_i32 = arith.constant 0 : i32
    %c0_i32_0 = arith.constant 0 : i32
    return %arg0, %c0_i32 : i32, i32
  }
  func.func @transform_2(%arg0: i32) -> (i32, i32) {
    %c0_i32 = arith.constant 0 : i32
    %c0_i32_0 = arith.constant 0 : i32
    %c0_i32_1 = arith.constant 0 : i32
    return %c0_i32, %c0_i32_0 : i32, i32
  }
  func.func @transform_3(%arg0: i32) -> (i32, i32) {
    %c0_i32 = arith.constant 0 : i32
    %c0_i32_0 = arith.constant 0 : i32
    return %arg0, %c0_i32 : i32, i32
  }
  func.func @transform_4(%arg0: i32) -> (i32, i32) {
    %c0_i32 = arith.constant 0 : i32
    %c0_i32_0 = arith.constant 0 : i32
    return %c0_i32, %arg0 : i32, i32
  }
  func.func @transform_5(%arg0: i32) -> (i32, i32) {
    %c0_i32 = arith.constant 0 : i32
    %c0_i32_0 = arith.constant 0 : i32
    %c0_i32_1 = arith.constant 0 : i32
    return %c0_i32, %c0_i32_0 : i32, i32
  }
}

module attributes {stable_mosaic.version = 14 : i64} {
  func.func @body(%arg0: i32, %arg1: memref<102498304xf32, #tpu.memory_space<any>>, %arg2: memref<1x16x100000xf32, #tpu.memory_space<vmem>>, %arg3: memref<2x1601536xf32, #tpu.memory_space<vmem>>, %arg4: memref<!tpu.dma_semaphore, #tpu.memory_space<semaphore_mem>>) attributes {dimension_semantics = [#tpu.dimension_semantics<arbitrary>], iteration_bounds = array<i64: 64>, scalar_prefetch = 0 : i64, scratch_operands = 2 : i64, tpu.core_type = #tpu.core_type<tc>, window_params = [{}, {transform_indices = @transform_1, window_bounds = array<i64: 1, 16, 100000>}]} {
    %eq3A = arith.constant 0 : i32
    %eq3A_0 = arith.cmpi eq, %arg0, %eq3A : i32
    %convert_element_type3A = arith.extui %eq3A_0 : i1 to i32
    %cond3A = arith.constant 0 : i32
    %cond3A_1 = arith.cmpi ne, %convert_element_type3A, %cond3A : i32
    scf.if %cond3A_1 {
      %dma_start3A = arith.constant 0 : i32
      %dma_start3A_43 = arith.constant 0 : i32
      %dma_start3A_44 = tpu.memref_slice %arg3[%dma_start3A, %dma_start3A_43] : memref<2x1601536xf32, #tpu.memory_space<vmem>> -> memref<1x1601536xf32, #tpu.memory_space<vmem>>
      %dma_start3A_45 = tpu.memref_squeeze %dma_start3A_44 : memref<1x1601536xf32, #tpu.memory_space<vmem>> -> memref<1601536xf32, #tpu.memory_space<vmem>>
      %dma_start3A_46 = arith.constant 0 : i32
      %dma_start3A_47 = tpu.memref_slice %arg1[%dma_start3A_46] : memref<102498304xf32, #tpu.memory_space<any>> -> memref<1601536xf32, #tpu.memory_space<any>>
      tpu.enqueue_dma source(%dma_start3A_47 : memref<1601536xf32, #tpu.memory_space<any>>) target(%dma_start3A_45 : memref<1601536xf32, #tpu.memory_space<vmem>>) target_semaphore(%arg4 : memref<!tpu.dma_semaphore, #tpu.memory_space<semaphore_mem>>)
    } else {
    }
    %lt3A = arith.constant 63 : i32
    %lt3A_2 = arith.cmpi slt, %arg0, %lt3A : i32
    %convert_element_type3A_3 = arith.extui %lt3A_2 : i1 to i32
    %cond3A_4 = arith.constant 0 : i32
    %cond3A_5 = arith.cmpi ne, %convert_element_type3A_3, %cond3A_4 : i32
    scf.if %cond3A_5 {
      %add3A_43 = arith.constant 1 : i32
      %add3A_44 = arith.addi %arg0, %add3A_43 : i32
      %add3A_45 = arith.constant 1 : i32
      %add3A_46 = arith.addi %arg0, %add3A_45 : i32
      %jit3A_47 = arith.constant 2 : i32
      %eq3A_48 = arith.constant 0 : i32
      %eq3A_49 = arith.cmpi eq, %jit3A_47, %eq3A_48 : i32
      %jit3A_50 = arith.constant 1 : i32
      %select_n3A_51 = arith.select %eq3A_49, %jit3A_50, %jit3A_47 : i32
      %rem3A_52 = arith.remsi %add3A_46, %select_n3A_51 : i32
      %ne3A_53 = arith.constant 0 : i32
      %ne3A_54 = arith.cmpi ne, %rem3A_52, %ne3A_53 : i32
      %lt3A_55 = arith.constant 0 : i32
      %lt3A_56 = arith.cmpi slt, %rem3A_52, %lt3A_55 : i32
      %lt3A_57 = arith.constant 0 : i32
      %lt3A_58 = arith.cmpi slt, %select_n3A_51, %lt3A_57 : i32
      %ne3A_59 = arith.xori %lt3A_56, %lt3A_58 : i1
      %and3A_60 = arith.andi %ne3A_59, %ne3A_54 : i1
      %add3A_61 = arith.addi %rem3A_52, %select_n3A_51 : i32
      %select_n3A_62 = arith.select %and3A_60, %add3A_61, %rem3A_52 : i32
      %mul3A_63 = arith.constant 1601536 : i32
      %mul3A_64 = arith.muli %add3A_44, %mul3A_63 : i32
      %dma_start3A = arith.constant 0 : i32
      %dma_start3A_65 = tpu.memref_slice %arg3[%select_n3A_62, %dma_start3A] : memref<2x1601536xf32, #tpu.memory_space<vmem>> -> memref<1x1601536xf32, #tpu.memory_space<vmem>>
      %dma_start3A_66 = tpu.memref_squeeze %dma_start3A_65 : memref<1x1601536xf32, #tpu.memory_space<vmem>> -> memref<1601536xf32, #tpu.memory_space<vmem>>
      %dma_start3A_67 = tpu.memref_slice %arg1[%mul3A_64] : memref<102498304xf32, #tpu.memory_space<any>> -> memref<1601536xf32, #tpu.memory_space<any>>
      tpu.enqueue_dma source(%dma_start3A_67 : memref<1601536xf32, #tpu.memory_space<any>>) target(%dma_start3A_66 : memref<1601536xf32, #tpu.memory_space<vmem>>) target_semaphore(%arg4 : memref<!tpu.dma_semaphore, #tpu.memory_space<semaphore_mem>>)
    } else {
    }
    %jit3A = arith.constant 2 : i32
    %eq3A_6 = arith.constant 0 : i32
    %eq3A_7 = arith.cmpi eq, %jit3A, %eq3A_6 : i32
    %jit3A_8 = arith.constant 1 : i32
    %select_n3A = arith.select %eq3A_7, %jit3A_8, %jit3A : i32
    %rem3A = arith.remsi %arg0, %select_n3A : i32
    %ne3A = arith.constant 0 : i32
    %ne3A_9 = arith.cmpi ne, %rem3A, %ne3A : i32
    %lt3A_10 = arith.constant 0 : i32
    %lt3A_11 = arith.cmpi slt, %rem3A, %lt3A_10 : i32
    %lt3A_12 = arith.constant 0 : i32
    %lt3A_13 = arith.cmpi slt, %select_n3A, %lt3A_12 : i32
    %ne3A_14 = arith.xori %lt3A_11, %lt3A_13 : i1
    %and3A = arith.andi %ne3A_14, %ne3A_9 : i1
    %add3A = arith.addi %rem3A, %select_n3A : i32
    %select_n3A_15 = arith.select %and3A, %add3A, %rem3A : i32
    %mul3A = arith.constant 1601536 : i32
    %mul3A_16 = arith.muli %arg0, %mul3A : i32
    %dma_wait3A = arith.constant 0 : i32
    %dma_wait3A_17 = tpu.memref_slice %arg3[%select_n3A_15, %dma_wait3A] : memref<2x1601536xf32, #tpu.memory_space<vmem>> -> memref<1x1601536xf32, #tpu.memory_space<vmem>>
    %dma_wait3A_18 = tpu.memref_squeeze %dma_wait3A_17 : memref<1x1601536xf32, #tpu.memory_space<vmem>> -> memref<1601536xf32, #tpu.memory_space<vmem>>
    %dma_wait3A_19 = tpu.memref_slice %arg1[%mul3A_16] : memref<102498304xf32, #tpu.memory_space<any>> -> memref<1601536xf32, #tpu.memory_space<any>>
    tpu.wait_dma2 semaphore(%arg4 : memref<!tpu.dma_semaphore, #tpu.memory_space<semaphore_mem>>) src(%dma_wait3A_19 : memref<1601536xf32, #tpu.memory_space<any>>) dst(%dma_wait3A_18 : memref<1601536xf32, #tpu.memory_space<vmem>>)
    %jit3A_20 = arith.constant 2 : i32
    %eq3A_21 = arith.constant 0 : i32
    %eq3A_22 = arith.cmpi eq, %jit3A_20, %eq3A_21 : i32
    %jit3A_23 = arith.constant 1 : i32
    %select_n3A_24 = arith.select %eq3A_22, %jit3A_23, %jit3A_20 : i32
    %rem3A_25 = arith.remsi %arg0, %select_n3A_24 : i32
    %ne3A_26 = arith.constant 0 : i32
    %ne3A_27 = arith.cmpi ne, %rem3A_25, %ne3A_26 : i32
    %lt3A_28 = arith.constant 0 : i32
    %lt3A_29 = arith.cmpi slt, %rem3A_25, %lt3A_28 : i32
    %lt3A_30 = arith.constant 0 : i32
    %lt3A_31 = arith.cmpi slt, %select_n3A_24, %lt3A_30 : i32
    %ne3A_32 = arith.xori %lt3A_29, %lt3A_31 : i1
    %and3A_33 = arith.andi %ne3A_32, %ne3A_27 : i1
    %add3A_34 = arith.addi %rem3A_25, %select_n3A_24 : i32
    %select_n3A_35 = arith.select %and3A_33, %add3A_34, %rem3A_25 : i32
    %get3A = arith.index_cast %select_n3A_35 : i32 to index
    %get3A_36 = arith.constant 0 : index
    %get3A_37 = vector.load %arg3[%get3A, %get3A_36] : memref<2x1601536xf32, #tpu.memory_space<vmem>>, vector<1x1601536xf32>
    %get3A_38 = vector.shape_cast %get3A_37 : vector<1x1601536xf32> to vector<1601536xf32>
    %reshape3A = vector.shape_cast %get3A_38 : vector<1601536xf32> to vector<16x100096xf32>
    %slice3A = vector.extract_strided_slice %reshape3A {offsets = [0, 0], sizes = [16, 100000], strides = [1, 1]} : vector<16x100096xf32> to vector<16x100000xf32>
    %reshape3A_39 = vector.shape_cast %slice3A : vector<16x100000xf32> to vector<1x16x100000xf32>
    %swap3A = arith.constant 0 : index
    %swap3A_40 = arith.constant 0 : index
    %swap3A_41 = arith.constant 0 : index
    %swap3A_42 = vector.load %arg2[%swap3A, %swap3A_40, %swap3A_41] : memref<1x16x100000xf32, #tpu.memory_space<vmem>>, vector<1x16x100000xf32>
    tpu.vector_store %arg2[%swap3A, %swap3A_40, %swap3A_41], %reshape3A_39 {strides = array<i32>} : memref<1x16x100000xf32, #tpu.memory_space<vmem>>, vector<1x16x100000xf32>,
    return
  }
  func.func @transform_1(%arg0: i32) -> (i32, i32, i32) {
    %c0_i32 = arith.constant 0 : i32
    %c0_i32_0 = arith.constant 0 : i32
    %c0_i32_1 = arith.constant 0 : i32
    return %c0_i32, %arg0, %c0_i32_0 : i32, i32, i32
  }
}

</mosaic_0001>

<sc_bundles>
// kernel: kernel.5.cloned.1.call-start
scs
__scs_entry_jumppad:
0x0: {  	(pc) =	sbr.rel $0x88, $3  }
0x1: {  	(tag) =	ssettag $0x0;
	lr =	simm.s32 $0x1  }
0x2: {  	[smem:$0x3F9F] =	sst lr;
	_ =	strace $0xD0000000  }
0x3: {  	_ = 	snop  }
0x4: {  	_ = 	snop  }
0x5: {  	_ = 	snop  }
0x6: {  	_ = 	snop  }
0x7: {  	_ = 	snop  }
__scs_overlays_trampoline_lowered:
0x8: {  	[smem:$0x3FAE] =	sst s0  }
0x9: {  	[smem:$0x3FAF] =	sst s1  }
0xa: {  	[smem:$0x3FB0] =	sst s2  }
0xb: {  	[smem:$0x3FB1] =	sst s3  }
0xc: {  	[smem:$0x3FB2] =	sst s4  }
0xd: {  	[smem:$0x3FB3] =	sst s5  }
0xe: {  	[smem:$0x3FB4] =	sst s6  }
0xf: {  	[smem:$0x3FB5] =	sst s7  }
0x10: {  	[smem:$0x3FB6] =	sst s8  }
0x11: {  	[smem:$0x3FB7] =	sst s9;
	s0 =	simm.s32 @!p0 $0x0  }
0x12: {  	s1 =	sld [smem:$0x3F9D];
	s0 =	simm.s32 @p0 $0x1  }
0x13: {  	[smem:$0x3FB8] =	sst s0;
	s0 =	simm.s32 @!p1 $0x0  }
0x14: {  	s2 =	sld [smem:$0x3F9C];
	s0 =	simm.s32 @p1 $0x1  }
0x15: {  	[smem:$0x3FB9] =	sst s0;
	s0 =	simm.s32 @!p2 $0x0  }
0x16: {  	s3 =	sld [smem:$0x3FDB];
	s0 =	simm.s32 @p2 $0x1  }
0x17: {  	s4 =	simm.s32 $0x1BF5;
	[smem:$0x3FBB] =	sst s0  }
0x18: {  	s0 =	sld [smem:$0x3F9E];
	_ =	swait.ge [sflag:s4], $0x0  }
0x19: {  	s7 =	sld [smem:$0x3F9F]  }
0x1a: {  	s8 =	sadd.s32 $0xFFFFE003, lr  }
0x1b: {  	s9 =	sadd.s32 $0xFFFFFEF7, lr;
	s5 =	simm.s32 $0xFFFFFFFF;
	p2 =	slt.u32 s8, $0xFFFFF086  }
0x1c: {  	p1 =	slt.u32 s9, $0xF7A;
	s5 =	simm.s32 @!p2 $0x0  }
0x1d: {  	s5 =	simm.s32 @p1 $0x1;
	p0 =	seq.s32 s7, s2  }
0x1e: {  	s7 =	smul.u32 @!p0 $0xF7A, s2;
	p2 =	seq.s32 @!p0 s5, $0x0  }
0x1f: {  	s9 =	smul.u32 $0xF7A, s1;
	s8 =	simm.s32 @!p0 $0x1BF5;
	p2 =	por !p2, p0  }
0x20: {  	[sflag:s8] =	ssyncset.s32 @!p0 $0xFFFFF086;
	s6 =	sadd.s32 @!p0 s3, s7;
	s7 =	simm.s32 @!p0 $0x108  }
0x21: {  	s3 =	sadd.s32 s3, s9;
	s6 =	sadd.s32 @!p0 $0x88, s6;
	s7 =	simm.s32 @p2 $0x1082  }
0x22: {  	[simem:s7], [sflag:s8] =	dma.local @!p0 [hbm:s6], $0xF7A  }
0x23: {  	s9 =	sor.u32 $0xD0000000, s2;
	s6 =	simm.s32 $0x108;
	_ =	swait.ge @!p0 [sflag:s8], $0x0  }
0x24: {  	s3 =	sadd.s32 $0x88, s3;
	s6 =	simm.s32 @!p1 $0x1082;
	[sflag:s4] =	ssyncset.s32 $0xFFFFF086  }
0x25: {  	[simem:s6], [sflag:s4] =	dma.local [hbm:s3], $0xF7A  }
0x26: {  	[smem:$0x3F9F] =	sst s1;
	(tag) =	ssettag s2;
	_ =	strace s9  }
0x27: {  	s1 =	sld [smem:$0x3FAF]  }
0x28: {  	s2 =	sld [smem:$0x3FB0]  }
0x29: {  	s4 =	sld [smem:$0x3FB2]  }
0x2a: {  	p0 =	seq.s32 s5, $0x0;
	s5 =	sld [smem:$0x3FB3]  }
0x2b: {  	s6 =	sld [smem:$0x3FB4]  }
0x2c: {  	s7 =	sld [smem:$0x3FB5]  }
0x2d: {  	s3 =	simm.s32 $0x108;
	s8 =	sld [smem:$0x3FB6]  }
0x2e: {  	s3 =	simm.s32 @!p0 $0x1082;
	s9 =	sld [smem:$0x3FB7]  }
0x2f: {  	lr =	sadd.s32 s0, s3;
	s0 =	sld [smem:$0x3FAE]  }
0x30: {  	s3 =	sld [smem:$0x3FB1]  }
0x31: {  	[smem:$0x3FBA] =	sst s10  }
0x32: {  	s10 =	sld [smem:$0x3FB8];
	_ =	sdelay $0x3  }
0x33: {  	p0 =	seq.s32 s10, $0x1;
	s10 =	sld [smem:$0x3FBA];
	_ =	sdelay $0x3  }
0x34: {  	[smem:$0x3FBA] =	sst s10  }
0x35: {  	s10 =	sld [smem:$0x3FB9];
	_ =	sdelay $0x3  }
0x36: {  	p1 =	seq.s32 s10, $0x1;
	s10 =	sld [smem:$0x3FBA];
	_ =	sdelay $0x3  }
0x37: {  	[smem:$0x3FBA] =	sst s10  }
0x38: {  	s10 =	sld [smem:$0x3FBB]  }
0x39: {  	_ = 	snop;
	(pc) =	sbr.ind lr, $3  }
0x3a: {  	_ = 	snop  }
0x3b: {  	_ = 	snop  }
0x3c: {  	p2 =	seq.s32 s10, $0x1;
	s10 =	sld [smem:$0x3FBA]  }
0x3d: {  	_ =	shalt  }
0x3e: {  	_ =	shalt  }
0x3f: {  	_ =	shalt  }
0x40: {  	_ =	shalt  }
0x41: {  	_ =	shalt  }
0x42: {  	_ =	shalt  }
0x43: {  	_ =	shalt  }
0x44: {  	_ =	shalt  }
0x45: {  	_ =	shalt  }
0x46: {  	_ =	shalt  }
0x47: {  	_ =	shalt  }
0x48: {  	_ =	shalt  }
0x49: {  	_ =	shalt  }
0x4a: {  	_ =	shalt  }
0x4b: {  	_ =	shalt  }
0x4c: {  	_ =	shalt  }
0x4d: {  	_ =	shalt  }
0x4e: {  	_ =	shalt  }
0x4f: {  	_ =	shalt  }
0x50: {  	_ =	shalt  }
0x51: {  	_ =	shalt  }
0x52: {  	_ =	shalt  }
0x53: {  	_ =	shalt  }
0x54: {  	_ =	shalt  }
0x55: {  	_ =	shalt  }
0x56: {  	_ =	shalt  }
0x57: {  	_ =	shalt  }
0x58: {  	_ =	shalt  }
0x59: {  	_ =	shalt  }
0x5a: {  	_ =	shalt  }
0x5b: {  	_ =	shalt  }
0x5c: {  	_ =	shalt  }
0x5d: {  	_ =	shalt  }
0x5e: {  	_ =	shalt  }
0x5f: {  	_ =	shalt  }
0x60: {  	_ =	shalt  }
0x61: {  	_ =	shalt  }
0x62: {  	_ =	shalt  }
0x63: {  	_ =	shalt  }
0x64: {  	_ =	shalt  }
0x65: {  	_ =	shalt  }
0x66: {  	_ =	shalt  }
0x67: {  	_ =	shalt  }
0x68: {  	_ =	shalt  }
0x69: {  	_ =	shalt  }
0x6a: {  	_ =	shalt  }
0x6b: {  	_ =	shalt  }
0x6c: {  	_ =	shalt  }
0x6d: {  	_ =	shalt  }
0x6e: {  	_ =	shalt  }
0x6f: {  	_ =	shalt  }
0x70: {  	_ =	shalt  }
0x71: {  	_ =	shalt  }
0x72: {  	_ =	shalt  }
0x73: {  	_ =	shalt  }
0x74: {  	_ =	shalt  }
0x75: {  	_ =	shalt  }
0x76: {  	_ =	shalt  }
0x77: {  	_ =	shalt  }
0x78: {  	_ =	shalt  }
0x79: {  	_ =	shalt  }
0x7a: {  	_ =	shalt  }
0x7b: {  	_ =	shalt  }
0x7c: {  	_ =	shalt  }
0x7d: {  	_ =	shalt  }
0x7e: {  	_ =	shalt  }
0x7f: {  	_ =	shalt  }
0x80: {  	_ =	shalt  }
0x81: {  	_ =	shalt  }
0x82: {  	_ =	shalt  }
0x83: {  	_ =	shalt  }
0x84: {  	_ =	shalt  }
0x85: {  	_ =	shalt  }
0x86: {  	_ =	shalt  }
0x87: {  	_ =	shalt  }
.Lfunc_end0:
.L_simem_size_0:
called_computation_lowered:
.L_overlay_start_0:
0x88: {  	s2 =	sld [smem:$0x3FD9]  }
0x89: {  	s3 =	sld [smem:$0x3FFE];
	_ =	sdelay $0x1  }
0x8a: {  	s1 =	srdreg.scid  }
0x8b: {  	s0 =	sand.u32 $0x1, s1  }
0x8c: {  	s17 =	sshll.u32 s0, $0xA;
	s2 =	sadd.s32 s3, s2  }
0x8d: {  	s2 =	sadd.s32 s2, s17  }
0x8e: {  	[smem:$0x3FC6] =	sst s2  }
0x8f: {  	_ = 	snop  }
0x90: {  	s2 =	sld [smem:$0x3FD0];
	(tm) =	ssettm $0x1  }
0x91: {  	s18 =	sld [smem:$0x3FFB];
	_ =	sdelay $0x3  }
0x92: {  	_ =	strace s18  }
0x93: {  	s3 =	sld [smem:$0x3FFC];
	_ =	sdelay $0x3  }
0x94: {  	_ =	strace s3  }
0x95: {  	s3 =	sld [smem:$0x3FFD];
	_ =	sdelay $0x3  }
0x96: {  	_ =	strace s3  }
0x97: {  	_ =	strace $0x8FFFFFFF  }
0x98: {  	s19 =	sld [smem:$0x3FDB];
	_ =	sdelay $0x1  }
0x99: {  	s4 =	simm.s32 $_scs_section_size  }
0x9a: {  	s5 =	simm.s32 $_size__tile_overlayer_lowered;
	s6 =	simm.s32 $_tile_overlayer_lowered  }
0x9b: {  	s22 =	simm.s32 $0x1BFF;
	s21 =	sshll.u32 s6, $0x1;
	s3 =	sadd.s32 s4, s19  }
0x9c: {  	s7 =	simm.s32 $0x0;
	s20 =	sshll.u32 s5, $0x1;
	s5 =	sadd.s32 s21, s3  }
0x9d: {  	[timem:s7], [sflag:s22] =	dma.local [hbm:s5], s20  }
0x9e: {  	_ =	swait.ge [sflag:s22], s20  }
0x9f: {  	s4 =	ssub.s32 $0x0, s20;
	[sflag:s22] =	ssyncset.done $0x0  }
0xa0: {  	[sflag:s22] =	ssyncadd.s32 s4;
	_ =	sdelay $0x1  }
0xa1: {  	s23 =	simm.s32 $0x1B8B  }
0xa2: {  	_ =	swait.ge [sflag:s23], $0x1  }
0xa3: {  	[sflag:s23] =	ssyncset.done $0x0  }
0xa4: {  	s25 =	simm.s32 $0x1B8E;
	s24 =	sld [smem:$0x3FFE];
	[sflag:s23] =	ssyncadd.s32 $0xFFFFFFFF  }
0xa5: {  	s26 =	simm.s32 $execute0_lowered;
	[smem:$0x3FD2] =	sst s25  }
0xa6: {  	s5 =	sshll.u32 s26, $0x1;
	_ =	strace $0x80000046;
	[dreg:$0x1] =	wrdreg $0xFFFFFFFF  }
0xa7: {  	s28 =	simm.s32 $_size_execute0_lowered;
	s3 =	sadd.s32 s3, s5;
	[dreg:$0x0] =	wrdreg $0x0  }
0xa8: {  	s5 =	sshll.u32 s28, $0x1;
	[dreg:$0x2] =	wrdreg s3  }
0xa9: {  	[dreg:$0x3] =	wrdreg s5  }
0xaa: {  	[dreg:$0x4] =	wrdreg $0xC0  }
0xab: {  	_ =	task [dreg:s7], $0x5FFFF  }
0xac: {  	[dreg:$0x1] =	wrdreg $0xFFFFFFFF  }
0xad: {  	[dreg:$0x0] =	wrdreg $0x60  }
0xae: {  	[dreg:$0x2] =	wrdreg s24  }
0xaf: {  	[dreg:$0x3] =	wrdreg s2  }
0xb0: {  	[dreg:$0x4] =	wrdreg $0x9  }
0xb1: {  	_ =	task.clear_ibuf [dreg:s7], $0x5FFFF;
	_ =	strace $0x90000046  }
0xb2: {  	s29 =	simm.s32 $0x9;
	_ =	strace $0x80000048  }
0xb3: {  	_ =	swait.ge [sflag:s29], $0x1  }
0xb4: {  	[sflag:s29] =	ssyncadd.s32 $0xFFFFFFFF  }
0xb5: {  	_ =	strace $0x90000048  }
0xb6: {  	_ =	sfence  }
0xb7: {  	s30 =	sld [smem:$0x0];
	_ =	sdelay $0x2  }
0xb8: {  	s31 =	sshll.u32 s1, $0xD;
	s1 =	sshrl.u32 s1, $0x2  }
0xb9: {  	s3 =	sand.u32 $0x4000, s31;
	s1 =	sadd.s32 s1, s30  }
0xba: {  	s0 =	sor.u32 s3, s0;
	s1 =	sshll.u32 s1, $0x11  }
0xbb: {  	s0 =	sor.u32 s1, s0  }
0xbc: {  	s0 =	sadd.s32 $0x8F2B, s0  }
0xbd: {  	[sflag:s0] =	ssyncadd.remote.s32 $0x1  }
0xbe: {  	_ =	sfence.sel $0xFFFF  }
0xbf: {  	[dreg:$0x0] =	wrdreg $0xFFFFFFFF;
	(pc) =	sbr.abs _section_cstart, $3  }
0xc0: {  	[dreg:$0x1] =	wrdreg $0xFFFFFFFF  }
0xc1: {  	_ =	task.clear_ibuf [dreg:s7], $0x2FFFF;
	_ =	strace $0x9FFFFFFF  }
0xc2: {  	(tm) =	ssettm $0x7FFFFFFF  }
0xc3: {  	_ =	shalt  }
tec
execute0_lowered:
.L_overlay_start_1:
0x0: {  	(tag) =	ssettag $0x1  }
0x1: {  	s0 =	rddreg [dreg:$0x0];
	s2 =	simm.s32 $0x0;
	v9 =	vlaneseq.u32  }
0x2: {  	[smem:$0x7FF] =	sst s2;
	v52 =	vor.u32 $0x10, v9  }
0x3: {  	s1 =	rddreg [dreg:$0x1];
	v1 =	vmul.u32 $0xFFFFFFFF, v9;
	v54 =	vor.u32 $0x20, v9;
	_ =	strace $0x80000047;
	[tilespmem:$0x1FE70] =	vst v52  }
0x4: {  	v5 =	vmul.u32 $0x40, v9;
	v55 =	vor.u32 $0x30, v9;
	[tilespmem:$0x1FE80] =	vst v54  }
0x5: {  	[tilespmem:$0x1FE90] =	vst v55;
	v19 =	vadd.s32 $0xF, v1  }
0x6: {  	v10 =	vor.u32 $0x400, v5;
	[tilespmem:$0x1FEF0] =	vst v19  }
0x7: {  	v11 =	vor.u32 $0x800, v5;
	[tilespmem:$0x1FF00] =	vst v10  }
0x8: {  	v0 =	vimm.f32 $2.000000030e-01;
	v12 =	vor.u32 $0xC00, v5;
	[tilespmem:$0x1FF10] =	vst v11  }
0x9: {  	v56 =	vimm.s32 $0xEFCDAB89;
	v58 =	vimm.s32 $0x67452301;
	v13 =	vor.u32 $0x1000, v5;
	[tilespmem:$0x1FF20] =	vst v12  }
0xa: {  	v2 =	vimm.s32 $0xDCFE98BA;
	v3 =	vimm.s32 $0x54761032;
	v14 =	vor.u32 $0x1400, v5;
	[tilespmem:$0x1FF30] =	vst v13  }
0xb: {  	v4 =	vimm.s32 $0xBA98FEDC;
	v6 =	vimm.s32 $0x32107654;
	v16 =	vor.u32 $0x1C00, v5;
	[tilespmem:$0x1FF40] =	vst v14  }
0xc: {  	v7 =	vimm.s32 $0xFEDCBA98;
	v8 =	vimm.s32 $0x76543210;
	v15 =	vor.u32 $0x1800, v5;
	[tilespmem:$0x1FF50] =	vst v16  }
0xd: {  	v2 =	vunpack.c.l.s4.s8 v2;
	v3 =	vunpack.c.l.s4.s8 v3;
	v17 =	vor.u32 $0x2000, v5;
	[tilespmem:$0x1FF60] =	vst v15  }
0xe: {  	v4 =	vunpack.c.l.s4.s8 v4;
	v6 =	vunpack.c.l.s4.s8 v6;
	v18 =	vor.u32 $0x2400, v5;
	[tilespmem:$0x1FF70] =	vst v17  }
0xf: {  	s3 =	srdreg.scid;
	v7 =	vunpack.c.l.s4.s8 v7;
	v8 =	vunpack.c.l.s4.s8 v8;
	v20 =	vor.u32 $0x2800, v5;
	[tilespmem:$0x1FF80] =	vst v18  }
0x10: {  	s4 =	stileid.u32;
	s14 =	simm.s32 $0x10480;
	s15 =	simm.s32 $0x4;
	(erf) = vrcp.f32 v0;
	v21 =	vor.u32 $0x2C00, v5;
	v22 =	vor.u32 $0x3000, v5;
	[tilespmem:$0x1FF90] =	vst v20  }
0x11: {  	s16 =	simm.s32 $0x11D00;
	s17 =	simm.s32 $0x11D40;
	s18 =	simm.s32 $0x80;
	v23 =	vor.u32 $0x3400, v5;
	v0 =	vunpack.c.l.s4.s8 v56;
	v1 =	vunpack.c.l.s4.s8 v58;
	[tilespmem:$0x1FFA0] =	vst v21  }
0x12: {  	s19 =	simm.s32 $0x10380;
	s20 =	simm.s32 $0xC380;
	s21 =	simm.s32 $0x10400;
	v24 =	vor.u32 $0x3800, v5;
	v2 =	vunpack.c.0.s8.s32 v2;
	v3 =	vunpack.c.0.s8.s32 v3;
	[tilespmem:$0x1FFB0] =	vst v22  }
0x13: {  	s22 =	simm.s32 $0xE380;
	s3 =	sand.u32 $0x1, s3;
	s4 =	sshll.u32 s4, $0x1;
	v25 =	vor.u32 $0x3C00, v5;
	[tilespmem:$0x1FFC0] =	vst v23;
	v0 =	vunpack.c.0.s8.s32 v0;
	v1 =	vunpack.c.0.s8.s32 v1  }
0x14: {  	s23 =	simm.s32 $0x2;
	s24 =	simm.s32 $0x1;
	s9 =	sor.u32 s3, s4;
	v4 =	vunpack.c.0.s8.s32 v4;
	v6 =	vunpack.c.0.s8.s32 v6;
	[tilespmem:$0x1FFD0] =	vst v24;
	v2 =	vcombine.low v3, v2  }
0x15: {  	s25 =	simm.s32 $0x11D80;
	s28 =	simm.s32 $0x0;
	v26 =	vor.u32 $0x1, v5;
	s6 =	smul.u32 $0x30E000, s9;
	v59 =	vunpack.c.0.s8.s32 v7;
	[tilespmem:$0x1FFE0] =	vst v25;
	v0 =	vcombine.low v1, v0  }
0x16: {  	s29 =	simm.s32 $0x0;
	s5 =	sadd.s32 $0x252200, s0;
	s3 =	ssub.s32 $0x2, s3;
	[tilespmem:$0x1FFF0] =	vst v26;
	v3 =	vcombine.low v6, v4;
	v4 =	vunpack.c.0.s8.s32 v8;
	v62 =	vand.u32 $0xF, v2  }
0x17: {  	s8 =	sadd.s32 $0x250200, s0;
	s10 =	sshrl.u32 s3, $0x1;
	s7 =	sshrl.u32 s6, $0x3;
	v60 =	vand.u32 $0xF, v59;
	[tilespmem:$0x1FEC0] =	vst v62;
	v0 =	vand.u32 $0xF, v0  }
0x18: {  	s4 =	sadd.s32 $0x24E200, s0;
	s26 =	ssub.s32 s3, s10;
	s7 =	sadd.s32 s5, s7;
	v63 =	vand.u32 $0xF, v3;
	[tilespmem:$0x1FEA0] =	vst v0;
	v0 =	vcombine.low v60, v4  }
0x19: {  	v53 =	vimm.s32 $0x0;
	vm0 =	vcmask $0x300;
	s10 =	sshll.u32 s9, $0x5;
	s6 =	sadd.s32 $0x2200, s0;
	s30 =	sadd.s32 $0x1870, s7;
	[tilespmem:$0x1FED0] =	vst v63  }
0x1a: {  	v31 =	vimm.s32 $0x1;
	v32 =	vimm.s32 $0x2;
	v33 =	vimm.s32 $0x3;
	s13 =	smax.u32 s26, $0x1;
	s31 =	sadd.s32 $0x30E0, s7;
	[dreg:$0x3] =	wrdreg s30;
	v61 =	vpop (erf);
	[tilespmem:$0x1FEE0] =	vst v0  }
0x1b: {  	v42 =	vimm.s32 $0x5;
	v43 =	vimm.s32 $0x6;
	v57 =	vsel vm0, $0x3, v53;
	s26 =	simm.s32 $0x3;
	s12 =	sadd.s32 $0x4950, s7;
	[dreg:$0x4] =	wrdreg s31;
	[tilespmem:$0x1FEB0] =	vst v61  }
.LBB2_1:
0x1c: {  	s0 =	simm.s32 $0x40;
	s3 =	simm.s32 $0x0;
	v0 =	vimm.f32 $0.0e+00  }
.LBB2_2:
0x1d: {  	p0 =	sne.s32 s0, $0x30DC0;
	[tilespmem:s3+$0x0] =	vst v0;
	s3 =	smov.u32 s0;
	s0 =	sadd.s32 $0x40, s0  }
.Ltmp0:
0x1e: {  	(pc) =	sbr.rel @p0 .LBB2_2-.Ltmp0, $2  }
0x1f: {  	_ =	sdelay $0x2  }
0x20: {  	s3 =	sshra.s32 s3, $0x2  }
0x21: {  	[tilespmem:s3+$0x0] =	vst v0  }
0x22: {  	[hbm4b:s7+s29] =	stream.linear.scatter [tilespmem:s29], [sflag:$0x1], $0xC380, $0x38;
	[tilespmem:$0x11D90] =	vst v63  }
0x23: {  	s0 =	rddreg [dreg:$0x3]  }
0x24: {  	[hbm4b:s0+s29] =	stream.linear.scatter [tilespmem:s29], [sflag:$0x1], $0xC380, $0x38;
	[tilespmem:$0x11D90] =	vst v63  }
0x25: {  	s31 =	rddreg [dreg:$0x4]  }
0x26: {  	[hbm4b:s31+s29] =	stream.linear.scatter [tilespmem:s29], [sflag:$0x1], $0xC380, $0x38;
	[tilespmem:$0x11D90] =	vst v63  }
0x27: {  	s30 =	simm.s32 $0x0  }
0x28: {  	[hbm4b:s12+s29] =	stream.linear.scatter [tilespmem:s29], [sflag:$0x1], $0xC380, $0x38;
	[tilespmem:$0x11D90] =	vst v63  }
.LBB2_4:
0x29: {  	s31 =	sadd.s32 s10, s30;
	p0 =	sgt.u32 s30, $0x1D  }
0x2a: {  	s0 =	smul.u32 @!p0 $0x18700, s31;
	_ =	sdelay $0x1  }
0x2b: {  	s0 =	sshrl.u32 @!p0 s0, $0x3  }
0x2c: {  	s0 =	sadd.s32 @!p0 s5, s0  }
0x2d: {  	s9 =	simm.s32 @!p0 $0x0;
	s3 =	sadd.s32 @!p0 $0x61C0, s0  }
0x2e: {  	[hbm4b:s3+s9] =	stream.linear.scatter @!p0 [tilespmem:s9], [sflag:$0x1], $0xC380, $0x38;
	[tilespmem:$0x11D90] =	vst v63  }
0x2f: {  	s11 =	smul.u32 $0x310, s31;
	s0 =	sadd.s32 @!p0 $0x7A30, s0  }
0x30: {  	[hbm4b:s0+s9] =	stream.linear.scatter @!p0 [tilespmem:s9], [sflag:$0x1], $0xC380, $0x38;
	[tilespmem:$0x11D90] =	vst v63  }
0x31: {  	s3 =	sadd.s32 s6, s11  }
0x32: {  	[tilespmem:s14], [sflag:$0x4] =	stream.linear.gather [hbm4b:s3+s29], $0x1880, $0x38;
	[tilespmem:$0x11D90] =	vst v63  }
0x33: {  	_ =	swait.ge [sflag:s15], $0x1880  }
0x34: {  	s9 =	sshll.u32 s31, $0x3;
	[sflag:s15] =	ssyncset.done $0x0  }
0x35: {  	s11 =	sadd.s32 s8, s9;
	[sflag:s15] =	ssyncadd.s32 $0xFFFFE780  }
0x36: {  	[tilespmem:s16], [sflag:$0x4] =	stream.linear.gather [hbm4b:s11+s29], $0x40, $0x38;
	[tilespmem:$0x11D90] =	vst v63  }
0x37: {  	_ =	swait.ge [sflag:s15], $0x40  }
0x38: {  	[sflag:s15] =	ssyncset.done $0x0  }
0x39: {  	s0 =	sadd.s32 s4, s9;
	[sflag:s15] =	ssyncadd.s32 $0xFFFFFFC0  }
0x3a: {  	[tilespmem:s17], [sflag:$0x4] =	stream.linear.gather [hbm4b:s0+s29], $0x40, $0x38;
	[tilespmem:$0x11D90] =	vst v63  }
0x3b: {  	_ =	swait.ge [sflag:s15], $0x40  }
0x3c: {  	[sflag:s15] =	ssyncset.done $0x0  }
0x3d: {  	[sflag:s15] =	ssyncadd.s32 $0xFFFFFFC0  }
0x3e: {  	v0 =	vld [tilespmem:$0x11D00];
	_ =	sdelay $0x4  }
0x3f: {  	(xrf1) =	vsort.ascd.msk.f32 $0xffff, v0, v9;
	_ =	sdelay $0xd  }
0x40: {  	v0, v1, _ =	vpop (xrf1)  }
0x41: {  	v0 =	vperm.xlane v0, v19  }
0x42: {  	v1 =	vperm.xlane v1, v19  }
0x43: {  	vm0 =	vle.f32 v0, $-3.000000010e+38  }
0x44: {  	v2 =	vld [tilespmem:$0x11D10];
	v0 =	vsel vm0, $0xFF61B1E6, v0;
	v1 =	vsel vm0, $0x0, v1  }
0x45: {  	(xrf1) =	vsort.ascd.msk.f32 $0xffff, v0, v1;
	v0 =	vld [tilespmem:$0x1FE70];
	_ =	sdelay $0x4  }
0x46: {  	(xrf1) =	vsort.ascd.msk.f32 $0xffff, v2, v0;
	_ =	sdelay $0xc  }
0x47: {  	v0, v1, _ =	vpop (xrf1)  }
0x48: {  	v2, v3, _ =	vpop (xrf1)  }
0x49: {  	v2 =	vperm.xlane v2, v19  }
0x4a: {  	v3 =	vperm.xlane v3, v19  }
0x4b: {  	vm13 =	vge.f32 v0, v2  }
0x4c: {  	v4 =	vld [tilespmem:$0x11D20];
	v0 =	vsel vm13, v0, v2;
	v1 =	vsel vm13, v1, v3  }
0x4d: {  	(xrf1) =	vsort.ascd.msk.f32 $0xffff, v0, v1;
	v0 =	vld [tilespmem:$0x1FE80];
	_ =	sdelay $0x4  }
0x4e: {  	(xrf1) =	vsort.ascd.msk.f32 $0xffff, v4, v0;
	_ =	sdelay $0xc  }
0x4f: {  	v0, v1, _ =	vpop (xrf1)  }
0x50: {  	v2, v3, _ =	vpop (xrf1)  }
0x51: {  	v2 =	vperm.xlane v2, v19  }
0x52: {  	v3 =	vperm.xlane v3, v19  }
0x53: {  	vm14 =	vge.f32 v0, v2  }
0x54: {  	v4 =	vld [tilespmem:$0x11D30];
	v0 =	vsel vm14, v0, v2;
	v1 =	vsel vm14, v1, v3  }
0x55: {  	(xrf1) =	vsort.ascd.msk.f32 $0xffff, v0, v1;
	v0 =	vld [tilespmem:$0x1FE90];
	_ =	sdelay $0x4  }
0x56: {  	(xrf1) =	vsort.ascd.msk.f32 $0xffff, v4, v0;
	_ =	sdelay $0xc  }
0x57: {  	v0, v1, _ =	vpop (xrf1)  }
0x58: {  	v2, v3, _ =	vpop (xrf1)  }
0x59: {  	v2 =	vperm.xlane v2, v19  }
0x5a: {  	v3 =	vperm.xlane v3, v19  }
0x5b: {  	vm15 =	vge.f32 v0, v2  }
0x5c: {  	v0 =	vsel vm15, v0, v2;
	v1 =	vsel vm15, v1, v3  }
0x5d: {  	(xrf1) =	vsort.ascd.msk.f32 $0xffff, v0, v1;
	_ =	sdelay $0xd  }
0x5e: {  	v0 =	vimm.s32 $0x0;
	v3, v1, _ =	vpop (xrf1)  }
0x5f: {  	s0 =	simm.s32 $0x0;
	v2 =	vimm.f32 $-3.000000010e+38;
	v3 =	vperm.xlane v3, v0  }
.LBB2_5:
0x60: {  	v4 =	vmov s0  }
0x61: {  	v4 =	vperm.xlane v1, v4;
	_ =	sdelay $0x1  }
0x62: {  	(v2sf) =	vpush v4, $0x0;
	_ =	sdelay $0xe  }
0x63: {  	s3 =	spop (v2sf)  }
0x64: {  	s9 =	sshll.u32 s3, $0x9  }
0x65: {  	s9 =	sshra.s32 s9, $0x2  }
0x66: {  	s9 =	sadd.s32 $0x10480, s9  }
0x67: {  	v4 =	vmov s9;
	_ =	sdelay $0x3  }
0x68: {  	s11 =	simm.s32 $0x0  }
0x69: {  	v6 =	vld.idx.msk [tilespmem:v4+s11+$0x0 ss:$0x1], $0xffff;
	_ =	sdelay $0x4  }
0x6a: {  	vm0 =	vge.f32 v6, v3  }
0x6b: {  	v7 =	vmpcnt.ones.xlane vm0;
	_ =	sdelay $0x1  }
0x6c: {  	(v2sf) =	vpush v7, $0x0;
	_ =	sdelay $0xe  }
0x6d: {  	s11 =	spop (v2sf)  }
0x6e: {  	p0 =	slt.s32 s11, $0x1  }
0x6f: {  	s3 =	sshll.u32 s3, $0x7;
	v7 =	vlaneseq.u32 @!p0  }
0x70: {  	v8 =	vor.u32 @!p0 s3, v7  }
0x71: {  	(xrf1) =	vsort.ascd.msk.f32 @!p0 $0xffff, v6, v8;
	_ =	sdelay $0xb  }
0x72: {  	v6 =	vmul.u32 @!p0 $0xFFFFFFFF, v7;
	_ =	sdelay $0x1  }
0x73: {  	v6 =	vadd.s32 @!p0 $0xF, v6;
	v7, v8, _ =	vpop @!p0 (xrf1)  }
0x74: {  	v7 =	vperm.xlane @!p0 v7, v6  }
0x75: {  	v6 =	vperm.xlane @!p0 v8, v6  }
0x76: {  	vm0 =	vge.f32 @!p0 v2, v7  }
0x77: {  	v7 =	vsel @!p0 vm0, v2, v7;
	v6 =	vsel @!p0 vm0, v0, v6  }
0x78: {  	s9 =	simm.s32 $0x40;
	(xrf1) =	vsort.ascd.msk.f32 @!p0 $0xffff, v7, v6  }
.LBB2_6:
0x79: {  	_ =	sdelay $0xa  }
0x7a: {  	s11 =	sshra.s32 s9, $0x2;
	s9 =	sadd.s32 $0x40, s9  }
0x7b: {  	v6 =	vld.idx.msk [tilespmem:v4+s11+$0x0 ss:$0x1], $0xffff;
	p1 =	sne.s32 s9, $0x200  }
0x7c: {  	v7 =	vimm.s32 @!p0 $0x0;
	v8, v9, _ =	vpop @!p0 (xrf1)  }
0x7d: {  	v7 =	vperm.xlane @!p0 v8, v7;
	v2 =	vpsel p0, v2, v8;
	v0 =	vpsel p0, v0, v9;
	_ =	sdelay $0x1  }
0x7e: {  	v7 =	vmax.f32 @!p0 v7, v3  }
0x7f: {  	v3 =	vpsel p0, v3, v7  }
0x80: {  	vm0 =	vge.f32 v6, v3  }
0x81: {  	v7 =	vmpcnt.ones.xlane vm0;
	_ =	sdelay $0x1  }
0x82: {  	(v2sf) =	vpush v7, $0x0;
	_ =	sdelay $0xe  }
0x83: {  	s11 =	spop (v2sf)  }
0x84: {  	p0 =	slt.s32 s11, $0x1  }
0x85: {  	s3 =	sadd.s32 $0x10, s3;
	v7 =	vlaneseq.u32 @!p0  }
0x86: {  	v8 =	vor.u32 @!p0 s3, v7  }
0x87: {  	(xrf1) =	vsort.ascd.msk.f32 @!p0 $0xffff, v6, v8;
	_ =	sdelay $0xb  }
0x88: {  	v6 =	vmul.u32 @!p0 $0xFFFFFFFF, v7;
	_ =	sdelay $0x1  }
0x89: {  	v6 =	vadd.s32 @!p0 $0xF, v6;
	v7, v8, _ =	vpop @!p0 (xrf1)  }
.Ltmp1:
0x8a: {  	v7 =	vperm.xlane @!p0 v7, v6;
	(pc) =	sbr.rel @p1 .LBB2_6-.Ltmp1, $4  }
0x8b: {  	v6 =	vperm.xlane @!p0 v8, v6  }
0x8c: {  	vm0 =	vge.f32 @!p0 v2, v7  }
0x8d: {  	v7 =	vsel @!p0 vm0, v2, v7;
	v6 =	vsel @!p0 vm0, v0, v6  }
0x8e: {  	(xrf1) =	vsort.ascd.msk.f32 @!p0 $0xffff, v7, v6  }
0x8f: {  	_ =	sdelay $0xa  }
0x90: {  	s0 =	sadd.s32 $0x1, s0  }
0x91: {  	p1 =	sne.s32 s0, $0x10  }
.Ltmp2:
0x92: {  	v4 =	vimm.s32 @!p0 $0x0;
	v6, v7, _ =	vpop @!p0 (xrf1);
	(pc) =	sbr.rel @p1 .LBB2_5-.Ltmp2, $3  }
0x93: {  	v4 =	vperm.xlane @!p0 v6, v4;
	_ =	sdelay $0x1  }
0x94: {  	v4 =	vmax.f32 @!p0 v4, v3  }
0x95: {  	v2 =	vpsel p0, v2, v6;
	v0 =	vpsel p0, v0, v7;
	v3 =	vpsel p0, v3, v4  }
0x96: {  	v1 =	vshll.u32 v0, $0x4  }
0x97: {  	v0 =	vand.u32 $0x7F, v0;
	v1 =	vand.u32 $0xFFFFF800, v1  }
0x98: {  	v2 =	vor.u32 v0, v1  }
0x99: {  	[tilespmem:$0x10380] =	vst v2  }
0x9a: {  	v0 =	vor.u32 $0x80, v2;
	[tilespmem:$0x1FE40] =	vst v2  }
0x9b: {  	[tilespmem:$0x1FD70] =	vst v0  }
0x9c: {  	v1 =	vor.u32 $0x100, v2;
	[tilespmem:$0x10390] =	vst v0  }
0x9d: {  	[tilespmem:$0x1FD80] =	vst v1  }
0x9e: {  	v0 =	vor.u32 $0x180, v2;
	[tilespmem:$0x103A0] =	vst v1  }
0x9f: {  	[tilespmem:$0x1FD90] =	vst v0  }
0xa0: {  	v1 =	vor.u32 $0x200, v2;
	[tilespmem:$0x103B0] =	vst v0  }
0xa1: {  	[tilespmem:$0x1FDA0] =	vst v1  }
0xa2: {  	v0 =	vor.u32 $0x280, v2;
	[tilespmem:$0x103C0] =	vst v1  }
0xa3: {  	[tilespmem:$0x1FDB0] =	vst v0  }
0xa4: {  	v1 =	vor.u32 $0x300, v2;
	[tilespmem:$0x103D0] =	vst v0  }
0xa5: {  	[tilespmem:$0x1FDC0] =	vst v1  }
0xa6: {  	v0 =	vor.u32 $0x380, v2;
	[tilespmem:$0x103E0] =	vst v1  }
0xa7: {  	[tilespmem:$0x1FDD0] =	vst v0  }
0xa8: {  	v1 =	vor.u32 $0x400, v2;
	[tilespmem:$0x103F0] =	vst v0  }
0xa9: {  	[tilespmem:$0x1FDE0] =	vst v1  }
0xaa: {  	v0 =	vor.u32 $0x480, v2;
	[tilespmem:$0x10400] =	vst v1  }
0xab: {  	[tilespmem:$0x1FDF0] =	vst v0  }
0xac: {  	v1 =	vor.u32 $0x500, v2;
	[tilespmem:$0x10410] =	vst v0  }
0xad: {  	[tilespmem:$0x1FE00] =	vst v1  }
0xae: {  	v0 =	vor.u32 $0x580, v2;
	[tilespmem:$0x10420] =	vst v1  }
0xaf: {  	[tilespmem:$0x1FE10] =	vst v0  }
0xb0: {  	v1 =	vor.u32 $0x600, v2;
	[tilespmem:$0x10430] =	vst v0  }
0xb1: {  	[tilespmem:$0x1FE20] =	vst v1  }
0xb2: {  	v0 =	vor.u32 $0x680, v2;
	[tilespmem:$0x10440] =	vst v1  }
0xb3: {  	[tilespmem:$0x1FE30] =	vst v0  }
0xb4: {  	v1 =	vor.u32 $0x700, v2;
	[tilespmem:$0x10450] =	vst v0  }
0xb5: {  	[tilespmem:$0x1FE50] =	vst v1  }
0xb6: {  	v0 =	vor.u32 $0x780, v2;
	[tilespmem:$0x10460] =	vst v1  }
0xb7: {  	[tilespmem:$0x10470] =	vst v0  }
0xb8: {  	[tilespmem:s20], [sflag:$0x2] =	stream.indirect.gather [hbm4b:s1+s18], $0x40, s19, s18, $0xb8;
	[tilespmem:$0x11D90] =	vst v63  }
0xb9: {  	[tilespmem:$0x1FE60] =	vst v0  }
0xba: {  	[tilespmem:s22], [sflag:$0x2] =	stream.indirect.gather [hbm4b:s1+s18], $0x40, s21, s18, $0xb8;
	[tilespmem:$0x11D90] =	vst v63  }
0xbb: {  	v3 =	vimm.f32 $0.0e+00;
	_ =	swait.ge [sflag:s23], $0x2000  }
0xbc: {  	v4 =	vimm.f32 $0.0e+00;
	v6 =	vimm.f32 $0.0e+00;
	v7 =	vimm.f32 $0.0e+00;
	[sflag:s23] =	ssyncset.done $0x0  }
0xbd: {  	v8 =	vimm.f32 $0.0e+00;
	v9 =	vimm.f32 $0.0e+00;
	v10 =	vimm.f32 $0.0e+00;
	[sflag:s23] =	ssyncadd.s32 $0xFFFFE000  }
0xbe: {  	v11 =	vimm.f32 $0.0e+00;
	v12 =	vimm.f32 $0.0e+00;
	v13 =	vimm.f32 $0.0e+00;
	_ =	swait.ge [sflag:s23], $0x2000  }
0xbf: {  	v14 =	vimm.f32 $0.0e+00;
	v16 =	vimm.f32 $0.0e+00;
	v17 =	vimm.f32 $0.0e+00;
	[sflag:s23] =	ssyncset.done $0x0  }
0xc0: {  	s0 =	simm.s32 $0xF;
	s3 =	simm.s32 $0x11D40;
	v1 =	vimm.f32 $0.0e+00;
	v2 =	vimm.f32 $0.0e+00;
	v0 =	vimm.f32 $0.0e+00;
	[sflag:s23] =	ssyncadd.s32 $0xFFFFE000  }
.LBB2_9:
0xc1: {  	s9 =	sadd.s32 $0xFFFFFFF1, s0  }
0xc2: {  	v15 =	vld [tilespmem:$0x1FF00];
	v18 =	vmov s9  }
0xc3: {  	v18 =	vshrl.u32 v18, $0x3  }
0xc4: {  	v18 =	vshll.u32 v18, v57  }
0xc5: {  	v36 =	vbroadcast v18, $0x0;
	_ =	sdelay $0x1  }
0xc6: {  	v19 =	vor.u32 v15, v36;
	v15 =	vld [tilespmem:$0x1FF10];
	_ =	sdelay $0x4  }
0xc7: {  	v20 =	vor.u32 v15, v36;
	v15 =	vld [tilespmem:$0x1FF20];
	_ =	sdelay $0x4  }
0xc8: {  	v21 =	vor.u32 v15, v36;
	v15 =	vld [tilespmem:$0x1FF30];
	_ =	sdelay $0x4  }
0xc9: {  	v22 =	vor.u32 v15, v36;
	v15 =	vld [tilespmem:$0x1FF40];
	_ =	sdelay $0x4  }
0xca: {  	v23 =	vor.u32 v15, v36;
	v15 =	vld [tilespmem:$0x1FF60];
	_ =	sdelay $0x4  }
0xcb: {  	v24 =	vor.u32 v15, v36;
	v15 =	vld [tilespmem:$0x1FF50];
	_ =	sdelay $0x4  }
0xcc: {  	v25 =	vor.u32 v15, v36;
	v15 =	vld [tilespmem:$0x1FF70]  }
0xcd: {  	v61 =	vld [tilespmem:s3+$0x0];
	_ =	sdelay $0x3  }
0xce: {  	v26 =	vor.u32 v15, v36;
	v15 =	vimm.s32 $0x0  }
0xcf: {  	v27 =	vperm.xlane v61, v15;
	v15 =	vld [tilespmem:$0x1FF80];
	_ =	sdelay $0x4  }
0xd0: {  	v28 =	vor.u32 v15, v36;
	v15 =	vld [tilespmem:$0x1FF90];
	_ =	sdelay $0x4  }
0xd1: {  	v29 =	vor.u32 v15, v36;
	v15 =	vld [tilespmem:$0x1FFA0];
	_ =	sdelay $0x4  }
0xd2: {  	v30 =	vor.u32 v15, v36;
	v15 =	vld [tilespmem:$0x1FFB0];
	_ =	sdelay $0x1  }
0xd3: {  	v18 =	vor.u32 v5, v36;
	_ =	sdelay $0x2  }
0xd4: {  	v48 =	vor.u32 v15, v36;
	v15 =	vld [tilespmem:$0x1FFC0];
	_ =	sdelay $0x1  }
0xd5: {  	v18 =	vld.idx.msk [tilespmem:v18+s20+$0x0], $0xffff  }
0xd6: {  	v19 =	vld.idx.msk [tilespmem:v19+s20+$0x0], $0xffff  }
0xd7: {  	v50 =	vld.idx.msk [tilespmem:v28+s20+$0x0], $0xffff  }
0xd8: {  	v28 =	vor.u32 v15, v36;
	v15 =	vld [tilespmem:$0x1FFD0]  }
0xd9: {  	v20 =	vld.idx.msk [tilespmem:v20+s20+$0x0], $0xffff  }
0xda: {  	v21 =	vld.idx.msk [tilespmem:v21+s20+$0x0], $0xffff  }
0xdb: {  	v22 =	vld.idx.msk [tilespmem:v22+s20+$0x0], $0xffff  }
0xdc: {  	v23 =	vld.idx.msk [tilespmem:v23+s20+$0x0], $0xffff  }
0xdd: {  	v51 =	vor.u32 v15, v36;
	v15 =	vld [tilespmem:$0x1FFE0]  }
0xde: {  	v24 =	vld.idx.msk [tilespmem:v24+s20+$0x0], $0xffff;
	v18 =	vmul.f32 v18, v27  }
0xdf: {  	v25 =	vld.idx.msk [tilespmem:v25+s20+$0x0], $0xffff;
	v19 =	vmul.f32 v19, v27  }
0xe0: {  	v17 =	vadd.f32 v18, v17;
	v18 =	vld.idx.msk [tilespmem:v26+s20+$0x0], $0xffff  }
0xe1: {  	v16 =	vadd.f32 v19, v16;
	v19 =	vmul.f32 v20, v27  }
0xe2: {  	v49 =	vmul.f32 v21, v27;
	v56 =	vor.u32 v15, v36;
	v15 =	vld [tilespmem:$0x1FFF0]  }
0xe3: {  	v38 =	vperm.xlane v61, v31;
	v22 =	vmul.f32 v22, v27;
	v14 =	vadd.f32 v19, v14;
	v19 =	vld.idx.msk [tilespmem:v29+s20+$0x0], $0xffff  }
0xe4: {  	v23 =	vmul.f32 v23, v27;
	v52 =	vmul.f32 v24, v27;
	v13 =	vadd.f32 v49, v13;
	v53 =	vld.idx.msk [tilespmem:v30+s20+$0x0], $0xffff  }
0xe5: {  	v12 =	vadd.f32 v22, v12;
	v54 =	vmul.f32 v25, v27;
	v18 =	vmul.f32 v18, v27  }
0xe6: {  	v11 =	vadd.f32 v23, v11;
	v10 =	vadd.f32 v52, v10;
	v21 =	vmul.f32 v50, v27  }
0xe7: {  	v9 =	vadd.f32 v54, v9;
	v8 =	vadd.f32 v18, v8;
	v55 =	vld.idx.msk [tilespmem:v48+s20+$0x0], $0xffff;
	v58 =	vadd.s32 v15, v36  }
0xe8: {  	v7 =	vadd.f32 v21, v7;
	v19 =	vmul.f32 v19, v27;
	v18 =	vld.idx.msk [tilespmem:v28+s20+$0x0], $0xffff;
	v15 =	vor.u32 $0x401, v5  }
0xe9: {  	v59 =	vmul.f32 v53, v27;
	v20 =	vld.idx.msk [tilespmem:v51+s20+$0x0], $0xffff;
	[tilespmem:$0x1F840] =	vst v15;
	v60 =	vadd.s32 v15, v36;
	v15 =	vor.u32 $0x801, v5  }
0xea: {  	v6 =	vadd.f32 v19, v6;
	[tilespmem:$0x1F850] =	vst v15;
	v34 =	vadd.s32 v15, v36;
	v15 =	vor.u32 $0xC01, v5  }
0xeb: {  	v4 =	vadd.f32 v59, v4;
	v63 =	vld.idx.msk [tilespmem:v56+s20+$0x0], $0xffff;
	[tilespmem:$0x1F860] =	vst v15;
	v35 =	vadd.s32 v15, v36;
	v15 =	vor.u32 $0x1001, v5  }
0xec: {  	v62 =	vmul.f32 v55, v27;
	[tilespmem:$0x1F870] =	vst v15;
	v37 =	vadd.s32 v15, v36;
	v15 =	vor.u32 $0x1401, v5;
	v19 =	vld.idx.msk [tilespmem:v58+s20+$0x0], $0xffff  }
0xed: {  	v18 =	vmul.f32 v18, v27;
	[tilespmem:$0x1F880] =	vst v15;
	v28 =	vadd.s32 v15, v36;
	v15 =	vor.u32 $0x1801, v5  }
0xee: {  	v20 =	vmul.f32 v20, v27;
	v23 =	vld.idx.msk [tilespmem:v60+s20+$0x0], $0xffff;
	[tilespmem:$0x1F890] =	vst v15;
	v39 =	vadd.s32 v15, v36;
	v15 =	vor.u32 $0x1C01, v5  }
0xef: {  	v3 =	vadd.f32 v62, v3;
	v2 =	vadd.f32 v18, v2;
	v26 =	vld.idx.msk [tilespmem:v34+s20+$0x0], $0xffff;
	v29 =	vadd.s32 v15, v36  }
0xf0: {  	v1 =	vadd.f32 v20, v1;
	v25 =	vmul.f32 v63, v27;
	[tilespmem:$0x1F8A0] =	vst v15;
	v15 =	vor.u32 $0x2001, v5;
	v22 =	vld.idx.msk [tilespmem:v35+s20+$0x0], $0xffff  }
0xf1: {  	[tilespmem:$0x1F8B0] =	vst v15;
	v40 =	vadd.s32 v15, v36;
	v15 =	vor.u32 $0x2401, v5;
	v18 =	vld.idx.msk [tilespmem:v37+s20+$0x0], $0xffff;
	v19 =	vmul.f32 v19, v38  }
0xf2: {  	v0 =	vadd.f32 v25, v0;
	[tilespmem:$0x1F8C0] =	vst v15;
	v44 =	vadd.s32 v15, v36;
	v15 =	vor.u32 $0x2801, v5;
	v41 =	vld.idx.msk [tilespmem:v28+s20+$0x0], $0xffff  }
0xf3: {  	[tilespmem:$0x1F8D0] =	vst v15;
	v47 =	vadd.s32 v15, v36;
	v15 =	vor.u32 $0x2C01, v5;
	v46 =	vld.idx.msk [tilespmem:v39+s20+$0x0], $0xffff;
	v17 =	vadd.f32 v19, v17  }
0xf4: {  	[tilespmem:$0x1F8E0] =	vst v15;
	v19 =	vmul.f32 v23, v38;
	v28 =	vld.idx.msk [tilespmem:v29+s20+$0x0], $0xffff;
	v29 =	vadd.s32 v15, v36;
	v15 =	vor.u32 $0x3001, v5  }
0xf5: {  	v39 =	vperm.xlane v61, v32;
	v45 =	vmul.f32 v26, v38;
	v48 =	vadd.s32 v15, v36  }
0xf6: {  	[tilespmem:$0x1F8F0] =	vst v15;
	v15 =	vor.u32 $0x3401, v5;
	v16 =	vadd.f32 v19, v16;
	v18 =	vmul.f32 v18, v38;
	v19 =	vld.idx.msk [tilespmem:v40+s20+$0x0], $0xffff  }
0xf7: {  	v22 =	vmul.f32 v22, v38;
	v49 =	vld.idx.msk [tilespmem:v44+s20+$0x0], $0xffff;
	[tilespmem:$0x1F900] =	vst v15;
	v52 =	vadd.s32 v15, v36;
	v15 =	vor.u32 $0x3801, v5  }
0xf8: {  	v12 =	vadd.f32 v18, v12;
	v18 =	vmul.f32 v41, v38;
	v50 =	vmul.f32 v46, v38  }
0xf9: {  	v51 =	vld.idx.msk [tilespmem:v47+s20+$0x0], $0xffff;
	[tilespmem:$0x1F910] =	vst v15;
	v53 =	vmul.f32 v28, v38;
	v28 =	vadd.s32 v15, v36;
	v15 =	vor.u32 $0x3C01, v5  }
0xfa: {  	v14 =	vadd.f32 v45, v14;
	v13 =	vadd.f32 v22, v13;
	v55 =	vadd.s32 v15, v36  }
0xfb: {  	v11 =	vadd.f32 v18, v11;
	v10 =	vadd.f32 v50, v10;
	v18 =	vmul.f32 v19, v38;
	v19 =	vld.idx.msk [tilespmem:v48+s20+$0x0], $0xffff  }
0xfc: {  	v54 =	vld.idx.msk [tilespmem:v29+s20+$0x0], $0xffff;
	[tilespmem:$0x1F920] =	vst v15;
	v15 =	vor.u32 $0x2, v5;
	v9 =	vadd.f32 v53, v9;
	v21 =	vmul.f32 v49, v38  }
0xfd: {  	[tilespmem:$0x1F930] =	vst v15;
	v56 =	vld.idx.msk [tilespmem:v52+s20+$0x0], $0xffff;
	v8 =	vadd.f32 v18, v8;
	v18 =	vadd.s32 v15, v36;
	v15 =	vor.u32 $0x402, v5  }
0xfe: {  	v23 =	vmul.f32 v51, v38;
	[tilespmem:$0x1F940] =	vst v15;
	v58 =	vadd.s32 v15, v36;
	v15 =	vor.u32 $0x802, v5;
	v59 =	vld.idx.msk [tilespmem:v28+s20+$0x0], $0xffff  }
0xff: {  	v7 =	vadd.f32 v21, v7;
	[tilespmem:$0x1F950] =	vst v15;
	v28 =	vadd.s32 v15, v36;
	v15 =	vor.u32 $0xC02, v5;
	v20 =	vld.idx.msk [tilespmem:v55+s20+$0x0], $0xffff  }
0x100: {  	[tilespmem:$0x1F960] =	vst v15;
	v19 =	vmul.f32 v19, v38;
	v29 =	vadd.s32 v15, v36;
	v15 =	vor.u32 $0x1002, v5  }
0x101: {  	v27 =	vmul.f32 v54, v38;
	v6 =	vadd.f32 v23, v6;
	v62 =	vadd.s32 v15, v36  }
0x102: {  	[tilespmem:$0x1F970] =	vst v15;
	v15 =	vor.u32 $0x1402, v5;
	v3 =	vadd.f32 v19, v3;
	v18 =	vld.idx.msk [tilespmem:v18+s20+$0x0], $0xffff;
	v19 =	vmul.f32 v56, v38  }
0x103: {  	v4 =	vadd.f32 v27, v4;
	v35 =	vadd.s32 v15, v36;
	v60 =	vld.idx.msk [tilespmem:v58+s20+$0x0], $0xffff;
	v63 =	vmul.f32 v59, v38  }
0x104: {  	[tilespmem:$0x1F980] =	vst v15;
	v15 =	vor.u32 $0x1802, v5;
	v34 =	vld.idx.msk [tilespmem:v28+s20+$0x0], $0xffff;
	v2 =	vadd.f32 v19, v2;
	v19 =	vmul.f32 v20, v38  }
0x105: {  	[tilespmem:$0x1F990] =	vst v15;
	v38 =	vadd.s32 v15, v36;
	v15 =	vor.u32 $0x1C02, v5;
	v37 =	vld.idx.msk [tilespmem:v29+s20+$0x0], $0xffff;
	v1 =	vadd.f32 v63, v1  }
0x106: {  	[tilespmem:$0x1F9A0] =	vst v15;
	v0 =	vadd.f32 v19, v0;
	v19 =	vadd.s32 v15, v36;
	v15 =	vor.u32 $0x2002, v5  }
0x107: {  	v63 =	vperm.xlane v61, v33;
	v22 =	vld.idx.msk [tilespmem:v62+s20+$0x0], $0xffff;
	[tilespmem:$0x1F9B0] =	vst v15;
	v40 =	vadd.s32 v15, v36;
	v15 =	vor.u32 $0x2402, v5  }
0x108: {  	v18 =	vmul.f32 v18, v39;
	[tilespmem:$0x1F9C0] =	vst v15;
	v28 =	vadd.s32 v15, v36;
	v15 =	vor.u32 $0x2802, v5  }
0x109: {  	v26 =	vld.idx.msk [tilespmem:v35+s20+$0x0], $0xffff;
	v21 =	vmul.f32 v60, v39;
	v25 =	vmul.f32 v34, v39;
	v29 =	vadd.s32 v15, v36  }
0x10a: {  	[tilespmem:$0x1F9D0] =	vst v15;
	v24 =	vld.idx.msk [tilespmem:v38+s20+$0x0], $0xffff;
	v17 =	vadd.f32 v18, v17;
	v15 =	vor.u32 $0x2C02, v5;
	v20 =	vmul.f32 v37, v39  }
0x10b: {  	v16 =	vadd.f32 v21, v16;
	[tilespmem:$0x1F9E0] =	vst v15;
	v44 =	vadd.s32 v15, v36;
	v15 =	vor.u32 $0x3002, v5;
	v18 =	vld.idx.msk [tilespmem:v19+s20+$0x0], $0xffff  }
0x10c: {  	v19 =	vmul.f32 v22, v39;
	[tilespmem:$0x1F9F0] =	vst v15;
	v47 =	vadd.s32 v15, v36;
	v15 =	vor.u32 $0x3402, v5;
	v41 =	vld.idx.msk [tilespmem:v40+s20+$0x0], $0xffff  }
0x10d: {  	v14 =	vadd.f32 v25, v14;
	v13 =	vadd.f32 v20, v13;
	v46 =	vld.idx.msk [tilespmem:v28+s20+$0x0], $0xffff;
	v28 =	vadd.s32 v15, v36  }
0x10e: {  	v45 =	vmul.f32 v26, v39;
	[tilespmem:$0x1FA00] =	vst v15;
	v15 =	vor.u32 $0x3802, v5;
	v12 =	vadd.f32 v19, v12  }
0x10f: {  	v24 =	vmul.f32 v24, v39;
	v48 =	vld.idx.msk [tilespmem:v29+s20+$0x0], $0xffff;
	[tilespmem:$0x1FA10] =	vst v15;
	v19 =	vadd.s32 v15, v36;
	v15 =	vor.u32 $0x3C02, v5  }
0x110: {  	v11 =	vadd.f32 v45, v11;
	[tilespmem:$0x1FA20] =	vst v15;
	v21 =	vld.idx.msk [tilespmem:v44+s20+$0x0], $0xffff;
	v49 =	vadd.s32 v15, v36;
	v15 =	vor.u32 $0x3, v5  }
0x111: {  	v18 =	vmul.f32 v18, v39;
	[tilespmem:$0x1FA30] =	vst v15;
	v52 =	vadd.s32 v15, v36;
	v15 =	vor.u32 $0x403, v5  }
0x112: {  	v10 =	vadd.f32 v24, v10;
	v20 =	vmul.f32 v41, v39;
	v29 =	vadd.s32 v15, v36;
	v28 =	vld.idx.msk [tilespmem:v28+s20+$0x0], $0xffff  }
0x113: {  	v51 =	vld.idx.msk [tilespmem:v47+s20+$0x0], $0xffff;
	[tilespmem:$0x1FA40] =	vst v15;
	v15 =	vor.u32 $0x803, v5;
	v50 =	vmul.f32 v46, v39;
	v9 =	vadd.f32 v18, v9  }
0x114: {  	v27 =	vmul.f32 v48, v39;
	v8 =	vadd.f32 v20, v8;
	v18 =	vld.idx.msk [tilespmem:v19+s20+$0x0], $0xffff;
	v19 =	vadd.s32 v15, v36  }
0x115: {  	[tilespmem:$0x1FA50] =	vst v15;
	v15 =	vor.u32 $0xC03, v5;
	v7 =	vadd.f32 v50, v7;
	v53 =	vmul.f32 v21, v39  }
0x116: {  	[tilespmem:$0x1FA60] =	vst v15;
	v54 =	vld.idx.msk [tilespmem:v49+s20+$0x0], $0xffff;
	v55 =	vadd.s32 v15, v36;
	v15 =	vor.u32 $0x1003, v5;
	v6 =	vadd.f32 v27, v6  }
0x117: {  	[tilespmem:$0x1FA70] =	vst v15;
	v59 =	vadd.s32 v15, v36;
	v15 =	vor.u32 $0x1403, v5;
	v60 =	vmul.f32 v28, v39;
	v28 =	vld.idx.msk [tilespmem:v29+s20+$0x0], $0xffff  }
0x118: {  	v56 =	vmul.f32 v51, v39;
	v58 =	vld.idx.msk [tilespmem:v52+s20+$0x0], $0xffff;
	[tilespmem:$0x1FA80] =	vst v15;
	v29 =	vadd.s32 v15, v36;
	v15 =	vor.u32 $0x1803, v5  }
0x119: {  	[tilespmem:$0x1FA90] =	vst v15;
	v18 =	vmul.f32 v18, v39;
	v19 =	vld.idx.msk [tilespmem:v19+s20+$0x0], $0xffff;
	v62 =	vadd.s32 v15, v36;
	v15 =	vor.u32 $0x1C03, v5  }
0x11a: {  	v4 =	vadd.f32 v53, v4;
	v3 =	vadd.f32 v56, v3;
	v40 =	vadd.s32 v15, v36  }
0x11b: {  	[tilespmem:$0x1FAA0] =	vst v15;
	v15 =	vor.u32 $0x2003, v5;
	v1 =	vadd.f32 v18, v1;
	v18 =	vmul.f32 v54, v39  }
0x11c: {  	v37 =	vld.idx.msk [tilespmem:v55+s20+$0x0], $0xffff;
	[tilespmem:$0x1FAB0] =	vst v15;
	v41 =	vmul.f32 v28, v63;
	v28 =	vadd.s32 v15, v36;
	v15 =	vor.u32 $0x2403, v5  }
0x11d: {  	v2 =	vadd.f32 v60, v2;
	v38 =	vmul.f32 v58, v63;
	v39 =	vld.idx.msk [tilespmem:v59+s20+$0x0], $0xffff;
	v45 =	vadd.s32 v15, v36  }
0x11e: {  	v0 =	vadd.f32 v18, v0;
	[tilespmem:$0x1FAC0] =	vst v15;
	v18 =	vmul.f32 v19, v63;
	v19 =	vld.idx.msk [tilespmem:v62+s20+$0x0], $0xffff;
	v15 =	vor.u32 $0x2803, v5  }
0x11f: {  	v44 =	vld.idx.msk [tilespmem:v29+s20+$0x0], $0xffff;
	v26 =	vadd.f32 v41, v16;
	[tilespmem:$0x1FAD0] =	vst v15;
	v16 =	vadd.s32 v15, v36;
	v15 =	vor.u32 $0x2C03, v5  }
0x120: {  	v29 =	vadd.f32 v38, v17;
	v46 =	vld.idx.msk [tilespmem:v40+s20+$0x0], $0xffff;
	[tilespmem:$0x1FAE0] =	vst v15;
	v47 =	vadd.s32 v15, v36;
	v15 =	vor.u32 $0x3003, v5  }
0x121: {  	v17 =	vmul.f32 v37, v63;
	[tilespmem:$0x1FAF0] =	vst v15;
	v49 =	vadd.s32 v15, v36;
	v15 =	vor.u32 $0x3403, v5;
	v48 =	vld.idx.msk [tilespmem:v28+s20+$0x0], $0xffff  }
0x122: {  	v14 =	vadd.f32 v18, v14;
	v18 =	vmul.f32 v39, v63;
	v30 =	vadd.s32 v15, v36;
	v28 =	vld.idx.msk [tilespmem:v45+s20+$0x0], $0xffff  }
0x123: {  	v13 =	vadd.f32 v17, v13;
	[tilespmem:$0x1FB00] =	vst v15;
	v15 =	vor.u32 $0x3803, v5;
	v19 =	vmul.f32 v19, v63  }
0x124: {  	v27 =	vmul.f32 v44, v63;
	v12 =	vadd.f32 v18, v12;
	v50 =	vadd.s32 v15, v36;
	v16 =	vld.idx.msk [tilespmem:v16+s20+$0x0], $0xffff  }
0x125: {  	[tilespmem:$0x1FB10] =	vst v15;
	v15 =	vor.u32 $0x3C03, v5;
	v17 =	vmul.f32 v46, v63;
	v10 =	vadd.f32 v19, v10;
	v19 =	vld.idx.msk [tilespmem:v47+s20+$0x0], $0xffff  }
0x126: {  	[tilespmem:$0x1FB20] =	vst v15;
	v53 =	vadd.s32 v15, v36;
	v15 =	vor.u32 $0x4, v5;
	v52 =	vld.idx.msk [tilespmem:v49+s20+$0x0], $0xffff;
	v51 =	vmul.f32 v48, v63  }
0x127: {  	[tilespmem:$0x1FB30] =	vst v15;
	v54 =	vmul.f32 v28, v63;
	v28 =	vld.idx.msk [tilespmem:v30+s20+$0x0], $0xffff;
	v30 =	vadd.s32 v15, v36;
	v15 =	vor.u32 $0x404, v5  }
0x128: {  	v11 =	vadd.f32 v27, v11;
	v9 =	vadd.f32 v17, v9;
	v17 =	vadd.s32 v15, v36  }
0x129: {  	v21 =	vld.idx.msk [tilespmem:v50+s20+$0x0], $0xffff;
	[tilespmem:$0x1FB40] =	vst v15;
	v15 =	vor.u32 $0x804, v5;
	v31 =	vadd.f32 v51, v8;
	v16 =	vmul.f32 v16, v63  }
0x12a: {  	[tilespmem:$0x1FB50] =	vst v15;
	v7 =	vadd.f32 v54, v7;
	v8 =	vadd.s32 v15, v36;
	v15 =	vor.u32 $0xC04, v5  }
0x12b: {  	v19 =	vmul.f32 v19, v63;
	v55 =	vmul.f32 v52, v63;
	v58 =	vadd.s32 v15, v36  }
0x12c: {  	v56 =	vld.idx.msk [tilespmem:v53+s20+$0x0], $0xffff;
	[tilespmem:$0x1FB60] =	vst v15;
	v15 =	vor.u32 $0x1004, v5;
	v6 =	vadd.f32 v16, v6;
	v16 =	vor.u32 $0x1C04, v5  }
0x12d: {  	[tilespmem:$0x1FB70] =	vst v15;
	v59 =	vmul.f32 v28, v63;
	v28 =	vld.idx.msk [tilespmem:v30+s20+$0x0], $0xffff;
	v30 =	vadd.s32 v15, v36;
	v15 =	vor.u32 $0x1404, v5  }
0x12e: {  	v34 =	vadd.f32 v55, v3;
	v3 =	vmul.f32 v21, v63;
	v60 =	vld.idx.msk [tilespmem:v17+s20+$0x0], $0xffff;
	v62 =	vadd.s32 v15, v36  }
0x12f: {  	[tilespmem:$0x1FB80] =	vst v15;
	v15 =	vimm.s32 $0x4;
	v27 =	vadd.f32 v59, v2;
	v2 =	vld.idx.msk [tilespmem:v8+s20+$0x0], $0xffff;
	v8 =	vor.u32 $0x1804, v5  }
0x130: {  	v35 =	vperm.xlane v61, v15;
	v15 =	vor.u32 $0x2004, v5;
	[tilespmem:$0x1FB90] =	vst v8;
	v8 =	vadd.s32 v8, v36;
	v25 =	vld.idx.msk [tilespmem:v58+s20+$0x0], $0xffff  }
0x131: {  	v38 =	vadd.f32 v3, v1;
	v1 =	vmul.f32 v56, v63;
	v63 =	vadd.s32 v15, v36  }
0x132: {  	v4 =	vadd.f32 v19, v4;
	v37 =	vadd.s32 v16, v36;
	[tilespmem:$0x1FBB0] =	vst v15;
	v15 =	vor.u32 $0x2404, v5;
	v3 =	vld.idx.msk [tilespmem:v30+s20+$0x0], $0xffff  }
0x133: {  	[tilespmem:$0x1FBC0] =	vst v15;
	v21 =	vadd.s32 v15, v36;
	v15 =	vor.u32 $0x2804, v5;
	v20 =	vmul.f32 v28, v35;
	v30 =	vld.idx.msk [tilespmem:v62+s20+$0x0], $0xffff  }
0x134: {  	v22 =	vadd.f32 v1, v0;
	v28 =	vmul.f32 v60, v35;
	v2 =	vmul.f32 v2, v35  }
0x135: {  	v1 =	vadd.s32 v15, v36;
	v24 =	vadd.f32 v20, v29;
	v0 =	vld.idx.msk [tilespmem:v8+s20+$0x0], $0xffff;
	v8 =	vmul.f32 v25, v35  }
0x136: {  	v26 =	vadd.f32 v28, v26;
	v29 =	vld.idx.msk [tilespmem:v63+s20+$0x0], $0xffff;
	v25 =	vmovc v57;
	v57 =	vor.u32 $0x2406, v5;
	v14 =	vadd.f32 v2, v14  }
0x137: {  	v2 =	vld.idx.msk [tilespmem:v37+s20+$0x0], $0xffff;
	v28 =	vmul.f32 v3, v35;
	v3 =	vor.u32 $0x2C04, v5;
	v13 =	vadd.f32 v8, v13  }
0x138: {  	[tilespmem:$0x1FBE0] =	vst v3;
	v30 =	vmul.f32 v30, v35;
	v53 =	vadd.s32 v3, v36;
	v3 =	vor.u32 $0x3004, v5  }
0x139: {  	v32 =	vld.idx.msk [tilespmem:v21+s20+$0x0], $0xffff;
	[tilespmem:$0x1FBF0] =	vst v3;
	v39 =	vadd.s32 v3, v36;
	v3 =	vor.u32 $0x3404, v5;
	v12 =	vadd.f32 v28, v12  }
0x13a: {  	v1 =	vld.idx.msk [tilespmem:v1+s20+$0x0], $0xffff;
	v11 =	vadd.f32 v30, v11;
	v28 =	vadd.s32 v3, v36;
	v30 =	vmul.f32 v0, v35  }
0x13b: {  	[tilespmem:$0x1FC00] =	vst v3;
	v0 =	vor.u32 $0x3804, v5;
	v29 =	vmul.f32 v29, v35;
	v3 =	vor.u32 $0x1C06, v5  }
0x13c: {  	v2 =	vmul.f32 v2, v35;
	[tilespmem:$0x1FC10] =	vst v0;
	v40 =	vadd.s32 v0, v36;
	v0 =	vor.u32 $0x3C04, v5  }
0x13d: {  	[tilespmem:$0x1FD50] =	vst v3;
	v10 =	vadd.f32 v30, v10;
	v30 =	vadd.s32 v0, v36;
	v29 =	vadd.f32 v29, v31  }
0x13e: {  	[tilespmem:$0x1FC20] =	vst v0;
	v31 =	vmul.f32 v32, v35;
	v0 =	vor.u32 $0x5, v5;
	v9 =	vadd.f32 v2, v9;
	v2 =	vld.idx.msk [tilespmem:v53+s20+$0x0], $0xffff  }
0x13f: {  	v1 =	vmul.f32 v1, v35;
	[tilespmem:$0x1FC30] =	vst v0;
	v55 =	vadd.s32 v0, v36;
	v0 =	vor.u32 $0x405, v5  }
0x140: {  	v54 =	vld.idx.msk [tilespmem:v39+s20+$0x0], $0xffff;
	[tilespmem:$0x1FC40] =	vst v0;
	v7 =	vadd.f32 v31, v7;
	v31 =	vadd.s32 v0, v36;
	v0 =	vor.u32 $0x805, v5  }
0x141: {  	v3 =	vadd.s32 v3, v36;
	[tilespmem:$0x1FC50] =	vst v0;
	v41 =	vadd.s32 v0, v36;
	v0 =	vor.u32 $0xC05, v5  }
0x142: {  	v6 =	vadd.f32 v1, v6;
	v28 =	vld.idx.msk [tilespmem:v28+s20+$0x0], $0xffff;
	[tilespmem:$0x1FC60] =	vst v0;
	v45 =	vadd.s32 v0, v36;
	v0 =	vor.u32 $0x1005, v5  }
0x143: {  	v56 =	vld.idx.msk [tilespmem:v40+s20+$0x0], $0xffff;
	[tilespmem:$0x1FC70] =	vst v0;
	v46 =	vadd.s32 v0, v36;
	v0 =	vor.u32 $0x1405, v5;
	v44 =	vmul.f32 v2, v35  }
0x144: {  	[tilespmem:$0x1FC80] =	vst v0;
	v37 =	vld.idx.msk [tilespmem:v55+s20+$0x0], $0xffff;
	v47 =	vadd.s32 v0, v36;
	v0 =	vor.u32 $0x1805, v5;
	v55 =	vperm.xlane v61, v42  }
0x145: {  	v30 =	vld.idx.msk [tilespmem:v30+s20+$0x0], $0xffff;
	v2 =	vor.u32 $0x1806, v5;
	v42 =	vor.u32 $0x3007, v5;
	v32 =	vmul.f32 v54, v35;
	[tilespmem:$0x1FC90] =	vst v0  }
0x146: {  	v58 =	vadd.s32 v0, v36;
	v0 =	vor.u32 $0x1C05, v5;
	[tilespmem:$0x1FD40] =	vst v2;
	v2 =	vadd.s32 v2, v36  }
0x147: {  	v8 =	vadd.s32 v42, v36;
	v28 =	vmul.f32 v28, v35;
	v4 =	vadd.f32 v44, v4  }
0x148: {  	v31 =	vld.idx.msk [tilespmem:v31+s20+$0x0], $0xffff;
	[tilespmem:$0x1FCA0] =	vst v0;
	v62 =	vadd.s32 v0, v36;
	v0 =	vor.u32 $0x2005, v5;
	v32 =	vadd.f32 v32, v34  }
0x149: {  	v59 =	vld.idx.msk [tilespmem:v41+s20+$0x0], $0xffff;
	[tilespmem:$0x1FCB0] =	vst v0;
	v51 =	vadd.s32 v0, v36;
	v0 =	vor.u32 $0x2405, v5;
	v27 =	vadd.f32 v28, v27  }
0x14a: {  	v28 =	vmul.f32 v56, v35;
	v30 =	vmul.f32 v30, v35;
	v52 =	vadd.s32 v0, v36  }
0x14b: {  	[tilespmem:$0x1FCC0] =	vst v0;
	v0 =	vor.u32 $0x2805, v5;
	v56 =	vor.u32 $0x406, v5;
	v20 =	vmul.f32 v37, v55  }
0x14c: {  	v60 =	vld.idx.msk [tilespmem:v45+s20+$0x0], $0xffff;
	[tilespmem:$0x1FCD0] =	vst v0;
	v21 =	vadd.s32 v0, v36;
	v0 =	vor.u32 $0x2C05, v5;
	v28 =	vadd.f32 v28, v38  }
0x14d: {  	v50 =	vld.idx.msk [tilespmem:v46+s20+$0x0], $0xffff;
	v30 =	vadd.f32 v30, v22;
	v31 =	vmul.f32 v31, v55;
	v53 =	vadd.s32 v0, v36  }
0x14e: {  	v34 =	vld.idx.msk [tilespmem:v58+s20+$0x0], $0xffff;
	[tilespmem:$0x1FCE0] =	vst v0;
	v0 =	vor.u32 $0x3005, v5;
	v58 =	vor.u32 $0x806, v5;
	v39 =	vmul.f32 v59, v55  }
0x14f: {  	v63 =	vld.idx.msk [tilespmem:v47+s20+$0x0], $0xffff;
	[tilespmem:$0x1FCF0] =	vst v0;
	v33 =	vadd.f32 v20, v24;
	v23 =	vadd.s32 v0, v36;
	v0 =	vor.u32 $0x3405, v5  }
0x150: {  	v41 =	vld.idx.msk [tilespmem:v62+s20+$0x0], $0xffff;
	v62 =	vor.u32 $0x3C05, v5;
	v20 =	vadd.s32 v58, v36;
	v59 =	vor.u32 $0xC06, v5  }
0x151: {  	v35 =	vmul.f32 v60, v55;
	v31 =	vadd.f32 v31, v26;
	v22 =	vld.idx.msk [tilespmem:v51+s20+$0x0], $0xffff;
	v46 =	vadd.s32 v0, v36  }
0x152: {  	[tilespmem:$0x1FD00] =	vst v0;
	v0 =	vor.u32 $0x3805, v5;
	v49 =	vadd.s32 v62, v36;
	v14 =	vadd.f32 v39, v14;
	v45 =	vld.idx.msk [tilespmem:v52+s20+$0x0], $0xffff  }
0x153: {  	v44 =	vmul.f32 v50, v55;
	[tilespmem:$0x1FD10] =	vst v0;
	v48 =	vadd.s32 v0, v36;
	v0 =	vor.u32 $0x6, v5;
	v37 =	vld.idx.msk [tilespmem:v21+s20+$0x0], $0xffff  }
0x154: {  	v52 =	vadd.s32 v56, v36;
	v13 =	vadd.f32 v35, v13;
	v38 =	vmul.f32 v63, v55;
	v47 =	vld.idx.msk [tilespmem:v53+s20+$0x0], $0xffff  }
0x155: {  	[tilespmem:$0x1FD20] =	vst v0;
	v50 =	vadd.s32 v0, v36;
	v0 =	vor.u32 $0x1406, v5;
	v34 =	vmul.f32 v34, v55;
	v26 =	vld.idx.msk [tilespmem:v23+s20+$0x0], $0xffff  }
0x156: {  	v63 =	vor.u32 $0x1006, v5;
	v12 =	vadd.f32 v44, v12;
	[tilespmem:$0x1FD30] =	vst v0;
	v11 =	vadd.f32 v38, v11;
	v38 =	vld.idx.msk [tilespmem:v20+s20+$0x0], $0xffff  }
0x157: {  	v1 =	vadd.s32 v0, v36;
	v0 =	vperm.xlane v61, v43;
	v24 =	vmul.f32 v22, v55;
	v51 =	vld.idx.msk [tilespmem:v46+s20+$0x0], $0xffff  }
0x158: {  	v53 =	vor.u32 $0x3006, v5;
	v41 =	vmul.f32 v41, v55;
	v54 =	vld.idx.msk [tilespmem:v49+s20+$0x0], $0xffff;
	v39 =	vmul.f32 v45, v55  }
0x159: {  	v23 =	vadd.s32 v63, v36;
	v22 =	vadd.s32 v59, v36;
	v60 =	vadd.f32 v24, v29;
	v29 =	vld.idx.msk [tilespmem:v48+s20+$0x0], $0xffff  }
0x15a: {  	v37 =	vmul.f32 v37, v55;
	v21 =	vld.idx.msk [tilespmem:v50+s20+$0x0], $0xffff;
	v39 =	vadd.f32 v39, v7;
	v7 =	vmul.f32 v47, v55  }
0x15b: {  	v10 =	vadd.f32 v34, v10;
	v34 =	vld.idx.msk [tilespmem:v52+s20+$0x0], $0xffff;
	v52 =	vor.u32 $0x2C06, v5;
	v26 =	vmul.f32 v26, v55  }
0x15c: {  	v35 =	vadd.f32 v37, v6;
	v6 =	vld.idx.msk [tilespmem:v2+s20+$0x0], $0xffff;
	v7 =	vadd.f32 v7, v4;
	v24 =	vmul.f32 v51, v55  }
0x15d: {  	[tilespmem:$0x1FBD0] =	vst v15;
	v2 =	vld.idx.msk [tilespmem:v3+s20+$0x0], $0xffff;
	v37 =	vmul.f32 v54, v55;
	v4 =	vor.u32 $0x2006, v5;
	v15 =	vadd.f32 v26, v32  }
0x15e: {  	v54 =	vor.u32 $0x2806, v5;
	[tilespmem:$0x1FD60] =	vst v4;
	v32 =	vld.idx.msk [tilespmem:v22+s20+$0x0], $0xffff;
	v4 =	vadd.s32 v4, v36;
	v29 =	vmul.f32 v29, v55  }
0x15f: {  	v27 =	vadd.f32 v24, v27;
	v26 =	vmul.f32 v21, v0;
	v24 =	vld.idx.msk [tilespmem:v1+s20+$0x0], $0xffff;
	v1 =	vadd.s32 v54, v36  }
0x160: {  	v3 =	vadd.s32 v52, v36;
	v28 =	vadd.f32 v29, v28;
	v29 =	vadd.f32 v37, v30;
	v30 =	vld.idx.msk [tilespmem:v23+s20+$0x0], $0xffff  }
0x161: {  	v43 =	vor.u32 $0x2807, v5;
	v37 =	vadd.f32 v26, v33;
	v26 =	vadd.s32 v57, v36  }
0x162: {  	v44 =	vadd.s32 v53, v36;
	v49 =	vor.u32 $0x3C06, v5;
	v9 =	vadd.f32 v41, v9  }
0x163: {  	v41 =	vor.u32 $0x2407, v5;
	v50 =	vor.u32 $0x7, v5;
	v38 =	vmul.f32 v38, v0;
	v4 =	vld.idx.msk [tilespmem:v4+s20+$0x0], $0xffff  }
0x164: {  	v51 =	vor.u32 $0x3406, v5;
	v34 =	vmul.f32 v34, v0;
	v32 =	vmul.f32 v32, v0;
	v47 =	vld.idx.msk [tilespmem:v1+s20+$0x0], $0xffff  }
0x165: {  	v46 =	vadd.s32 v51, v36;
	v1 =	vmul.f32 v2, v0;
	v2 =	vld.idx.msk [tilespmem:v3+s20+$0x0], $0xffff;
	v45 =	vmul.f32 v30, v0  }
0x166: {  	v55 =	vor.u32 $0x3806, v5;
	v6 =	vmul.f32 v6, v0;
	v22 =	vadd.f32 v32, v13;
	v13 =	vld.idx.msk [tilespmem:v26+s20+$0x0], $0xffff  }
0x167: {  	v32 =	vadd.f32 v45, v12;
	v12 =	vmul.f32 v24, v0;
	v24 =	vadd.s32 v55, v36  }
0x168: {  	v48 =	vor.u32 $0x807, v5;
	v14 =	vadd.f32 v38, v14;
	v26 =	vadd.s32 v49, v36  }
0x169: {  	v31 =	vadd.f32 v34, v31;
	v18 =	vadd.f32 v6, v10;
	v10 =	vadd.s32 v50, v36  }
0x16a: {  	v20 =	vadd.f32 v1, v9;
	v9 =	vld.idx.msk [tilespmem:v46+s20+$0x0], $0xffff;
	v46 =	vor.u32 $0x407, v5;
	v4 =	vmul.f32 v4, v0  }
0x16b: {  	v3 =	vld.idx.msk [tilespmem:v44+s20+$0x0], $0xffff;
	v2 =	vmul.f32 v2, v0;
	v17 =	vadd.f32 v12, v11;
	v12 =	vmul.f32 v13, v0  }
0x16c: {  	[tilespmem:$0x1FBA0] =	vst v16;
	v34 =	vor.u32 $0x1807, v5;
	v21 =	vadd.f32 v4, v60;
	v60 =	vadd.s32 v46, v36;
	v38 =	vld.idx.msk [tilespmem:v24+s20+$0x0], $0xffff  }
0x16d: {  	v16 =	vadd.f32 v2, v7;
	v7 =	vadd.s32 v43, v36;
	v39 =	vadd.f32 v12, v39;
	v12 =	vld.idx.msk [tilespmem:v26+s20+$0x0], $0xffff  }
0x16e: {  	v23 =	vadd.s32 v48, v36;
	v33 =	vor.u32 $0x1407, v5;
	v6 =	vadd.s32 v41, v36  }
0x16f: {  	v13 =	vmul.f32 v47, v0;
	v9 =	vmul.f32 v9, v0;
	v47 =	vor.u32 $0x1007, v5  }
0x170: {  	v44 =	vor.u32 $0xC07, v5;
	v1 =	vimm.s32 $0x7;
	v10 =	vld.idx.msk [tilespmem:v10+s20+$0x0], $0xffff;
	v45 =	vadd.s32 v47, v36  }
0x171: {  	v35 =	vadd.f32 v13, v35;
	v19 =	vadd.f32 v9, v27;
	v9 =	vld.idx.msk [tilespmem:v60+s20+$0x0], $0xffff;
	v13 =	vmul.f32 v38, v0  }
0x172: {  	v3 =	vmul.f32 v3, v0;
	v7 =	vld.idx.msk [tilespmem:v7+s20+$0x0], $0xffff;
	v12 =	vmul.f32 v12, v0;
	v0 =	vadd.s32 v33, v36  }
0x173: {  	v27 =	vperm.xlane v61, v1;
	v38 =	vadd.s32 v44, v36;
	v28 =	vadd.f32 v13, v28;
	v13 =	vld.idx.msk [tilespmem:v23+s20+$0x0], $0xffff  }
0x174: {  	v8 =	vld.idx.msk [tilespmem:v8+s20+$0x0], $0xffff;
	v60 =	vor.u32 $0x2007, v5;
	v29 =	vadd.f32 v12, v29;
	v12 =	vadd.s32 v34, v36  }
0x175: {  	v40 =	vor.u32 $0x1C07, v5;
	v15 =	vadd.f32 v3, v15;
	v4 =	vadd.s32 v60, v36;
	v3 =	vld.idx.msk [tilespmem:v45+s20+$0x0], $0xffff  }
0x176: {  	v30 =	vor.u32 $0x3407, v5;
	v2 =	vadd.s32 v40, v36;
	v23 =	vmul.f32 v10, v27;
	v10 =	vld.idx.msk [tilespmem:v6+s20+$0x0], $0xffff  }
0x177: {  	s11 =	sadd.s32 $0xFFFFFFF9, s0;
	v26 =	vor.u32 $0x3807, v5;
	v45 =	vor.u32 $0x2C07, v5;
	v9 =	vmul.f32 v9, v27;
	v11 =	vld.idx.msk [tilespmem:v0+s20+$0x0], $0xffff  }
0x178: {  	v7 =	vmul.f32 v7, v27;
	v1 =	vld.idx.msk [tilespmem:v38+s20+$0x0], $0xffff;
	v0 =	vmov s11;
	v13 =	vmul.f32 v13, v27  }
0x179: {  	v31 =	vadd.f32 v9, v31;
	v38 =	vor.u32 $0x3C07, v5;
	v0 =	vshrl.u32 v0, $0x3;
	v12 =	vld.idx.msk [tilespmem:v12+s20+$0x0], $0xffff  }
0x17a: {  	v4 =	vld.idx.msk [tilespmem:v4+s20+$0x0], $0xffff;
	v0 =	vshll.u32 v0, v25;
	v13 =	vadd.f32 v13, v14;
	v14 =	vadd.s32 v45, v36  }
0x17b: {  	v9 =	vld.idx.msk [tilespmem:v2+s20+$0x0], $0xffff;
	v3 =	vmul.f32 v3, v27;
	v24 =	vadd.s32 v38, v36;
	v0 =	vbroadcast v0, $0x0  }
0x17c: {  	v6 =	vadd.s32 v26, v36;
	v7 =	vadd.f32 v7, v35;
	v35 =	vld [tilespmem:$0x1FF40];
	v11 =	vmul.f32 v11, v27  }
0x17d: {  	v2 =	vadd.s32 v30, v36;
	v3 =	vadd.f32 v3, v32;
	v36 =	vld [tilespmem:$0x1FF00];
	v32 =	vadd.s32 v5, v0  }
0x17e: {  	v12 =	vmul.f32 v12, v27;
	v11 =	vadd.f32 v11, v17;
	v17 =	vld [tilespmem:$0x1FF10]  }
0x17f: {  	v14 =	vld.idx.msk [tilespmem:v14+s20+$0x0], $0xffff  }
0x180: {  	v4 =	vmul.f32 v4, v27;
	v12 =	vadd.f32 v12, v18;
	v18 =	vld.idx.msk [tilespmem:v24+s20+$0x0], $0xffff  }
0x181: {  	v24 =	vld [tilespmem:$0x1FF20]  }
0x182: {  	v4 =	vadd.f32 v4, v21;
	v21 =	vld.idx.msk [tilespmem:v32+s20+$0x0], $0xffff  }
0x183: {  	v32 =	vld [tilespmem:$0x1FF30]  }
0x184: {  	v17 =	vadd.s32 v17, v0  }
0x185: {  	v9 =	vmul.f32 v9, v27;
	v2 =	vld.idx.msk [tilespmem:v2+s20+$0x0], $0xffff;
	v1 =	vmul.f32 v1, v27;
	v36 =	vadd.s32 v36, v0  }
0x186: {  	v8 =	vmul.f32 v8, v27;
	v6 =	vld.idx.msk [tilespmem:v6+s20+$0x0], $0xffff  }
0x187: {  	v9 =	vadd.f32 v9, v20;
	v1 =	vadd.f32 v1, v22;
	v20 =	vadd.s32 v24, v0  }
0x188: {  	v14 =	vmul.f32 v14, v27;
	v22 =	vadd.s32 v32, v0;
	v32 =	vadd.s32 v35, v0  }
0x189: {  	v8 =	vadd.f32 v8, v15;
	v15 =	vld.idx.msk [tilespmem:v17+s20+$0x0], $0xffff  }
0x18a: {  	v2 =	vmul.f32 v2, v27;
	v14 =	vadd.f32 v14, v16;
	v16 =	vld.idx.msk [tilespmem:v36+s20+$0x0], $0xffff;
	v36 =	vimm.s32 $0x8  }
0x18b: {  	v6 =	vmul.f32 v6, v27;
	v35 =	vperm.xlane v61, v36  }
0x18c: {  	v2 =	vadd.f32 v2, v19;
	v19 =	vld.idx.msk [tilespmem:v20+s20+$0x0], $0xffff  }
0x18d: {  	v37 =	vadd.f32 v23, v37;
	v6 =	vadd.f32 v6, v28;
	v21 =	vmul.f32 v21, v35;
	v28 =	vld.idx.msk [tilespmem:v32+s20+$0x0], $0xffff  }
0x18e: {  	v32 =	vld [tilespmem:$0x1FF90];
	v15 =	vmul.f32 v15, v35  }
0x18f: {  	v21 =	vadd.f32 v21, v37;
	v37 =	vld [tilespmem:$0x1FFA0]  }
0x190: {  	v23 =	vadd.f32 v15, v13;
	v13 =	vld [tilespmem:$0x1FFC0]  }
0x191: {  	v10 =	vmul.f32 v10, v27  }
0x192: {  	v18 =	vmul.f32 v18, v27  }
0x193: {  	v10 =	vadd.f32 v10, v39;
	v39 =	vld [tilespmem:$0x1FF50];
	v15 =	vmul.f32 v19, v35  }
0x194: {  	v24 =	vld [tilespmem:$0x1FF70];
	v18 =	vadd.f32 v18, v29;
	v29 =	vadd.s32 v32, v0  }
0x195: {  	v32 =	vadd.s32 v37, v0;
	v37 =	vadd.s32 v13, v0;
	v13 =	vadd.f32 v15, v1;
	v1 =	vld [tilespmem:$0x1FFD0]  }
0x196: {  	v27 =	vld [tilespmem:$0x1FF80]  }
0x197: {  	v17 =	vld [tilespmem:$0x1FF60]  }
0x198: {  	v36 =	vadd.s32 v39, v0;
	v39 =	vld [tilespmem:$0x1FFB0]  }
0x199: {  	v15 =	vld.idx.msk [tilespmem:v29+s20+$0x0], $0xffff  }
0x19a: {  	v29 =	vadd.s32 v1, v0;
	v1 =	vld [tilespmem:$0x1FFE0];
	_ =	sdelay $0x1  }
0x19b: {  	v20 =	vadd.s32 v24, v0;
	v16 =	vmul.f32 v16, v35;
	_ =	sdelay $0x1  }
0x19c: {  	s11 =	sadd.s32 $0xFFFFFFFA, s0;
	v27 =	vadd.s32 v27, v0;
	v16 =	vadd.f32 v16, v31;
	v31 =	vld.idx.msk [tilespmem:v36+s20+$0x0], $0xffff;
	v36 =	vadd.s32 v39, v0  }
0x19d: {  	v24 =	vmov s11;
	v17 =	vadd.s32 v17, v0;
	v0 =	vadd.s32 v1, v0;
	v1 =	vld [tilespmem:$0x1FFF0]  }
0x19e: {  	v22 =	vld.idx.msk [tilespmem:v22+s20+$0x0], $0xffff;
	v39 =	vshrl.u32 v24, $0x3  }
0x19f: {  	v19 =	vld.idx.msk [tilespmem:v20+s20+$0x0], $0xffff;
	v20 =	vshll.u32 v39, v25  }
0x1a0: {  	v20 =	vbroadcast v20, $0x0;
	v24 =	vmul.f32 v28, v35;
	v28 =	vld.idx.msk [tilespmem:v32+s20+$0x0], $0xffff  }
0x1a1: {  	v32 =	vld.idx.msk [tilespmem:v36+s20+$0x0], $0xffff  }
0x1a2: {  	v36 =	vadd.s32 v1, v20;
	v1 =	vld [tilespmem:$0x1F840];
	_ =	sdelay $0x2  }
0x1a3: {  	v22 =	vmul.f32 v22, v35;
	_ =	sdelay $0x1  }
0x1a4: {  	v3 =	vadd.f32 v22, v3;
	v22 =	vadd.s32 v1, v20;
	v1 =	vld [tilespmem:$0x1F850];
	_ =	sdelay $0x2  }
0x1a5: {  	v31 =	vmul.f32 v31, v35  }
0x1a6: {  	v27 =	vld.idx.msk [tilespmem:v27+s20+$0x0], $0xffff  }
0x1a7: {  	v9 =	vadd.f32 v31, v9;
	v31 =	vadd.s32 v1, v20;
	v1 =	vld [tilespmem:$0x1F860];
	_ =	sdelay $0x1  }
0x1a8: {  	v17 =	vld.idx.msk [tilespmem:v17+s20+$0x0], $0xffff;
	v19 =	vmul.f32 v19, v35;
	_ =	sdelay $0x1  }
0x1a9: {  	v4 =	vadd.f32 v19, v4;
	v19 =	vmul.f32 v27, v35;
	v27 =	vld.idx.msk [tilespmem:v29+s20+$0x0], $0xffff  }
0x1aa: {  	v29 =	vadd.s32 v1, v20;
	v1 =	vld [tilespmem:$0x1F870];
	_ =	sdelay $0x1  }
0x1ab: {  	v17 =	vmul.f32 v17, v35;
	_ =	sdelay $0x1  }
0x1ac: {  	v12 =	vadd.f32 v17, v12;
	v17 =	vld.idx.msk [tilespmem:v37+s20+$0x0], $0xffff  }
0x1ad: {  	v37 =	vadd.s32 v1, v20;
	v1 =	vld [tilespmem:$0x1F880];
	_ =	sdelay $0x3  }
0x1ae: {  	v10 =	vadd.f32 v19, v10;
	v19 =	vmul.f32 v32, v35;
	v32 =	vld.idx.msk [tilespmem:v36+s20+$0x0], $0xffff  }
0x1af: {  	v36 =	vadd.s32 v1, v20;
	v1 =	vld [tilespmem:$0x1F890];
	_ =	sdelay $0x1  }
0x1b0: {  	v15 =	vmul.f32 v15, v35;
	_ =	sdelay $0x1  }
0x1b1: {  	v7 =	vadd.f32 v15, v7;
	v15 =	vld.idx.msk [tilespmem:v22+s20+$0x0], $0xffff  }
0x1b2: {  	v22 =	vadd.s32 v1, v20;
	v1 =	vld [tilespmem:$0x1F8A0];
	_ =	sdelay $0x2  }
0x1b3: {  	v28 =	vmul.f32 v28, v35;
	_ =	sdelay $0x1  }
0x1b4: {  	v14 =	vadd.f32 v28, v14;
	v28 =	vadd.s32 v1, v20;
	v1 =	vld [tilespmem:$0x1F8B0];
	_ =	sdelay $0x3  }
0x1b5: {  	v0 =	vld.idx.msk [tilespmem:v0+s20+$0x0], $0xffff  }
0x1b6: {  	v8 =	vadd.f32 v19, v8;
	v19 =	vld.idx.msk [tilespmem:v31+s20+$0x0], $0xffff;
	v31 =	vadd.s32 v1, v20;
	v1 =	vimm.s32 $0x9  }
0x1b7: {  	v39 =	vperm.xlane v61, v1;
	v1 =	vld [tilespmem:$0x1F8C0];
	_ =	sdelay $0x3  }
0x1b8: {  	v17 =	vmul.f32 v17, v35  }
0x1b9: {  	v27 =	vmul.f32 v27, v35;
	v0 =	vmul.f32 v0, v35;
	v35 =	vadd.s32 v1, v20;
	v1 =	vld [tilespmem:$0x1F8D0];
	_ =	sdelay $0x3  }
0x1ba: {  	v6 =	vadd.f32 v27, v6;
	v27 =	vmul.f32 v32, v39;
	v32 =	vld.idx.msk [tilespmem:v36+s20+$0x0], $0xffff  }
0x1bb: {  	v36 =	vadd.s32 v1, v20;
	v1 =	vadd.f32 v0, v18;
	v0 =	vld [tilespmem:$0x1F8E0];
	_ =	sdelay $0x2  }
0x1bc: {  	v2 =	vadd.f32 v17, v2;
	v17 =	vld.idx.msk [tilespmem:v37+s20+$0x0], $0xffff  }
0x1bd: {  	v18 =	vld.idx.msk [tilespmem:v22+s20+$0x0], $0xffff  }
0x1be: {  	v22 =	vadd.s32 v0, v20;
	v0 =	vld [tilespmem:$0x1F8F0];
	_ =	sdelay $0x1  }
0x1bf: {  	v29 =	vld.idx.msk [tilespmem:v29+s20+$0x0], $0xffff;
	v15 =	vmul.f32 v15, v39  }
0x1c0: {  	v21 =	vadd.f32 v27, v21;
	v27 =	vld.idx.msk [tilespmem:v28+s20+$0x0], $0xffff  }
0x1c1: {  	s11 =	sadd.s32 $0xFFFFFFFB, s0;
	v11 =	vadd.f32 v24, v11;
	v15 =	vadd.f32 v15, v16;
	v16 =	vmul.f32 v19, v39;
	v19 =	vld.idx.msk [tilespmem:v31+s20+$0x0], $0xffff  }
0x1c2: {  	v24 =	vmov s11;
	v17 =	vmul.f32 v17, v39;
	v28 =	vadd.s32 v0, v20;
	v0 =	vld [tilespmem:$0x1F900]  }
0x1c3: {  	v31 =	vshrl.u32 v24, $0x3;
	v24 =	vld [tilespmem:$0x1F920]  }
0x1c4: {  	v3 =	vadd.f32 v17, v3;
	v17 =	vmul.f32 v32, v39;
	v32 =	vld [tilespmem:$0x1F930]  }
0x1c5: {  	v35 =	vld.idx.msk [tilespmem:v35+s20+$0x0], $0xffff  }
0x1c6: {  	v31 =	vshll.u32 v31, v25;
	v36 =	vld.idx.msk [tilespmem:v36+s20+$0x0], $0xffff  }
0x1c7: {  	v31 =	vbroadcast v31, $0x0;
	v37 =	vadd.s32 v0, v20;
	v0 =	vld [tilespmem:$0x1F910]  }
0x1c8: {  	v16 =	vadd.f32 v16, v23;
	v18 =	vmul.f32 v18, v39;
	v23 =	vld.idx.msk [tilespmem:v28+s20+$0x0], $0xffff  }
0x1c9: {  	v11 =	vadd.f32 v17, v11;
	v28 =	vadd.s32 v32, v31;
	v32 =	vld [tilespmem:$0x1F940]  }
0x1ca: {  	v17 =	vmul.f32 v19, v39;
	v12 =	vadd.f32 v18, v12;
	v18 =	vmul.f32 v35, v39;
	v35 =	vld [tilespmem:$0x1F980]  }
0x1cb: {  	v22 =	vld.idx.msk [tilespmem:v22+s20+$0x0], $0xffff  }
0x1cc: {  	v29 =	vmul.f32 v29, v39;
	v4 =	vadd.f32 v17, v4;
	v17 =	vmul.f32 v36, v39;
	v36 =	vld [tilespmem:$0x1F990]  }
0x1cd: {  	v19 =	vld.idx.msk [tilespmem:v37+s20+$0x0], $0xffff  }
0x1ce: {  	v13 =	vadd.f32 v29, v13;
	v0 =	vadd.s32 v0, v20;
	v29 =	vadd.s32 v32, v31;
	v32 =	vld [tilespmem:$0x1F950]  }
0x1cf: {  	v10 =	vadd.f32 v18, v10;
	v20 =	vadd.s32 v24, v20;
	v18 =	vmul.f32 v23, v39;
	v23 =	vld.idx.msk [tilespmem:v28+s20+$0x0], $0xffff  }
0x1d0: {  	v37 =	vld [tilespmem:$0x1F960]  }
0x1d1: {  	v24 =	vld [tilespmem:$0x1F970]  }
0x1d2: {  	v28 =	vadd.s32 v35, v31;
	v35 =	vld [tilespmem:$0x1F9B0]  }
0x1d3: {  	v32 =	vadd.s32 v32, v31;
	v0 =	vld.idx.msk [tilespmem:v0+s20+$0x0], $0xffff  }
0x1d4: {  	v27 =	vmul.f32 v27, v39;
	v22 =	vmul.f32 v22, v39;
	v20 =	vld.idx.msk [tilespmem:v20+s20+$0x0], $0xffff  }
0x1d5: {  	v7 =	vadd.f32 v17, v7;
	v17 =	vld.idx.msk [tilespmem:v29+s20+$0x0], $0xffff  }
0x1d6: {  	v9 =	vadd.f32 v27, v9;
	v14 =	vadd.f32 v22, v14;
	v22 =	vadd.s32 v24, v31;
	v24 =	vld [tilespmem:$0x1F9A0]  }
0x1d7: {  	v8 =	vadd.f32 v18, v8;
	v18 =	vmul.f32 v19, v39;
	v29 =	vadd.s32 v36, v31;
	v36 =	vld [tilespmem:$0x1F9C0]  }
0x1d8: {  	v27 =	vadd.s32 v37, v31;
	v37 =	vimm.s32 $0xA;
	v19 =	vld.idx.msk [tilespmem:v32+s20+$0x0], $0xffff;
	v0 =	vmul.f32 v0, v39  }
0x1d9: {  	v2 =	vadd.f32 v18, v2;
	v32 =	vperm.xlane v61, v37;
	v18 =	vmul.f32 v20, v39;
	v37 =	vld [tilespmem:$0x1F9D0]  }
0x1da: {  	v39 =	vld [tilespmem:$0x1F9E0]  }
0x1db: {  	v0 =	vadd.f32 v0, v6;
	v6 =	vmul.f32 v23, v32;
	v1 =	vadd.f32 v18, v1;
	v18 =	vld.idx.msk [tilespmem:v22+s20+$0x0], $0xffff  }
0x1dc: {  	v17 =	vmul.f32 v17, v32;
	v22 =	vadd.s32 v36, v31;
	v36 =	vld [tilespmem:$0x1F9F0]  }
0x1dd: {  	v6 =	vadd.f32 v6, v21;
	v21 =	vld.idx.msk [tilespmem:v28+s20+$0x0], $0xffff  }
0x1de: {  	v15 =	vadd.f32 v17, v15;
	v17 =	vld.idx.msk [tilespmem:v29+s20+$0x0], $0xffff  }
0x1df: {  	v20 =	vadd.s32 v24, v31;
	v28 =	vadd.s32 v37, v31;
	v37 =	vld [tilespmem:$0x1FA00]  }
0x1e0: {  	v29 =	vadd.s32 v39, v31;
	v39 =	vld [tilespmem:$0x1FA10];
	_ =	sdelay $0x1  }
0x1e1: {  	v23 =	vld.idx.msk [tilespmem:v27+s20+$0x0], $0xffff;
	v27 =	vadd.s32 v35, v31;
	v19 =	vmul.f32 v19, v32  }
0x1e2: {  	s11 =	sadd.s32 $0xFFFFFFFC, s0  }
0x1e3: {  	v24 =	vmov s11;
	v16 =	vadd.f32 v19, v16;
	v19 =	vld.idx.msk [tilespmem:v20+s20+$0x0], $0xffff  }
0x1e4: {  	v20 =	vadd.s32 v36, v31;
	v36 =	vadd.s32 v37, v31;
	v37 =	vadd.s32 v39, v31;
	v39 =	vld [tilespmem:$0x1FA30]  }
0x1e5: {  	v35 =	vshrl.u32 v24, $0x3;
	v24 =	vld [tilespmem:$0x1FA20]  }
0x1e6: {  	v35 =	vshll.u32 v35, v25;
	v27 =	vld.idx.msk [tilespmem:v27+s20+$0x0], $0xffff;
	v18 =	vmul.f32 v18, v32  }
0x1e7: {  	v35 =	vbroadcast v35, $0x0;
	v22 =	vld.idx.msk [tilespmem:v22+s20+$0x0], $0xffff  }
0x1e8: {  	v23 =	vmul.f32 v23, v32;
	v3 =	vadd.f32 v18, v3;
	v18 =	vld.idx.msk [tilespmem:v29+s20+$0x0], $0xffff  }
0x1e9: {  	v29 =	vadd.s32 v39, v35;
	v39 =	vld [tilespmem:$0x1FA50]  }
0x1ea: {  	v13 =	vadd.f32 v23, v13;
	v23 =	vadd.s32 v24, v31;
	v24 =	vld [tilespmem:$0x1FA40]  }
0x1eb: {  	v28 =	vld.idx.msk [tilespmem:v28+s20+$0x0], $0xffff;
	v19 =	vmul.f32 v19, v32  }
0x1ec: {  	v20 =	vld.idx.msk [tilespmem:v20+s20+$0x0], $0xffff  }
0x1ed: {  	v9 =	vadd.f32 v19, v9;
	v19 =	vmul.f32 v22, v32;
	v22 =	vld.idx.msk [tilespmem:v37+s20+$0x0], $0xffff  }
0x1ee: {  	v17 =	vmul.f32 v17, v32;
	v31 =	vadd.s32 v39, v35;
	v39 =	vld [tilespmem:$0x1FA80]  }
0x1ef: {  	v21 =	vmul.f32 v21, v32;
	v37 =	vld [tilespmem:$0x1FA70]  }
0x1f0: {  	v12 =	vadd.f32 v17, v12;
	v17 =	vmul.f32 v27, v32;
	v27 =	vld.idx.msk [tilespmem:v36+s20+$0x0], $0xffff  }
0x1f1: {  	v11 =	vadd.f32 v21, v11;
	v21 =	vadd.s32 v24, v35;
	v36 =	vld [tilespmem:$0x1FA60]  }
0x1f2: {  	v10 =	vadd.f32 v19, v10;
	v19 =	vld.idx.msk [tilespmem:v29+s20+$0x0], $0xffff  }
0x1f3: {  	v29 =	vadd.s32 v39, v35;
	v39 =	vld [tilespmem:$0x1FAA0]  }
0x1f4: {  	v4 =	vadd.f32 v17, v4;
	v17 =	vmul.f32 v28, v32;
	v28 =	vadd.s32 v37, v35;
	v37 =	vld [tilespmem:$0x1FA90]  }
0x1f5: {  	v18 =	vmul.f32 v18, v32  }
0x1f6: {  	v7 =	vadd.f32 v17, v7;
	v17 =	vmul.f32 v20, v32;
	v20 =	vld.idx.msk [tilespmem:v21+s20+$0x0], $0xffff  }
0x1f7: {  	v14 =	vadd.f32 v18, v14;
	v18 =	vmul.f32 v27, v32;
	v27 =	vld.idx.msk [tilespmem:v31+s20+$0x0], $0xffff  }
0x1f8: {  	v31 =	vadd.s32 v39, v35;
	v39 =	vld [tilespmem:$0x1FAC0]  }
0x1f9: {  	v36 =	vadd.s32 v36, v35;
	v21 =	vadd.s32 v37, v35;
	v37 =	vld [tilespmem:$0x1FAB0];
	_ =	sdelay $0x1  }
0x1fa: {  	v23 =	vld.idx.msk [tilespmem:v23+s20+$0x0], $0xffff  }
0x1fb: {  	v2 =	vadd.f32 v18, v2;
	v18 =	vld.idx.msk [tilespmem:v28+s20+$0x0], $0xffff  }
0x1fc: {  	v8 =	vadd.f32 v17, v8;
	v28 =	vadd.s32 v39, v35;
	v39 =	vld [tilespmem:$0x1FAD0]  }
0x1fd: {  	v17 =	vmul.f32 v22, v32;
	v22 =	vld.idx.msk [tilespmem:v36+s20+$0x0], $0xffff;
	v36 =	vadd.s32 v37, v35;
	v37 =	vimm.s32 $0xB  }
0x1fe: {  	v37 =	vperm.xlane v61, v37  }
0x1ff: {  	v0 =	vadd.f32 v17, v0;
	v17 =	vmul.f32 v23, v32;
	v32 =	vld [tilespmem:$0x1FAE0]  }
0x200: {  	v23 =	vld.idx.msk [tilespmem:v29+s20+$0x0], $0xffff;
	v19 =	vmul.f32 v19, v37  }
0x201: {  	v29 =	vadd.s32 v39, v35;
	v39 =	vld [tilespmem:$0x1FAF0]  }
0x202: {  	v6 =	vadd.f32 v19, v6;
	v19 =	vld.idx.msk [tilespmem:v36+s20+$0x0], $0xffff  }
0x203: {  	v36 =	vld [tilespmem:$0x1FB00]  }
0x204: {  	v32 =	vadd.s32 v32, v35  }
0x205: {  	s11 =	sadd.s32 $0xFFFFFFFD, s0;
	v1 =	vadd.f32 v17, v1;
	v20 =	vmul.f32 v20, v37;
	v17 =	vld.idx.msk [tilespmem:v31+s20+$0x0], $0xffff  }
0x206: {  	v24 =	vmov s11;
	v31 =	vadd.s32 v39, v35;
	v39 =	vld [tilespmem:$0x1FB10]  }
0x207: {  	v15 =	vadd.f32 v20, v15;
	v20 =	vshrl.u32 v24, $0x3;
	v24 =	vld [tilespmem:$0x1FB20]  }
0x208: {  	v21 =	vld.idx.msk [tilespmem:v21+s20+$0x0], $0xffff;
	v36 =	vadd.s32 v36, v35  }
0x209: {  	v32 =	vld.idx.msk [tilespmem:v32+s20+$0x0], $0xffff  }
0x20a: {  	v27 =	vmul.f32 v27, v37;
	v28 =	vld.idx.msk [tilespmem:v28+s20+$0x0], $0xffff  }
0x20b: {  	v18 =	vmul.f32 v18, v37;
	v29 =	vld.idx.msk [tilespmem:v29+s20+$0x0], $0xffff;
	v39 =	vadd.s32 v39, v35  }
0x20c: {  	v16 =	vadd.f32 v27, v16;
	v27 =	vadd.s32 v24, v35;
	v35 =	vld [tilespmem:$0x1FB30]  }
0x20d: {  	v22 =	vmul.f32 v22, v37;
	v3 =	vadd.f32 v18, v3;
	v18 =	vmul.f32 v21, v37;
	v21 =	vld.idx.msk [tilespmem:v36+s20+$0x0], $0xffff  }
0x20e: {  	v20 =	vshll.u32 v20, v25;
	v17 =	vmul.f32 v17, v37;
	v36 =	vld [tilespmem:$0x1FB40]  }
0x20f: {  	v13 =	vadd.f32 v22, v13;
	v22 =	vmul.f32 v23, v37;
	v20 =	vbroadcast v20, $0x0;
	v23 =	vld.idx.msk [tilespmem:v31+s20+$0x0], $0xffff  }
0x210: {  	v9 =	vadd.f32 v17, v9;
	v17 =	vld.idx.msk [tilespmem:v39+s20+$0x0], $0xffff  }
0x211: {  	v19 =	vmul.f32 v19, v37;
	v31 =	vadd.s32 v35, v20;
	v39 =	vld [tilespmem:$0x1FB60]  }
0x212: {  	v11 =	vadd.f32 v22, v11;
	v12 =	vadd.f32 v18, v12  }
0x213: {  	v18 =	vld [tilespmem:$0x1FB50];
	v4 =	vadd.f32 v19, v4;
	v19 =	vmul.f32 v28, v37;
	v22 =	vadd.s32 v36, v20  }
0x214: {  	v27 =	vld.idx.msk [tilespmem:v27+s20+$0x0], $0xffff  }
0x215: {  	v10 =	vadd.f32 v19, v10;
	v19 =	vld [tilespmem:$0x1FB70]  }
0x216: {  	v28 =	vmul.f32 v29, v37;
	v29 =	vmul.f32 v32, v37;
	v31 =	vld.idx.msk [tilespmem:v31+s20+$0x0], $0xffff;
	v32 =	vadd.s32 v39, v20  }
0x217: {  	v24 =	vld [tilespmem:$0x1FB80]  }
0x218: {  	v18 =	vadd.s32 v18, v20;
	v21 =	vmul.f32 v21, v37;
	v36 =	vimm.s32 $0xC;
	v22 =	vld.idx.msk [tilespmem:v22+s20+$0x0], $0xffff  }
0x219: {  	v27 =	vmul.f32 v27, v37;
	v14 =	vadd.f32 v29, v14;
	v29 =	vperm.xlane v61, v36;
	v35 =	vld [tilespmem:$0x1FB90]  }
0x21a: {  	v19 =	vadd.s32 v19, v20;
	v23 =	vmul.f32 v23, v37;
	v17 =	vmul.f32 v17, v37;
	v37 =	vld [tilespmem:$0x1FBA0]  }
0x21b: {  	v39 =	vmul.f32 v31, v29;
	v31 =	vld.idx.msk [tilespmem:v32+s20+$0x0], $0xffff  }
0x21c: {  	v8 =	vadd.f32 v23, v8;
	v23 =	vadd.s32 v24, v20;
	v32 =	vld [tilespmem:$0x1FBB0]  }
0x21d: {  	v18 =	vld.idx.msk [tilespmem:v18+s20+$0x0], $0xffff  }
0x21e: {  	v36 =	vld [tilespmem:$0x1FBD0]  }
0x21f: {  	v7 =	vadd.f32 v28, v7;
	v28 =	vadd.s32 v35, v20;
	v0 =	vadd.f32 v17, v0;
	v17 =	vld.idx.msk [tilespmem:v19+s20+$0x0], $0xffff  }
0x220: {  	v19 =	vld [tilespmem:$0x1FBC0];
	v35 =	vadd.s32 v37, v20  }
0x221: {  	v2 =	vadd.f32 v21, v2;
	v21 =	vmul.f32 v22, v29;
	v22 =	vld.idx.msk [tilespmem:v23+s20+$0x0], $0xffff;
	v32 =	vadd.s32 v32, v20  }
0x222: {  	v6 =	vadd.f32 v39, v6;
	v39 =	vld [tilespmem:$0x1FBF0]  }
0x223: {  	v37 =	vld [tilespmem:$0x1FBE0]  }
0x224: {  	v1 =	vadd.f32 v27, v1;
	v18 =	vmul.f32 v18, v29;
	v27 =	vld.idx.msk [tilespmem:v28+s20+$0x0], $0xffff  }
0x225: {  	v15 =	vadd.f32 v21, v15;
	v21 =	vld.idx.msk [tilespmem:v35+s20+$0x0], $0xffff  }
0x226: {  	v16 =	vadd.f32 v18, v16;
	v23 =	vadd.s32 v36, v20;
	v18 =	vld.idx.msk [tilespmem:v32+s20+$0x0], $0xffff  }
0x227: {  	v35 =	vadd.s32 v39, v20;
	v32 =	vld [tilespmem:$0x1FC00]  }
0x228: {  	v28 =	vadd.s32 v37, v20;
	v37 =	vld [tilespmem:$0x1FC10]  }
0x229: {  	v39 =	vld [tilespmem:$0x1FC20]  }
0x22a: {  	v24 =	vld [tilespmem:$0x1FC40];
	v19 =	vadd.s32 v19, v20;
	v17 =	vmul.f32 v17, v29  }
0x22b: {  	v23 =	vld.idx.msk [tilespmem:v23+s20+$0x0], $0xffff  }
0x22c: {  	s11 =	sadd.s32 $0xFFFFFFFE, s0;
	v3 =	vadd.f32 v17, v3;
	v17 =	vld.idx.msk [tilespmem:v35+s20+$0x0], $0xffff;
	v32 =	vadd.s32 v32, v20  }
0x22d: {  	v36 =	vmov s11;
	v37 =	vadd.s32 v37, v20;
	v35 =	vld [tilespmem:$0x1FC50]  }
0x22e: {  	v36 =	vshrl.u32 v36, $0x3;
	v20 =	vadd.s32 v39, v20;
	v39 =	vld [tilespmem:$0x1FC30]  }
0x22f: {  	v36 =	vshll.u32 v36, v25;
	v27 =	vmul.f32 v27, v29;
	v19 =	vld.idx.msk [tilespmem:v19+s20+$0x0], $0xffff  }
0x230: {  	v36 =	vbroadcast v36, $0x0;
	v28 =	vld.idx.msk [tilespmem:v28+s20+$0x0], $0xffff  }
0x231: {  	v31 =	vmul.f32 v31, v29;
	v12 =	vadd.f32 v27, v12;
	v27 =	vld.idx.msk [tilespmem:v32+s20+$0x0], $0xffff  }
0x232: {  	v32 =	vadd.s32 v35, v36;
	v35 =	vld.idx.msk [tilespmem:v37+s20+$0x0], $0xffff  }
0x233: {  	v13 =	vadd.f32 v31, v13;
	v31 =	vadd.s32 v39, v36;
	v37 =	vld [tilespmem:$0x1FC60];
	v39 =	vmul.f32 v23, v29  }
0x234: {  	v22 =	vmul.f32 v22, v29  }
0x235: {  	v21 =	vmul.f32 v21, v29;
	v7 =	vadd.f32 v39, v7;
	v39 =	vld [tilespmem:$0x1FC90]  }
0x236: {  	v11 =	vadd.f32 v22, v11;
	v22 =	vadd.s32 v24, v36;
	v24 =	vld [tilespmem:$0x1FC70];
	v19 =	vmul.f32 v19, v29  }
0x237: {  	v9 =	vadd.f32 v21, v9;
	v21 =	vmul.f32 v28, v29  }
0x238: {  	v10 =	vadd.f32 v19, v10;
	v19 =	vld [tilespmem:$0x1FC80];
	v37 =	vadd.s32 v37, v36  }
0x239: {  	v14 =	vadd.f32 v21, v14;
	v20 =	vld.idx.msk [tilespmem:v20+s20+$0x0], $0xffff;
	v21 =	vmul.f32 v35, v29  }
0x23a: {  	v18 =	vmul.f32 v18, v29;
	v28 =	vadd.s32 v39, v36;
	v39 =	vld [tilespmem:$0x1FCC0]  }
0x23b: {  	v23 =	vadd.s32 v24, v36;
	v24 =	vadd.f32 v21, v0;
	v0 =	vld [tilespmem:$0x1FCD0]  }
0x23c: {  	v4 =	vadd.f32 v18, v4;
	v18 =	vld.idx.msk [tilespmem:v31+s20+$0x0], $0xffff  }
0x23d: {  	v17 =	vmul.f32 v17, v29;
	v35 =	vld.idx.msk [tilespmem:v37+s20+$0x0], $0xffff  }
0x23e: {  	v37 =	vld [tilespmem:$0x1FCB0]  }
0x23f: {  	v8 =	vadd.f32 v17, v8;
	v27 =	vmul.f32 v27, v29;
	v31 =	vld.idx.msk [tilespmem:v32+s20+$0x0], $0xffff  }
0x240: {  	v17 =	vld.idx.msk [tilespmem:v23+s20+$0x0], $0xffff;
	v23 =	vadd.s32 v39, v36;
	v21 =	vadd.s32 v0, v36;
	v0 =	vimm.s32 $0xD  }
0x241: {  	v32 =	vld [tilespmem:$0x1FCA0];
	v2 =	vadd.f32 v27, v2;
	v27 =	vperm.xlane v61, v0  }
0x242: {  	v0 =	vld [tilespmem:$0x1FCE0]  }
0x243: {  	v22 =	vld.idx.msk [tilespmem:v22+s20+$0x0], $0xffff;
	v37 =	vadd.s32 v37, v36;
	v18 =	vmul.f32 v18, v27  }
0x244: {  	v28 =	vld.idx.msk [tilespmem:v28+s20+$0x0], $0xffff  }
0x245: {  	v6 =	vadd.f32 v18, v6;
	v18 =	vld.idx.msk [tilespmem:v23+s20+$0x0], $0xffff  }
0x246: {  	s11 =	sadd.s32 $0xFFFFFFFF, s0;
	v19 =	vadd.s32 v19, v36;
	v20 =	vmul.f32 v20, v29;
	v23 =	vld [tilespmem:$0x1FD10]  }
0x247: {  	v32 =	vadd.s32 v32, v36;
	v39 =	vmov s11;
	v29 =	vadd.s32 v0, v36;
	v0 =	vld [tilespmem:$0x1FCF0]  }
0x248: {  	v1 =	vadd.f32 v20, v1;
	v39 =	vshrl.u32 v39, $0x3;
	v20 =	vld.idx.msk [tilespmem:v37+s20+$0x0], $0xffff  }
0x249: {  	v39 =	vshll.u32 v39, v25;
	v37 =	vld [tilespmem:$0x1FD00]  }
0x24a: {  	v39 =	vbroadcast v39, $0x0;
	v31 =	vmul.f32 v31, v27  }
0x24b: {  	v19 =	vld.idx.msk [tilespmem:v19+s20+$0x0], $0xffff  }
0x24c: {  	v32 =	vld.idx.msk [tilespmem:v32+s20+$0x0], $0xffff;
	v16 =	vadd.f32 v31, v16;
	v31 =	vadd.s32 v58, v39  }
0x24d: {  	v22 =	vmul.f32 v22, v27;
	v21 =	vld.idx.msk [tilespmem:v21+s20+$0x0], $0xffff;
	v28 =	vmul.f32 v28, v27;
	v23 =	vadd.s32 v23, v36  }
0x24e: {  	v0 =	vadd.s32 v0, v36;
	v37 =	vadd.s32 v37, v36;
	v36 =	vadd.s32 v62, v36;
	v62 =	vld [tilespmem:$0x1FD20]  }
0x24f: {  	v15 =	vadd.f32 v22, v15;
	v22 =	vadd.s32 v56, v39;
	v56 =	vadd.s32 v59, v39;
	v59 =	vld [tilespmem:$0x1FD40]  }
0x250: {  	v12 =	vadd.f32 v28, v12;
	v28 =	vld [tilespmem:$0x1FD30]  }
0x251: {  	v31 =	vld.idx.msk [tilespmem:v31+s20+$0x0], $0xffff  }
0x252: {  	v29 =	vld.idx.msk [tilespmem:v29+s20+$0x0], $0xffff  }
0x253: {  	v35 =	vmul.f32 v35, v27;
	v17 =	vmul.f32 v17, v27;
	v23 =	vld.idx.msk [tilespmem:v23+s20+$0x0], $0xffff;
	v62 =	vadd.s32 v62, v39  }
0x254: {  	v19 =	vmul.f32 v19, v27;
	v0 =	vld.idx.msk [tilespmem:v0+s20+$0x0], $0xffff  }
0x255: {  	v13 =	vadd.f32 v35, v13;
	v3 =	vadd.f32 v17, v3;
	v20 =	vmul.f32 v20, v27;
	v17 =	vld.idx.msk [tilespmem:v37+s20+$0x0], $0xffff  }
0x256: {  	v58 =	vimm.s32 $0xE;
	v21 =	vmul.f32 v21, v27;
	v37 =	vadd.s32 v63, v39;
	v63 =	vld [tilespmem:$0x1FD60]  }
0x257: {  	v11 =	vadd.f32 v19, v11;
	v28 =	vadd.s32 v28, v39;
	v4 =	vadd.f32 v20, v4;
	v20 =	vld.idx.msk [tilespmem:v22+s20+$0x0], $0xffff  }
0x258: {  	v51 =	vadd.s32 v51, v39;
	v7 =	vadd.f32 v21, v7;
	v21 =	vadd.s32 v57, v39;
	v19 =	vld.idx.msk [tilespmem:v62+s20+$0x0], $0xffff  }
0x259: {  	v32 =	vmul.f32 v32, v27;
	v18 =	vmul.f32 v18, v27;
	v22 =	vadd.s32 v59, v39;
	v62 =	vld [tilespmem:$0x1FD50]  }
0x25a: {  	v55 =	vadd.s32 v55, v39;
	v29 =	vmul.f32 v29, v27;
	v36 =	vld.idx.msk [tilespmem:v36+s20+$0x0], $0xffff;
	v0 =	vmul.f32 v0, v27  }
0x25b: {  	v9 =	vadd.f32 v32, v9;
	v35 =	vld.idx.msk [tilespmem:v56+s20+$0x0], $0xffff;
	v10 =	vadd.f32 v18, v10;
	v56 =	vadd.s32 v63, v39  }
0x25c: {  	v14 =	vadd.f32 v29, v14;
	v0 =	vadd.f32 v0, v8;
	v8 =	vld.idx.msk [tilespmem:v28+s20+$0x0], $0xffff;
	v28 =	vadd.s32 v54, v39  }
0x25d: {  	v21 =	vld.idx.msk [tilespmem:v21+s20+$0x0], $0xffff;
	v29 =	vadd.s32 v52, v39;
	v23 =	vmul.f32 v23, v27;
	v17 =	vmul.f32 v17, v27  }
0x25e: {  	v22 =	vld.idx.msk [tilespmem:v22+s20+$0x0], $0xffff;
	v63 =	vadd.s32 v53, v39;
	v32 =	vadd.s32 v62, v39;
	v62 =	vmov s0  }
0x25f: {  	v18 =	vld.idx.msk [tilespmem:v37+s20+$0x0], $0xffff;
	v53 =	vperm.xlane v61, v58;
	v27 =	vmul.f32 v36, v27;
	v37 =	vshrl.u32 v62, $0x3  }
0x260: {  	v2 =	vadd.f32 v17, v2;
	v17 =	vadd.s32 v49, v39;
	v54 =	vld.idx.msk [tilespmem:v56+s20+$0x0], $0xffff;
	v37 =	vshll.u32 v37, v25  }
0x261: {  	v23 =	vadd.f32 v23, v24;
	v31 =	vmul.f32 v31, v53;
	v28 =	vld.idx.msk [tilespmem:v28+s20+$0x0], $0xffff;
	v37 =	vbroadcast v37, $0x0  }
0x262: {  	v1 =	vadd.f32 v27, v1;
	v35 =	vmul.f32 v35, v53;
	v19 =	vmul.f32 v19, v53;
	v56 =	vld.idx.msk [tilespmem:v29+s20+$0x0], $0xffff  }
0x263: {  	v22 =	vmul.f32 v22, v53;
	v31 =	vadd.f32 v31, v16;
	v59 =	vld.idx.msk [tilespmem:v63+s20+$0x0], $0xffff;
	v58 =	vadd.s32 v50, v37  }
0x264: {  	v62 =	vld.idx.msk [tilespmem:v51+s20+$0x0], $0xffff;
	v6 =	vadd.f32 v19, v6;
	v19 =	vmul.f32 v20, v53;
	v29 =	vadd.s32 v46, v37  }
0x265: {  	v13 =	vadd.f32 v35, v13;
	v18 =	vmul.f32 v18, v53;
	v16 =	vld.idx.msk [tilespmem:v17+s20+$0x0], $0xffff;
	v63 =	vadd.s32 v48, v37  }
0x266: {  	v8 =	vmul.f32 v8, v53;
	v15 =	vadd.f32 v19, v15;
	v19 =	vld.idx.msk [tilespmem:v55+s20+$0x0], $0xffff;
	v44 =	vadd.s32 v44, v37  }
0x267: {  	v22 =	vadd.f32 v22, v12;
	v3 =	vadd.f32 v18, v3;
	v32 =	vld.idx.msk [tilespmem:v32+s20+$0x0], $0xffff;
	v17 =	vadd.s32 v47, v37  }
0x268: {  	v8 =	vadd.f32 v8, v11;
	v47 =	vadd.s32 v33, v37;
	v48 =	vadd.s32 v34, v37;
	v18 =	vld.idx.msk [tilespmem:v58+s20+$0x0], $0xffff  }
0x269: {  	v11 =	vmul.f32 v54, v53;
	v50 =	vadd.s32 v40, v37;
	v51 =	vadd.s32 v60, v37;
	v29 =	vld.idx.msk [tilespmem:v29+s20+$0x0], $0xffff  }
0x26a: {  	v28 =	vmul.f32 v28, v53;
	v24 =	vmul.f32 v56, v53;
	v54 =	vadd.s32 v43, v37;
	v49 =	vld.idx.msk [tilespmem:v63+s20+$0x0], $0xffff  }
0x26b: {  	v43 =	vimm.s32 $0x6;
	v4 =	vadd.f32 v11, v4;
	v11 =	vmul.f32 v21, v53;
	v12 =	vld.idx.msk [tilespmem:v44+s20+$0x0], $0xffff  }
0x26c: {  	v56 =	vadd.s32 v45, v37;
	v30 =	vadd.s32 v30, v37;
	v26 =	vadd.s32 v26, v37;
	v52 =	vld.idx.msk [tilespmem:v17+s20+$0x0], $0xffff  }
0x26d: {  	v28 =	vadd.f32 v28, v7;
	v55 =	vadd.f32 v11, v10;
	v10 =	vmul.f32 v59, v53;
	v27 =	vld.idx.msk [tilespmem:v47+s20+$0x0], $0xffff  }
0x26e: {  	v24 =	vadd.f32 v24, v14;
	v14 =	vadd.s32 v42, v37;
	v17 =	vadd.s32 v41, v37;
	v11 =	vld.idx.msk [tilespmem:v48+s20+$0x0], $0xffff  }
0x26f: {  	v32 =	vmul.f32 v32, v53;
	v7 =	vld.idx.msk [tilespmem:v50+s20+$0x0], $0xffff;
	v58 =	vimm.s32 $0xF;
	v0 =	vadd.f32 v10, v0  }
0x270: {  	v36 =	vld.idx.msk [tilespmem:v54+s20+$0x0], $0xffff;
	v10 =	vmul.f32 v62, v53;
	v59 =	vperm.xlane v61, v58;
	v61 =	vadd.s32 v38, v37  }
0x271: {  	v33 =	vimm.s32 $0x3;
	v42 =	vimm.s32 $0x5;
	v19 =	vmul.f32 v19, v53;
	v20 =	vld.idx.msk [tilespmem:v56+s20+$0x0], $0xffff  }
0x272: {  	v9 =	vadd.f32 v32, v9;
	v32 =	vld.idx.msk [tilespmem:v51+s20+$0x0], $0xffff;
	v2 =	vadd.f32 v10, v2;
	v10 =	vmul.f32 v16, v53  }
0x273: {  	v19 =	vadd.f32 v19, v23;
	v60 =	vld.idx.msk [tilespmem:v17+s20+$0x0], $0xffff;
	v16 =	vmul.f32 v18, v59;
	v18 =	vmul.f32 v29, v59  }
0x274: {  	v62 =	vadd.f32 v10, v1;
	v1 =	vmul.f32 v49, v59;
	v10 =	vmul.f32 v12, v59;
	v29 =	vld.idx.msk [tilespmem:v14+s20+$0x0], $0xffff  }
0x275: {  	v63 =	vld.idx.msk [tilespmem:v61+s20+$0x0], $0xffff;
	v17 =	vadd.f32 v16, v6;
	v16 =	vadd.f32 v18, v15;
	v6 =	vmul.f32 v52, v59  }
0x276: {  	v15 =	vld.idx.msk [tilespmem:v30+s20+$0x0], $0xffff;
	v14 =	vadd.f32 v1, v31;
	v13 =	vadd.f32 v10, v13;
	v1 =	vmul.f32 v27, v59  }
0x277: {  	v18 =	vld.idx.msk [tilespmem:v26+s20+$0x0], $0xffff;
	v12 =	vadd.f32 v6, v3;
	v3 =	vmul.f32 v11, v59;
	v6 =	vmul.f32 v7, v59  }
0x278: {  	v11 =	vadd.f32 v1, v8;
	v1 =	vmul.f32 v32, v59;
	v7 =	vmul.f32 v60, v59  }
0x279: {  	p0 =	sne.s32 s0, $0x3F;
	v10 =	vadd.f32 v3, v22;
	v9 =	vadd.f32 v6, v9;
	v3 =	vmul.f32 v36, v59  }
.Ltmp3:
0x27a: {  	v8 =	vadd.f32 v1, v4;
	v1 =	vmul.f32 v20, v59;
	v7 =	vadd.f32 v7, v55;
	(pc) =	sbr.rel @p0 .LBB2_9-.Ltmp3, $4  }
0x27b: {  	v15 =	vmul.f32 v15, v59;
	v6 =	vadd.f32 v3, v28;
	v3 =	vmul.f32 v29, v59  }
0x27c: {  	v4 =	vadd.f32 v1, v24;
	v1 =	vmul.f32 v18, v59;
	v18 =	vmul.f32 v63, v59  }
0x27d: {  	v31 =	vimm.s32 $0x1;
	v2 =	vadd.f32 v15, v2;
	v3 =	vadd.f32 v3, v0  }
0x27e: {  	s3 =	sadd.s32 $0x10, s3;
	v57 =	vmovc v25;
	s0 =	sadd.s32 $0x10, s0;
	v32 =	vimm.s32 $0x2;
	v1 =	vadd.f32 v1, v19;
	v0 =	vadd.f32 v18, v62  }
0x27f: {  	v20 =	vld [tilespmem:$0x1FEB0];
	_ =	sdelay $0x4  }
0x280: {  	v15 =	vmul.f32 v17, v20;
	v17 =	vld [tilespmem:$0x1FE40];
	_ =	sdelay $0x4  }
0x281: {  	vm0 =	vlt.s32 v17, $0x186A0  }
0x282: {  	v15 =	vnsel vm0, $0xF149F2CA, v15  }
0x283: {  	(xrf1) =	vsort.ascd.msk.f32 $0xffff, v15, v17;
	_ =	sdelay $0x9  }
0x284: {  	v19 =	vld [tilespmem:$0x1FEF0];
	_ =	sdelay $0x2  }
0x285: {  	v18 =	vld [tilespmem:$0x1FD70]  }
0x286: {  	v15, v17, _ =	vpop (xrf1)  }
0x287: {  	v15 =	vperm.xlane v15, v19  }
0x288: {  	v17 =	vperm.xlane v17, v19  }
0x289: {  	v16 =	vmul.f32 v16, v20;
	vm7 =	vle.f32 v15, $-3.000000010e+38  }
0x28a: {  	vm8 =	vlt.s32 v18, $0x186A0;
	v15 =	vsel vm7, $0xFF61B1E6, v15;
	v17 =	vsel vm7, $0x0, v17  }
0x28b: {  	v41 =	vnsel vm8, $0xF149F2CA, v16;
	(xrf1) =	vsort.ascd.msk.f32 $0xffff, v15, v17  }
0x28c: {  	(xrf1) =	vsort.ascd.msk.f32 $0xffff, v41, v18;
	_ =	sdelay $0xc  }
0x28d: {  	v44, v16, _ =	vpop (xrf1)  }
0x28e: {  	v17, v18, _ =	vpop (xrf1)  }
0x28f: {  	v17 =	vperm.xlane v17, v19;
	_ =	sdelay $0x1  }
0x290: {  	vm9 =	vge.f32 v44, v17  }
0x291: {  	v15 =	vsel vm9, v44, v17;
	v17 =	vld [tilespmem:$0x1FD80];
	_ =	sdelay $0x2  }
0x292: {  	v18 =	vperm.xlane v18, v19  }
0x293: {  	v14 =	vmul.f32 v14, v20  }
0x294: {  	v16 =	vsel vm9, v16, v18;
	vm10 =	vlt.s32 v17, $0x186A0  }
0x295: {  	(xrf1) =	vsort.ascd.msk.f32 $0xffff, v15, v16;
	v14 =	vnsel vm10, $0xF149F2CA, v14  }
0x296: {  	(xrf1) =	vsort.ascd.msk.f32 $0xffff, v14, v17;
	_ =	sdelay $0xc  }
0x297: {  	v45, v15, _ =	vpop (xrf1)  }
0x298: {  	v16, v17, _ =	vpop (xrf1)  }
0x299: {  	v16 =	vperm.xlane v16, v19;
	_ =	sdelay $0x1  }
0x29a: {  	vm11 =	vge.f32 v45, v16  }
0x29b: {  	v14 =	vsel vm11, v45, v16;
	v16 =	vld [tilespmem:$0x1FD90];
	_ =	sdelay $0x2  }
0x29c: {  	v17 =	vperm.xlane v17, v19  }
0x29d: {  	v13 =	vmul.f32 v13, v20  }
0x29e: {  	v15 =	vsel vm11, v15, v17;
	vm12 =	vlt.s32 v16, $0x186A0  }
0x29f: {  	(xrf1) =	vsort.ascd.msk.f32 $0xffff, v14, v15;
	v13 =	vnsel vm12, $0xF149F2CA, v13  }
0x2a0: {  	(xrf1) =	vsort.ascd.msk.f32 $0xffff, v13, v16;
	_ =	sdelay $0xc  }
0x2a1: {  	v48 =	vld [tilespmem:$0x1FDA0];
	v46, v14, _ =	vpop (xrf1)  }
0x2a2: {  	v47, v16, _ =	vpop (xrf1)  }
0x2a3: {  	v15 =	vperm.xlane v47, v19  }
0x2a4: {  	v16 =	vperm.xlane v16, v19  }
0x2a5: {  	v12 =	vmul.f32 v12, v20;
	vm13 =	vge.f32 v46, v15  }
0x2a6: {  	vm14 =	vlt.s32 v48, $0x186A0;
	v13 =	vsel vm13, v46, v15;
	v14 =	vsel vm13, v14, v16  }
0x2a7: {  	v12 =	vnsel vm14, $0xF149F2CA, v12;
	(xrf1) =	vsort.ascd.msk.f32 $0xffff, v13, v14  }
0x2a8: {  	(xrf1) =	vsort.ascd.msk.f32 $0xffff, v12, v48;
	_ =	sdelay $0xc  }
0x2a9: {  	v51 =	vld [tilespmem:$0x1FDB0];
	v49, v13, _ =	vpop (xrf1)  }
0x2aa: {  	v50, v15, _ =	vpop (xrf1)  }
0x2ab: {  	v14 =	vperm.xlane v50, v19  }
0x2ac: {  	v15 =	vperm.xlane v15, v19  }
0x2ad: {  	v11 =	vmul.f32 v11, v20;
	vm15 =	vge.f32 v49, v14  }
0x2ae: {  	vm4 =	vlt.s32 v51, $0x186A0;
	v12 =	vsel vm15, v49, v14;
	v13 =	vsel vm15, v13, v15  }
0x2af: {  	v11 =	vnsel vm4, $0xF149F2CA, v11;
	(xrf1) =	vsort.ascd.msk.f32 $0xffff, v12, v13  }
0x2b0: {  	(xrf1) =	vsort.ascd.msk.f32 $0xffff, v11, v51;
	_ =	sdelay $0xc  }
0x2b1: {  	v53 =	vld [tilespmem:$0x1FDC0];
	v11, v12, _ =	vpop (xrf1)  }
0x2b2: {  	v52, v14, _ =	vpop (xrf1)  }
0x2b3: {  	v13 =	vperm.xlane v52, v19  }
0x2b4: {  	v14 =	vperm.xlane v14, v19  }
0x2b5: {  	v10 =	vmul.f32 v10, v20;
	vm5 =	vge.f32 v11, v13  }
0x2b6: {  	vm6 =	vlt.s32 v53, $0x186A0;
	v11 =	vsel vm5, v11, v13;
	v12 =	vsel vm5, v12, v14  }
0x2b7: {  	v10 =	vnsel vm6, $0xF149F2CA, v10;
	(xrf1) =	vsort.ascd.msk.f32 $0xffff, v11, v12  }
0x2b8: {  	(xrf1) =	vsort.ascd.msk.f32 $0xffff, v10, v53;
	_ =	sdelay $0xc  }
0x2b9: {  	v55 =	vld [tilespmem:$0x1FDD0];
	v10, v11, _ =	vpop (xrf1)  }
0x2ba: {  	v54, v13, _ =	vpop (xrf1)  }
0x2bb: {  	v12 =	vperm.xlane v54, v19  }
0x2bc: {  	v13 =	vperm.xlane v13, v19  }
0x2bd: {  	v9 =	vmul.f32 v9, v20;
	vm7 =	vge.f32 v10, v12  }
0x2be: {  	vm8 =	vlt.s32 v55, $0x186A0;
	v10 =	vsel vm7, v10, v12;
	v11 =	vsel vm7, v11, v13  }
0x2bf: {  	v9 =	vnsel vm8, $0xF149F2CA, v9;
	(xrf1) =	vsort.ascd.msk.f32 $0xffff, v10, v11  }
0x2c0: {  	(xrf1) =	vsort.ascd.msk.f32 $0xffff, v9, v55;
	_ =	sdelay $0xc  }
0x2c1: {  	v9, v10, _ =	vpop (xrf1)  }
0x2c2: {  	v11, v12, _ =	vpop (xrf1)  }
0x2c3: {  	v11 =	vperm.xlane v11, v19;
	_ =	sdelay $0x1  }
0x2c4: {  	vm9 =	vge.f32 v9, v11  }
0x2c5: {  	v9 =	vsel vm9, v9, v11;
	v11 =	vld [tilespmem:$0x1FDE0];
	_ =	sdelay $0x2  }
0x2c6: {  	v12 =	vperm.xlane v12, v19  }
0x2c7: {  	v8 =	vmul.f32 v8, v20  }
0x2c8: {  	v10 =	vsel vm9, v10, v12;
	vm10 =	vlt.s32 v11, $0x186A0  }
0x2c9: {  	(xrf1) =	vsort.ascd.msk.f32 $0xffff, v9, v10;
	v8 =	vnsel vm10, $0xF149F2CA, v8  }
0x2ca: {  	(xrf1) =	vsort.ascd.msk.f32 $0xffff, v8, v11;
	_ =	sdelay $0xc  }
0x2cb: {  	v8, v9, _ =	vpop (xrf1)  }
0x2cc: {  	v10, v11, _ =	vpop (xrf1)  }
0x2cd: {  	v10 =	vperm.xlane v10, v19;
	_ =	sdelay $0x1  }
0x2ce: {  	vm11 =	vge.f32 v8, v10  }
0x2cf: {  	v8 =	vsel vm11, v8, v10;
	v10 =	vld [tilespmem:$0x1FDF0];
	_ =	sdelay $0x2  }
0x2d0: {  	v11 =	vperm.xlane v11, v19  }
0x2d1: {  	v7 =	vmul.f32 v7, v20  }
0x2d2: {  	v9 =	vsel vm11, v9, v11;
	vm12 =	vlt.s32 v10, $0x186A0  }
0x2d3: {  	(xrf1) =	vsort.ascd.msk.f32 $0xffff, v8, v9;
	v7 =	vnsel vm12, $0xF149F2CA, v7  }
0x2d4: {  	(xrf1) =	vsort.ascd.msk.f32 $0xffff, v7, v10;
	_ =	sdelay $0xc  }
0x2d5: {  	v7, v8, _ =	vpop (xrf1)  }
0x2d6: {  	v9, v10, _ =	vpop (xrf1)  }
0x2d7: {  	v9 =	vperm.xlane v9, v19;
	_ =	sdelay $0x1  }
0x2d8: {  	vm13 =	vge.f32 v7, v9  }
0x2d9: {  	v7 =	vsel vm13, v7, v9;
	v9 =	vld [tilespmem:$0x1FE00];
	_ =	sdelay $0x2  }
0x2da: {  	v10 =	vperm.xlane v10, v19  }
0x2db: {  	v6 =	vmul.f32 v6, v20  }
0x2dc: {  	v8 =	vsel vm13, v8, v10;
	vm14 =	vlt.s32 v9, $0x186A0  }
0x2dd: {  	(xrf1) =	vsort.ascd.msk.f32 $0xffff, v7, v8;
	v6 =	vnsel vm14, $0xF149F2CA, v6  }
0x2de: {  	(xrf1) =	vsort.ascd.msk.f32 $0xffff, v6, v9;
	_ =	sdelay $0xc  }
0x2df: {  	v6, v7, _ =	vpop (xrf1)  }
0x2e0: {  	v8, v9, _ =	vpop (xrf1)  }
0x2e1: {  	v8 =	vperm.xlane v8, v19;
	_ =	sdelay $0x1  }
0x2e2: {  	vm15 =	vge.f32 v6, v8  }
0x2e3: {  	v6 =	vsel vm15, v6, v8;
	v8 =	vld [tilespmem:$0x1FE10];
	_ =	sdelay $0x2  }
0x2e4: {  	v9 =	vperm.xlane v9, v19  }
0x2e5: {  	v4 =	vmul.f32 v4, v20  }
0x2e6: {  	v7 =	vsel vm15, v7, v9;
	vm4 =	vlt.s32 v8, $0x186A0  }
0x2e7: {  	(xrf1) =	vsort.ascd.msk.f32 $0xffff, v6, v7;
	v4 =	vnsel vm4, $0xF149F2CA, v4  }
0x2e8: {  	(xrf1) =	vsort.ascd.msk.f32 $0xffff, v4, v8;
	_ =	sdelay $0xc  }
0x2e9: {  	v4, v6, _ =	vpop (xrf1)  }
0x2ea: {  	v7, v8, _ =	vpop (xrf1)  }
0x2eb: {  	v7 =	vperm.xlane v7, v19;
	_ =	sdelay $0x1  }
0x2ec: {  	vm5 =	vge.f32 v4, v7  }
0x2ed: {  	v4 =	vsel vm5, v4, v7;
	v7 =	vld [tilespmem:$0x1FE20];
	_ =	sdelay $0x2  }
0x2ee: {  	v8 =	vperm.xlane v8, v19  }
0x2ef: {  	v3 =	vmul.f32 v3, v20  }
0x2f0: {  	v6 =	vsel vm5, v6, v8;
	vm6 =	vlt.s32 v7, $0x186A0  }
0x2f1: {  	(xrf1) =	vsort.ascd.msk.f32 $0xffff, v4, v6;
	v3 =	vnsel vm6, $0xF149F2CA, v3  }
0x2f2: {  	(xrf1) =	vsort.ascd.msk.f32 $0xffff, v3, v7;
	_ =	sdelay $0xc  }
0x2f3: {  	v3, v4, _ =	vpop (xrf1)  }
0x2f4: {  	v6, v7, _ =	vpop (xrf1)  }
0x2f5: {  	v6 =	vperm.xlane v6, v19;
	_ =	sdelay $0x1  }
0x2f6: {  	vm7 =	vge.f32 v3, v6  }
0x2f7: {  	v3 =	vsel vm7, v3, v6;
	v6 =	vld [tilespmem:$0x1FE30];
	_ =	sdelay $0x2  }
0x2f8: {  	v7 =	vperm.xlane v7, v19  }
0x2f9: {  	v2 =	vmul.f32 v2, v20  }
0x2fa: {  	v4 =	vsel vm7, v4, v7;
	vm8 =	vlt.s32 v6, $0x186A0  }
0x2fb: {  	(xrf1) =	vsort.ascd.msk.f32 $0xffff, v3, v4;
	v2 =	vnsel vm8, $0xF149F2CA, v2  }
0x2fc: {  	(xrf1) =	vsort.ascd.msk.f32 $0xffff, v2, v6;
	_ =	sdelay $0xc  }
0x2fd: {  	v56, v3, _ =	vpop (xrf1)  }
0x2fe: {  	v4, v6, _ =	vpop (xrf1)  }
0x2ff: {  	v4 =	vperm.xlane v4, v19;
	_ =	sdelay $0x1  }
0x300: {  	vm9 =	vge.f32 v56, v4  }
0x301: {  	v2 =	vsel vm9, v56, v4;
	v4 =	vld [tilespmem:$0x1FE50];
	_ =	sdelay $0x2  }
0x302: {  	v6 =	vperm.xlane v6, v19  }
0x303: {  	v1 =	vmul.f32 v1, v20  }
0x304: {  	v3 =	vsel vm9, v3, v6;
	vm10 =	vlt.s32 v4, $0x186A0  }
0x305: {  	(xrf1) =	vsort.ascd.msk.f32 $0xffff, v2, v3;
	v1 =	vnsel vm10, $0xF149F2CA, v1  }
0x306: {  	(xrf1) =	vsort.ascd.msk.f32 $0xffff, v1, v4;
	_ =	sdelay $0xc  }
0x307: {  	v58, v2, _ =	vpop (xrf1)  }
0x308: {  	v3, v4, _ =	vpop (xrf1)  }
0x309: {  	v3 =	vperm.xlane v3, v19;
	_ =	sdelay $0x1  }
0x30a: {  	vm11 =	vge.f32 v58, v3  }
0x30b: {  	v1 =	vsel vm11, v58, v3;
	v3 =	vld [tilespmem:$0x1FE60];
	_ =	sdelay $0x2  }
0x30c: {  	v4 =	vperm.xlane v4, v19  }
0x30d: {  	v0 =	vmul.f32 v0, v20  }
0x30e: {  	v2 =	vsel vm11, v2, v4;
	vm12 =	vlt.s32 v3, $0x186A0  }
0x30f: {  	(xrf1) =	vsort.ascd.msk.f32 $0xffff, v1, v2;
	v0 =	vnsel vm12, $0xF149F2CA, v0  }
0x310: {  	(xrf1) =	vsort.ascd.msk.f32 $0xffff, v0, v3;
	_ =	sdelay $0xc  }
0x311: {  	v59, v1, _ =	vpop (xrf1)  }
0x312: {  	v60, v3, _ =	vpop (xrf1)  }
0x313: {  	v2 =	vperm.xlane v60, v19  }
0x314: {  	v3 =	vperm.xlane v3, v19  }
0x315: {  	vm13 =	vge.f32 v59, v2  }
0x316: {  	v0 =	vsel vm13, v59, v2;
	v1 =	vsel vm13, v1, v3  }
0x317: {  	(xrf1) =	vsort.ascd.msk.f32 $0xffff, v0, v1;
	_ =	sdelay $0xa  }
0x318: {  	v4 =	vld [tilespmem:$0x1FEA0];
	_ =	sdelay $0x1  }
0x319: {  	v9 =	vlaneseq.u32  }
0x31a: {  	vm14 =	veq.s32 v9, $0x0;
	v6 =	vld [tilespmem:$0x1FEC0];
	v0, v1, _ =	vpop (xrf1)  }
0x31b: {  	v0 =	vsel vm14, $0xFF61B1E6, v0  }
0x31c: {  	v61 =	vperm.xlane v0, v4  }
0x31d: {  	v7 =	vld [tilespmem:$0x1FED0]  }
0x31e: {  	v2 =	vmax.f32 v0, v61  }
0x31f: {  	v3 =	vperm.xlane v2, v6  }
0x320: {  	v8 =	vld [tilespmem:$0x1FEE0]  }
0x321: {  	v2 =	vmax.f32 v2, v3  }
0x322: {  	v3 =	vperm.xlane v2, v7;
	_ =	sdelay $0x1  }
0x323: {  	v2 =	vmax.f32 v2, v3  }
0x324: {  	v3 =	vperm.xlane v2, v8;
	_ =	sdelay $0x1  }
0x325: {  	v2 =	vmax.f32 v2, v3  }
0x326: {  	v0 =	vsub.f32 v0, v2;
	_ =	sdelay $0x1  }
0x327: {  	v0 =	vmul.f32 $1.442695020e+00, v0;
	_ =	sdelay $0x1  }
0x328: {  	(erf) = vpow2.f32 v0;
	_ =	sdelay $0x8  }
0x329: {  	v0 =	vpop (erf)  }
0x32a: {  	v62 =	vperm.xlane v0, v4;
	_ =	sdelay $0x1  }
0x32b: {  	v2 =	vadd.f32 v0, v62;
	_ =	sdelay $0x1  }
0x32c: {  	v3 =	vperm.xlane v2, v6;
	_ =	sdelay $0x1  }
0x32d: {  	v2 =	vadd.f32 v2, v3;
	_ =	sdelay $0x1  }
0x32e: {  	v3 =	vperm.xlane v2, v7;
	_ =	sdelay $0x1  }
0x32f: {  	v2 =	vadd.f32 v2, v3;
	_ =	sdelay $0x1  }
0x330: {  	v3 =	vperm.xlane v2, v8;
	_ =	sdelay $0x1  }
0x331: {  	v2 =	vadd.f32 v2, v3;
	_ =	sdelay $0x1  }
0x332: {  	(erf) = vrcp.f32 v2;
	_ =	sdelay $0x8  }
0x333: {  	v2 =	vpop (erf)  }
0x334: {  	v0 =	vmul.f32 v2, v0;
	_ =	sdelay $0x1  }
0x335: {  	s0 =	smul.u32 $0x18700, s31;
	[tilespmem:$0x11D80] =	vst v0  }
0x336: {  	_ =	swait.ge [sflag:s24], $0xC380  }
0x337: {  	v63 =	vadd.s32 s0, v1;
	[sflag:s24] =	ssyncset.done $0x0  }
0x338: {  	[sflag:s24] =	ssyncadd.s32 $0xFFFF3C80  }
0x339: {  	s30 =	sadd.s32 $0x1, s30;
	_ =	swait.ge [sflag:s24], $0xC380  }
0x33a: {  	p0 =	sne.s32 s30, $0x20;
	[sflag:s24] =	ssyncset.done $0x0  }
.Ltmp4:
0x33b: {  	vm15 =	vmmov $0xffff;
	[sflag:s24] =	ssyncadd.s32 $0xFFFF3C80;
	(pc) =	sbr.rel @p0 .LBB2_4-.Ltmp4, $4  }
0x33c: {  	[hbm4b:s5+s2] =	stream.indirect_vreg.scatter [tilespmem:s25], [sflag:$0x3], $0x1, v63, vm15, $0xb8;
	[tilespmem:$0x11D90] =	vst v63  }
0x33d: {  	_ =	swait.ge [sflag:s26], $0x10  }
0x33e: {  	[sflag:s26] =	ssyncset.done $0x0  }
0x33f: {  	[sflag:s26] =	ssyncadd.s32 $0xFFFFFFF0  }
0x340: {  	s28 =	sadd.s32 $0x1, s28  }
0x341: {  	p0 =	sne.s32 s28, s13  }
.Ltmp5:
0x342: {  	_ = 	snop;
	(pc) =	sbr.rel @p0 .LBB2_1-.Ltmp5, $1  }
0x343: {  	_ =	sdelay $0x3  }
0x344: {  	_ =	sfence.sel $0x180000  }
0x345: {  	[bflag:$0x0] =	sbarrier.arrive $0xFFFF  }
0x346: {  	_ =	strace $0x90000047  }
0x347: {  	s0 =	stileid.u32;
	[bflag:$0x2] =	sbarrier.arrive $0xFFFF  }
0x348: {  	p0 =	sne.s32 s0, $0x0;
	s0 =	rddreg [dreg:$0x2]  }
0x349: {  	s0 =	sadd.s32 @!p0 $0x100000, s0  }
0x34a: {  	[sflag:s0] =	ssyncadd.tile.s32 @!p0 $0x1;
	_ =	shalt  }
.Lfunc_end2:
_tile_overlayer_lowered:
.L_overlay_start_2:
0x34b: {  	(tag) =	ssettag $0x2  }
0x34c: {  	s0 =	rddreg [dreg:$0x0];
	s2 =	stileid.u32  }
0x34d: {  	s1 =	rddreg [dreg:$0x1];
	p0 =	sne.s32 s2, $0x0  }
0x34e: {  	s3 =	rddreg [dreg:$0x2];
	[bflag:$0x3] =	sbarrier.arrive $0xFFFF;
	s2 =	simm.s32 @!p0 $0x1C04  }
0x34f: {  	[timem:s3], [sflag:s2] =	dma.local @!p0 [hbm:s0], s1  }
0x350: {  	s0 =	simm.s32 @!p0 $0x4  }
0x351: {  	_ =	swait.ge @!p0 [sflag:s0], s1  }
0x352: {  	s1 =	ssub.s32 @!p0 $0x0, s1;
	[sflag:s0] =	ssyncset.done @!p0 $0x0  }
0x353: {  	[sflag:s0] =	ssyncadd.s32 @!p0 s1  }
0x354: {  	[bflag:$0x3] =	sbarrier.arrive $0xFFFF  }
0x355: {  	_ =	shalt  }

</sc_bundles>
